<compile_context>
chip_gen: v7x
topology: tpu7x:2x2x1
jax: 0.10.2.dev20260603
libtpu: 0.0.44.dev20260713+nightly
codegen_flags: <defaults>
</compile_context>

<pallas_src>
import functools

import jax
import jax.numpy as jnp
from jax import lax
from jax.experimental import pallas as pl
from jax.experimental.pallas import tpu as pltpu
from jax.experimental.pallas import tpu_sc as plsc

N = 10000
NPAD = 10240
E = 160000
NTILES = 16

_MESH = dict(core_axis_name="c", subcore_axis_name="s", num_cores=2,
             num_subcores=16)

_F32 = jnp.float32


def _iota16():
  return lax.iota(jnp.int32, 16)


def _remap(dst_v, sdst_v, j, range_base, range_len, dump_base):
  d = dst_v[pl.ds(j * 16, 16)]
  local = d - range_base
  oob = (local < 0) | (local >= range_len)
  dump = _iota16() + (dump_base + (j % 8) * 16)
  sdst_v[pl.ds(j * 16, 16)] = jnp.where(oob, dump, local)



def _edge_body(nblk, do_gather, nranges, table_hbm, src_hbm, dst_hbm, out_hbm,
               src_v, gidx_a, dst_v, sdst_v, rows_pp, zbuf_v, obuf_v,
               acc_sh, gsem):
  c = lax.axis_index("c")
  s = lax.axis_index("s")
  zeros16 = jnp.zeros((16,), _F32)
  ones16 = jnp.ones((16,), _F32)
  K = 400
  EPT = E // NTILES

  def zfill(i, _):
    for j in range(8):
      zbuf_v[i, pl.ds(j * 16, 16)] = zeros16
    return 0
  lax.fori_loop(0, 8, zfill, 0)

  if not do_gather:
    def ofill(i, _):
      for j in range(8):
        rows_pp[0, i, pl.ds(j * 16, 16)] = ones16
      return 0
    lax.fori_loop(0, K, ofill, 0)

  rps = nranges // 2
  erange = NPAD // nranges
  zrows = (erange + 128) // 16

  def block(it, _):
    b = it // rps
    sub = it - rps * b
    tbase = pl.multiple_of(b * NPAD, 8)
    range_base = pl.multiple_of((rps * c + sub) * erange, 8)
    for q in range(zrows // 8):
      pltpu.sync_copy(zbuf_v, acc_sh.at[pl.ds(s * zrows + q * 8, 8)])
    plsc.subcore_barrier()

    ebase = s * EPT

    def chunk(g, _):
      e0 = ebase + g * K
      if do_gather:
        pltpu.sync_copy(src_hbm.at[pl.ds(e0, K)], src_v)
      pltpu.sync_copy(dst_hbm.at[pl.ds(e0, K)], dst_v)

      def remap(j, _):
        if do_gather:
          gidx_a[pl.ds(j * 16, 16)] = src_v[pl.ds(j * 16, 16)] + tbase
        _remap(dst_v, sdst_v, j, range_base, erange, erange)
        return 0
      lax.fori_loop(0, K // 16, remap, 0)

      if do_gather:
        pltpu.async_copy(table_hbm.at[gidx_a], rows_pp.at[0], gsem).wait()
      pltpu.sync_copy(rows_pp.at[0], acc_sh.at[sdst_v], add=True)
      return 0
    lax.fori_loop(0, EPT // K, chunk, 0)
    plsc.subcore_barrier()

    wrows = min(80, erange // 16)
    for q in range(erange // 16 // wrows):
      r0 = s * (erange // 16) + q * wrows
      pltpu.sync_copy(acc_sh.at[pl.ds(r0, wrows)], obuf_v.at[pl.ds(0, wrows)])
      ofs = pl.multiple_of(tbase + range_base + r0, 8)
      pltpu.sync_copy(obuf_v.at[pl.ds(0, wrows)], out_hbm.at[pl.ds(ofs, wrows)])
    plsc.subcore_barrier()
    return 0
  lax.fori_loop(0, rps * nblk, block, 0)


@functools.cache
def _make_edge_call(nblk, do_gather=True, nranges=4):
  return pl.kernel(
      functools.partial(_edge_body, nblk, do_gather, nranges),
      out_type=jax.ShapeDtypeStruct((nblk * NPAD, 128), _F32),
      mesh=plsc.VectorSubcoreMesh(**_MESH),
      scratch_types=[
          pltpu.VMEM((400,), jnp.int32),
          pltpu.VMEM((400,), jnp.int32),
          pltpu.VMEM((400,), jnp.int32),
          pltpu.VMEM((400,), jnp.int32),
          pltpu.VMEM((1, 400, 128), _F32),
          pltpu.VMEM((8, 128), _F32),
          pltpu.VMEM((80, 128), _F32),
          pltpu.VMEM_SHARED((NPAD // nranges + 128, 128), _F32),
          pltpu.SemaphoreType.DMA,
      ],
  )


def _edge_call_2(table, src, dst):
  return _make_edge_call(2)(table, src, dst)


def _edge_call_4(table, src, dst):
  return _make_edge_call(4)(table, src, dst)



def _prep_body(x_ref, deg_ref, xs_ref, dinv_ref):
  k = pl.program_id(1)
  deg = deg_ref[:, 0:1] + 1.0
  dinv = lax.rsqrt(deg)
  xs_ref[...] = x_ref[...] * dinv

  @pl.when(k == 0)
  def _():
    dinv_ref[...] = jnp.broadcast_to(dinv, dinv_ref.shape)


def _prep_call(x, deg):
  BR = 1024
  nb = NPAD // BR
  return pl.pallas_call(
      _prep_body,
      grid=(nb, 2),
      in_specs=[
          pl.BlockSpec((BR, 128), lambda i, k: (i, k)),
          pl.BlockSpec((BR, 128), lambda i, k: (i, 0)),
      ],
      out_specs=[
          pl.BlockSpec((BR, 128), lambda i, k: (k * nb + i, 0)),
          pl.BlockSpec((BR, 128), lambda i, k: (i, 0)),
      ],
      out_shape=[
          jax.ShapeDtypeStruct((2 * NPAD, 128), _F32),
          jax.ShapeDtypeStruct((NPAD, 128), _F32),
      ],
      compiler_params=pltpu.CompilerParams(
          dimension_semantics=("parallel", "arbitrary")),
  )(x, deg)



def _l1_body(acc_ref, xs_ref, dinv_ref, w_ref, b_ref, out_ref):
  k = pl.program_id(2)
  t = dinv_ref[...] * (acc_ref[...] + xs_ref[...])
  part = jnp.dot(t, w_ref[...], preferred_element_type=_F32)

  @pl.when(k == 0)
  def _():
    out_ref[...] = part

  @pl.when(k == 1)
  def _():
    h = out_ref[...] + part + b_ref[...]
    out_ref[...] = dinv_ref[...] * jnp.maximum(h, 0.0)


def _l1_call(acc1, xs1, dinv2d, W1, b1):
  BR = 1024
  nb = NPAD // BR
  return pl.pallas_call(
      _l1_body,
      grid=(nb, 4, 2),
      in_specs=[
          pl.BlockSpec((BR, 128), lambda i, j, k: (k * nb + i, 0)),
          pl.BlockSpec((BR, 128), lambda i, j, k: (k * nb + i, 0)),
          pl.BlockSpec((BR, 128), lambda i, j, k: (i, 0)),
          pl.BlockSpec((128, 128), lambda i, j, k: (k, j)),
          pl.BlockSpec((1, 128), lambda i, j, k: (0, j)),
      ],
      out_specs=pl.BlockSpec((BR, 128), lambda i, j, k: (j * nb + i, 0)),
      out_shape=jax.ShapeDtypeStruct((4 * NPAD, 128), _F32),
      compiler_params=pltpu.CompilerParams(
          dimension_semantics=("parallel", "parallel", "arbitrary")),
  )(acc1, xs1, dinv2d, W1, b1.reshape(1, -1))



def _l2_body(acc_ref, xs_ref, dinv_ref, w2_ref, b2_ref, wo_ref, bo_ref,
             out_ref, h_acc):
  k = pl.program_id(1)
  t = dinv_ref[...] * (acc_ref[...] + xs_ref[...])
  part = jnp.dot(t, w2_ref[...], preferred_element_type=_F32)

  @pl.when(k == 0)
  def _():
    h_acc[...] = part

  @pl.when(k > 0)
  def _():
    h_acc[...] += part

  @pl.when(k == 3)
  def _():
    h2 = jnp.maximum(h_acc[...] + b2_ref[...], 0.0)
    logits = jnp.dot(h2, wo_ref[...], preferred_element_type=_F32)
    logits = logits + bo_ref[...]
    m = jnp.max(logits, axis=1, keepdims=True)
    z = logits - m
    lse = jnp.log(jnp.sum(jnp.exp(z), axis=1, keepdims=True))
    out_ref[...] = z - lse


def _l2_call(acc2, xs2, dinv2d, W2, b2, Wout, bout):
  BR = 1024
  nb = NPAD // BR
  return pl.pallas_call(
      _l2_body,
      grid=(nb, 4),
      in_specs=[
          pl.BlockSpec((BR, 128), lambda i, k: (k * nb + i, 0)),
          pl.BlockSpec((BR, 128), lambda i, k: (k * nb + i, 0)),
          pl.BlockSpec((BR, 128), lambda i, k: (i, 0)),
          pl.BlockSpec((128, 512), lambda i, k: (k, 0)),
          pl.BlockSpec((1, 512), lambda i, k: (0, 0)),
          pl.BlockSpec((512, 64), lambda i, k: (0, 0)),
          pl.BlockSpec((1, 64), lambda i, k: (0, 0)),
      ],
      out_specs=pl.BlockSpec((BR, 64), lambda i, k: (i, 0)),
      out_shape=jax.ShapeDtypeStruct((N, 64), _F32),
      scratch_shapes=[pltpu.VMEM((BR, 512), _F32)],
      compiler_params=pltpu.CompilerParams(
          dimension_semantics=("parallel", "arbitrary")),
  )(acc2, xs2, dinv2d, W2, b2.reshape(1, -1), Wout, bout.reshape(1, -1))



def kernel(x, edge_index, W1, b1, W2, b2, Wout, bout):
  src = edge_index[0].astype(jnp.int32)
  dst = edge_index[1].astype(jnp.int32)

  ones_t = jnp.ones((8, 128), _F32)
  deg = _make_edge_call(1, False, 4)(ones_t, src, dst)
  xs1, dinv2d = _prep_call(x, deg)
  acc1 = _edge_call_2(xs1, src, dst)
  xs2 = _l1_call(acc1, xs1, dinv2d, W1, b1)
  acc2 = _edge_call_4(xs2, src, dst)
  return _l2_call(acc2, xs2, dinv2d, W2, b2, Wout, bout)

# --- scband reference (transcript-rebuilt; emitter-appended) ---
"""Pipeline reference for scband-gcn-34170759807704 (READ-ONLY COPY).

The authoritative reference and input builder live on the scoring server;
editing this copy changes nothing except your own understanding.
"""

import jax, jax.numpy as jnp
import numpy as np

N_NODES = 10000


def gcn_conv(x, src, dst, W, b, num_nodes):
    # PyG GCNConv: linear transform first, then normalized propagation with self-loops
    x = x @ W
    loop = jnp.arange(num_nodes, dtype=src.dtype)
    src = jnp.concatenate([src, loop])
    dst = jnp.concatenate([dst, loop])
    deg = jax.ops.segment_sum(jnp.ones(src.shape[0], dtype=x.dtype), dst, num_segments=num_nodes)
    dinv = jnp.where(deg > 0, jax.lax.rsqrt(deg), 0.0)
    norm = dinv[src] * dinv[dst]
    msg = x[src] * norm[:, None]
    out = jax.ops.segment_sum(msg, dst, num_segments=num_nodes)
    return out + b


def setup_inputs(seed: int = 0) -> dict:
    key = jax.random.key(seed)
    ks = jax.random.split(key, 8)
    x = jax.random.normal(ks[0], (N_NODES, 256), dtype=jnp.float32)
    edge_index = jax.random.randint(ks[1], (2, 160000), 0, N_NODES, dtype=jnp.int64 if jax.config.jax_enable_x64 else jnp.int32)
    W1 = jax.random.normal(ks[2], (256, 512), dtype=jnp.float32) * (1.0 / np.sqrt(256))
    b1 = jnp.zeros((512,), dtype=jnp.float32)
    W2 = jax.random.normal(ks[3], (512, 512), dtype=jnp.float32) * (1.0 / np.sqrt(512))
    b2 = jnp.zeros((512,), dtype=jnp.float32)
    Wout = jax.random.normal(ks[4], (512, 64), dtype=jnp.float32) * (1.0 / np.sqrt(512))
    bout = jnp.zeros((64,), dtype=jnp.float32)
    return {"x": x, "edge_index": edge_index, "W1": W1, "b1": b1, "W2": W2, "b2": b2, "Wout": Wout, "bout": bout}


def reference(x, edge_index, W1, b1, W2, b2, Wout, bout):
    src, dst = edge_index[0], edge_index[1]
    h = gcn_conv(x, src, dst, W1, b1, N_NODES)
    h = jax.nn.relu(h)
    # dropout is identity in eval mode
    h = gcn_conv(h, src, dst, W2, b2, N_NODES)
    h = jax.nn.relu(h)
    h = h @ Wout + bout
    return jax.nn.log_softmax(h, axis=1)

if __name__ == "__main__":
    import jax
    _d = setup_inputs()
    print(jax.jit(kernel)(*tuple(_d.values())))

</pallas_src>

<mosaic_0001>
#map = affine_map<(d0, d1) -> (0, 0)>
#map1 = affine_map<(d0, d1) -> (0)>
module attributes {stable_mosaic.version = 14 : i64} {
  func.func @_edge_body(%arg0: i32, %arg1: i32, %arg2: memref<40960x128xf32, #tpu.memory_space<hbm>>, %arg3: memref<160000xi32, #tpu.memory_space<hbm>>, %arg4: memref<160000xi32, #tpu.memory_space<hbm>>, %arg5: memref<40960x128xf32, #tpu.memory_space<hbm>>, %arg6: memref<400xi32, #tpu.memory_space<vmem>>, %arg7: memref<400xi32, #tpu.memory_space<vmem>>, %arg8: memref<400xi32, #tpu.memory_space<vmem>>, %arg9: memref<400xi32, #tpu.memory_space<vmem>>, %arg10: memref<1x400x128xf32, #tpu.memory_space<vmem>>, %arg11: memref<8x128xf32, #tpu.memory_space<vmem>>, %arg12: memref<80x128xf32, #tpu.memory_space<vmem>>, %arg13: memref<2688x128xf32, #tpu.memory_space<vmem_shared>>, %arg14: memref<!tpu.dma_semaphore, #tpu.memory_space<semaphore_mem>>) attributes {dimension_semantics = [#tpu.dimension_semantics<core_parallel>, #tpu.dimension_semantics<subcore_parallel>], iteration_bounds = array<i64: 2, 16>, scalar_prefetch = 0 : i64, scratch_operands = 9 : i64, tpu.core_type = #tpu.core_type<sc_vector_subcore>, window_params = [{transform_indices = #map}, {transform_indices = #map1}, {transform_indices = #map1}, {transform_indices = #map}]} {
    %broadcast_in_dim3A = arith.constant 0.000000e+00 : f32
    %broadcast_in_dim3A_0 = vector.broadcast %broadcast_in_dim3A : f32 to vector<16xf32>
    %broadcast_in_dim3A_1 = arith.constant 1.000000e+00 : f32
    %broadcast_in_dim3A_2 = vector.broadcast %broadcast_in_dim3A_1 : f32 to vector<16xf32>
    %scan3A = arith.constant 0 : i32
    %scan3A_3 = arith.constant 0 : i32
    %scan3A_4 = arith.constant 8 : i32
    %scan3A_5 = arith.addi %scan3A_3, %scan3A_4 : i32
    %scan3A_6 = arith.constant 1 : i32
    %scan3A_7 = scf.for %scan3A_16 = %scan3A_3 to %scan3A_5 step %scan3A_6 iter_args(%scan3A_17 = %scan3A) -> (i32)  : i32 {
      %swap3A = arith.index_cast %scan3A_16 : i32 to index
      %swap3A_18 = arith.constant 0 : index
      %swap3A_19 = tpu.vector_load %arg11[%swap3A, %swap3A_18] {strides = array<i32>} : memref<8x128xf32, #tpu.memory_space<vmem>>, vector<1x16xf32>,
      %swap3A_20 = vector.shape_cast %swap3A_19 : vector<1x16xf32> to vector<16xf32>
      %swap3A_21 = vector.shape_cast %broadcast_in_dim3A_0 : vector<16xf32> to vector<1x16xf32>
      tpu.vector_store %arg11[%swap3A, %swap3A_18], %swap3A_21 {strides = array<i32>} : memref<8x128xf32, #tpu.memory_space<vmem>>, vector<1x16xf32>,
      %swap3A_22 = arith.index_cast %scan3A_16 : i32 to index
      %swap3A_23 = arith.constant 16 : index
      %swap3A_24 = tpu.vector_load %arg11[%swap3A_22, %swap3A_23] {strides = array<i32>} : memref<8x128xf32, #tpu.memory_space<vmem>>, vector<1x16xf32>,
      %swap3A_25 = vector.shape_cast %swap3A_24 : vector<1x16xf32> to vector<16xf32>
      %swap3A_26 = vector.shape_cast %broadcast_in_dim3A_0 : vector<16xf32> to vector<1x16xf32>
      tpu.vector_store %arg11[%swap3A_22, %swap3A_23], %swap3A_26 {strides = array<i32>} : memref<8x128xf32, #tpu.memory_space<vmem>>, vector<1x16xf32>,
      %swap3A_27 = arith.index_cast %scan3A_16 : i32 to index
      %swap3A_28 = arith.constant 32 : index
      %swap3A_29 = tpu.vector_load %arg11[%swap3A_27, %swap3A_28] {strides = array<i32>} : memref<8x128xf32, #tpu.memory_space<vmem>>, vector<1x16xf32>,
      %swap3A_30 = vector.shape_cast %swap3A_29 : vector<1x16xf32> to vector<16xf32>
      %swap3A_31 = vector.shape_cast %broadcast_in_dim3A_0 : vector<16xf32> to vector<1x16xf32>
      tpu.vector_store %arg11[%swap3A_27, %swap3A_28], %swap3A_31 {strides = array<i32>} : memref<8x128xf32, #tpu.memory_space<vmem>>, vector<1x16xf32>,
      %swap3A_32 = arith.index_cast %scan3A_16 : i32 to index
      %swap3A_33 = arith.constant 48 : index
      %swap3A_34 = tpu.vector_load %arg11[%swap3A_32, %swap3A_33] {strides = array<i32>} : memref<8x128xf32, #tpu.memory_space<vmem>>, vector<1x16xf32>,
      %swap3A_35 = vector.shape_cast %swap3A_34 : vector<1x16xf32> to vector<16xf32>
      %swap3A_36 = vector.shape_cast %broadcast_in_dim3A_0 : vector<16xf32> to vector<1x16xf32>
      tpu.vector_store %arg11[%swap3A_32, %swap3A_33], %swap3A_36 {strides = array<i32>} : memref<8x128xf32, #tpu.memory_space<vmem>>, vector<1x16xf32>,
      %swap3A_37 = arith.index_cast %scan3A_16 : i32 to index
      %swap3A_38 = arith.constant 64 : index
      %swap3A_39 = tpu.vector_load %arg11[%swap3A_37, %swap3A_38] {strides = array<i32>} : memref<8x128xf32, #tpu.memory_space<vmem>>, vector<1x16xf32>,
      %swap3A_40 = vector.shape_cast %swap3A_39 : vector<1x16xf32> to vector<16xf32>
      %swap3A_41 = vector.shape_cast %broadcast_in_dim3A_0 : vector<16xf32> to vector<1x16xf32>
      tpu.vector_store %arg11[%swap3A_37, %swap3A_38], %swap3A_41 {strides = array<i32>} : memref<8x128xf32, #tpu.memory_space<vmem>>, vector<1x16xf32>,
      %swap3A_42 = arith.index_cast %scan3A_16 : i32 to index
      %swap3A_43 = arith.constant 80 : index
      %swap3A_44 = tpu.vector_load %arg11[%swap3A_42, %swap3A_43] {strides = array<i32>} : memref<8x128xf32, #tpu.memory_space<vmem>>, vector<1x16xf32>,
      %swap3A_45 = vector.shape_cast %swap3A_44 : vector<1x16xf32> to vector<16xf32>
      %swap3A_46 = vector.shape_cast %broadcast_in_dim3A_0 : vector<16xf32> to vector<1x16xf32>
      tpu.vector_store %arg11[%swap3A_42, %swap3A_43], %swap3A_46 {strides = array<i32>} : memref<8x128xf32, #tpu.memory_space<vmem>>, vector<1x16xf32>,
      %swap3A_47 = arith.index_cast %scan3A_16 : i32 to index
      %swap3A_48 = arith.constant 96 : index
      %swap3A_49 = tpu.vector_load %arg11[%swap3A_47, %swap3A_48] {strides = array<i32>} : memref<8x128xf32, #tpu.memory_space<vmem>>, vector<1x16xf32>,
      %swap3A_50 = vector.shape_cast %swap3A_49 : vector<1x16xf32> to vector<16xf32>
      %swap3A_51 = vector.shape_cast %broadcast_in_dim3A_0 : vector<16xf32> to vector<1x16xf32>
      tpu.vector_store %arg11[%swap3A_47, %swap3A_48], %swap3A_51 {strides = array<i32>} : memref<8x128xf32, #tpu.memory_space<vmem>>, vector<1x16xf32>,
      %swap3A_52 = arith.index_cast %scan3A_16 : i32 to index
      %swap3A_53 = arith.constant 112 : index
      %swap3A_54 = tpu.vector_load %arg11[%swap3A_52, %swap3A_53] {strides = array<i32>} : memref<8x128xf32, #tpu.memory_space<vmem>>, vector<1x16xf32>,
      %swap3A_55 = vector.shape_cast %swap3A_54 : vector<1x16xf32> to vector<16xf32>
      %swap3A_56 = vector.shape_cast %broadcast_in_dim3A_0 : vector<16xf32> to vector<1x16xf32>
      tpu.vector_store %arg11[%swap3A_52, %swap3A_53], %swap3A_56 {strides = array<i32>} : memref<8x128xf32, #tpu.memory_space<vmem>>, vector<1x16xf32>,
      %scan3A_57 = arith.constant 0 : i32
      scf.yield %scan3A_57 : i32
    }
    %scan3A_8 = arith.constant 8 : i32
    %scan3A_9 = arith.constant 0 : i32
    %scan3A_10 = arith.constant 0 : i32
    %scan3A_11 = arith.constant 8 : i32
    %scan3A_12 = arith.addi %scan3A_10, %scan3A_11 : i32
    %scan3A_13 = arith.constant 1 : i32
    %scan3A_14 = scf.for %scan3A_16 = %scan3A_10 to %scan3A_12 step %scan3A_13 iter_args(%scan3A_17 = %scan3A_9) -> (i32)  : i32 {
      %jit3A = arith.constant 2 : i32
      %div3A = arith.divsi %scan3A_16, %jit3A : i32
      %sign3A = arith.constant 0 : i32
      %sign3A_18 = arith.cmpi sgt, %scan3A_16, %sign3A : i32
      %sign3A_19 = arith.extui %sign3A_18 : i1 to i32
      %sign3A_20 = arith.constant 0 : i32
      %sign3A_21 = arith.cmpi slt, %scan3A_16, %sign3A_20 : i32
      %sign3A_22 = arith.extui %sign3A_21 : i1 to i32
      %sign3A_23 = arith.subi %sign3A_19, %sign3A_22 : i32
      %sign3A_24 = arith.constant 0 : i32
      %sign3A_25 = arith.cmpi sgt, %jit3A, %sign3A_24 : i32
      %sign3A_26 = arith.extui %sign3A_25 : i1 to i32
      %sign3A_27 = arith.constant 0 : i32
      %sign3A_28 = arith.cmpi slt, %jit3A, %sign3A_27 : i32
      %sign3A_29 = arith.extui %sign3A_28 : i1 to i32
      %sign3A_30 = arith.subi %sign3A_26, %sign3A_29 : i32
      %ne3A = arith.cmpi ne, %sign3A_23, %sign3A_30 : i32
      %rem3A = arith.remsi %scan3A_16, %jit3A : i32
      %ne3A_31 = arith.constant 0 : i32
      %ne3A_32 = arith.cmpi ne, %rem3A, %ne3A_31 : i32
      %and3A = arith.andi %ne3A, %ne3A_32 : i1
      %sub3A = arith.constant 1 : i32
      %sub3A_33 = arith.subi %div3A, %sub3A : i32
      %select_n3A = arith.select %and3A, %sub3A_33, %div3A : i32
      %mul3A = arith.constant 2 : i32
      %mul3A_34 = arith.muli %mul3A, %select_n3A : i32
      %sub3A_35 = arith.subi %scan3A_16, %mul3A_34 : i32
      %mul3A_36 = arith.constant 10240 : i32
      %mul3A_37 = arith.muli %select_n3A, %mul3A_36 : i32
      %multiple_of3A = tpu.assume_multiple %mul3A_37, 8 : i32
      %mul3A_38 = arith.constant 2 : i32
      %mul3A_39 = arith.muli %mul3A_38, %arg0 : i32
      %add3A = arith.addi %mul3A_39, %sub3A_35 : i32
      %mul3A_40 = arith.constant 2560 : i32
      %mul3A_41 = arith.muli %add3A, %mul3A_40 : i32
      %multiple_of3A_42 = tpu.assume_multiple %mul3A_41, 8 : i32
      %mul3A_43 = arith.constant 168 : i32
      %mul3A_44 = arith.muli %arg1, %mul3A_43 : i32
      %add3A_45 = arith.constant 0 : i32
      %add3A_46 = arith.addi %mul3A_44, %add3A_45 : i32
      "tpu.region"() ({
        %run_scoped3A = tpu.sem_alloc : memref<!tpu.dma_semaphore, #tpu.memory_space<semaphore_mem>>
        %dma_start3A = arith.constant 0 : i32
        %dma_start3A_153 = tpu.memref_slice %arg13[%add3A_46, %dma_start3A] : memref<2688x128xf32, #tpu.memory_space<vmem_shared>> -> memref<8x128xf32, #tpu.memory_space<vmem_shared>>
        %dma_start3A_154 = arith.constant 0 : i32
        %dma_start3A_155 = tpu.memref_slice %arg13[%add3A_46, %dma_start3A_154] : memref<2688x128xf32, #tpu.memory_space<vmem_shared>> -> memref<8x128xf32, #tpu.memory_space<vmem_shared>>
        tpu.enqueue_dma source(%arg11 : memref<8x128xf32, #tpu.memory_space<vmem>>) target(%dma_start3A_155 : memref<8x128xf32, #tpu.memory_space<vmem_shared>>) target_semaphore(%run_scoped3A : memref<!tpu.dma_semaphore, #tpu.memory_space<semaphore_mem>>)
        %dma_wait3A = arith.constant 0 : i32
        %dma_wait3A_156 = tpu.memref_slice %arg13[%add3A_46, %dma_wait3A] : memref<2688x128xf32, #tpu.memory_space<vmem_shared>> -> memref<8x128xf32, #tpu.memory_space<vmem_shared>>
        %dma_wait3A_157 = arith.constant 0 : i32
        %dma_wait3A_158 = tpu.memref_slice %arg13[%add3A_46, %dma_wait3A_157] : memref<2688x128xf32, #tpu.memory_space<vmem_shared>> -> memref<8x128xf32, #tpu.memory_space<vmem_shared>>
        tpu.wait_dma2 semaphore(%run_scoped3A : memref<!tpu.dma_semaphore, #tpu.memory_space<semaphore_mem>>) src(%arg11 : memref<8x128xf32, #tpu.memory_space<vmem>>) dst(%dma_wait3A_158 : memref<8x128xf32, #tpu.memory_space<vmem_shared>>)
        tpu.yield
      }) : () -> ()
      %mul3A_47 = arith.constant 168 : i32
      %mul3A_48 = arith.muli %arg1, %mul3A_47 : i32
      %add3A_49 = arith.constant 8 : i32
      %add3A_50 = arith.addi %mul3A_48, %add3A_49 : i32
      "tpu.region"() ({
        %run_scoped3A = tpu.sem_alloc : memref<!tpu.dma_semaphore, #tpu.memory_space<semaphore_mem>>
        %dma_start3A = arith.constant 0 : i32
        %dma_start3A_153 = tpu.memref_slice %arg13[%add3A_50, %dma_start3A] : memref<2688x128xf32, #tpu.memory_space<vmem_shared>> -> memref<8x128xf32, #tpu.memory_space<vmem_shared>>
        %dma_start3A_154 = arith.constant 0 : i32
        %dma_start3A_155 = tpu.memref_slice %arg13[%add3A_50, %dma_start3A_154] : memref<2688x128xf32, #tpu.memory_space<vmem_shared>> -> memref<8x128xf32, #tpu.memory_space<vmem_shared>>
        tpu.enqueue_dma source(%arg11 : memref<8x128xf32, #tpu.memory_space<vmem>>) target(%dma_start3A_155 : memref<8x128xf32, #tpu.memory_space<vmem_shared>>) target_semaphore(%run_scoped3A : memref<!tpu.dma_semaphore, #tpu.memory_space<semaphore_mem>>)
        %dma_wait3A = arith.constant 0 : i32
        %dma_wait3A_156 = tpu.memref_slice %arg13[%add3A_50, %dma_wait3A] : memref<2688x128xf32, #tpu.memory_space<vmem_shared>> -> memref<8x128xf32, #tpu.memory_space<vmem_shared>>
        %dma_wait3A_157 = arith.constant 0 : i32
        %dma_wait3A_158 = tpu.memref_slice %arg13[%add3A_50, %dma_wait3A_157] : memref<2688x128xf32, #tpu.memory_space<vmem_shared>> -> memref<8x128xf32, #tpu.memory_space<vmem_shared>>
        tpu.wait_dma2 semaphore(%run_scoped3A : memref<!tpu.dma_semaphore, #tpu.memory_space<semaphore_mem>>) src(%arg11 : memref<8x128xf32, #tpu.memory_space<vmem>>) dst(%dma_wait3A_158 : memref<8x128xf32, #tpu.memory_space<vmem_shared>>)
        tpu.yield
      }) : () -> ()
      %mul3A_51 = arith.constant 168 : i32
      %mul3A_52 = arith.muli %arg1, %mul3A_51 : i32
      %add3A_53 = arith.constant 16 : i32
      %add3A_54 = arith.addi %mul3A_52, %add3A_53 : i32
      "tpu.region"() ({
        %run_scoped3A = tpu.sem_alloc : memref<!tpu.dma_semaphore, #tpu.memory_space<semaphore_mem>>
        %dma_start3A = arith.constant 0 : i32
        %dma_start3A_153 = tpu.memref_slice %arg13[%add3A_54, %dma_start3A] : memref<2688x128xf32, #tpu.memory_space<vmem_shared>> -> memref<8x128xf32, #tpu.memory_space<vmem_shared>>
        %dma_start3A_154 = arith.constant 0 : i32
        %dma_start3A_155 = tpu.memref_slice %arg13[%add3A_54, %dma_start3A_154] : memref<2688x128xf32, #tpu.memory_space<vmem_shared>> -> memref<8x128xf32, #tpu.memory_space<vmem_shared>>
        tpu.enqueue_dma source(%arg11 : memref<8x128xf32, #tpu.memory_space<vmem>>) target(%dma_start3A_155 : memref<8x128xf32, #tpu.memory_space<vmem_shared>>) target_semaphore(%run_scoped3A : memref<!tpu.dma_semaphore, #tpu.memory_space<semaphore_mem>>)
        %dma_wait3A = arith.constant 0 : i32
        %dma_wait3A_156 = tpu.memref_slice %arg13[%add3A_54, %dma_wait3A] : memref<2688x128xf32, #tpu.memory_space<vmem_shared>> -> memref<8x128xf32, #tpu.memory_space<vmem_shared>>
        %dma_wait3A_157 = arith.constant 0 : i32
        %dma_wait3A_158 = tpu.memref_slice %arg13[%add3A_54, %dma_wait3A_157] : memref<2688x128xf32, #tpu.memory_space<vmem_shared>> -> memref<8x128xf32, #tpu.memory_space<vmem_shared>>
        tpu.wait_dma2 semaphore(%run_scoped3A : memref<!tpu.dma_semaphore, #tpu.memory_space<semaphore_mem>>) src(%arg11 : memref<8x128xf32, #tpu.memory_space<vmem>>) dst(%dma_wait3A_158 : memref<8x128xf32, #tpu.memory_space<vmem_shared>>)
        tpu.yield
      }) : () -> ()
      %mul3A_55 = arith.constant 168 : i32
      %mul3A_56 = arith.muli %arg1, %mul3A_55 : i32
      %add3A_57 = arith.constant 24 : i32
      %add3A_58 = arith.addi %mul3A_56, %add3A_57 : i32
      "tpu.region"() ({
        %run_scoped3A = tpu.sem_alloc : memref<!tpu.dma_semaphore, #tpu.memory_space<semaphore_mem>>
        %dma_start3A = arith.constant 0 : i32
        %dma_start3A_153 = tpu.memref_slice %arg13[%add3A_58, %dma_start3A] : memref<2688x128xf32, #tpu.memory_space<vmem_shared>> -> memref<8x128xf32, #tpu.memory_space<vmem_shared>>
        %dma_start3A_154 = arith.constant 0 : i32
        %dma_start3A_155 = tpu.memref_slice %arg13[%add3A_58, %dma_start3A_154] : memref<2688x128xf32, #tpu.memory_space<vmem_shared>> -> memref<8x128xf32, #tpu.memory_space<vmem_shared>>
        tpu.enqueue_dma source(%arg11 : memref<8x128xf32, #tpu.memory_space<vmem>>) target(%dma_start3A_155 : memref<8x128xf32, #tpu.memory_space<vmem_shared>>) target_semaphore(%run_scoped3A : memref<!tpu.dma_semaphore, #tpu.memory_space<semaphore_mem>>)
        %dma_wait3A = arith.constant 0 : i32
        %dma_wait3A_156 = tpu.memref_slice %arg13[%add3A_58, %dma_wait3A] : memref<2688x128xf32, #tpu.memory_space<vmem_shared>> -> memref<8x128xf32, #tpu.memory_space<vmem_shared>>
        %dma_wait3A_157 = arith.constant 0 : i32
        %dma_wait3A_158 = tpu.memref_slice %arg13[%add3A_58, %dma_wait3A_157] : memref<2688x128xf32, #tpu.memory_space<vmem_shared>> -> memref<8x128xf32, #tpu.memory_space<vmem_shared>>
        tpu.wait_dma2 semaphore(%run_scoped3A : memref<!tpu.dma_semaphore, #tpu.memory_space<semaphore_mem>>) src(%arg11 : memref<8x128xf32, #tpu.memory_space<vmem>>) dst(%dma_wait3A_158 : memref<8x128xf32, #tpu.memory_space<vmem_shared>>)
        tpu.yield
      }) : () -> ()
      %mul3A_59 = arith.constant 168 : i32
      %mul3A_60 = arith.muli %arg1, %mul3A_59 : i32
      %add3A_61 = arith.constant 32 : i32
      %add3A_62 = arith.addi %mul3A_60, %add3A_61 : i32
      "tpu.region"() ({
        %run_scoped3A = tpu.sem_alloc : memref<!tpu.dma_semaphore, #tpu.memory_space<semaphore_mem>>
        %dma_start3A = arith.constant 0 : i32
        %dma_start3A_153 = tpu.memref_slice %arg13[%add3A_62, %dma_start3A] : memref<2688x128xf32, #tpu.memory_space<vmem_shared>> -> memref<8x128xf32, #tpu.memory_space<vmem_shared>>
        %dma_start3A_154 = arith.constant 0 : i32
        %dma_start3A_155 = tpu.memref_slice %arg13[%add3A_62, %dma_start3A_154] : memref<2688x128xf32, #tpu.memory_space<vmem_shared>> -> memref<8x128xf32, #tpu.memory_space<vmem_shared>>
        tpu.enqueue_dma source(%arg11 : memref<8x128xf32, #tpu.memory_space<vmem>>) target(%dma_start3A_155 : memref<8x128xf32, #tpu.memory_space<vmem_shared>>) target_semaphore(%run_scoped3A : memref<!tpu.dma_semaphore, #tpu.memory_space<semaphore_mem>>)
        %dma_wait3A = arith.constant 0 : i32
        %dma_wait3A_156 = tpu.memref_slice %arg13[%add3A_62, %dma_wait3A] : memref<2688x128xf32, #tpu.memory_space<vmem_shared>> -> memref<8x128xf32, #tpu.memory_space<vmem_shared>>
        %dma_wait3A_157 = arith.constant 0 : i32
        %dma_wait3A_158 = tpu.memref_slice %arg13[%add3A_62, %dma_wait3A_157] : memref<2688x128xf32, #tpu.memory_space<vmem_shared>> -> memref<8x128xf32, #tpu.memory_space<vmem_shared>>
        tpu.wait_dma2 semaphore(%run_scoped3A : memref<!tpu.dma_semaphore, #tpu.memory_space<semaphore_mem>>) src(%arg11 : memref<8x128xf32, #tpu.memory_space<vmem>>) dst(%dma_wait3A_158 : memref<8x128xf32, #tpu.memory_space<vmem_shared>>)
        tpu.yield
      }) : () -> ()
      %mul3A_63 = arith.constant 168 : i32
      %mul3A_64 = arith.muli %arg1, %mul3A_63 : i32
      %add3A_65 = arith.constant 40 : i32
      %add3A_66 = arith.addi %mul3A_64, %add3A_65 : i32
      "tpu.region"() ({
        %run_scoped3A = tpu.sem_alloc : memref<!tpu.dma_semaphore, #tpu.memory_space<semaphore_mem>>
        %dma_start3A = arith.constant 0 : i32
        %dma_start3A_153 = tpu.memref_slice %arg13[%add3A_66, %dma_start3A] : memref<2688x128xf32, #tpu.memory_space<vmem_shared>> -> memref<8x128xf32, #tpu.memory_space<vmem_shared>>
        %dma_start3A_154 = arith.constant 0 : i32
        %dma_start3A_155 = tpu.memref_slice %arg13[%add3A_66, %dma_start3A_154] : memref<2688x128xf32, #tpu.memory_space<vmem_shared>> -> memref<8x128xf32, #tpu.memory_space<vmem_shared>>
        tpu.enqueue_dma source(%arg11 : memref<8x128xf32, #tpu.memory_space<vmem>>) target(%dma_start3A_155 : memref<8x128xf32, #tpu.memory_space<vmem_shared>>) target_semaphore(%run_scoped3A : memref<!tpu.dma_semaphore, #tpu.memory_space<semaphore_mem>>)
        %dma_wait3A = arith.constant 0 : i32
        %dma_wait3A_156 = tpu.memref_slice %arg13[%add3A_66, %dma_wait3A] : memref<2688x128xf32, #tpu.memory_space<vmem_shared>> -> memref<8x128xf32, #tpu.memory_space<vmem_shared>>
        %dma_wait3A_157 = arith.constant 0 : i32
        %dma_wait3A_158 = tpu.memref_slice %arg13[%add3A_66, %dma_wait3A_157] : memref<2688x128xf32, #tpu.memory_space<vmem_shared>> -> memref<8x128xf32, #tpu.memory_space<vmem_shared>>
        tpu.wait_dma2 semaphore(%run_scoped3A : memref<!tpu.dma_semaphore, #tpu.memory_space<semaphore_mem>>) src(%arg11 : memref<8x128xf32, #tpu.memory_space<vmem>>) dst(%dma_wait3A_158 : memref<8x128xf32, #tpu.memory_space<vmem_shared>>)
        tpu.yield
      }) : () -> ()
      %mul3A_67 = arith.constant 168 : i32
      %mul3A_68 = arith.muli %arg1, %mul3A_67 : i32
      %add3A_69 = arith.constant 48 : i32
      %add3A_70 = arith.addi %mul3A_68, %add3A_69 : i32
      "tpu.region"() ({
        %run_scoped3A = tpu.sem_alloc : memref<!tpu.dma_semaphore, #tpu.memory_space<semaphore_mem>>
        %dma_start3A = arith.constant 0 : i32
        %dma_start3A_153 = tpu.memref_slice %arg13[%add3A_70, %dma_start3A] : memref<2688x128xf32, #tpu.memory_space<vmem_shared>> -> memref<8x128xf32, #tpu.memory_space<vmem_shared>>
        %dma_start3A_154 = arith.constant 0 : i32
        %dma_start3A_155 = tpu.memref_slice %arg13[%add3A_70, %dma_start3A_154] : memref<2688x128xf32, #tpu.memory_space<vmem_shared>> -> memref<8x128xf32, #tpu.memory_space<vmem_shared>>
        tpu.enqueue_dma source(%arg11 : memref<8x128xf32, #tpu.memory_space<vmem>>) target(%dma_start3A_155 : memref<8x128xf32, #tpu.memory_space<vmem_shared>>) target_semaphore(%run_scoped3A : memref<!tpu.dma_semaphore, #tpu.memory_space<semaphore_mem>>)
        %dma_wait3A = arith.constant 0 : i32
        %dma_wait3A_156 = tpu.memref_slice %arg13[%add3A_70, %dma_wait3A] : memref<2688x128xf32, #tpu.memory_space<vmem_shared>> -> memref<8x128xf32, #tpu.memory_space<vmem_shared>>
        %dma_wait3A_157 = arith.constant 0 : i32
        %dma_wait3A_158 = tpu.memref_slice %arg13[%add3A_70, %dma_wait3A_157] : memref<2688x128xf32, #tpu.memory_space<vmem_shared>> -> memref<8x128xf32, #tpu.memory_space<vmem_shared>>
        tpu.wait_dma2 semaphore(%run_scoped3A : memref<!tpu.dma_semaphore, #tpu.memory_space<semaphore_mem>>) src(%arg11 : memref<8x128xf32, #tpu.memory_space<vmem>>) dst(%dma_wait3A_158 : memref<8x128xf32, #tpu.memory_space<vmem_shared>>)
        tpu.yield
      }) : () -> ()
      %mul3A_71 = arith.constant 168 : i32
      %mul3A_72 = arith.muli %arg1, %mul3A_71 : i32
      %add3A_73 = arith.constant 56 : i32
      %add3A_74 = arith.addi %mul3A_72, %add3A_73 : i32
      "tpu.region"() ({
        %run_scoped3A = tpu.sem_alloc : memref<!tpu.dma_semaphore, #tpu.memory_space<semaphore_mem>>
        %dma_start3A = arith.constant 0 : i32
        %dma_start3A_153 = tpu.memref_slice %arg13[%add3A_74, %dma_start3A] : memref<2688x128xf32, #tpu.memory_space<vmem_shared>> -> memref<8x128xf32, #tpu.memory_space<vmem_shared>>
        %dma_start3A_154 = arith.constant 0 : i32
        %dma_start3A_155 = tpu.memref_slice %arg13[%add3A_74, %dma_start3A_154] : memref<2688x128xf32, #tpu.memory_space<vmem_shared>> -> memref<8x128xf32, #tpu.memory_space<vmem_shared>>
        tpu.enqueue_dma source(%arg11 : memref<8x128xf32, #tpu.memory_space<vmem>>) target(%dma_start3A_155 : memref<8x128xf32, #tpu.memory_space<vmem_shared>>) target_semaphore(%run_scoped3A : memref<!tpu.dma_semaphore, #tpu.memory_space<semaphore_mem>>)
        %dma_wait3A = arith.constant 0 : i32
        %dma_wait3A_156 = tpu.memref_slice %arg13[%add3A_74, %dma_wait3A] : memref<2688x128xf32, #tpu.memory_space<vmem_shared>> -> memref<8x128xf32, #tpu.memory_space<vmem_shared>>
        %dma_wait3A_157 = arith.constant 0 : i32
        %dma_wait3A_158 = tpu.memref_slice %arg13[%add3A_74, %dma_wait3A_157] : memref<2688x128xf32, #tpu.memory_space<vmem_shared>> -> memref<8x128xf32, #tpu.memory_space<vmem_shared>>
        tpu.wait_dma2 semaphore(%run_scoped3A : memref<!tpu.dma_semaphore, #tpu.memory_space<semaphore_mem>>) src(%arg11 : memref<8x128xf32, #tpu.memory_space<vmem>>) dst(%dma_wait3A_158 : memref<8x128xf32, #tpu.memory_space<vmem_shared>>)
        tpu.yield
      }) : () -> ()
      %mul3A_75 = arith.constant 168 : i32
      %mul3A_76 = arith.muli %arg1, %mul3A_75 : i32
      %add3A_77 = arith.constant 64 : i32
      %add3A_78 = arith.addi %mul3A_76, %add3A_77 : i32
      "tpu.region"() ({
        %run_scoped3A = tpu.sem_alloc : memref<!tpu.dma_semaphore, #tpu.memory_space<semaphore_mem>>
        %dma_start3A = arith.constant 0 : i32
        %dma_start3A_153 = tpu.memref_slice %arg13[%add3A_78, %dma_start3A] : memref<2688x128xf32, #tpu.memory_space<vmem_shared>> -> memref<8x128xf32, #tpu.memory_space<vmem_shared>>
        %dma_start3A_154 = arith.constant 0 : i32
        %dma_start3A_155 = tpu.memref_slice %arg13[%add3A_78, %dma_start3A_154] : memref<2688x128xf32, #tpu.memory_space<vmem_shared>> -> memref<8x128xf32, #tpu.memory_space<vmem_shared>>
        tpu.enqueue_dma source(%arg11 : memref<8x128xf32, #tpu.memory_space<vmem>>) target(%dma_start3A_155 : memref<8x128xf32, #tpu.memory_space<vmem_shared>>) target_semaphore(%run_scoped3A : memref<!tpu.dma_semaphore, #tpu.memory_space<semaphore_mem>>)
        %dma_wait3A = arith.constant 0 : i32
        %dma_wait3A_156 = tpu.memref_slice %arg13[%add3A_78, %dma_wait3A] : memref<2688x128xf32, #tpu.memory_space<vmem_shared>> -> memref<8x128xf32, #tpu.memory_space<vmem_shared>>
        %dma_wait3A_157 = arith.constant 0 : i32
        %dma_wait3A_158 = tpu.memref_slice %arg13[%add3A_78, %dma_wait3A_157] : memref<2688x128xf32, #tpu.memory_space<vmem_shared>> -> memref<8x128xf32, #tpu.memory_space<vmem_shared>>
        tpu.wait_dma2 semaphore(%run_scoped3A : memref<!tpu.dma_semaphore, #tpu.memory_space<semaphore_mem>>) src(%arg11 : memref<8x128xf32, #tpu.memory_space<vmem>>) dst(%dma_wait3A_158 : memref<8x128xf32, #tpu.memory_space<vmem_shared>>)
        tpu.yield
      }) : () -> ()
      %mul3A_79 = arith.constant 168 : i32
      %mul3A_80 = arith.muli %arg1, %mul3A_79 : i32
      %add3A_81 = arith.constant 72 : i32
      %add3A_82 = arith.addi %mul3A_80, %add3A_81 : i32
      "tpu.region"() ({
        %run_scoped3A = tpu.sem_alloc : memref<!tpu.dma_semaphore, #tpu.memory_space<semaphore_mem>>
        %dma_start3A = arith.constant 0 : i32
        %dma_start3A_153 = tpu.memref_slice %arg13[%add3A_82, %dma_start3A] : memref<2688x128xf32, #tpu.memory_space<vmem_shared>> -> memref<8x128xf32, #tpu.memory_space<vmem_shared>>
        %dma_start3A_154 = arith.constant 0 : i32
        %dma_start3A_155 = tpu.memref_slice %arg13[%add3A_82, %dma_start3A_154] : memref<2688x128xf32, #tpu.memory_space<vmem_shared>> -> memref<8x128xf32, #tpu.memory_space<vmem_shared>>
        tpu.enqueue_dma source(%arg11 : memref<8x128xf32, #tpu.memory_space<vmem>>) target(%dma_start3A_155 : memref<8x128xf32, #tpu.memory_space<vmem_shared>>) target_semaphore(%run_scoped3A : memref<!tpu.dma_semaphore, #tpu.memory_space<semaphore_mem>>)
        %dma_wait3A = arith.constant 0 : i32
        %dma_wait3A_156 = tpu.memref_slice %arg13[%add3A_82, %dma_wait3A] : memref<2688x128xf32, #tpu.memory_space<vmem_shared>> -> memref<8x128xf32, #tpu.memory_space<vmem_shared>>
        %dma_wait3A_157 = arith.constant 0 : i32
        %dma_wait3A_158 = tpu.memref_slice %arg13[%add3A_82, %dma_wait3A_157] : memref<2688x128xf32, #tpu.memory_space<vmem_shared>> -> memref<8x128xf32, #tpu.memory_space<vmem_shared>>
        tpu.wait_dma2 semaphore(%run_scoped3A : memref<!tpu.dma_semaphore, #tpu.memory_space<semaphore_mem>>) src(%arg11 : memref<8x128xf32, #tpu.memory_space<vmem>>) dst(%dma_wait3A_158 : memref<8x128xf32, #tpu.memory_space<vmem_shared>>)
        tpu.yield
      }) : () -> ()
      %mul3A_83 = arith.constant 168 : i32
      %mul3A_84 = arith.muli %arg1, %mul3A_83 : i32
      %add3A_85 = arith.constant 80 : i32
      %add3A_86 = arith.addi %mul3A_84, %add3A_85 : i32
      "tpu.region"() ({
        %run_scoped3A = tpu.sem_alloc : memref<!tpu.dma_semaphore, #tpu.memory_space<semaphore_mem>>
        %dma_start3A = arith.constant 0 : i32
        %dma_start3A_153 = tpu.memref_slice %arg13[%add3A_86, %dma_start3A] : memref<2688x128xf32, #tpu.memory_space<vmem_shared>> -> memref<8x128xf32, #tpu.memory_space<vmem_shared>>
        %dma_start3A_154 = arith.constant 0 : i32
        %dma_start3A_155 = tpu.memref_slice %arg13[%add3A_86, %dma_start3A_154] : memref<2688x128xf32, #tpu.memory_space<vmem_shared>> -> memref<8x128xf32, #tpu.memory_space<vmem_shared>>
        tpu.enqueue_dma source(%arg11 : memref<8x128xf32, #tpu.memory_space<vmem>>) target(%dma_start3A_155 : memref<8x128xf32, #tpu.memory_space<vmem_shared>>) target_semaphore(%run_scoped3A : memref<!tpu.dma_semaphore, #tpu.memory_space<semaphore_mem>>)
        %dma_wait3A = arith.constant 0 : i32
        %dma_wait3A_156 = tpu.memref_slice %arg13[%add3A_86, %dma_wait3A] : memref<2688x128xf32, #tpu.memory_space<vmem_shared>> -> memref<8x128xf32, #tpu.memory_space<vmem_shared>>
        %dma_wait3A_157 = arith.constant 0 : i32
        %dma_wait3A_158 = tpu.memref_slice %arg13[%add3A_86, %dma_wait3A_157] : memref<2688x128xf32, #tpu.memory_space<vmem_shared>> -> memref<8x128xf32, #tpu.memory_space<vmem_shared>>
        tpu.wait_dma2 semaphore(%run_scoped3A : memref<!tpu.dma_semaphore, #tpu.memory_space<semaphore_mem>>) src(%arg11 : memref<8x128xf32, #tpu.memory_space<vmem>>) dst(%dma_wait3A_158 : memref<8x128xf32, #tpu.memory_space<vmem_shared>>)
        tpu.yield
      }) : () -> ()
      %mul3A_87 = arith.constant 168 : i32
      %mul3A_88 = arith.muli %arg1, %mul3A_87 : i32
      %add3A_89 = arith.constant 88 : i32
      %add3A_90 = arith.addi %mul3A_88, %add3A_89 : i32
      "tpu.region"() ({
        %run_scoped3A = tpu.sem_alloc : memref<!tpu.dma_semaphore, #tpu.memory_space<semaphore_mem>>
        %dma_start3A = arith.constant 0 : i32
        %dma_start3A_153 = tpu.memref_slice %arg13[%add3A_90, %dma_start3A] : memref<2688x128xf32, #tpu.memory_space<vmem_shared>> -> memref<8x128xf32, #tpu.memory_space<vmem_shared>>
        %dma_start3A_154 = arith.constant 0 : i32
        %dma_start3A_155 = tpu.memref_slice %arg13[%add3A_90, %dma_start3A_154] : memref<2688x128xf32, #tpu.memory_space<vmem_shared>> -> memref<8x128xf32, #tpu.memory_space<vmem_shared>>
        tpu.enqueue_dma source(%arg11 : memref<8x128xf32, #tpu.memory_space<vmem>>) target(%dma_start3A_155 : memref<8x128xf32, #tpu.memory_space<vmem_shared>>) target_semaphore(%run_scoped3A : memref<!tpu.dma_semaphore, #tpu.memory_space<semaphore_mem>>)
        %dma_wait3A = arith.constant 0 : i32
        %dma_wait3A_156 = tpu.memref_slice %arg13[%add3A_90, %dma_wait3A] : memref<2688x128xf32, #tpu.memory_space<vmem_shared>> -> memref<8x128xf32, #tpu.memory_space<vmem_shared>>
        %dma_wait3A_157 = arith.constant 0 : i32
        %dma_wait3A_158 = tpu.memref_slice %arg13[%add3A_90, %dma_wait3A_157] : memref<2688x128xf32, #tpu.memory_space<vmem_shared>> -> memref<8x128xf32, #tpu.memory_space<vmem_shared>>
        tpu.wait_dma2 semaphore(%run_scoped3A : memref<!tpu.dma_semaphore, #tpu.memory_space<semaphore_mem>>) src(%arg11 : memref<8x128xf32, #tpu.memory_space<vmem>>) dst(%dma_wait3A_158 : memref<8x128xf32, #tpu.memory_space<vmem_shared>>)
        tpu.yield
      }) : () -> ()
      %mul3A_91 = arith.constant 168 : i32
      %mul3A_92 = arith.muli %arg1, %mul3A_91 : i32
      %add3A_93 = arith.constant 96 : i32
      %add3A_94 = arith.addi %mul3A_92, %add3A_93 : i32
      "tpu.region"() ({
        %run_scoped3A = tpu.sem_alloc : memref<!tpu.dma_semaphore, #tpu.memory_space<semaphore_mem>>
        %dma_start3A = arith.constant 0 : i32
        %dma_start3A_153 = tpu.memref_slice %arg13[%add3A_94, %dma_start3A] : memref<2688x128xf32, #tpu.memory_space<vmem_shared>> -> memref<8x128xf32, #tpu.memory_space<vmem_shared>>
        %dma_start3A_154 = arith.constant 0 : i32
        %dma_start3A_155 = tpu.memref_slice %arg13[%add3A_94, %dma_start3A_154] : memref<2688x128xf32, #tpu.memory_space<vmem_shared>> -> memref<8x128xf32, #tpu.memory_space<vmem_shared>>
        tpu.enqueue_dma source(%arg11 : memref<8x128xf32, #tpu.memory_space<vmem>>) target(%dma_start3A_155 : memref<8x128xf32, #tpu.memory_space<vmem_shared>>) target_semaphore(%run_scoped3A : memref<!tpu.dma_semaphore, #tpu.memory_space<semaphore_mem>>)
        %dma_wait3A = arith.constant 0 : i32
        %dma_wait3A_156 = tpu.memref_slice %arg13[%add3A_94, %dma_wait3A] : memref<2688x128xf32, #tpu.memory_space<vmem_shared>> -> memref<8x128xf32, #tpu.memory_space<vmem_shared>>
        %dma_wait3A_157 = arith.constant 0 : i32
        %dma_wait3A_158 = tpu.memref_slice %arg13[%add3A_94, %dma_wait3A_157] : memref<2688x128xf32, #tpu.memory_space<vmem_shared>> -> memref<8x128xf32, #tpu.memory_space<vmem_shared>>
        tpu.wait_dma2 semaphore(%run_scoped3A : memref<!tpu.dma_semaphore, #tpu.memory_space<semaphore_mem>>) src(%arg11 : memref<8x128xf32, #tpu.memory_space<vmem>>) dst(%dma_wait3A_158 : memref<8x128xf32, #tpu.memory_space<vmem_shared>>)
        tpu.yield
      }) : () -> ()
      %mul3A_95 = arith.constant 168 : i32
      %mul3A_96 = arith.muli %arg1, %mul3A_95 : i32
      %add3A_97 = arith.constant 104 : i32
      %add3A_98 = arith.addi %mul3A_96, %add3A_97 : i32
      "tpu.region"() ({
        %run_scoped3A = tpu.sem_alloc : memref<!tpu.dma_semaphore, #tpu.memory_space<semaphore_mem>>
        %dma_start3A = arith.constant 0 : i32
        %dma_start3A_153 = tpu.memref_slice %arg13[%add3A_98, %dma_start3A] : memref<2688x128xf32, #tpu.memory_space<vmem_shared>> -> memref<8x128xf32, #tpu.memory_space<vmem_shared>>
        %dma_start3A_154 = arith.constant 0 : i32
        %dma_start3A_155 = tpu.memref_slice %arg13[%add3A_98, %dma_start3A_154] : memref<2688x128xf32, #tpu.memory_space<vmem_shared>> -> memref<8x128xf32, #tpu.memory_space<vmem_shared>>
        tpu.enqueue_dma source(%arg11 : memref<8x128xf32, #tpu.memory_space<vmem>>) target(%dma_start3A_155 : memref<8x128xf32, #tpu.memory_space<vmem_shared>>) target_semaphore(%run_scoped3A : memref<!tpu.dma_semaphore, #tpu.memory_space<semaphore_mem>>)
        %dma_wait3A = arith.constant 0 : i32
        %dma_wait3A_156 = tpu.memref_slice %arg13[%add3A_98, %dma_wait3A] : memref<2688x128xf32, #tpu.memory_space<vmem_shared>> -> memref<8x128xf32, #tpu.memory_space<vmem_shared>>
        %dma_wait3A_157 = arith.constant 0 : i32
        %dma_wait3A_158 = tpu.memref_slice %arg13[%add3A_98, %dma_wait3A_157] : memref<2688x128xf32, #tpu.memory_space<vmem_shared>> -> memref<8x128xf32, #tpu.memory_space<vmem_shared>>
        tpu.wait_dma2 semaphore(%run_scoped3A : memref<!tpu.dma_semaphore, #tpu.memory_space<semaphore_mem>>) src(%arg11 : memref<8x128xf32, #tpu.memory_space<vmem>>) dst(%dma_wait3A_158 : memref<8x128xf32, #tpu.memory_space<vmem_shared>>)
        tpu.yield
      }) : () -> ()
      %mul3A_99 = arith.constant 168 : i32
      %mul3A_100 = arith.muli %arg1, %mul3A_99 : i32
      %add3A_101 = arith.constant 112 : i32
      %add3A_102 = arith.addi %mul3A_100, %add3A_101 : i32
      "tpu.region"() ({
        %run_scoped3A = tpu.sem_alloc : memref<!tpu.dma_semaphore, #tpu.memory_space<semaphore_mem>>
        %dma_start3A = arith.constant 0 : i32
        %dma_start3A_153 = tpu.memref_slice %arg13[%add3A_102, %dma_start3A] : memref<2688x128xf32, #tpu.memory_space<vmem_shared>> -> memref<8x128xf32, #tpu.memory_space<vmem_shared>>
        %dma_start3A_154 = arith.constant 0 : i32
        %dma_start3A_155 = tpu.memref_slice %arg13[%add3A_102, %dma_start3A_154] : memref<2688x128xf32, #tpu.memory_space<vmem_shared>> -> memref<8x128xf32, #tpu.memory_space<vmem_shared>>
        tpu.enqueue_dma source(%arg11 : memref<8x128xf32, #tpu.memory_space<vmem>>) target(%dma_start3A_155 : memref<8x128xf32, #tpu.memory_space<vmem_shared>>) target_semaphore(%run_scoped3A : memref<!tpu.dma_semaphore, #tpu.memory_space<semaphore_mem>>)
        %dma_wait3A = arith.constant 0 : i32
        %dma_wait3A_156 = tpu.memref_slice %arg13[%add3A_102, %dma_wait3A] : memref<2688x128xf32, #tpu.memory_space<vmem_shared>> -> memref<8x128xf32, #tpu.memory_space<vmem_shared>>
        %dma_wait3A_157 = arith.constant 0 : i32
        %dma_wait3A_158 = tpu.memref_slice %arg13[%add3A_102, %dma_wait3A_157] : memref<2688x128xf32, #tpu.memory_space<vmem_shared>> -> memref<8x128xf32, #tpu.memory_space<vmem_shared>>
        tpu.wait_dma2 semaphore(%run_scoped3A : memref<!tpu.dma_semaphore, #tpu.memory_space<semaphore_mem>>) src(%arg11 : memref<8x128xf32, #tpu.memory_space<vmem>>) dst(%dma_wait3A_158 : memref<8x128xf32, #tpu.memory_space<vmem_shared>>)
        tpu.yield
      }) : () -> ()
      %mul3A_103 = arith.constant 168 : i32
      %mul3A_104 = arith.muli %arg1, %mul3A_103 : i32
      %add3A_105 = arith.constant 120 : i32
      %add3A_106 = arith.addi %mul3A_104, %add3A_105 : i32
      "tpu.region"() ({
        %run_scoped3A = tpu.sem_alloc : memref<!tpu.dma_semaphore, #tpu.memory_space<semaphore_mem>>
        %dma_start3A = arith.constant 0 : i32
        %dma_start3A_153 = tpu.memref_slice %arg13[%add3A_106, %dma_start3A] : memref<2688x128xf32, #tpu.memory_space<vmem_shared>> -> memref<8x128xf32, #tpu.memory_space<vmem_shared>>
        %dma_start3A_154 = arith.constant 0 : i32
        %dma_start3A_155 = tpu.memref_slice %arg13[%add3A_106, %dma_start3A_154] : memref<2688x128xf32, #tpu.memory_space<vmem_shared>> -> memref<8x128xf32, #tpu.memory_space<vmem_shared>>
        tpu.enqueue_dma source(%arg11 : memref<8x128xf32, #tpu.memory_space<vmem>>) target(%dma_start3A_155 : memref<8x128xf32, #tpu.memory_space<vmem_shared>>) target_semaphore(%run_scoped3A : memref<!tpu.dma_semaphore, #tpu.memory_space<semaphore_mem>>)
        %dma_wait3A = arith.constant 0 : i32
        %dma_wait3A_156 = tpu.memref_slice %arg13[%add3A_106, %dma_wait3A] : memref<2688x128xf32, #tpu.memory_space<vmem_shared>> -> memref<8x128xf32, #tpu.memory_space<vmem_shared>>
        %dma_wait3A_157 = arith.constant 0 : i32
        %dma_wait3A_158 = tpu.memref_slice %arg13[%add3A_106, %dma_wait3A_157] : memref<2688x128xf32, #tpu.memory_space<vmem_shared>> -> memref<8x128xf32, #tpu.memory_space<vmem_shared>>
        tpu.wait_dma2 semaphore(%run_scoped3A : memref<!tpu.dma_semaphore, #tpu.memory_space<semaphore_mem>>) src(%arg11 : memref<8x128xf32, #tpu.memory_space<vmem>>) dst(%dma_wait3A_158 : memref<8x128xf32, #tpu.memory_space<vmem_shared>>)
        tpu.yield
      }) : () -> ()
      %mul3A_107 = arith.constant 168 : i32
      %mul3A_108 = arith.muli %arg1, %mul3A_107 : i32
      %add3A_109 = arith.constant 128 : i32
      %add3A_110 = arith.addi %mul3A_108, %add3A_109 : i32
      "tpu.region"() ({
        %run_scoped3A = tpu.sem_alloc : memref<!tpu.dma_semaphore, #tpu.memory_space<semaphore_mem>>
        %dma_start3A = arith.constant 0 : i32
        %dma_start3A_153 = tpu.memref_slice %arg13[%add3A_110, %dma_start3A] : memref<2688x128xf32, #tpu.memory_space<vmem_shared>> -> memref<8x128xf32, #tpu.memory_space<vmem_shared>>
        %dma_start3A_154 = arith.constant 0 : i32
        %dma_start3A_155 = tpu.memref_slice %arg13[%add3A_110, %dma_start3A_154] : memref<2688x128xf32, #tpu.memory_space<vmem_shared>> -> memref<8x128xf32, #tpu.memory_space<vmem_shared>>
        tpu.enqueue_dma source(%arg11 : memref<8x128xf32, #tpu.memory_space<vmem>>) target(%dma_start3A_155 : memref<8x128xf32, #tpu.memory_space<vmem_shared>>) target_semaphore(%run_scoped3A : memref<!tpu.dma_semaphore, #tpu.memory_space<semaphore_mem>>)
        %dma_wait3A = arith.constant 0 : i32
        %dma_wait3A_156 = tpu.memref_slice %arg13[%add3A_110, %dma_wait3A] : memref<2688x128xf32, #tpu.memory_space<vmem_shared>> -> memref<8x128xf32, #tpu.memory_space<vmem_shared>>
        %dma_wait3A_157 = arith.constant 0 : i32
        %dma_wait3A_158 = tpu.memref_slice %arg13[%add3A_110, %dma_wait3A_157] : memref<2688x128xf32, #tpu.memory_space<vmem_shared>> -> memref<8x128xf32, #tpu.memory_space<vmem_shared>>
        tpu.wait_dma2 semaphore(%run_scoped3A : memref<!tpu.dma_semaphore, #tpu.memory_space<semaphore_mem>>) src(%arg11 : memref<8x128xf32, #tpu.memory_space<vmem>>) dst(%dma_wait3A_158 : memref<8x128xf32, #tpu.memory_space<vmem_shared>>)
        tpu.yield
      }) : () -> ()
      %mul3A_111 = arith.constant 168 : i32
      %mul3A_112 = arith.muli %arg1, %mul3A_111 : i32
      %add3A_113 = arith.constant 136 : i32
      %add3A_114 = arith.addi %mul3A_112, %add3A_113 : i32
      "tpu.region"() ({
        %run_scoped3A = tpu.sem_alloc : memref<!tpu.dma_semaphore, #tpu.memory_space<semaphore_mem>>
        %dma_start3A = arith.constant 0 : i32
        %dma_start3A_153 = tpu.memref_slice %arg13[%add3A_114, %dma_start3A] : memref<2688x128xf32, #tpu.memory_space<vmem_shared>> -> memref<8x128xf32, #tpu.memory_space<vmem_shared>>
        %dma_start3A_154 = arith.constant 0 : i32
        %dma_start3A_155 = tpu.memref_slice %arg13[%add3A_114, %dma_start3A_154] : memref<2688x128xf32, #tpu.memory_space<vmem_shared>> -> memref<8x128xf32, #tpu.memory_space<vmem_shared>>
        tpu.enqueue_dma source(%arg11 : memref<8x128xf32, #tpu.memory_space<vmem>>) target(%dma_start3A_155 : memref<8x128xf32, #tpu.memory_space<vmem_shared>>) target_semaphore(%run_scoped3A : memref<!tpu.dma_semaphore, #tpu.memory_space<semaphore_mem>>)
        %dma_wait3A = arith.constant 0 : i32
        %dma_wait3A_156 = tpu.memref_slice %arg13[%add3A_114, %dma_wait3A] : memref<2688x128xf32, #tpu.memory_space<vmem_shared>> -> memref<8x128xf32, #tpu.memory_space<vmem_shared>>
        %dma_wait3A_157 = arith.constant 0 : i32
        %dma_wait3A_158 = tpu.memref_slice %arg13[%add3A_114, %dma_wait3A_157] : memref<2688x128xf32, #tpu.memory_space<vmem_shared>> -> memref<8x128xf32, #tpu.memory_space<vmem_shared>>
        tpu.wait_dma2 semaphore(%run_scoped3A : memref<!tpu.dma_semaphore, #tpu.memory_space<semaphore_mem>>) src(%arg11 : memref<8x128xf32, #tpu.memory_space<vmem>>) dst(%dma_wait3A_158 : memref<8x128xf32, #tpu.memory_space<vmem_shared>>)
        tpu.yield
      }) : () -> ()
      %mul3A_115 = arith.constant 168 : i32
      %mul3A_116 = arith.muli %arg1, %mul3A_115 : i32
      %add3A_117 = arith.constant 144 : i32
      %add3A_118 = arith.addi %mul3A_116, %add3A_117 : i32
      "tpu.region"() ({
        %run_scoped3A = tpu.sem_alloc : memref<!tpu.dma_semaphore, #tpu.memory_space<semaphore_mem>>
        %dma_start3A = arith.constant 0 : i32
        %dma_start3A_153 = tpu.memref_slice %arg13[%add3A_118, %dma_start3A] : memref<2688x128xf32, #tpu.memory_space<vmem_shared>> -> memref<8x128xf32, #tpu.memory_space<vmem_shared>>
        %dma_start3A_154 = arith.constant 0 : i32
        %dma_start3A_155 = tpu.memref_slice %arg13[%add3A_118, %dma_start3A_154] : memref<2688x128xf32, #tpu.memory_space<vmem_shared>> -> memref<8x128xf32, #tpu.memory_space<vmem_shared>>
        tpu.enqueue_dma source(%arg11 : memref<8x128xf32, #tpu.memory_space<vmem>>) target(%dma_start3A_155 : memref<8x128xf32, #tpu.memory_space<vmem_shared>>) target_semaphore(%run_scoped3A : memref<!tpu.dma_semaphore, #tpu.memory_space<semaphore_mem>>)
        %dma_wait3A = arith.constant 0 : i32
        %dma_wait3A_156 = tpu.memref_slice %arg13[%add3A_118, %dma_wait3A] : memref<2688x128xf32, #tpu.memory_space<vmem_shared>> -> memref<8x128xf32, #tpu.memory_space<vmem_shared>>
        %dma_wait3A_157 = arith.constant 0 : i32
        %dma_wait3A_158 = tpu.memref_slice %arg13[%add3A_118, %dma_wait3A_157] : memref<2688x128xf32, #tpu.memory_space<vmem_shared>> -> memref<8x128xf32, #tpu.memory_space<vmem_shared>>
        tpu.wait_dma2 semaphore(%run_scoped3A : memref<!tpu.dma_semaphore, #tpu.memory_space<semaphore_mem>>) src(%arg11 : memref<8x128xf32, #tpu.memory_space<vmem>>) dst(%dma_wait3A_158 : memref<8x128xf32, #tpu.memory_space<vmem_shared>>)
        tpu.yield
      }) : () -> ()
      %mul3A_119 = arith.constant 168 : i32
      %mul3A_120 = arith.muli %arg1, %mul3A_119 : i32
      %add3A_121 = arith.constant 152 : i32
      %add3A_122 = arith.addi %mul3A_120, %add3A_121 : i32
      "tpu.region"() ({
        %run_scoped3A = tpu.sem_alloc : memref<!tpu.dma_semaphore, #tpu.memory_space<semaphore_mem>>
        %dma_start3A = arith.constant 0 : i32
        %dma_start3A_153 = tpu.memref_slice %arg13[%add3A_122, %dma_start3A] : memref<2688x128xf32, #tpu.memory_space<vmem_shared>> -> memref<8x128xf32, #tpu.memory_space<vmem_shared>>
        %dma_start3A_154 = arith.constant 0 : i32
        %dma_start3A_155 = tpu.memref_slice %arg13[%add3A_122, %dma_start3A_154] : memref<2688x128xf32, #tpu.memory_space<vmem_shared>> -> memref<8x128xf32, #tpu.memory_space<vmem_shared>>
        tpu.enqueue_dma source(%arg11 : memref<8x128xf32, #tpu.memory_space<vmem>>) target(%dma_start3A_155 : memref<8x128xf32, #tpu.memory_space<vmem_shared>>) target_semaphore(%run_scoped3A : memref<!tpu.dma_semaphore, #tpu.memory_space<semaphore_mem>>)
        %dma_wait3A = arith.constant 0 : i32
        %dma_wait3A_156 = tpu.memref_slice %arg13[%add3A_122, %dma_wait3A] : memref<2688x128xf32, #tpu.memory_space<vmem_shared>> -> memref<8x128xf32, #tpu.memory_space<vmem_shared>>
        %dma_wait3A_157 = arith.constant 0 : i32
        %dma_wait3A_158 = tpu.memref_slice %arg13[%add3A_122, %dma_wait3A_157] : memref<2688x128xf32, #tpu.memory_space<vmem_shared>> -> memref<8x128xf32, #tpu.memory_space<vmem_shared>>
        tpu.wait_dma2 semaphore(%run_scoped3A : memref<!tpu.dma_semaphore, #tpu.memory_space<semaphore_mem>>) src(%arg11 : memref<8x128xf32, #tpu.memory_space<vmem>>) dst(%dma_wait3A_158 : memref<8x128xf32, #tpu.memory_space<vmem_shared>>)
        tpu.yield
      }) : () -> ()
      %mul3A_123 = arith.constant 168 : i32
      %mul3A_124 = arith.muli %arg1, %mul3A_123 : i32
      %add3A_125 = arith.constant 160 : i32
      %add3A_126 = arith.addi %mul3A_124, %add3A_125 : i32
      "tpu.region"() ({
        %run_scoped3A = tpu.sem_alloc : memref<!tpu.dma_semaphore, #tpu.memory_space<semaphore_mem>>
        %dma_start3A = arith.constant 0 : i32
        %dma_start3A_153 = tpu.memref_slice %arg13[%add3A_126, %dma_start3A] : memref<2688x128xf32, #tpu.memory_space<vmem_shared>> -> memref<8x128xf32, #tpu.memory_space<vmem_shared>>
        %dma_start3A_154 = arith.constant 0 : i32
        %dma_start3A_155 = tpu.memref_slice %arg13[%add3A_126, %dma_start3A_154] : memref<2688x128xf32, #tpu.memory_space<vmem_shared>> -> memref<8x128xf32, #tpu.memory_space<vmem_shared>>
        tpu.enqueue_dma source(%arg11 : memref<8x128xf32, #tpu.memory_space<vmem>>) target(%dma_start3A_155 : memref<8x128xf32, #tpu.memory_space<vmem_shared>>) target_semaphore(%run_scoped3A : memref<!tpu.dma_semaphore, #tpu.memory_space<semaphore_mem>>)
        %dma_wait3A = arith.constant 0 : i32
        %dma_wait3A_156 = tpu.memref_slice %arg13[%add3A_126, %dma_wait3A] : memref<2688x128xf32, #tpu.memory_space<vmem_shared>> -> memref<8x128xf32, #tpu.memory_space<vmem_shared>>
        %dma_wait3A_157 = arith.constant 0 : i32
        %dma_wait3A_158 = tpu.memref_slice %arg13[%add3A_126, %dma_wait3A_157] : memref<2688x128xf32, #tpu.memory_space<vmem_shared>> -> memref<8x128xf32, #tpu.memory_space<vmem_shared>>
        tpu.wait_dma2 semaphore(%run_scoped3A : memref<!tpu.dma_semaphore, #tpu.memory_space<semaphore_mem>>) src(%arg11 : memref<8x128xf32, #tpu.memory_space<vmem>>) dst(%dma_wait3A_158 : memref<8x128xf32, #tpu.memory_space<vmem_shared>>)
        tpu.yield
      }) : () -> ()
      %barrier3A = arith.constant 0 : index
      tpu.barrier barrier_id(%barrier3A)
      %mul3A_127 = arith.constant 10000 : i32
      %mul3A_128 = arith.muli %arg1, %mul3A_127 : i32
      %scan3A_129 = arith.constant 0 : i32
      %scan3A_130 = arith.constant 0 : i32
      %scan3A_131 = arith.constant 25 : i32
      %scan3A_132 = arith.addi %scan3A_130, %scan3A_131 : i32
      %scan3A_133 = arith.constant 1 : i32
      %scan3A_134 = scf.for %scan3A_153 = %scan3A_130 to %scan3A_132 step %scan3A_133 iter_args(%scan3A_154 = %scan3A_129) -> (i32)  : i32 {
        %mul3A_155 = arith.constant 400 : i32
        %mul3A_156 = arith.muli %scan3A_153, %mul3A_155 : i32
        %add3A_157 = arith.addi %mul3A_128, %mul3A_156 : i32
        "tpu.region"() ({
          %run_scoped3A_180 = tpu.sem_alloc : memref<!tpu.dma_semaphore, #tpu.memory_space<semaphore_mem>>
          %dma_start3A_181 = tpu.memref_slice %arg3[%add3A_157] : memref<160000xi32, #tpu.memory_space<hbm>> -> memref<400xi32, #tpu.memory_space<hbm>>
          %dma_start3A_182 = tpu.memref_slice %arg3[%add3A_157] : memref<160000xi32, #tpu.memory_space<hbm>> -> memref<400xi32, #tpu.memory_space<hbm>>
          tpu.enqueue_dma source(%dma_start3A_182 : memref<400xi32, #tpu.memory_space<hbm>>) target(%arg6 : memref<400xi32, #tpu.memory_space<vmem>>) target_semaphore(%run_scoped3A_180 : memref<!tpu.dma_semaphore, #tpu.memory_space<semaphore_mem>>)
          %dma_wait3A_183 = tpu.memref_slice %arg3[%add3A_157] : memref<160000xi32, #tpu.memory_space<hbm>> -> memref<400xi32, #tpu.memory_space<hbm>>
          %dma_wait3A_184 = tpu.memref_slice %arg3[%add3A_157] : memref<160000xi32, #tpu.memory_space<hbm>> -> memref<400xi32, #tpu.memory_space<hbm>>
          tpu.wait_dma2 semaphore(%run_scoped3A_180 : memref<!tpu.dma_semaphore, #tpu.memory_space<semaphore_mem>>) src(%dma_wait3A_184 : memref<400xi32, #tpu.memory_space<hbm>>) dst(%arg6 : memref<400xi32, #tpu.memory_space<vmem>>)
          tpu.yield
        }) : () -> ()
        "tpu.region"() ({
          %run_scoped3A_180 = tpu.sem_alloc : memref<!tpu.dma_semaphore, #tpu.memory_space<semaphore_mem>>
          %dma_start3A_181 = tpu.memref_slice %arg4[%add3A_157] : memref<160000xi32, #tpu.memory_space<hbm>> -> memref<400xi32, #tpu.memory_space<hbm>>
          %dma_start3A_182 = tpu.memref_slice %arg4[%add3A_157] : memref<160000xi32, #tpu.memory_space<hbm>> -> memref<400xi32, #tpu.memory_space<hbm>>
          tpu.enqueue_dma source(%dma_start3A_182 : memref<400xi32, #tpu.memory_space<hbm>>) target(%arg8 : memref<400xi32, #tpu.memory_space<vmem>>) target_semaphore(%run_scoped3A_180 : memref<!tpu.dma_semaphore, #tpu.memory_space<semaphore_mem>>)
          %dma_wait3A_183 = tpu.memref_slice %arg4[%add3A_157] : memref<160000xi32, #tpu.memory_space<hbm>> -> memref<400xi32, #tpu.memory_space<hbm>>
          %dma_wait3A_184 = tpu.memref_slice %arg4[%add3A_157] : memref<160000xi32, #tpu.memory_space<hbm>> -> memref<400xi32, #tpu.memory_space<hbm>>
          tpu.wait_dma2 semaphore(%run_scoped3A_180 : memref<!tpu.dma_semaphore, #tpu.memory_space<semaphore_mem>>) src(%dma_wait3A_184 : memref<400xi32, #tpu.memory_space<hbm>>) dst(%arg8 : memref<400xi32, #tpu.memory_space<vmem>>)
          tpu.yield
        }) : () -> ()
        %scan3A_158 = arith.constant 0 : i32
        %scan3A_159 = arith.constant 0 : i32
        %scan3A_160 = arith.constant 25 : i32
        %scan3A_161 = arith.addi %scan3A_159, %scan3A_160 : i32
        %scan3A_162 = arith.constant 1 : i32
        %scan3A_163 = scf.for %scan3A_180 = %scan3A_159 to %scan3A_161 step %scan3A_162 iter_args(%scan3A_181 = %scan3A_158) -> (i32)  : i32 {
          %mul3A_182 = arith.constant 16 : i32
          %mul3A_183 = arith.muli %scan3A_180, %mul3A_182 : i32
          %get3A = arith.index_cast %mul3A_183 : i32 to index
          %get3A_184 = tpu.vector_load %arg6[%get3A] {strides = array<i32>} : memref<400xi32, #tpu.memory_space<vmem>>, vector<16xi32>,
          %get3A_185 = vector.shape_cast %get3A_184 : vector<16xi32> to vector<16xi32>
          %add3A_186 = vector.broadcast %multiple_of3A : i32 to vector<16xi32>
          %add3A_187 = arith.addi %get3A_185, %add3A_186 : vector<16xi32>
          %mul3A_188 = arith.constant 16 : i32
          %mul3A_189 = arith.muli %scan3A_180, %mul3A_188 : i32
          %swap3A = arith.index_cast %mul3A_189 : i32 to index
          %swap3A_190 = tpu.vector_load %arg7[%swap3A] {strides = array<i32>} : memref<400xi32, #tpu.memory_space<vmem>>, vector<16xi32>,
          %swap3A_191 = vector.shape_cast %swap3A_190 : vector<16xi32> to vector<16xi32>
          %swap3A_192 = vector.shape_cast %add3A_187 : vector<16xi32> to vector<16xi32>
          tpu.vector_store %arg7[%swap3A], %swap3A_192 {strides = array<i32>} : memref<400xi32, #tpu.memory_space<vmem>>, vector<16xi32>,
          %mul3A_193 = arith.constant 16 : i32
          %mul3A_194 = arith.muli %scan3A_180, %mul3A_193 : i32
          %get3A_195 = arith.index_cast %mul3A_194 : i32 to index
          %get3A_196 = tpu.vector_load %arg8[%get3A_195] {strides = array<i32>} : memref<400xi32, #tpu.memory_space<vmem>>, vector<16xi32>,
          %get3A_197 = vector.shape_cast %get3A_196 : vector<16xi32> to vector<16xi32>
          %sub3A_198 = vector.broadcast %multiple_of3A_42 : i32 to vector<16xi32>
          %sub3A_199 = arith.subi %get3A_197, %sub3A_198 : vector<16xi32>
          %lt3A = arith.constant 0 : i32
          %lt3A_200 = vector.broadcast %lt3A : i32 to vector<16xi32>
          %lt3A_201 = arith.cmpi slt, %sub3A_199, %lt3A_200 : vector<16xi32>
          %ge3A = arith.constant 2560 : i32
          %ge3A_202 = vector.broadcast %ge3A : i32 to vector<16xi32>
          %ge3A_203 = arith.cmpi sge, %sub3A_199, %ge3A_202 : vector<16xi32>
          %or3A = arith.ori %lt3A_201, %ge3A_203 : vector<16xi1>
          %iota3A = tpu.iota {dimensions = array<i32: 0>} : vector<16xi32>
          %jit3A_204 = arith.constant 8 : i32
          %eq3A = arith.constant 0 : i32
          %eq3A_205 = arith.cmpi eq, %jit3A_204, %eq3A : i32
          %jit3A_206 = arith.constant 1 : i32
          %select_n3A_207 = arith.select %eq3A_205, %jit3A_206, %jit3A_204 : i32
          %rem3A_208 = arith.remsi %scan3A_180, %select_n3A_207 : i32
          %ne3A_209 = arith.constant 0 : i32
          %ne3A_210 = arith.cmpi ne, %rem3A_208, %ne3A_209 : i32
          %lt3A_211 = arith.constant 0 : i32
          %lt3A_212 = arith.cmpi slt, %rem3A_208, %lt3A_211 : i32
          %lt3A_213 = arith.constant 0 : i32
          %lt3A_214 = arith.cmpi slt, %select_n3A_207, %lt3A_213 : i32
          %ne3A_215 = arith.xori %lt3A_212, %lt3A_214 : i1
          %and3A_216 = arith.andi %ne3A_215, %ne3A_210 : i1
          %add3A_217 = arith.addi %rem3A_208, %select_n3A_207 : i32
          %select_n3A_218 = arith.select %and3A_216, %add3A_217, %rem3A_208 : i32
          %mul3A_219 = arith.constant 16 : i32
          %mul3A_220 = arith.muli %select_n3A_218, %mul3A_219 : i32
          %add3A_221 = arith.constant 2560 : i32
          %add3A_222 = arith.addi %add3A_221, %mul3A_220 : i32
          %add3A_223 = vector.broadcast %add3A_222 : i32 to vector<16xi32>
          %add3A_224 = arith.addi %iota3A, %add3A_223 : vector<16xi32>
          %select_n3A_225 = arith.select %or3A, %add3A_224, %sub3A_199 : vector<16xi1>, vector<16xi32>
          %mul3A_226 = arith.constant 16 : i32
          %mul3A_227 = arith.muli %scan3A_180, %mul3A_226 : i32
          %swap3A_228 = arith.index_cast %mul3A_227 : i32 to index
          %swap3A_229 = tpu.vector_load %arg9[%swap3A_228] {strides = array<i32>} : memref<400xi32, #tpu.memory_space<vmem>>, vector<16xi32>,
          %swap3A_230 = vector.shape_cast %swap3A_229 : vector<16xi32> to vector<16xi32>
          %swap3A_231 = vector.shape_cast %select_n3A_225 : vector<16xi32> to vector<16xi32>
          tpu.vector_store %arg9[%swap3A_228], %swap3A_231 {strides = array<i32>} : memref<400xi32, #tpu.memory_space<vmem>>, vector<16xi32>,
          %scan3A_232 = arith.constant 0 : i32
          scf.yield %scan3A_232 : i32
        }
        %scan3A_164 = arith.constant 25 : i32
        %dma_start3A = arith.constant 0 : i32
        %dma_start3A_165 = arith.constant 0 : i32
        %dma_start3A_166 = arith.constant 0 : i32
        %dma_start3A_167 = tpu.memref_slice %arg10[%dma_start3A, %dma_start3A_165, %dma_start3A_166] : memref<1x400x128xf32, #tpu.memory_space<vmem>> -> memref<1x400x128xf32, #tpu.memory_space<vmem>>
        %dma_start3A_168 = tpu.memref_squeeze %dma_start3A_167 : memref<1x400x128xf32, #tpu.memory_space<vmem>> -> memref<400x128xf32, #tpu.memory_space<vmem>>
        %dma_start3A_169 = arith.constant 0 : i32
        %dma_start3A_170 = arith.constant 0 : i32
        %dma_start3A_171 = tpu.memref_slice %arg2[%dma_start3A_169, %dma_start3A_170] : memref<40960x128xf32, #tpu.memory_space<hbm>> -> memref<40960x128xf32, #tpu.memory_space<hbm>>
        tpu.enqueue_indirect_dma source(%dma_start3A_171 : memref<40960x128xf32, #tpu.memory_space<hbm>>) target(%dma_start3A_168 : memref<400x128xf32, #tpu.memory_space<vmem>>) offsets(%arg7 : memref<400xi32, #tpu.memory_space<vmem>>) semaphore(%arg14 : memref<!tpu.dma_semaphore, #tpu.memory_space<semaphore_mem>>)
        %dma_wait3A = arith.constant 0 : i32
        %dma_wait3A_172 = arith.constant 0 : i32
        %dma_wait3A_173 = arith.constant 0 : i32
        %dma_wait3A_174 = tpu.memref_slice %arg10[%dma_wait3A, %dma_wait3A_172, %dma_wait3A_173] : memref<1x400x128xf32, #tpu.memory_space<vmem>> -> memref<1x400x128xf32, #tpu.memory_space<vmem>>
        %dma_wait3A_175 = tpu.memref_squeeze %dma_wait3A_174 : memref<1x400x128xf32, #tpu.memory_space<vmem>> -> memref<400x128xf32, #tpu.memory_space<vmem>>
        %dma_wait3A_176 = arith.constant 0 : i32
        %dma_wait3A_177 = arith.constant 0 : i32
        %dma_wait3A_178 = tpu.memref_slice %arg2[%dma_wait3A_176, %dma_wait3A_177] : memref<40960x128xf32, #tpu.memory_space<hbm>> -> memref<40960x128xf32, #tpu.memory_space<hbm>>
        tpu.wait_indirect_dma semaphore(%arg14 : memref<!tpu.dma_semaphore, #tpu.memory_space<semaphore_mem>>) src(%dma_wait3A_178 : memref<40960x128xf32, #tpu.memory_space<hbm>>) dst(%dma_wait3A_175 : memref<400x128xf32, #tpu.memory_space<vmem>>)
        %run_scoped3A = arith.constant 0 : i32
        "tpu.region"() ({
          %run_scoped3A_180 = tpu.sem_alloc : memref<!tpu.dma_semaphore, #tpu.memory_space<semaphore_mem>>
          %dma_start3A_181 = arith.constant 0 : i32
          %dma_start3A_182 = arith.constant 0 : i32
          %dma_start3A_183 = tpu.memref_slice %arg10[%run_scoped3A, %dma_start3A_181, %dma_start3A_182] : memref<1x400x128xf32, #tpu.memory_space<vmem>> -> memref<1x400x128xf32, #tpu.memory_space<vmem>>
          %dma_start3A_184 = tpu.memref_squeeze %dma_start3A_183 : memref<1x400x128xf32, #tpu.memory_space<vmem>> -> memref<400x128xf32, #tpu.memory_space<vmem>>
          %dma_start3A_185 = arith.constant 0 : i32
          %dma_start3A_186 = arith.constant 0 : i32
          %dma_start3A_187 = tpu.memref_slice %arg13[%dma_start3A_185, %dma_start3A_186] : memref<2688x128xf32, #tpu.memory_space<vmem_shared>> -> memref<2688x128xf32, #tpu.memory_space<vmem_shared>>
          tpu.enqueue_indirect_dma source(%dma_start3A_184 : memref<400x128xf32, #tpu.memory_space<vmem>>) target(%dma_start3A_187 : memref<2688x128xf32, #tpu.memory_space<vmem_shared>>) offsets(%arg9 : memref<400xi32, #tpu.memory_space<vmem>>) semaphore(%run_scoped3A_180 : memref<!tpu.dma_semaphore, #tpu.memory_space<semaphore_mem>>) {add = true}
          %dma_wait3A_188 = arith.constant 0 : i32
          %dma_wait3A_189 = arith.constant 0 : i32
          %dma_wait3A_190 = tpu.memref_slice %arg10[%run_scoped3A, %dma_wait3A_188, %dma_wait3A_189] : memref<1x400x128xf32, #tpu.memory_space<vmem>> -> memref<1x400x128xf32, #tpu.memory_space<vmem>>
          %dma_wait3A_191 = tpu.memref_squeeze %dma_wait3A_190 : memref<1x400x128xf32, #tpu.memory_space<vmem>> -> memref<400x128xf32, #tpu.memory_space<vmem>>
          %dma_wait3A_192 = arith.constant 0 : i32
          %dma_wait3A_193 = arith.constant 0 : i32
          %dma_wait3A_194 = tpu.memref_slice %arg13[%dma_wait3A_192, %dma_wait3A_193] : memref<2688x128xf32, #tpu.memory_space<vmem_shared>> -> memref<2688x128xf32, #tpu.memory_space<vmem_shared>>
          tpu.wait_indirect_dma semaphore(%run_scoped3A_180 : memref<!tpu.dma_semaphore, #tpu.memory_space<semaphore_mem>>) src(%dma_wait3A_191 : memref<400x128xf32, #tpu.memory_space<vmem>>) dst(%dma_wait3A_194 : memref<2688x128xf32, #tpu.memory_space<vmem_shared>>)
          tpu.yield
        }) : () -> ()
        %scan3A_179 = arith.constant 0 : i32
        scf.yield %scan3A_179 : i32
      }
      %scan3A_135 = arith.constant 25 : i32
      %barrier3A_136 = arith.constant 0 : index
      tpu.barrier barrier_id(%barrier3A_136)
      %mul3A_137 = arith.constant 160 : i32
      %mul3A_138 = arith.muli %arg1, %mul3A_137 : i32
      %add3A_139 = arith.constant 0 : i32
      %add3A_140 = arith.addi %mul3A_138, %add3A_139 : i32
      "tpu.region"() ({
        %run_scoped3A = tpu.sem_alloc : memref<!tpu.dma_semaphore, #tpu.memory_space<semaphore_mem>>
        %dma_start3A = arith.constant 0 : i32
        %dma_start3A_153 = arith.constant 0 : i32
        %dma_start3A_154 = tpu.memref_slice %arg12[%dma_start3A, %dma_start3A_153] : memref<80x128xf32, #tpu.memory_space<vmem>> -> memref<80x128xf32, #tpu.memory_space<vmem>>
        %dma_start3A_155 = arith.constant 0 : i32
        %dma_start3A_156 = tpu.memref_slice %arg13[%add3A_140, %dma_start3A_155] : memref<2688x128xf32, #tpu.memory_space<vmem_shared>> -> memref<80x128xf32, #tpu.memory_space<vmem_shared>>
        %dma_start3A_157 = arith.constant 0 : i32
        %dma_start3A_158 = arith.constant 0 : i32
        %dma_start3A_159 = tpu.memref_slice %arg12[%dma_start3A_157, %dma_start3A_158] : memref<80x128xf32, #tpu.memory_space<vmem>> -> memref<80x128xf32, #tpu.memory_space<vmem>>
        %dma_start3A_160 = arith.constant 0 : i32
        %dma_start3A_161 = tpu.memref_slice %arg13[%add3A_140, %dma_start3A_160] : memref<2688x128xf32, #tpu.memory_space<vmem_shared>> -> memref<80x128xf32, #tpu.memory_space<vmem_shared>>
        tpu.enqueue_dma source(%dma_start3A_161 : memref<80x128xf32, #tpu.memory_space<vmem_shared>>) target(%dma_start3A_159 : memref<80x128xf32, #tpu.memory_space<vmem>>) target_semaphore(%run_scoped3A : memref<!tpu.dma_semaphore, #tpu.memory_space<semaphore_mem>>)
        %dma_wait3A = arith.constant 0 : i32
        %dma_wait3A_162 = arith.constant 0 : i32
        %dma_wait3A_163 = tpu.memref_slice %arg12[%dma_wait3A, %dma_wait3A_162] : memref<80x128xf32, #tpu.memory_space<vmem>> -> memref<80x128xf32, #tpu.memory_space<vmem>>
        %dma_wait3A_164 = arith.constant 0 : i32
        %dma_wait3A_165 = tpu.memref_slice %arg13[%add3A_140, %dma_wait3A_164] : memref<2688x128xf32, #tpu.memory_space<vmem_shared>> -> memref<80x128xf32, #tpu.memory_space<vmem_shared>>
        %dma_wait3A_166 = arith.constant 0 : i32
        %dma_wait3A_167 = arith.constant 0 : i32
        %dma_wait3A_168 = tpu.memref_slice %arg12[%dma_wait3A_166, %dma_wait3A_167] : memref<80x128xf32, #tpu.memory_space<vmem>> -> memref<80x128xf32, #tpu.memory_space<vmem>>
        %dma_wait3A_169 = arith.constant 0 : i32
        %dma_wait3A_170 = tpu.memref_slice %arg13[%add3A_140, %dma_wait3A_169] : memref<2688x128xf32, #tpu.memory_space<vmem_shared>> -> memref<80x128xf32, #tpu.memory_space<vmem_shared>>
        tpu.wait_dma2 semaphore(%run_scoped3A : memref<!tpu.dma_semaphore, #tpu.memory_space<semaphore_mem>>) src(%dma_wait3A_170 : memref<80x128xf32, #tpu.memory_space<vmem_shared>>) dst(%dma_wait3A_168 : memref<80x128xf32, #tpu.memory_space<vmem>>)
        tpu.yield
      }) : () -> ()
      %add3A_141 = arith.addi %multiple_of3A, %multiple_of3A_42 : i32
      %add3A_142 = arith.addi %add3A_141, %add3A_140 : i32
      %multiple_of3A_143 = tpu.assume_multiple %add3A_142, 8 : i32
      "tpu.region"() ({
        %run_scoped3A = tpu.sem_alloc : memref<!tpu.dma_semaphore, #tpu.memory_space<semaphore_mem>>
        %dma_start3A = arith.constant 0 : i32
        %dma_start3A_153 = arith.constant 0 : i32
        %dma_start3A_154 = tpu.memref_slice %arg12[%dma_start3A, %dma_start3A_153] : memref<80x128xf32, #tpu.memory_space<vmem>> -> memref<80x128xf32, #tpu.memory_space<vmem>>
        %dma_start3A_155 = arith.constant 0 : i32
        %dma_start3A_156 = tpu.memref_slice %arg5[%multiple_of3A_143, %dma_start3A_155] : memref<40960x128xf32, #tpu.memory_space<hbm>> -> memref<80x128xf32, #tpu.memory_space<hbm>>
        %dma_start3A_157 = arith.constant 0 : i32
        %dma_start3A_158 = tpu.memref_slice %arg5[%multiple_of3A_143, %dma_start3A_157] : memref<40960x128xf32, #tpu.memory_space<hbm>> -> memref<80x128xf32, #tpu.memory_space<hbm>>
        %dma_start3A_159 = arith.constant 0 : i32
        %dma_start3A_160 = arith.constant 0 : i32
        %dma_start3A_161 = tpu.memref_slice %arg12[%dma_start3A_159, %dma_start3A_160] : memref<80x128xf32, #tpu.memory_space<vmem>> -> memref<80x128xf32, #tpu.memory_space<vmem>>
        tpu.enqueue_dma source(%dma_start3A_161 : memref<80x128xf32, #tpu.memory_space<vmem>>) target(%dma_start3A_158 : memref<80x128xf32, #tpu.memory_space<hbm>>) target_semaphore(%run_scoped3A : memref<!tpu.dma_semaphore, #tpu.memory_space<semaphore_mem>>)
        %dma_wait3A = arith.constant 0 : i32
        %dma_wait3A_162 = arith.constant 0 : i32
        %dma_wait3A_163 = tpu.memref_slice %arg12[%dma_wait3A, %dma_wait3A_162] : memref<80x128xf32, #tpu.memory_space<vmem>> -> memref<80x128xf32, #tpu.memory_space<vmem>>
        %dma_wait3A_164 = arith.constant 0 : i32
        %dma_wait3A_165 = tpu.memref_slice %arg5[%multiple_of3A_143, %dma_wait3A_164] : memref<40960x128xf32, #tpu.memory_space<hbm>> -> memref<80x128xf32, #tpu.memory_space<hbm>>
        %dma_wait3A_166 = arith.constant 0 : i32
        %dma_wait3A_167 = tpu.memref_slice %arg5[%multiple_of3A_143, %dma_wait3A_166] : memref<40960x128xf32, #tpu.memory_space<hbm>> -> memref<80x128xf32, #tpu.memory_space<hbm>>
        %dma_wait3A_168 = arith.constant 0 : i32
        %dma_wait3A_169 = arith.constant 0 : i32
        %dma_wait3A_170 = tpu.memref_slice %arg12[%dma_wait3A_168, %dma_wait3A_169] : memref<80x128xf32, #tpu.memory_space<vmem>> -> memref<80x128xf32, #tpu.memory_space<vmem>>
        tpu.wait_dma2 semaphore(%run_scoped3A : memref<!tpu.dma_semaphore, #tpu.memory_space<semaphore_mem>>) src(%dma_wait3A_170 : memref<80x128xf32, #tpu.memory_space<vmem>>) dst(%dma_wait3A_167 : memref<80x128xf32, #tpu.memory_space<hbm>>)
        tpu.yield
      }) : () -> ()
      %mul3A_144 = arith.constant 160 : i32
      %mul3A_145 = arith.muli %arg1, %mul3A_144 : i32
      %add3A_146 = arith.constant 80 : i32
      %add3A_147 = arith.addi %mul3A_145, %add3A_146 : i32
      "tpu.region"() ({
        %run_scoped3A = tpu.sem_alloc : memref<!tpu.dma_semaphore, #tpu.memory_space<semaphore_mem>>
        %dma_start3A = arith.constant 0 : i32
        %dma_start3A_153 = arith.constant 0 : i32
        %dma_start3A_154 = tpu.memref_slice %arg12[%dma_start3A, %dma_start3A_153] : memref<80x128xf32, #tpu.memory_space<vmem>> -> memref<80x128xf32, #tpu.memory_space<vmem>>
        %dma_start3A_155 = arith.constant 0 : i32
        %dma_start3A_156 = tpu.memref_slice %arg13[%add3A_147, %dma_start3A_155] : memref<2688x128xf32, #tpu.memory_space<vmem_shared>> -> memref<80x128xf32, #tpu.memory_space<vmem_shared>>
        %dma_start3A_157 = arith.constant 0 : i32
        %dma_start3A_158 = arith.constant 0 : i32
        %dma_start3A_159 = tpu.memref_slice %arg12[%dma_start3A_157, %dma_start3A_158] : memref<80x128xf32, #tpu.memory_space<vmem>> -> memref<80x128xf32, #tpu.memory_space<vmem>>
        %dma_start3A_160 = arith.constant 0 : i32
        %dma_start3A_161 = tpu.memref_slice %arg13[%add3A_147, %dma_start3A_160] : memref<2688x128xf32, #tpu.memory_space<vmem_shared>> -> memref<80x128xf32, #tpu.memory_space<vmem_shared>>
        tpu.enqueue_dma source(%dma_start3A_161 : memref<80x128xf32, #tpu.memory_space<vmem_shared>>) target(%dma_start3A_159 : memref<80x128xf32, #tpu.memory_space<vmem>>) target_semaphore(%run_scoped3A : memref<!tpu.dma_semaphore, #tpu.memory_space<semaphore_mem>>)
        %dma_wait3A = arith.constant 0 : i32
        %dma_wait3A_162 = arith.constant 0 : i32
        %dma_wait3A_163 = tpu.memref_slice %arg12[%dma_wait3A, %dma_wait3A_162] : memref<80x128xf32, #tpu.memory_space<vmem>> -> memref<80x128xf32, #tpu.memory_space<vmem>>
        %dma_wait3A_164 = arith.constant 0 : i32
        %dma_wait3A_165 = tpu.memref_slice %arg13[%add3A_147, %dma_wait3A_164] : memref<2688x128xf32, #tpu.memory_space<vmem_shared>> -> memref<80x128xf32, #tpu.memory_space<vmem_shared>>
        %dma_wait3A_166 = arith.constant 0 : i32
        %dma_wait3A_167 = arith.constant 0 : i32
        %dma_wait3A_168 = tpu.memref_slice %arg12[%dma_wait3A_166, %dma_wait3A_167] : memref<80x128xf32, #tpu.memory_space<vmem>> -> memref<80x128xf32, #tpu.memory_space<vmem>>
        %dma_wait3A_169 = arith.constant 0 : i32
        %dma_wait3A_170 = tpu.memref_slice %arg13[%add3A_147, %dma_wait3A_169] : memref<2688x128xf32, #tpu.memory_space<vmem_shared>> -> memref<80x128xf32, #tpu.memory_space<vmem_shared>>
        tpu.wait_dma2 semaphore(%run_scoped3A : memref<!tpu.dma_semaphore, #tpu.memory_space<semaphore_mem>>) src(%dma_wait3A_170 : memref<80x128xf32, #tpu.memory_space<vmem_shared>>) dst(%dma_wait3A_168 : memref<80x128xf32, #tpu.memory_space<vmem>>)
        tpu.yield
      }) : () -> ()
      %add3A_148 = arith.addi %multiple_of3A, %multiple_of3A_42 : i32
      %add3A_149 = arith.addi %add3A_148, %add3A_147 : i32
      %multiple_of3A_150 = tpu.assume_multiple %add3A_149, 8 : i32
      "tpu.region"() ({
        %run_scoped3A = tpu.sem_alloc : memref<!tpu.dma_semaphore, #tpu.memory_space<semaphore_mem>>
        %dma_start3A = arith.constant 0 : i32
        %dma_start3A_153 = arith.constant 0 : i32
        %dma_start3A_154 = tpu.memref_slice %arg12[%dma_start3A, %dma_start3A_153] : memref<80x128xf32, #tpu.memory_space<vmem>> -> memref<80x128xf32, #tpu.memory_space<vmem>>
        %dma_start3A_155 = arith.constant 0 : i32
        %dma_start3A_156 = tpu.memref_slice %arg5[%multiple_of3A_150, %dma_start3A_155] : memref<40960x128xf32, #tpu.memory_space<hbm>> -> memref<80x128xf32, #tpu.memory_space<hbm>>
        %dma_start3A_157 = arith.constant 0 : i32
        %dma_start3A_158 = tpu.memref_slice %arg5[%multiple_of3A_150, %dma_start3A_157] : memref<40960x128xf32, #tpu.memory_space<hbm>> -> memref<80x128xf32, #tpu.memory_space<hbm>>
        %dma_start3A_159 = arith.constant 0 : i32
        %dma_start3A_160 = arith.constant 0 : i32
        %dma_start3A_161 = tpu.memref_slice %arg12[%dma_start3A_159, %dma_start3A_160] : memref<80x128xf32, #tpu.memory_space<vmem>> -> memref<80x128xf32, #tpu.memory_space<vmem>>
        tpu.enqueue_dma source(%dma_start3A_161 : memref<80x128xf32, #tpu.memory_space<vmem>>) target(%dma_start3A_158 : memref<80x128xf32, #tpu.memory_space<hbm>>) target_semaphore(%run_scoped3A : memref<!tpu.dma_semaphore, #tpu.memory_space<semaphore_mem>>)
        %dma_wait3A = arith.constant 0 : i32
        %dma_wait3A_162 = arith.constant 0 : i32
        %dma_wait3A_163 = tpu.memref_slice %arg12[%dma_wait3A, %dma_wait3A_162] : memref<80x128xf32, #tpu.memory_space<vmem>> -> memref<80x128xf32, #tpu.memory_space<vmem>>
        %dma_wait3A_164 = arith.constant 0 : i32
        %dma_wait3A_165 = tpu.memref_slice %arg5[%multiple_of3A_150, %dma_wait3A_164] : memref<40960x128xf32, #tpu.memory_space<hbm>> -> memref<80x128xf32, #tpu.memory_space<hbm>>
        %dma_wait3A_166 = arith.constant 0 : i32
        %dma_wait3A_167 = tpu.memref_slice %arg5[%multiple_of3A_150, %dma_wait3A_166] : memref<40960x128xf32, #tpu.memory_space<hbm>> -> memref<80x128xf32, #tpu.memory_space<hbm>>
        %dma_wait3A_168 = arith.constant 0 : i32
        %dma_wait3A_169 = arith.constant 0 : i32
        %dma_wait3A_170 = tpu.memref_slice %arg12[%dma_wait3A_168, %dma_wait3A_169] : memref<80x128xf32, #tpu.memory_space<vmem>> -> memref<80x128xf32, #tpu.memory_space<vmem>>
        tpu.wait_dma2 semaphore(%run_scoped3A : memref<!tpu.dma_semaphore, #tpu.memory_space<semaphore_mem>>) src(%dma_wait3A_170 : memref<80x128xf32, #tpu.memory_space<vmem>>) dst(%dma_wait3A_167 : memref<80x128xf32, #tpu.memory_space<hbm>>)
        tpu.yield
      }) : () -> ()
      %barrier3A_151 = arith.constant 0 : index
      tpu.barrier barrier_id(%barrier3A_151)
      %scan3A_152 = arith.constant 0 : i32
      scf.yield %scan3A_152 : i32
    }
    %scan3A_15 = arith.constant 8 : i32
    return
  }
}

#map = affine_map<(d0, d1) -> (0, 0)>
#map1 = affine_map<(d0, d1) -> (0)>
module attributes {stable_mosaic.version = 14 : i64} {
  func.func @_edge_body(%arg0: i32, %arg1: i32, %arg2: memref<20480x128xf32, #tpu.memory_space<hbm>>, %arg3: memref<160000xi32, #tpu.memory_space<hbm>>, %arg4: memref<160000xi32, #tpu.memory_space<hbm>>, %arg5: memref<20480x128xf32, #tpu.memory_space<hbm>>, %arg6: memref<400xi32, #tpu.memory_space<vmem>>, %arg7: memref<400xi32, #tpu.memory_space<vmem>>, %arg8: memref<400xi32, #tpu.memory_space<vmem>>, %arg9: memref<400xi32, #tpu.memory_space<vmem>>, %arg10: memref<1x400x128xf32, #tpu.memory_space<vmem>>, %arg11: memref<8x128xf32, #tpu.memory_space<vmem>>, %arg12: memref<80x128xf32, #tpu.memory_space<vmem>>, %arg13: memref<2688x128xf32, #tpu.memory_space<vmem_shared>>, %arg14: memref<!tpu.dma_semaphore, #tpu.memory_space<semaphore_mem>>) attributes {dimension_semantics = [#tpu.dimension_semantics<core_parallel>, #tpu.dimension_semantics<subcore_parallel>], iteration_bounds = array<i64: 2, 16>, scalar_prefetch = 0 : i64, scratch_operands = 9 : i64, tpu.core_type = #tpu.core_type<sc_vector_subcore>, window_params = [{transform_indices = #map}, {transform_indices = #map1}, {transform_indices = #map1}, {transform_indices = #map}]} {
    %broadcast_in_dim3A = arith.constant 0.000000e+00 : f32
    %broadcast_in_dim3A_0 = vector.broadcast %broadcast_in_dim3A : f32 to vector<16xf32>
    %broadcast_in_dim3A_1 = arith.constant 1.000000e+00 : f32
    %broadcast_in_dim3A_2 = vector.broadcast %broadcast_in_dim3A_1 : f32 to vector<16xf32>
    %scan3A = arith.constant 0 : i32
    %scan3A_3 = arith.constant 0 : i32
    %scan3A_4 = arith.constant 8 : i32
    %scan3A_5 = arith.addi %scan3A_3, %scan3A_4 : i32
    %scan3A_6 = arith.constant 1 : i32
    %scan3A_7 = scf.for %scan3A_16 = %scan3A_3 to %scan3A_5 step %scan3A_6 iter_args(%scan3A_17 = %scan3A) -> (i32)  : i32 {
      %swap3A = arith.index_cast %scan3A_16 : i32 to index
      %swap3A_18 = arith.constant 0 : index
      %swap3A_19 = tpu.vector_load %arg11[%swap3A, %swap3A_18] {strides = array<i32>} : memref<8x128xf32, #tpu.memory_space<vmem>>, vector<1x16xf32>,
      %swap3A_20 = vector.shape_cast %swap3A_19 : vector<1x16xf32> to vector<16xf32>
      %swap3A_21 = vector.shape_cast %broadcast_in_dim3A_0 : vector<16xf32> to vector<1x16xf32>
      tpu.vector_store %arg11[%swap3A, %swap3A_18], %swap3A_21 {strides = array<i32>} : memref<8x128xf32, #tpu.memory_space<vmem>>, vector<1x16xf32>,
      %swap3A_22 = arith.index_cast %scan3A_16 : i32 to index
      %swap3A_23 = arith.constant 16 : index
      %swap3A_24 = tpu.vector_load %arg11[%swap3A_22, %swap3A_23] {strides = array<i32>} : memref<8x128xf32, #tpu.memory_space<vmem>>, vector<1x16xf32>,
      %swap3A_25 = vector.shape_cast %swap3A_24 : vector<1x16xf32> to vector<16xf32>
      %swap3A_26 = vector.shape_cast %broadcast_in_dim3A_0 : vector<16xf32> to vector<1x16xf32>
      tpu.vector_store %arg11[%swap3A_22, %swap3A_23], %swap3A_26 {strides = array<i32>} : memref<8x128xf32, #tpu.memory_space<vmem>>, vector<1x16xf32>,
      %swap3A_27 = arith.index_cast %scan3A_16 : i32 to index
      %swap3A_28 = arith.constant 32 : index
      %swap3A_29 = tpu.vector_load %arg11[%swap3A_27, %swap3A_28] {strides = array<i32>} : memref<8x128xf32, #tpu.memory_space<vmem>>, vector<1x16xf32>,
      %swap3A_30 = vector.shape_cast %swap3A_29 : vector<1x16xf32> to vector<16xf32>
      %swap3A_31 = vector.shape_cast %broadcast_in_dim3A_0 : vector<16xf32> to vector<1x16xf32>
      tpu.vector_store %arg11[%swap3A_27, %swap3A_28], %swap3A_31 {strides = array<i32>} : memref<8x128xf32, #tpu.memory_space<vmem>>, vector<1x16xf32>,
      %swap3A_32 = arith.index_cast %scan3A_16 : i32 to index
      %swap3A_33 = arith.constant 48 : index
      %swap3A_34 = tpu.vector_load %arg11[%swap3A_32, %swap3A_33] {strides = array<i32>} : memref<8x128xf32, #tpu.memory_space<vmem>>, vector<1x16xf32>,
      %swap3A_35 = vector.shape_cast %swap3A_34 : vector<1x16xf32> to vector<16xf32>
      %swap3A_36 = vector.shape_cast %broadcast_in_dim3A_0 : vector<16xf32> to vector<1x16xf32>
      tpu.vector_store %arg11[%swap3A_32, %swap3A_33], %swap3A_36 {strides = array<i32>} : memref<8x128xf32, #tpu.memory_space<vmem>>, vector<1x16xf32>,
      %swap3A_37 = arith.index_cast %scan3A_16 : i32 to index
      %swap3A_38 = arith.constant 64 : index
      %swap3A_39 = tpu.vector_load %arg11[%swap3A_37, %swap3A_38] {strides = array<i32>} : memref<8x128xf32, #tpu.memory_space<vmem>>, vector<1x16xf32>,
      %swap3A_40 = vector.shape_cast %swap3A_39 : vector<1x16xf32> to vector<16xf32>
      %swap3A_41 = vector.shape_cast %broadcast_in_dim3A_0 : vector<16xf32> to vector<1x16xf32>
      tpu.vector_store %arg11[%swap3A_37, %swap3A_38], %swap3A_41 {strides = array<i32>} : memref<8x128xf32, #tpu.memory_space<vmem>>, vector<1x16xf32>,
      %swap3A_42 = arith.index_cast %scan3A_16 : i32 to index
      %swap3A_43 = arith.constant 80 : index
      %swap3A_44 = tpu.vector_load %arg11[%swap3A_42, %swap3A_43] {strides = array<i32>} : memref<8x128xf32, #tpu.memory_space<vmem>>, vector<1x16xf32>,
      %swap3A_45 = vector.shape_cast %swap3A_44 : vector<1x16xf32> to vector<16xf32>
      %swap3A_46 = vector.shape_cast %broadcast_in_dim3A_0 : vector<16xf32> to vector<1x16xf32>
      tpu.vector_store %arg11[%swap3A_42, %swap3A_43], %swap3A_46 {strides = array<i32>} : memref<8x128xf32, #tpu.memory_space<vmem>>, vector<1x16xf32>,
      %swap3A_47 = arith.index_cast %scan3A_16 : i32 to index
      %swap3A_48 = arith.constant 96 : index
      %swap3A_49 = tpu.vector_load %arg11[%swap3A_47, %swap3A_48] {strides = array<i32>} : memref<8x128xf32, #tpu.memory_space<vmem>>, vector<1x16xf32>,
      %swap3A_50 = vector.shape_cast %swap3A_49 : vector<1x16xf32> to vector<16xf32>
      %swap3A_51 = vector.shape_cast %broadcast_in_dim3A_0 : vector<16xf32> to vector<1x16xf32>
      tpu.vector_store %arg11[%swap3A_47, %swap3A_48], %swap3A_51 {strides = array<i32>} : memref<8x128xf32, #tpu.memory_space<vmem>>, vector<1x16xf32>,
      %swap3A_52 = arith.index_cast %scan3A_16 : i32 to index
      %swap3A_53 = arith.constant 112 : index
      %swap3A_54 = tpu.vector_load %arg11[%swap3A_52, %swap3A_53] {strides = array<i32>} : memref<8x128xf32, #tpu.memory_space<vmem>>, vector<1x16xf32>,
      %swap3A_55 = vector.shape_cast %swap3A_54 : vector<1x16xf32> to vector<16xf32>
      %swap3A_56 = vector.shape_cast %broadcast_in_dim3A_0 : vector<16xf32> to vector<1x16xf32>
      tpu.vector_store %arg11[%swap3A_52, %swap3A_53], %swap3A_56 {strides = array<i32>} : memref<8x128xf32, #tpu.memory_space<vmem>>, vector<1x16xf32>,
      %scan3A_57 = arith.constant 0 : i32
      scf.yield %scan3A_57 : i32
    }
    %scan3A_8 = arith.constant 8 : i32
    %scan3A_9 = arith.constant 0 : i32
    %scan3A_10 = arith.constant 0 : i32
    %scan3A_11 = arith.constant 4 : i32
    %scan3A_12 = arith.addi %scan3A_10, %scan3A_11 : i32
    %scan3A_13 = arith.constant 1 : i32
    %scan3A_14 = scf.for %scan3A_16 = %scan3A_10 to %scan3A_12 step %scan3A_13 iter_args(%scan3A_17 = %scan3A_9) -> (i32)  : i32 {
      %jit3A = arith.constant 2 : i32
      %div3A = arith.divsi %scan3A_16, %jit3A : i32
      %sign3A = arith.constant 0 : i32
      %sign3A_18 = arith.cmpi sgt, %scan3A_16, %sign3A : i32
      %sign3A_19 = arith.extui %sign3A_18 : i1 to i32
      %sign3A_20 = arith.constant 0 : i32
      %sign3A_21 = arith.cmpi slt, %scan3A_16, %sign3A_20 : i32
      %sign3A_22 = arith.extui %sign3A_21 : i1 to i32
      %sign3A_23 = arith.subi %sign3A_19, %sign3A_22 : i32
      %sign3A_24 = arith.constant 0 : i32
      %sign3A_25 = arith.cmpi sgt, %jit3A, %sign3A_24 : i32
      %sign3A_26 = arith.extui %sign3A_25 : i1 to i32
      %sign3A_27 = arith.constant 0 : i32
      %sign3A_28 = arith.cmpi slt, %jit3A, %sign3A_27 : i32
      %sign3A_29 = arith.extui %sign3A_28 : i1 to i32
      %sign3A_30 = arith.subi %sign3A_26, %sign3A_29 : i32
      %ne3A = arith.cmpi ne, %sign3A_23, %sign3A_30 : i32
      %rem3A = arith.remsi %scan3A_16, %jit3A : i32
      %ne3A_31 = arith.constant 0 : i32
      %ne3A_32 = arith.cmpi ne, %rem3A, %ne3A_31 : i32
      %and3A = arith.andi %ne3A, %ne3A_32 : i1
      %sub3A = arith.constant 1 : i32
      %sub3A_33 = arith.subi %div3A, %sub3A : i32
      %select_n3A = arith.select %and3A, %sub3A_33, %div3A : i32
      %mul3A = arith.constant 2 : i32
      %mul3A_34 = arith.muli %mul3A, %select_n3A : i32
      %sub3A_35 = arith.subi %scan3A_16, %mul3A_34 : i32
      %mul3A_36 = arith.constant 10240 : i32
      %mul3A_37 = arith.muli %select_n3A, %mul3A_36 : i32
      %multiple_of3A = tpu.assume_multiple %mul3A_37, 8 : i32
      %mul3A_38 = arith.constant 2 : i32
      %mul3A_39 = arith.muli %mul3A_38, %arg0 : i32
      %add3A = arith.addi %mul3A_39, %sub3A_35 : i32
      %mul3A_40 = arith.constant 2560 : i32
      %mul3A_41 = arith.muli %add3A, %mul3A_40 : i32
      %multiple_of3A_42 = tpu.assume_multiple %mul3A_41, 8 : i32
      %mul3A_43 = arith.constant 168 : i32
      %mul3A_44 = arith.muli %arg1, %mul3A_43 : i32
      %add3A_45 = arith.constant 0 : i32
      %add3A_46 = arith.addi %mul3A_44, %add3A_45 : i32
      "tpu.region"() ({
        %run_scoped3A = tpu.sem_alloc : memref<!tpu.dma_semaphore, #tpu.memory_space<semaphore_mem>>
        %dma_start3A = arith.constant 0 : i32
        %dma_start3A_153 = tpu.memref_slice %arg13[%add3A_46, %dma_start3A] : memref<2688x128xf32, #tpu.memory_space<vmem_shared>> -> memref<8x128xf32, #tpu.memory_space<vmem_shared>>
        %dma_start3A_154 = arith.constant 0 : i32
        %dma_start3A_155 = tpu.memref_slice %arg13[%add3A_46, %dma_start3A_154] : memref<2688x128xf32, #tpu.memory_space<vmem_shared>> -> memref<8x128xf32, #tpu.memory_space<vmem_shared>>
        tpu.enqueue_dma source(%arg11 : memref<8x128xf32, #tpu.memory_space<vmem>>) target(%dma_start3A_155 : memref<8x128xf32, #tpu.memory_space<vmem_shared>>) target_semaphore(%run_scoped3A : memref<!tpu.dma_semaphore, #tpu.memory_space<semaphore_mem>>)
        %dma_wait3A = arith.constant 0 : i32
        %dma_wait3A_156 = tpu.memref_slice %arg13[%add3A_46, %dma_wait3A] : memref<2688x128xf32, #tpu.memory_space<vmem_shared>> -> memref<8x128xf32, #tpu.memory_space<vmem_shared>>
        %dma_wait3A_157 = arith.constant 0 : i32
        %dma_wait3A_158 = tpu.memref_slice %arg13[%add3A_46, %dma_wait3A_157] : memref<2688x128xf32, #tpu.memory_space<vmem_shared>> -> memref<8x128xf32, #tpu.memory_space<vmem_shared>>
        tpu.wait_dma2 semaphore(%run_scoped3A : memref<!tpu.dma_semaphore, #tpu.memory_space<semaphore_mem>>) src(%arg11 : memref<8x128xf32, #tpu.memory_space<vmem>>) dst(%dma_wait3A_158 : memref<8x128xf32, #tpu.memory_space<vmem_shared>>)
        tpu.yield
      }) : () -> ()
      %mul3A_47 = arith.constant 168 : i32
      %mul3A_48 = arith.muli %arg1, %mul3A_47 : i32
      %add3A_49 = arith.constant 8 : i32
      %add3A_50 = arith.addi %mul3A_48, %add3A_49 : i32
      "tpu.region"() ({
        %run_scoped3A = tpu.sem_alloc : memref<!tpu.dma_semaphore, #tpu.memory_space<semaphore_mem>>
        %dma_start3A = arith.constant 0 : i32
        %dma_start3A_153 = tpu.memref_slice %arg13[%add3A_50, %dma_start3A] : memref<2688x128xf32, #tpu.memory_space<vmem_shared>> -> memref<8x128xf32, #tpu.memory_space<vmem_shared>>
        %dma_start3A_154 = arith.constant 0 : i32
        %dma_start3A_155 = tpu.memref_slice %arg13[%add3A_50, %dma_start3A_154] : memref<2688x128xf32, #tpu.memory_space<vmem_shared>> -> memref<8x128xf32, #tpu.memory_space<vmem_shared>>
        tpu.enqueue_dma source(%arg11 : memref<8x128xf32, #tpu.memory_space<vmem>>) target(%dma_start3A_155 : memref<8x128xf32, #tpu.memory_space<vmem_shared>>) target_semaphore(%run_scoped3A : memref<!tpu.dma_semaphore, #tpu.memory_space<semaphore_mem>>)
        %dma_wait3A = arith.constant 0 : i32
        %dma_wait3A_156 = tpu.memref_slice %arg13[%add3A_50, %dma_wait3A] : memref<2688x128xf32, #tpu.memory_space<vmem_shared>> -> memref<8x128xf32, #tpu.memory_space<vmem_shared>>
        %dma_wait3A_157 = arith.constant 0 : i32
        %dma_wait3A_158 = tpu.memref_slice %arg13[%add3A_50, %dma_wait3A_157] : memref<2688x128xf32, #tpu.memory_space<vmem_shared>> -> memref<8x128xf32, #tpu.memory_space<vmem_shared>>
        tpu.wait_dma2 semaphore(%run_scoped3A : memref<!tpu.dma_semaphore, #tpu.memory_space<semaphore_mem>>) src(%arg11 : memref<8x128xf32, #tpu.memory_space<vmem>>) dst(%dma_wait3A_158 : memref<8x128xf32, #tpu.memory_space<vmem_shared>>)
        tpu.yield
      }) : () -> ()
      %mul3A_51 = arith.constant 168 : i32
      %mul3A_52 = arith.muli %arg1, %mul3A_51 : i32
      %add3A_53 = arith.constant 16 : i32
      %add3A_54 = arith.addi %mul3A_52, %add3A_53 : i32
      "tpu.region"() ({
        %run_scoped3A = tpu.sem_alloc : memref<!tpu.dma_semaphore, #tpu.memory_space<semaphore_mem>>
        %dma_start3A = arith.constant 0 : i32
        %dma_start3A_153 = tpu.memref_slice %arg13[%add3A_54, %dma_start3A] : memref<2688x128xf32, #tpu.memory_space<vmem_shared>> -> memref<8x128xf32, #tpu.memory_space<vmem_shared>>
        %dma_start3A_154 = arith.constant 0 : i32
        %dma_start3A_155 = tpu.memref_slice %arg13[%add3A_54, %dma_start3A_154] : memref<2688x128xf32, #tpu.memory_space<vmem_shared>> -> memref<8x128xf32, #tpu.memory_space<vmem_shared>>
        tpu.enqueue_dma source(%arg11 : memref<8x128xf32, #tpu.memory_space<vmem>>) target(%dma_start3A_155 : memref<8x128xf32, #tpu.memory_space<vmem_shared>>) target_semaphore(%run_scoped3A : memref<!tpu.dma_semaphore, #tpu.memory_space<semaphore_mem>>)
        %dma_wait3A = arith.constant 0 : i32
        %dma_wait3A_156 = tpu.memref_slice %arg13[%add3A_54, %dma_wait3A] : memref<2688x128xf32, #tpu.memory_space<vmem_shared>> -> memref<8x128xf32, #tpu.memory_space<vmem_shared>>
        %dma_wait3A_157 = arith.constant 0 : i32
        %dma_wait3A_158 = tpu.memref_slice %arg13[%add3A_54, %dma_wait3A_157] : memref<2688x128xf32, #tpu.memory_space<vmem_shared>> -> memref<8x128xf32, #tpu.memory_space<vmem_shared>>
        tpu.wait_dma2 semaphore(%run_scoped3A : memref<!tpu.dma_semaphore, #tpu.memory_space<semaphore_mem>>) src(%arg11 : memref<8x128xf32, #tpu.memory_space<vmem>>) dst(%dma_wait3A_158 : memref<8x128xf32, #tpu.memory_space<vmem_shared>>)
        tpu.yield
      }) : () -> ()
      %mul3A_55 = arith.constant 168 : i32
      %mul3A_56 = arith.muli %arg1, %mul3A_55 : i32
      %add3A_57 = arith.constant 24 : i32
      %add3A_58 = arith.addi %mul3A_56, %add3A_57 : i32
      "tpu.region"() ({
        %run_scoped3A = tpu.sem_alloc : memref<!tpu.dma_semaphore, #tpu.memory_space<semaphore_mem>>
        %dma_start3A = arith.constant 0 : i32
        %dma_start3A_153 = tpu.memref_slice %arg13[%add3A_58, %dma_start3A] : memref<2688x128xf32, #tpu.memory_space<vmem_shared>> -> memref<8x128xf32, #tpu.memory_space<vmem_shared>>
        %dma_start3A_154 = arith.constant 0 : i32
        %dma_start3A_155 = tpu.memref_slice %arg13[%add3A_58, %dma_start3A_154] : memref<2688x128xf32, #tpu.memory_space<vmem_shared>> -> memref<8x128xf32, #tpu.memory_space<vmem_shared>>
        tpu.enqueue_dma source(%arg11 : memref<8x128xf32, #tpu.memory_space<vmem>>) target(%dma_start3A_155 : memref<8x128xf32, #tpu.memory_space<vmem_shared>>) target_semaphore(%run_scoped3A : memref<!tpu.dma_semaphore, #tpu.memory_space<semaphore_mem>>)
        %dma_wait3A = arith.constant 0 : i32
        %dma_wait3A_156 = tpu.memref_slice %arg13[%add3A_58, %dma_wait3A] : memref<2688x128xf32, #tpu.memory_space<vmem_shared>> -> memref<8x128xf32, #tpu.memory_space<vmem_shared>>
        %dma_wait3A_157 = arith.constant 0 : i32
        %dma_wait3A_158 = tpu.memref_slice %arg13[%add3A_58, %dma_wait3A_157] : memref<2688x128xf32, #tpu.memory_space<vmem_shared>> -> memref<8x128xf32, #tpu.memory_space<vmem_shared>>
        tpu.wait_dma2 semaphore(%run_scoped3A : memref<!tpu.dma_semaphore, #tpu.memory_space<semaphore_mem>>) src(%arg11 : memref<8x128xf32, #tpu.memory_space<vmem>>) dst(%dma_wait3A_158 : memref<8x128xf32, #tpu.memory_space<vmem_shared>>)
        tpu.yield
      }) : () -> ()
      %mul3A_59 = arith.constant 168 : i32
      %mul3A_60 = arith.muli %arg1, %mul3A_59 : i32
      %add3A_61 = arith.constant 32 : i32
      %add3A_62 = arith.addi %mul3A_60, %add3A_61 : i32
      "tpu.region"() ({
        %run_scoped3A = tpu.sem_alloc : memref<!tpu.dma_semaphore, #tpu.memory_space<semaphore_mem>>
        %dma_start3A = arith.constant 0 : i32
        %dma_start3A_153 = tpu.memref_slice %arg13[%add3A_62, %dma_start3A] : memref<2688x128xf32, #tpu.memory_space<vmem_shared>> -> memref<8x128xf32, #tpu.memory_space<vmem_shared>>
        %dma_start3A_154 = arith.constant 0 : i32
        %dma_start3A_155 = tpu.memref_slice %arg13[%add3A_62, %dma_start3A_154] : memref<2688x128xf32, #tpu.memory_space<vmem_shared>> -> memref<8x128xf32, #tpu.memory_space<vmem_shared>>
        tpu.enqueue_dma source(%arg11 : memref<8x128xf32, #tpu.memory_space<vmem>>) target(%dma_start3A_155 : memref<8x128xf32, #tpu.memory_space<vmem_shared>>) target_semaphore(%run_scoped3A : memref<!tpu.dma_semaphore, #tpu.memory_space<semaphore_mem>>)
        %dma_wait3A = arith.constant 0 : i32
        %dma_wait3A_156 = tpu.memref_slice %arg13[%add3A_62, %dma_wait3A] : memref<2688x128xf32, #tpu.memory_space<vmem_shared>> -> memref<8x128xf32, #tpu.memory_space<vmem_shared>>
        %dma_wait3A_157 = arith.constant 0 : i32
        %dma_wait3A_158 = tpu.memref_slice %arg13[%add3A_62, %dma_wait3A_157] : memref<2688x128xf32, #tpu.memory_space<vmem_shared>> -> memref<8x128xf32, #tpu.memory_space<vmem_shared>>
        tpu.wait_dma2 semaphore(%run_scoped3A : memref<!tpu.dma_semaphore, #tpu.memory_space<semaphore_mem>>) src(%arg11 : memref<8x128xf32, #tpu.memory_space<vmem>>) dst(%dma_wait3A_158 : memref<8x128xf32, #tpu.memory_space<vmem_shared>>)
        tpu.yield
      }) : () -> ()
      %mul3A_63 = arith.constant 168 : i32
      %mul3A_64 = arith.muli %arg1, %mul3A_63 : i32
      %add3A_65 = arith.constant 40 : i32
      %add3A_66 = arith.addi %mul3A_64, %add3A_65 : i32
      "tpu.region"() ({
        %run_scoped3A = tpu.sem_alloc : memref<!tpu.dma_semaphore, #tpu.memory_space<semaphore_mem>>
        %dma_start3A = arith.constant 0 : i32
        %dma_start3A_153 = tpu.memref_slice %arg13[%add3A_66, %dma_start3A] : memref<2688x128xf32, #tpu.memory_space<vmem_shared>> -> memref<8x128xf32, #tpu.memory_space<vmem_shared>>
        %dma_start3A_154 = arith.constant 0 : i32
        %dma_start3A_155 = tpu.memref_slice %arg13[%add3A_66, %dma_start3A_154] : memref<2688x128xf32, #tpu.memory_space<vmem_shared>> -> memref<8x128xf32, #tpu.memory_space<vmem_shared>>
        tpu.enqueue_dma source(%arg11 : memref<8x128xf32, #tpu.memory_space<vmem>>) target(%dma_start3A_155 : memref<8x128xf32, #tpu.memory_space<vmem_shared>>) target_semaphore(%run_scoped3A : memref<!tpu.dma_semaphore, #tpu.memory_space<semaphore_mem>>)
        %dma_wait3A = arith.constant 0 : i32
        %dma_wait3A_156 = tpu.memref_slice %arg13[%add3A_66, %dma_wait3A] : memref<2688x128xf32, #tpu.memory_space<vmem_shared>> -> memref<8x128xf32, #tpu.memory_space<vmem_shared>>
        %dma_wait3A_157 = arith.constant 0 : i32
        %dma_wait3A_158 = tpu.memref_slice %arg13[%add3A_66, %dma_wait3A_157] : memref<2688x128xf32, #tpu.memory_space<vmem_shared>> -> memref<8x128xf32, #tpu.memory_space<vmem_shared>>
        tpu.wait_dma2 semaphore(%run_scoped3A : memref<!tpu.dma_semaphore, #tpu.memory_space<semaphore_mem>>) src(%arg11 : memref<8x128xf32, #tpu.memory_space<vmem>>) dst(%dma_wait3A_158 : memref<8x128xf32, #tpu.memory_space<vmem_shared>>)
        tpu.yield
      }) : () -> ()
      %mul3A_67 = arith.constant 168 : i32
      %mul3A_68 = arith.muli %arg1, %mul3A_67 : i32
      %add3A_69 = arith.constant 48 : i32
      %add3A_70 = arith.addi %mul3A_68, %add3A_69 : i32
      "tpu.region"() ({
        %run_scoped3A = tpu.sem_alloc : memref<!tpu.dma_semaphore, #tpu.memory_space<semaphore_mem>>
        %dma_start3A = arith.constant 0 : i32
        %dma_start3A_153 = tpu.memref_slice %arg13[%add3A_70, %dma_start3A] : memref<2688x128xf32, #tpu.memory_space<vmem_shared>> -> memref<8x128xf32, #tpu.memory_space<vmem_shared>>
        %dma_start3A_154 = arith.constant 0 : i32
        %dma_start3A_155 = tpu.memref_slice %arg13[%add3A_70, %dma_start3A_154] : memref<2688x128xf32, #tpu.memory_space<vmem_shared>> -> memref<8x128xf32, #tpu.memory_space<vmem_shared>>
        tpu.enqueue_dma source(%arg11 : memref<8x128xf32, #tpu.memory_space<vmem>>) target(%dma_start3A_155 : memref<8x128xf32, #tpu.memory_space<vmem_shared>>) target_semaphore(%run_scoped3A : memref<!tpu.dma_semaphore, #tpu.memory_space<semaphore_mem>>)
        %dma_wait3A = arith.constant 0 : i32
        %dma_wait3A_156 = tpu.memref_slice %arg13[%add3A_70, %dma_wait3A] : memref<2688x128xf32, #tpu.memory_space<vmem_shared>> -> memref<8x128xf32, #tpu.memory_space<vmem_shared>>
        %dma_wait3A_157 = arith.constant 0 : i32
        %dma_wait3A_158 = tpu.memref_slice %arg13[%add3A_70, %dma_wait3A_157] : memref<2688x128xf32, #tpu.memory_space<vmem_shared>> -> memref<8x128xf32, #tpu.memory_space<vmem_shared>>
        tpu.wait_dma2 semaphore(%run_scoped3A : memref<!tpu.dma_semaphore, #tpu.memory_space<semaphore_mem>>) src(%arg11 : memref<8x128xf32, #tpu.memory_space<vmem>>) dst(%dma_wait3A_158 : memref<8x128xf32, #tpu.memory_space<vmem_shared>>)
        tpu.yield
      }) : () -> ()
      %mul3A_71 = arith.constant 168 : i32
      %mul3A_72 = arith.muli %arg1, %mul3A_71 : i32
      %add3A_73 = arith.constant 56 : i32
      %add3A_74 = arith.addi %mul3A_72, %add3A_73 : i32
      "tpu.region"() ({
        %run_scoped3A = tpu.sem_alloc : memref<!tpu.dma_semaphore, #tpu.memory_space<semaphore_mem>>
        %dma_start3A = arith.constant 0 : i32
        %dma_start3A_153 = tpu.memref_slice %arg13[%add3A_74, %dma_start3A] : memref<2688x128xf32, #tpu.memory_space<vmem_shared>> -> memref<8x128xf32, #tpu.memory_space<vmem_shared>>
        %dma_start3A_154 = arith.constant 0 : i32
        %dma_start3A_155 = tpu.memref_slice %arg13[%add3A_74, %dma_start3A_154] : memref<2688x128xf32, #tpu.memory_space<vmem_shared>> -> memref<8x128xf32, #tpu.memory_space<vmem_shared>>
        tpu.enqueue_dma source(%arg11 : memref<8x128xf32, #tpu.memory_space<vmem>>) target(%dma_start3A_155 : memref<8x128xf32, #tpu.memory_space<vmem_shared>>) target_semaphore(%run_scoped3A : memref<!tpu.dma_semaphore, #tpu.memory_space<semaphore_mem>>)
        %dma_wait3A = arith.constant 0 : i32
        %dma_wait3A_156 = tpu.memref_slice %arg13[%add3A_74, %dma_wait3A] : memref<2688x128xf32, #tpu.memory_space<vmem_shared>> -> memref<8x128xf32, #tpu.memory_space<vmem_shared>>
        %dma_wait3A_157 = arith.constant 0 : i32
        %dma_wait3A_158 = tpu.memref_slice %arg13[%add3A_74, %dma_wait3A_157] : memref<2688x128xf32, #tpu.memory_space<vmem_shared>> -> memref<8x128xf32, #tpu.memory_space<vmem_shared>>
        tpu.wait_dma2 semaphore(%run_scoped3A : memref<!tpu.dma_semaphore, #tpu.memory_space<semaphore_mem>>) src(%arg11 : memref<8x128xf32, #tpu.memory_space<vmem>>) dst(%dma_wait3A_158 : memref<8x128xf32, #tpu.memory_space<vmem_shared>>)
        tpu.yield
      }) : () -> ()
      %mul3A_75 = arith.constant 168 : i32
      %mul3A_76 = arith.muli %arg1, %mul3A_75 : i32
      %add3A_77 = arith.constant 64 : i32
      %add3A_78 = arith.addi %mul3A_76, %add3A_77 : i32
      "tpu.region"() ({
        %run_scoped3A = tpu.sem_alloc : memref<!tpu.dma_semaphore, #tpu.memory_space<semaphore_mem>>
        %dma_start3A = arith.constant 0 : i32
        %dma_start3A_153 = tpu.memref_slice %arg13[%add3A_78, %dma_start3A] : memref<2688x128xf32, #tpu.memory_space<vmem_shared>> -> memref<8x128xf32, #tpu.memory_space<vmem_shared>>
        %dma_start3A_154 = arith.constant 0 : i32
        %dma_start3A_155 = tpu.memref_slice %arg13[%add3A_78, %dma_start3A_154] : memref<2688x128xf32, #tpu.memory_space<vmem_shared>> -> memref<8x128xf32, #tpu.memory_space<vmem_shared>>
        tpu.enqueue_dma source(%arg11 : memref<8x128xf32, #tpu.memory_space<vmem>>) target(%dma_start3A_155 : memref<8x128xf32, #tpu.memory_space<vmem_shared>>) target_semaphore(%run_scoped3A : memref<!tpu.dma_semaphore, #tpu.memory_space<semaphore_mem>>)
        %dma_wait3A = arith.constant 0 : i32
        %dma_wait3A_156 = tpu.memref_slice %arg13[%add3A_78, %dma_wait3A] : memref<2688x128xf32, #tpu.memory_space<vmem_shared>> -> memref<8x128xf32, #tpu.memory_space<vmem_shared>>
        %dma_wait3A_157 = arith.constant 0 : i32
        %dma_wait3A_158 = tpu.memref_slice %arg13[%add3A_78, %dma_wait3A_157] : memref<2688x128xf32, #tpu.memory_space<vmem_shared>> -> memref<8x128xf32, #tpu.memory_space<vmem_shared>>
        tpu.wait_dma2 semaphore(%run_scoped3A : memref<!tpu.dma_semaphore, #tpu.memory_space<semaphore_mem>>) src(%arg11 : memref<8x128xf32, #tpu.memory_space<vmem>>) dst(%dma_wait3A_158 : memref<8x128xf32, #tpu.memory_space<vmem_shared>>)
        tpu.yield
      }) : () -> ()
      %mul3A_79 = arith.constant 168 : i32
      %mul3A_80 = arith.muli %arg1, %mul3A_79 : i32
      %add3A_81 = arith.constant 72 : i32
      %add3A_82 = arith.addi %mul3A_80, %add3A_81 : i32
      "tpu.region"() ({
        %run_scoped3A = tpu.sem_alloc : memref<!tpu.dma_semaphore, #tpu.memory_space<semaphore_mem>>
        %dma_start3A = arith.constant 0 : i32
        %dma_start3A_153 = tpu.memref_slice %arg13[%add3A_82, %dma_start3A] : memref<2688x128xf32, #tpu.memory_space<vmem_shared>> -> memref<8x128xf32, #tpu.memory_space<vmem_shared>>
        %dma_start3A_154 = arith.constant 0 : i32
        %dma_start3A_155 = tpu.memref_slice %arg13[%add3A_82, %dma_start3A_154] : memref<2688x128xf32, #tpu.memory_space<vmem_shared>> -> memref<8x128xf32, #tpu.memory_space<vmem_shared>>
        tpu.enqueue_dma source(%arg11 : memref<8x128xf32, #tpu.memory_space<vmem>>) target(%dma_start3A_155 : memref<8x128xf32, #tpu.memory_space<vmem_shared>>) target_semaphore(%run_scoped3A : memref<!tpu.dma_semaphore, #tpu.memory_space<semaphore_mem>>)
        %dma_wait3A = arith.constant 0 : i32
        %dma_wait3A_156 = tpu.memref_slice %arg13[%add3A_82, %dma_wait3A] : memref<2688x128xf32, #tpu.memory_space<vmem_shared>> -> memref<8x128xf32, #tpu.memory_space<vmem_shared>>
        %dma_wait3A_157 = arith.constant 0 : i32
        %dma_wait3A_158 = tpu.memref_slice %arg13[%add3A_82, %dma_wait3A_157] : memref<2688x128xf32, #tpu.memory_space<vmem_shared>> -> memref<8x128xf32, #tpu.memory_space<vmem_shared>>
        tpu.wait_dma2 semaphore(%run_scoped3A : memref<!tpu.dma_semaphore, #tpu.memory_space<semaphore_mem>>) src(%arg11 : memref<8x128xf32, #tpu.memory_space<vmem>>) dst(%dma_wait3A_158 : memref<8x128xf32, #tpu.memory_space<vmem_shared>>)
        tpu.yield
      }) : () -> ()
      %mul3A_83 = arith.constant 168 : i32
      %mul3A_84 = arith.muli %arg1, %mul3A_83 : i32
      %add3A_85 = arith.constant 80 : i32
      %add3A_86 = arith.addi %mul3A_84, %add3A_85 : i32
      "tpu.region"() ({
        %run_scoped3A = tpu.sem_alloc : memref<!tpu.dma_semaphore, #tpu.memory_space<semaphore_mem>>
        %dma_start3A = arith.constant 0 : i32
        %dma_start3A_153 = tpu.memref_slice %arg13[%add3A_86, %dma_start3A] : memref<2688x128xf32, #tpu.memory_space<vmem_shared>> -> memref<8x128xf32, #tpu.memory_space<vmem_shared>>
        %dma_start3A_154 = arith.constant 0 : i32
        %dma_start3A_155 = tpu.memref_slice %arg13[%add3A_86, %dma_start3A_154] : memref<2688x128xf32, #tpu.memory_space<vmem_shared>> -> memref<8x128xf32, #tpu.memory_space<vmem_shared>>
        tpu.enqueue_dma source(%arg11 : memref<8x128xf32, #tpu.memory_space<vmem>>) target(%dma_start3A_155 : memref<8x128xf32, #tpu.memory_space<vmem_shared>>) target_semaphore(%run_scoped3A : memref<!tpu.dma_semaphore, #tpu.memory_space<semaphore_mem>>)
        %dma_wait3A = arith.constant 0 : i32
        %dma_wait3A_156 = tpu.memref_slice %arg13[%add3A_86, %dma_wait3A] : memref<2688x128xf32, #tpu.memory_space<vmem_shared>> -> memref<8x128xf32, #tpu.memory_space<vmem_shared>>
        %dma_wait3A_157 = arith.constant 0 : i32
        %dma_wait3A_158 = tpu.memref_slice %arg13[%add3A_86, %dma_wait3A_157] : memref<2688x128xf32, #tpu.memory_space<vmem_shared>> -> memref<8x128xf32, #tpu.memory_space<vmem_shared>>
        tpu.wait_dma2 semaphore(%run_scoped3A : memref<!tpu.dma_semaphore, #tpu.memory_space<semaphore_mem>>) src(%arg11 : memref<8x128xf32, #tpu.memory_space<vmem>>) dst(%dma_wait3A_158 : memref<8x128xf32, #tpu.memory_space<vmem_shared>>)
        tpu.yield
      }) : () -> ()
      %mul3A_87 = arith.constant 168 : i32
      %mul3A_88 = arith.muli %arg1, %mul3A_87 : i32
      %add3A_89 = arith.constant 88 : i32
      %add3A_90 = arith.addi %mul3A_88, %add3A_89 : i32
      "tpu.region"() ({
        %run_scoped3A = tpu.sem_alloc : memref<!tpu.dma_semaphore, #tpu.memory_space<semaphore_mem>>
        %dma_start3A = arith.constant 0 : i32
        %dma_start3A_153 = tpu.memref_slice %arg13[%add3A_90, %dma_start3A] : memref<2688x128xf32, #tpu.memory_space<vmem_shared>> -> memref<8x128xf32, #tpu.memory_space<vmem_shared>>
        %dma_start3A_154 = arith.constant 0 : i32
        %dma_start3A_155 = tpu.memref_slice %arg13[%add3A_90, %dma_start3A_154] : memref<2688x128xf32, #tpu.memory_space<vmem_shared>> -> memref<8x128xf32, #tpu.memory_space<vmem_shared>>
        tpu.enqueue_dma source(%arg11 : memref<8x128xf32, #tpu.memory_space<vmem>>) target(%dma_start3A_155 : memref<8x128xf32, #tpu.memory_space<vmem_shared>>) target_semaphore(%run_scoped3A : memref<!tpu.dma_semaphore, #tpu.memory_space<semaphore_mem>>)
        %dma_wait3A = arith.constant 0 : i32
        %dma_wait3A_156 = tpu.memref_slice %arg13[%add3A_90, %dma_wait3A] : memref<2688x128xf32, #tpu.memory_space<vmem_shared>> -> memref<8x128xf32, #tpu.memory_space<vmem_shared>>
        %dma_wait3A_157 = arith.constant 0 : i32
        %dma_wait3A_158 = tpu.memref_slice %arg13[%add3A_90, %dma_wait3A_157] : memref<2688x128xf32, #tpu.memory_space<vmem_shared>> -> memref<8x128xf32, #tpu.memory_space<vmem_shared>>
        tpu.wait_dma2 semaphore(%run_scoped3A : memref<!tpu.dma_semaphore, #tpu.memory_space<semaphore_mem>>) src(%arg11 : memref<8x128xf32, #tpu.memory_space<vmem>>) dst(%dma_wait3A_158 : memref<8x128xf32, #tpu.memory_space<vmem_shared>>)
        tpu.yield
      }) : () -> ()
      %mul3A_91 = arith.constant 168 : i32
      %mul3A_92 = arith.muli %arg1, %mul3A_91 : i32
      %add3A_93 = arith.constant 96 : i32
      %add3A_94 = arith.addi %mul3A_92, %add3A_93 : i32
      "tpu.region"() ({
        %run_scoped3A = tpu.sem_alloc : memref<!tpu.dma_semaphore, #tpu.memory_space<semaphore_mem>>
        %dma_start3A = arith.constant 0 : i32
        %dma_start3A_153 = tpu.memref_slice %arg13[%add3A_94, %dma_start3A] : memref<2688x128xf32, #tpu.memory_space<vmem_shared>> -> memref<8x128xf32, #tpu.memory_space<vmem_shared>>
        %dma_start3A_154 = arith.constant 0 : i32
        %dma_start3A_155 = tpu.memref_slice %arg13[%add3A_94, %dma_start3A_154] : memref<2688x128xf32, #tpu.memory_space<vmem_shared>> -> memref<8x128xf32, #tpu.memory_space<vmem_shared>>
        tpu.enqueue_dma source(%arg11 : memref<8x128xf32, #tpu.memory_space<vmem>>) target(%dma_start3A_155 : memref<8x128xf32, #tpu.memory_space<vmem_shared>>) target_semaphore(%run_scoped3A : memref<!tpu.dma_semaphore, #tpu.memory_space<semaphore_mem>>)
        %dma_wait3A = arith.constant 0 : i32
        %dma_wait3A_156 = tpu.memref_slice %arg13[%add3A_94, %dma_wait3A] : memref<2688x128xf32, #tpu.memory_space<vmem_shared>> -> memref<8x128xf32, #tpu.memory_space<vmem_shared>>
        %dma_wait3A_157 = arith.constant 0 : i32
        %dma_wait3A_158 = tpu.memref_slice %arg13[%add3A_94, %dma_wait3A_157] : memref<2688x128xf32, #tpu.memory_space<vmem_shared>> -> memref<8x128xf32, #tpu.memory_space<vmem_shared>>
        tpu.wait_dma2 semaphore(%run_scoped3A : memref<!tpu.dma_semaphore, #tpu.memory_space<semaphore_mem>>) src(%arg11 : memref<8x128xf32, #tpu.memory_space<vmem>>) dst(%dma_wait3A_158 : memref<8x128xf32, #tpu.memory_space<vmem_shared>>)
        tpu.yield
      }) : () -> ()
      %mul3A_95 = arith.constant 168 : i32
      %mul3A_96 = arith.muli %arg1, %mul3A_95 : i32
      %add3A_97 = arith.constant 104 : i32
      %add3A_98 = arith.addi %mul3A_96, %add3A_97 : i32
      "tpu.region"() ({
        %run_scoped3A = tpu.sem_alloc : memref<!tpu.dma_semaphore, #tpu.memory_space<semaphore_mem>>
        %dma_start3A = arith.constant 0 : i32
        %dma_start3A_153 = tpu.memref_slice %arg13[%add3A_98, %dma_start3A] : memref<2688x128xf32, #tpu.memory_space<vmem_shared>> -> memref<8x128xf32, #tpu.memory_space<vmem_shared>>
        %dma_start3A_154 = arith.constant 0 : i32
        %dma_start3A_155 = tpu.memref_slice %arg13[%add3A_98, %dma_start3A_154] : memref<2688x128xf32, #tpu.memory_space<vmem_shared>> -> memref<8x128xf32, #tpu.memory_space<vmem_shared>>
        tpu.enqueue_dma source(%arg11 : memref<8x128xf32, #tpu.memory_space<vmem>>) target(%dma_start3A_155 : memref<8x128xf32, #tpu.memory_space<vmem_shared>>) target_semaphore(%run_scoped3A : memref<!tpu.dma_semaphore, #tpu.memory_space<semaphore_mem>>)
        %dma_wait3A = arith.constant 0 : i32
        %dma_wait3A_156 = tpu.memref_slice %arg13[%add3A_98, %dma_wait3A] : memref<2688x128xf32, #tpu.memory_space<vmem_shared>> -> memref<8x128xf32, #tpu.memory_space<vmem_shared>>
        %dma_wait3A_157 = arith.constant 0 : i32
        %dma_wait3A_158 = tpu.memref_slice %arg13[%add3A_98, %dma_wait3A_157] : memref<2688x128xf32, #tpu.memory_space<vmem_shared>> -> memref<8x128xf32, #tpu.memory_space<vmem_shared>>
        tpu.wait_dma2 semaphore(%run_scoped3A : memref<!tpu.dma_semaphore, #tpu.memory_space<semaphore_mem>>) src(%arg11 : memref<8x128xf32, #tpu.memory_space<vmem>>) dst(%dma_wait3A_158 : memref<8x128xf32, #tpu.memory_space<vmem_shared>>)
        tpu.yield
      }) : () -> ()
      %mul3A_99 = arith.constant 168 : i32
      %mul3A_100 = arith.muli %arg1, %mul3A_99 : i32
      %add3A_101 = arith.constant 112 : i32
      %add3A_102 = arith.addi %mul3A_100, %add3A_101 : i32
      "tpu.region"() ({
        %run_scoped3A = tpu.sem_alloc : memref<!tpu.dma_semaphore, #tpu.memory_space<semaphore_mem>>
        %dma_start3A = arith.constant 0 : i32
        %dma_start3A_153 = tpu.memref_slice %arg13[%add3A_102, %dma_start3A] : memref<2688x128xf32, #tpu.memory_space<vmem_shared>> -> memref<8x128xf32, #tpu.memory_space<vmem_shared>>
        %dma_start3A_154 = arith.constant 0 : i32
        %dma_start3A_155 = tpu.memref_slice %arg13[%add3A_102, %dma_start3A_154] : memref<2688x128xf32, #tpu.memory_space<vmem_shared>> -> memref<8x128xf32, #tpu.memory_space<vmem_shared>>
        tpu.enqueue_dma source(%arg11 : memref<8x128xf32, #tpu.memory_space<vmem>>) target(%dma_start3A_155 : memref<8x128xf32, #tpu.memory_space<vmem_shared>>) target_semaphore(%run_scoped3A : memref<!tpu.dma_semaphore, #tpu.memory_space<semaphore_mem>>)
        %dma_wait3A = arith.constant 0 : i32
        %dma_wait3A_156 = tpu.memref_slice %arg13[%add3A_102, %dma_wait3A] : memref<2688x128xf32, #tpu.memory_space<vmem_shared>> -> memref<8x128xf32, #tpu.memory_space<vmem_shared>>
        %dma_wait3A_157 = arith.constant 0 : i32
        %dma_wait3A_158 = tpu.memref_slice %arg13[%add3A_102, %dma_wait3A_157] : memref<2688x128xf32, #tpu.memory_space<vmem_shared>> -> memref<8x128xf32, #tpu.memory_space<vmem_shared>>
        tpu.wait_dma2 semaphore(%run_scoped3A : memref<!tpu.dma_semaphore, #tpu.memory_space<semaphore_mem>>) src(%arg11 : memref<8x128xf32, #tpu.memory_space<vmem>>) dst(%dma_wait3A_158 : memref<8x128xf32, #tpu.memory_space<vmem_shared>>)
        tpu.yield
      }) : () -> ()
      %mul3A_103 = arith.constant 168 : i32
      %mul3A_104 = arith.muli %arg1, %mul3A_103 : i32
      %add3A_105 = arith.constant 120 : i32
      %add3A_106 = arith.addi %mul3A_104, %add3A_105 : i32
      "tpu.region"() ({
        %run_scoped3A = tpu.sem_alloc : memref<!tpu.dma_semaphore, #tpu.memory_space<semaphore_mem>>
        %dma_start3A = arith.constant 0 : i32
        %dma_start3A_153 = tpu.memref_slice %arg13[%add3A_106, %dma_start3A] : memref<2688x128xf32, #tpu.memory_space<vmem_shared>> -> memref<8x128xf32, #tpu.memory_space<vmem_shared>>
        %dma_start3A_154 = arith.constant 0 : i32
        %dma_start3A_155 = tpu.memref_slice %arg13[%add3A_106, %dma_start3A_154] : memref<2688x128xf32, #tpu.memory_space<vmem_shared>> -> memref<8x128xf32, #tpu.memory_space<vmem_shared>>
        tpu.enqueue_dma source(%arg11 : memref<8x128xf32, #tpu.memory_space<vmem>>) target(%dma_start3A_155 : memref<8x128xf32, #tpu.memory_space<vmem_shared>>) target_semaphore(%run_scoped3A : memref<!tpu.dma_semaphore, #tpu.memory_space<semaphore_mem>>)
        %dma_wait3A = arith.constant 0 : i32
        %dma_wait3A_156 = tpu.memref_slice %arg13[%add3A_106, %dma_wait3A] : memref<2688x128xf32, #tpu.memory_space<vmem_shared>> -> memref<8x128xf32, #tpu.memory_space<vmem_shared>>
        %dma_wait3A_157 = arith.constant 0 : i32
        %dma_wait3A_158 = tpu.memref_slice %arg13[%add3A_106, %dma_wait3A_157] : memref<2688x128xf32, #tpu.memory_space<vmem_shared>> -> memref<8x128xf32, #tpu.memory_space<vmem_shared>>
        tpu.wait_dma2 semaphore(%run_scoped3A : memref<!tpu.dma_semaphore, #tpu.memory_space<semaphore_mem>>) src(%arg11 : memref<8x128xf32, #tpu.memory_space<vmem>>) dst(%dma_wait3A_158 : memref<8x128xf32, #tpu.memory_space<vmem_shared>>)
        tpu.yield
      }) : () -> ()
      %mul3A_107 = arith.constant 168 : i32
      %mul3A_108 = arith.muli %arg1, %mul3A_107 : i32
      %add3A_109 = arith.constant 128 : i32
      %add3A_110 = arith.addi %mul3A_108, %add3A_109 : i32
      "tpu.region"() ({
        %run_scoped3A = tpu.sem_alloc : memref<!tpu.dma_semaphore, #tpu.memory_space<semaphore_mem>>
        %dma_start3A = arith.constant 0 : i32
        %dma_start3A_153 = tpu.memref_slice %arg13[%add3A_110, %dma_start3A] : memref<2688x128xf32, #tpu.memory_space<vmem_shared>> -> memref<8x128xf32, #tpu.memory_space<vmem_shared>>
        %dma_start3A_154 = arith.constant 0 : i32
        %dma_start3A_155 = tpu.memref_slice %arg13[%add3A_110, %dma_start3A_154] : memref<2688x128xf32, #tpu.memory_space<vmem_shared>> -> memref<8x128xf32, #tpu.memory_space<vmem_shared>>
        tpu.enqueue_dma source(%arg11 : memref<8x128xf32, #tpu.memory_space<vmem>>) target(%dma_start3A_155 : memref<8x128xf32, #tpu.memory_space<vmem_shared>>) target_semaphore(%run_scoped3A : memref<!tpu.dma_semaphore, #tpu.memory_space<semaphore_mem>>)
        %dma_wait3A = arith.constant 0 : i32
        %dma_wait3A_156 = tpu.memref_slice %arg13[%add3A_110, %dma_wait3A] : memref<2688x128xf32, #tpu.memory_space<vmem_shared>> -> memref<8x128xf32, #tpu.memory_space<vmem_shared>>
        %dma_wait3A_157 = arith.constant 0 : i32
        %dma_wait3A_158 = tpu.memref_slice %arg13[%add3A_110, %dma_wait3A_157] : memref<2688x128xf32, #tpu.memory_space<vmem_shared>> -> memref<8x128xf32, #tpu.memory_space<vmem_shared>>
        tpu.wait_dma2 semaphore(%run_scoped3A : memref<!tpu.dma_semaphore, #tpu.memory_space<semaphore_mem>>) src(%arg11 : memref<8x128xf32, #tpu.memory_space<vmem>>) dst(%dma_wait3A_158 : memref<8x128xf32, #tpu.memory_space<vmem_shared>>)
        tpu.yield
      }) : () -> ()
      %mul3A_111 = arith.constant 168 : i32
      %mul3A_112 = arith.muli %arg1, %mul3A_111 : i32
      %add3A_113 = arith.constant 136 : i32
      %add3A_114 = arith.addi %mul3A_112, %add3A_113 : i32
      "tpu.region"() ({
        %run_scoped3A = tpu.sem_alloc : memref<!tpu.dma_semaphore, #tpu.memory_space<semaphore_mem>>
        %dma_start3A = arith.constant 0 : i32
        %dma_start3A_153 = tpu.memref_slice %arg13[%add3A_114, %dma_start3A] : memref<2688x128xf32, #tpu.memory_space<vmem_shared>> -> memref<8x128xf32, #tpu.memory_space<vmem_shared>>
        %dma_start3A_154 = arith.constant 0 : i32
        %dma_start3A_155 = tpu.memref_slice %arg13[%add3A_114, %dma_start3A_154] : memref<2688x128xf32, #tpu.memory_space<vmem_shared>> -> memref<8x128xf32, #tpu.memory_space<vmem_shared>>
        tpu.enqueue_dma source(%arg11 : memref<8x128xf32, #tpu.memory_space<vmem>>) target(%dma_start3A_155 : memref<8x128xf32, #tpu.memory_space<vmem_shared>>) target_semaphore(%run_scoped3A : memref<!tpu.dma_semaphore, #tpu.memory_space<semaphore_mem>>)
        %dma_wait3A = arith.constant 0 : i32
        %dma_wait3A_156 = tpu.memref_slice %arg13[%add3A_114, %dma_wait3A] : memref<2688x128xf32, #tpu.memory_space<vmem_shared>> -> memref<8x128xf32, #tpu.memory_space<vmem_shared>>
        %dma_wait3A_157 = arith.constant 0 : i32
        %dma_wait3A_158 = tpu.memref_slice %arg13[%add3A_114, %dma_wait3A_157] : memref<2688x128xf32, #tpu.memory_space<vmem_shared>> -> memref<8x128xf32, #tpu.memory_space<vmem_shared>>
        tpu.wait_dma2 semaphore(%run_scoped3A : memref<!tpu.dma_semaphore, #tpu.memory_space<semaphore_mem>>) src(%arg11 : memref<8x128xf32, #tpu.memory_space<vmem>>) dst(%dma_wait3A_158 : memref<8x128xf32, #tpu.memory_space<vmem_shared>>)
        tpu.yield
      }) : () -> ()
      %mul3A_115 = arith.constant 168 : i32
      %mul3A_116 = arith.muli %arg1, %mul3A_115 : i32
      %add3A_117 = arith.constant 144 : i32
      %add3A_118 = arith.addi %mul3A_116, %add3A_117 : i32
      "tpu.region"() ({
        %run_scoped3A = tpu.sem_alloc : memref<!tpu.dma_semaphore, #tpu.memory_space<semaphore_mem>>
        %dma_start3A = arith.constant 0 : i32
        %dma_start3A_153 = tpu.memref_slice %arg13[%add3A_118, %dma_start3A] : memref<2688x128xf32, #tpu.memory_space<vmem_shared>> -> memref<8x128xf32, #tpu.memory_space<vmem_shared>>
        %dma_start3A_154 = arith.constant 0 : i32
        %dma_start3A_155 = tpu.memref_slice %arg13[%add3A_118, %dma_start3A_154] : memref<2688x128xf32, #tpu.memory_space<vmem_shared>> -> memref<8x128xf32, #tpu.memory_space<vmem_shared>>
        tpu.enqueue_dma source(%arg11 : memref<8x128xf32, #tpu.memory_space<vmem>>) target(%dma_start3A_155 : memref<8x128xf32, #tpu.memory_space<vmem_shared>>) target_semaphore(%run_scoped3A : memref<!tpu.dma_semaphore, #tpu.memory_space<semaphore_mem>>)
        %dma_wait3A = arith.constant 0 : i32
        %dma_wait3A_156 = tpu.memref_slice %arg13[%add3A_118, %dma_wait3A] : memref<2688x128xf32, #tpu.memory_space<vmem_shared>> -> memref<8x128xf32, #tpu.memory_space<vmem_shared>>
        %dma_wait3A_157 = arith.constant 0 : i32
        %dma_wait3A_158 = tpu.memref_slice %arg13[%add3A_118, %dma_wait3A_157] : memref<2688x128xf32, #tpu.memory_space<vmem_shared>> -> memref<8x128xf32, #tpu.memory_space<vmem_shared>>
        tpu.wait_dma2 semaphore(%run_scoped3A : memref<!tpu.dma_semaphore, #tpu.memory_space<semaphore_mem>>) src(%arg11 : memref<8x128xf32, #tpu.memory_space<vmem>>) dst(%dma_wait3A_158 : memref<8x128xf32, #tpu.memory_space<vmem_shared>>)
        tpu.yield
      }) : () -> ()
      %mul3A_119 = arith.constant 168 : i32
      %mul3A_120 = arith.muli %arg1, %mul3A_119 : i32
      %add3A_121 = arith.constant 152 : i32
      %add3A_122 = arith.addi %mul3A_120, %add3A_121 : i32
      "tpu.region"() ({
        %run_scoped3A = tpu.sem_alloc : memref<!tpu.dma_semaphore, #tpu.memory_space<semaphore_mem>>
        %dma_start3A = arith.constant 0 : i32
        %dma_start3A_153 = tpu.memref_slice %arg13[%add3A_122, %dma_start3A] : memref<2688x128xf32, #tpu.memory_space<vmem_shared>> -> memref<8x128xf32, #tpu.memory_space<vmem_shared>>
        %dma_start3A_154 = arith.constant 0 : i32
        %dma_start3A_155 = tpu.memref_slice %arg13[%add3A_122, %dma_start3A_154] : memref<2688x128xf32, #tpu.memory_space<vmem_shared>> -> memref<8x128xf32, #tpu.memory_space<vmem_shared>>
        tpu.enqueue_dma source(%arg11 : memref<8x128xf32, #tpu.memory_space<vmem>>) target(%dma_start3A_155 : memref<8x128xf32, #tpu.memory_space<vmem_shared>>) target_semaphore(%run_scoped3A : memref<!tpu.dma_semaphore, #tpu.memory_space<semaphore_mem>>)
        %dma_wait3A = arith.constant 0 : i32
        %dma_wait3A_156 = tpu.memref_slice %arg13[%add3A_122, %dma_wait3A] : memref<2688x128xf32, #tpu.memory_space<vmem_shared>> -> memref<8x128xf32, #tpu.memory_space<vmem_shared>>
        %dma_wait3A_157 = arith.constant 0 : i32
        %dma_wait3A_158 = tpu.memref_slice %arg13[%add3A_122, %dma_wait3A_157] : memref<2688x128xf32, #tpu.memory_space<vmem_shared>> -> memref<8x128xf32, #tpu.memory_space<vmem_shared>>
        tpu.wait_dma2 semaphore(%run_scoped3A : memref<!tpu.dma_semaphore, #tpu.memory_space<semaphore_mem>>) src(%arg11 : memref<8x128xf32, #tpu.memory_space<vmem>>) dst(%dma_wait3A_158 : memref<8x128xf32, #tpu.memory_space<vmem_shared>>)
        tpu.yield
      }) : () -> ()
      %mul3A_123 = arith.constant 168 : i32
      %mul3A_124 = arith.muli %arg1, %mul3A_123 : i32
      %add3A_125 = arith.constant 160 : i32
      %add3A_126 = arith.addi %mul3A_124, %add3A_125 : i32
      "tpu.region"() ({
        %run_scoped3A = tpu.sem_alloc : memref<!tpu.dma_semaphore, #tpu.memory_space<semaphore_mem>>
        %dma_start3A = arith.constant 0 : i32
        %dma_start3A_153 = tpu.memref_slice %arg13[%add3A_126, %dma_start3A] : memref<2688x128xf32, #tpu.memory_space<vmem_shared>> -> memref<8x128xf32, #tpu.memory_space<vmem_shared>>
        %dma_start3A_154 = arith.constant 0 : i32
        %dma_start3A_155 = tpu.memref_slice %arg13[%add3A_126, %dma_start3A_154] : memref<2688x128xf32, #tpu.memory_space<vmem_shared>> -> memref<8x128xf32, #tpu.memory_space<vmem_shared>>
        tpu.enqueue_dma source(%arg11 : memref<8x128xf32, #tpu.memory_space<vmem>>) target(%dma_start3A_155 : memref<8x128xf32, #tpu.memory_space<vmem_shared>>) target_semaphore(%run_scoped3A : memref<!tpu.dma_semaphore, #tpu.memory_space<semaphore_mem>>)
        %dma_wait3A = arith.constant 0 : i32
        %dma_wait3A_156 = tpu.memref_slice %arg13[%add3A_126, %dma_wait3A] : memref<2688x128xf32, #tpu.memory_space<vmem_shared>> -> memref<8x128xf32, #tpu.memory_space<vmem_shared>>
        %dma_wait3A_157 = arith.constant 0 : i32
        %dma_wait3A_158 = tpu.memref_slice %arg13[%add3A_126, %dma_wait3A_157] : memref<2688x128xf32, #tpu.memory_space<vmem_shared>> -> memref<8x128xf32, #tpu.memory_space<vmem_shared>>
        tpu.wait_dma2 semaphore(%run_scoped3A : memref<!tpu.dma_semaphore, #tpu.memory_space<semaphore_mem>>) src(%arg11 : memref<8x128xf32, #tpu.memory_space<vmem>>) dst(%dma_wait3A_158 : memref<8x128xf32, #tpu.memory_space<vmem_shared>>)
        tpu.yield
      }) : () -> ()
      %barrier3A = arith.constant 0 : index
      tpu.barrier barrier_id(%barrier3A)
      %mul3A_127 = arith.constant 10000 : i32
      %mul3A_128 = arith.muli %arg1, %mul3A_127 : i32
      %scan3A_129 = arith.constant 0 : i32
      %scan3A_130 = arith.constant 0 : i32
      %scan3A_131 = arith.constant 25 : i32
      %scan3A_132 = arith.addi %scan3A_130, %scan3A_131 : i32
      %scan3A_133 = arith.constant 1 : i32
      %scan3A_134 = scf.for %scan3A_153 = %scan3A_130 to %scan3A_132 step %scan3A_133 iter_args(%scan3A_154 = %scan3A_129) -> (i32)  : i32 {
        %mul3A_155 = arith.constant 400 : i32
        %mul3A_156 = arith.muli %scan3A_153, %mul3A_155 : i32
        %add3A_157 = arith.addi %mul3A_128, %mul3A_156 : i32
        "tpu.region"() ({
          %run_scoped3A_180 = tpu.sem_alloc : memref<!tpu.dma_semaphore, #tpu.memory_space<semaphore_mem>>
          %dma_start3A_181 = tpu.memref_slice %arg3[%add3A_157] : memref<160000xi32, #tpu.memory_space<hbm>> -> memref<400xi32, #tpu.memory_space<hbm>>
          %dma_start3A_182 = tpu.memref_slice %arg3[%add3A_157] : memref<160000xi32, #tpu.memory_space<hbm>> -> memref<400xi32, #tpu.memory_space<hbm>>
          tpu.enqueue_dma source(%dma_start3A_182 : memref<400xi32, #tpu.memory_space<hbm>>) target(%arg6 : memref<400xi32, #tpu.memory_space<vmem>>) target_semaphore(%run_scoped3A_180 : memref<!tpu.dma_semaphore, #tpu.memory_space<semaphore_mem>>)
          %dma_wait3A_183 = tpu.memref_slice %arg3[%add3A_157] : memref<160000xi32, #tpu.memory_space<hbm>> -> memref<400xi32, #tpu.memory_space<hbm>>
          %dma_wait3A_184 = tpu.memref_slice %arg3[%add3A_157] : memref<160000xi32, #tpu.memory_space<hbm>> -> memref<400xi32, #tpu.memory_space<hbm>>
          tpu.wait_dma2 semaphore(%run_scoped3A_180 : memref<!tpu.dma_semaphore, #tpu.memory_space<semaphore_mem>>) src(%dma_wait3A_184 : memref<400xi32, #tpu.memory_space<hbm>>) dst(%arg6 : memref<400xi32, #tpu.memory_space<vmem>>)
          tpu.yield
        }) : () -> ()
        "tpu.region"() ({
          %run_scoped3A_180 = tpu.sem_alloc : memref<!tpu.dma_semaphore, #tpu.memory_space<semaphore_mem>>
          %dma_start3A_181 = tpu.memref_slice %arg4[%add3A_157] : memref<160000xi32, #tpu.memory_space<hbm>> -> memref<400xi32, #tpu.memory_space<hbm>>
          %dma_start3A_182 = tpu.memref_slice %arg4[%add3A_157] : memref<160000xi32, #tpu.memory_space<hbm>> -> memref<400xi32, #tpu.memory_space<hbm>>
          tpu.enqueue_dma source(%dma_start3A_182 : memref<400xi32, #tpu.memory_space<hbm>>) target(%arg8 : memref<400xi32, #tpu.memory_space<vmem>>) target_semaphore(%run_scoped3A_180 : memref<!tpu.dma_semaphore, #tpu.memory_space<semaphore_mem>>)
          %dma_wait3A_183 = tpu.memref_slice %arg4[%add3A_157] : memref<160000xi32, #tpu.memory_space<hbm>> -> memref<400xi32, #tpu.memory_space<hbm>>
          %dma_wait3A_184 = tpu.memref_slice %arg4[%add3A_157] : memref<160000xi32, #tpu.memory_space<hbm>> -> memref<400xi32, #tpu.memory_space<hbm>>
          tpu.wait_dma2 semaphore(%run_scoped3A_180 : memref<!tpu.dma_semaphore, #tpu.memory_space<semaphore_mem>>) src(%dma_wait3A_184 : memref<400xi32, #tpu.memory_space<hbm>>) dst(%arg8 : memref<400xi32, #tpu.memory_space<vmem>>)
          tpu.yield
        }) : () -> ()
        %scan3A_158 = arith.constant 0 : i32
        %scan3A_159 = arith.constant 0 : i32
        %scan3A_160 = arith.constant 25 : i32
        %scan3A_161 = arith.addi %scan3A_159, %scan3A_160 : i32
        %scan3A_162 = arith.constant 1 : i32
        %scan3A_163 = scf.for %scan3A_180 = %scan3A_159 to %scan3A_161 step %scan3A_162 iter_args(%scan3A_181 = %scan3A_158) -> (i32)  : i32 {
          %mul3A_182 = arith.constant 16 : i32
          %mul3A_183 = arith.muli %scan3A_180, %mul3A_182 : i32
          %get3A = arith.index_cast %mul3A_183 : i32 to index
          %get3A_184 = tpu.vector_load %arg6[%get3A] {strides = array<i32>} : memref<400xi32, #tpu.memory_space<vmem>>, vector<16xi32>,
          %get3A_185 = vector.shape_cast %get3A_184 : vector<16xi32> to vector<16xi32>
          %add3A_186 = vector.broadcast %multiple_of3A : i32 to vector<16xi32>
          %add3A_187 = arith.addi %get3A_185, %add3A_186 : vector<16xi32>
          %mul3A_188 = arith.constant 16 : i32
          %mul3A_189 = arith.muli %scan3A_180, %mul3A_188 : i32
          %swap3A = arith.index_cast %mul3A_189 : i32 to index
          %swap3A_190 = tpu.vector_load %arg7[%swap3A] {strides = array<i32>} : memref<400xi32, #tpu.memory_space<vmem>>, vector<16xi32>,
          %swap3A_191 = vector.shape_cast %swap3A_190 : vector<16xi32> to vector<16xi32>
          %swap3A_192 = vector.shape_cast %add3A_187 : vector<16xi32> to vector<16xi32>
          tpu.vector_store %arg7[%swap3A], %swap3A_192 {strides = array<i32>} : memref<400xi32, #tpu.memory_space<vmem>>, vector<16xi32>,
          %mul3A_193 = arith.constant 16 : i32
          %mul3A_194 = arith.muli %scan3A_180, %mul3A_193 : i32
          %get3A_195 = arith.index_cast %mul3A_194 : i32 to index
          %get3A_196 = tpu.vector_load %arg8[%get3A_195] {strides = array<i32>} : memref<400xi32, #tpu.memory_space<vmem>>, vector<16xi32>,
          %get3A_197 = vector.shape_cast %get3A_196 : vector<16xi32> to vector<16xi32>
          %sub3A_198 = vector.broadcast %multiple_of3A_42 : i32 to vector<16xi32>
          %sub3A_199 = arith.subi %get3A_197, %sub3A_198 : vector<16xi32>
          %lt3A = arith.constant 0 : i32
          %lt3A_200 = vector.broadcast %lt3A : i32 to vector<16xi32>
          %lt3A_201 = arith.cmpi slt, %sub3A_199, %lt3A_200 : vector<16xi32>
          %ge3A = arith.constant 2560 : i32
          %ge3A_202 = vector.broadcast %ge3A : i32 to vector<16xi32>
          %ge3A_203 = arith.cmpi sge, %sub3A_199, %ge3A_202 : vector<16xi32>
          %or3A = arith.ori %lt3A_201, %ge3A_203 : vector<16xi1>
          %iota3A = tpu.iota {dimensions = array<i32: 0>} : vector<16xi32>
          %jit3A_204 = arith.constant 8 : i32
          %eq3A = arith.constant 0 : i32
          %eq3A_205 = arith.cmpi eq, %jit3A_204, %eq3A : i32
          %jit3A_206 = arith.constant 1 : i32
          %select_n3A_207 = arith.select %eq3A_205, %jit3A_206, %jit3A_204 : i32
          %rem3A_208 = arith.remsi %scan3A_180, %select_n3A_207 : i32
          %ne3A_209 = arith.constant 0 : i32
          %ne3A_210 = arith.cmpi ne, %rem3A_208, %ne3A_209 : i32
          %lt3A_211 = arith.constant 0 : i32
          %lt3A_212 = arith.cmpi slt, %rem3A_208, %lt3A_211 : i32
          %lt3A_213 = arith.constant 0 : i32
          %lt3A_214 = arith.cmpi slt, %select_n3A_207, %lt3A_213 : i32
          %ne3A_215 = arith.xori %lt3A_212, %lt3A_214 : i1
          %and3A_216 = arith.andi %ne3A_215, %ne3A_210 : i1
          %add3A_217 = arith.addi %rem3A_208, %select_n3A_207 : i32
          %select_n3A_218 = arith.select %and3A_216, %add3A_217, %rem3A_208 : i32
          %mul3A_219 = arith.constant 16 : i32
          %mul3A_220 = arith.muli %select_n3A_218, %mul3A_219 : i32
          %add3A_221 = arith.constant 2560 : i32
          %add3A_222 = arith.addi %add3A_221, %mul3A_220 : i32
          %add3A_223 = vector.broadcast %add3A_222 : i32 to vector<16xi32>
          %add3A_224 = arith.addi %iota3A, %add3A_223 : vector<16xi32>
          %select_n3A_225 = arith.select %or3A, %add3A_224, %sub3A_199 : vector<16xi1>, vector<16xi32>
          %mul3A_226 = arith.constant 16 : i32
          %mul3A_227 = arith.muli %scan3A_180, %mul3A_226 : i32
          %swap3A_228 = arith.index_cast %mul3A_227 : i32 to index
          %swap3A_229 = tpu.vector_load %arg9[%swap3A_228] {strides = array<i32>} : memref<400xi32, #tpu.memory_space<vmem>>, vector<16xi32>,
          %swap3A_230 = vector.shape_cast %swap3A_229 : vector<16xi32> to vector<16xi32>
          %swap3A_231 = vector.shape_cast %select_n3A_225 : vector<16xi32> to vector<16xi32>
          tpu.vector_store %arg9[%swap3A_228], %swap3A_231 {strides = array<i32>} : memref<400xi32, #tpu.memory_space<vmem>>, vector<16xi32>,
          %scan3A_232 = arith.constant 0 : i32
          scf.yield %scan3A_232 : i32
        }
        %scan3A_164 = arith.constant 25 : i32
        %dma_start3A = arith.constant 0 : i32
        %dma_start3A_165 = arith.constant 0 : i32
        %dma_start3A_166 = arith.constant 0 : i32
        %dma_start3A_167 = tpu.memref_slice %arg10[%dma_start3A, %dma_start3A_165, %dma_start3A_166] : memref<1x400x128xf32, #tpu.memory_space<vmem>> -> memref<1x400x128xf32, #tpu.memory_space<vmem>>
        %dma_start3A_168 = tpu.memref_squeeze %dma_start3A_167 : memref<1x400x128xf32, #tpu.memory_space<vmem>> -> memref<400x128xf32, #tpu.memory_space<vmem>>
        %dma_start3A_169 = arith.constant 0 : i32
        %dma_start3A_170 = arith.constant 0 : i32
        %dma_start3A_171 = tpu.memref_slice %arg2[%dma_start3A_169, %dma_start3A_170] : memref<20480x128xf32, #tpu.memory_space<hbm>> -> memref<20480x128xf32, #tpu.memory_space<hbm>>
        tpu.enqueue_indirect_dma source(%dma_start3A_171 : memref<20480x128xf32, #tpu.memory_space<hbm>>) target(%dma_start3A_168 : memref<400x128xf32, #tpu.memory_space<vmem>>) offsets(%arg7 : memref<400xi32, #tpu.memory_space<vmem>>) semaphore(%arg14 : memref<!tpu.dma_semaphore, #tpu.memory_space<semaphore_mem>>)
        %dma_wait3A = arith.constant 0 : i32
        %dma_wait3A_172 = arith.constant 0 : i32
        %dma_wait3A_173 = arith.constant 0 : i32
        %dma_wait3A_174 = tpu.memref_slice %arg10[%dma_wait3A, %dma_wait3A_172, %dma_wait3A_173] : memref<1x400x128xf32, #tpu.memory_space<vmem>> -> memref<1x400x128xf32, #tpu.memory_space<vmem>>
        %dma_wait3A_175 = tpu.memref_squeeze %dma_wait3A_174 : memref<1x400x128xf32, #tpu.memory_space<vmem>> -> memref<400x128xf32, #tpu.memory_space<vmem>>
        %dma_wait3A_176 = arith.constant 0 : i32
        %dma_wait3A_177 = arith.constant 0 : i32
        %dma_wait3A_178 = tpu.memref_slice %arg2[%dma_wait3A_176, %dma_wait3A_177] : memref<20480x128xf32, #tpu.memory_space<hbm>> -> memref<20480x128xf32, #tpu.memory_space<hbm>>
        tpu.wait_indirect_dma semaphore(%arg14 : memref<!tpu.dma_semaphore, #tpu.memory_space<semaphore_mem>>) src(%dma_wait3A_178 : memref<20480x128xf32, #tpu.memory_space<hbm>>) dst(%dma_wait3A_175 : memref<400x128xf32, #tpu.memory_space<vmem>>)
        %run_scoped3A = arith.constant 0 : i32
        "tpu.region"() ({
          %run_scoped3A_180 = tpu.sem_alloc : memref<!tpu.dma_semaphore, #tpu.memory_space<semaphore_mem>>
          %dma_start3A_181 = arith.constant 0 : i32
          %dma_start3A_182 = arith.constant 0 : i32
          %dma_start3A_183 = tpu.memref_slice %arg10[%run_scoped3A, %dma_start3A_181, %dma_start3A_182] : memref<1x400x128xf32, #tpu.memory_space<vmem>> -> memref<1x400x128xf32, #tpu.memory_space<vmem>>
          %dma_start3A_184 = tpu.memref_squeeze %dma_start3A_183 : memref<1x400x128xf32, #tpu.memory_space<vmem>> -> memref<400x128xf32, #tpu.memory_space<vmem>>
          %dma_start3A_185 = arith.constant 0 : i32
          %dma_start3A_186 = arith.constant 0 : i32
          %dma_start3A_187 = tpu.memref_slice %arg13[%dma_start3A_185, %dma_start3A_186] : memref<2688x128xf32, #tpu.memory_space<vmem_shared>> -> memref<2688x128xf32, #tpu.memory_space<vmem_shared>>
          tpu.enqueue_indirect_dma source(%dma_start3A_184 : memref<400x128xf32, #tpu.memory_space<vmem>>) target(%dma_start3A_187 : memref<2688x128xf32, #tpu.memory_space<vmem_shared>>) offsets(%arg9 : memref<400xi32, #tpu.memory_space<vmem>>) semaphore(%run_scoped3A_180 : memref<!tpu.dma_semaphore, #tpu.memory_space<semaphore_mem>>) {add = true}
          %dma_wait3A_188 = arith.constant 0 : i32
          %dma_wait3A_189 = arith.constant 0 : i32
          %dma_wait3A_190 = tpu.memref_slice %arg10[%run_scoped3A, %dma_wait3A_188, %dma_wait3A_189] : memref<1x400x128xf32, #tpu.memory_space<vmem>> -> memref<1x400x128xf32, #tpu.memory_space<vmem>>
          %dma_wait3A_191 = tpu.memref_squeeze %dma_wait3A_190 : memref<1x400x128xf32, #tpu.memory_space<vmem>> -> memref<400x128xf32, #tpu.memory_space<vmem>>
          %dma_wait3A_192 = arith.constant 0 : i32
          %dma_wait3A_193 = arith.constant 0 : i32
          %dma_wait3A_194 = tpu.memref_slice %arg13[%dma_wait3A_192, %dma_wait3A_193] : memref<2688x128xf32, #tpu.memory_space<vmem_shared>> -> memref<2688x128xf32, #tpu.memory_space<vmem_shared>>
          tpu.wait_indirect_dma semaphore(%run_scoped3A_180 : memref<!tpu.dma_semaphore, #tpu.memory_space<semaphore_mem>>) src(%dma_wait3A_191 : memref<400x128xf32, #tpu.memory_space<vmem>>) dst(%dma_wait3A_194 : memref<2688x128xf32, #tpu.memory_space<vmem_shared>>)
          tpu.yield
        }) : () -> ()
        %scan3A_179 = arith.constant 0 : i32
        scf.yield %scan3A_179 : i32
      }
      %scan3A_135 = arith.constant 25 : i32
      %barrier3A_136 = arith.constant 0 : index
      tpu.barrier barrier_id(%barrier3A_136)
      %mul3A_137 = arith.constant 160 : i32
      %mul3A_138 = arith.muli %arg1, %mul3A_137 : i32
      %add3A_139 = arith.constant 0 : i32
      %add3A_140 = arith.addi %mul3A_138, %add3A_139 : i32
      "tpu.region"() ({
        %run_scoped3A = tpu.sem_alloc : memref<!tpu.dma_semaphore, #tpu.memory_space<semaphore_mem>>
        %dma_start3A = arith.constant 0 : i32
        %dma_start3A_153 = arith.constant 0 : i32
        %dma_start3A_154 = tpu.memref_slice %arg12[%dma_start3A, %dma_start3A_153] : memref<80x128xf32, #tpu.memory_space<vmem>> -> memref<80x128xf32, #tpu.memory_space<vmem>>
        %dma_start3A_155 = arith.constant 0 : i32
        %dma_start3A_156 = tpu.memref_slice %arg13[%add3A_140, %dma_start3A_155] : memref<2688x128xf32, #tpu.memory_space<vmem_shared>> -> memref<80x128xf32, #tpu.memory_space<vmem_shared>>
        %dma_start3A_157 = arith.constant 0 : i32
        %dma_start3A_158 = arith.constant 0 : i32
        %dma_start3A_159 = tpu.memref_slice %arg12[%dma_start3A_157, %dma_start3A_158] : memref<80x128xf32, #tpu.memory_space<vmem>> -> memref<80x128xf32, #tpu.memory_space<vmem>>
        %dma_start3A_160 = arith.constant 0 : i32
        %dma_start3A_161 = tpu.memref_slice %arg13[%add3A_140, %dma_start3A_160] : memref<2688x128xf32, #tpu.memory_space<vmem_shared>> -> memref<80x128xf32, #tpu.memory_space<vmem_shared>>
        tpu.enqueue_dma source(%dma_start3A_161 : memref<80x128xf32, #tpu.memory_space<vmem_shared>>) target(%dma_start3A_159 : memref<80x128xf32, #tpu.memory_space<vmem>>) target_semaphore(%run_scoped3A : memref<!tpu.dma_semaphore, #tpu.memory_space<semaphore_mem>>)
        %dma_wait3A = arith.constant 0 : i32
        %dma_wait3A_162 = arith.constant 0 : i32
        %dma_wait3A_163 = tpu.memref_slice %arg12[%dma_wait3A, %dma_wait3A_162] : memref<80x128xf32, #tpu.memory_space<vmem>> -> memref<80x128xf32, #tpu.memory_space<vmem>>
        %dma_wait3A_164 = arith.constant 0 : i32
        %dma_wait3A_165 = tpu.memref_slice %arg13[%add3A_140, %dma_wait3A_164] : memref<2688x128xf32, #tpu.memory_space<vmem_shared>> -> memref<80x128xf32, #tpu.memory_space<vmem_shared>>
        %dma_wait3A_166 = arith.constant 0 : i32
        %dma_wait3A_167 = arith.constant 0 : i32
        %dma_wait3A_168 = tpu.memref_slice %arg12[%dma_wait3A_166, %dma_wait3A_167] : memref<80x128xf32, #tpu.memory_space<vmem>> -> memref<80x128xf32, #tpu.memory_space<vmem>>
        %dma_wait3A_169 = arith.constant 0 : i32
        %dma_wait3A_170 = tpu.memref_slice %arg13[%add3A_140, %dma_wait3A_169] : memref<2688x128xf32, #tpu.memory_space<vmem_shared>> -> memref<80x128xf32, #tpu.memory_space<vmem_shared>>
        tpu.wait_dma2 semaphore(%run_scoped3A : memref<!tpu.dma_semaphore, #tpu.memory_space<semaphore_mem>>) src(%dma_wait3A_170 : memref<80x128xf32, #tpu.memory_space<vmem_shared>>) dst(%dma_wait3A_168 : memref<80x128xf32, #tpu.memory_space<vmem>>)
        tpu.yield
      }) : () -> ()
      %add3A_141 = arith.addi %multiple_of3A, %multiple_of3A_42 : i32
      %add3A_142 = arith.addi %add3A_141, %add3A_140 : i32
      %multiple_of3A_143 = tpu.assume_multiple %add3A_142, 8 : i32
      "tpu.region"() ({
        %run_scoped3A = tpu.sem_alloc : memref<!tpu.dma_semaphore, #tpu.memory_space<semaphore_mem>>
        %dma_start3A = arith.constant 0 : i32
        %dma_start3A_153 = arith.constant 0 : i32
        %dma_start3A_154 = tpu.memref_slice %arg12[%dma_start3A, %dma_start3A_153] : memref<80x128xf32, #tpu.memory_space<vmem>> -> memref<80x128xf32, #tpu.memory_space<vmem>>
        %dma_start3A_155 = arith.constant 0 : i32
        %dma_start3A_156 = tpu.memref_slice %arg5[%multiple_of3A_143, %dma_start3A_155] : memref<20480x128xf32, #tpu.memory_space<hbm>> -> memref<80x128xf32, #tpu.memory_space<hbm>>
        %dma_start3A_157 = arith.constant 0 : i32
        %dma_start3A_158 = tpu.memref_slice %arg5[%multiple_of3A_143, %dma_start3A_157] : memref<20480x128xf32, #tpu.memory_space<hbm>> -> memref<80x128xf32, #tpu.memory_space<hbm>>
        %dma_start3A_159 = arith.constant 0 : i32
        %dma_start3A_160 = arith.constant 0 : i32
        %dma_start3A_161 = tpu.memref_slice %arg12[%dma_start3A_159, %dma_start3A_160] : memref<80x128xf32, #tpu.memory_space<vmem>> -> memref<80x128xf32, #tpu.memory_space<vmem>>
        tpu.enqueue_dma source(%dma_start3A_161 : memref<80x128xf32, #tpu.memory_space<vmem>>) target(%dma_start3A_158 : memref<80x128xf32, #tpu.memory_space<hbm>>) target_semaphore(%run_scoped3A : memref<!tpu.dma_semaphore, #tpu.memory_space<semaphore_mem>>)
        %dma_wait3A = arith.constant 0 : i32
        %dma_wait3A_162 = arith.constant 0 : i32
        %dma_wait3A_163 = tpu.memref_slice %arg12[%dma_wait3A, %dma_wait3A_162] : memref<80x128xf32, #tpu.memory_space<vmem>> -> memref<80x128xf32, #tpu.memory_space<vmem>>
        %dma_wait3A_164 = arith.constant 0 : i32
        %dma_wait3A_165 = tpu.memref_slice %arg5[%multiple_of3A_143, %dma_wait3A_164] : memref<20480x128xf32, #tpu.memory_space<hbm>> -> memref<80x128xf32, #tpu.memory_space<hbm>>
        %dma_wait3A_166 = arith.constant 0 : i32
        %dma_wait3A_167 = tpu.memref_slice %arg5[%multiple_of3A_143, %dma_wait3A_166] : memref<20480x128xf32, #tpu.memory_space<hbm>> -> memref<80x128xf32, #tpu.memory_space<hbm>>
        %dma_wait3A_168 = arith.constant 0 : i32
        %dma_wait3A_169 = arith.constant 0 : i32
        %dma_wait3A_170 = tpu.memref_slice %arg12[%dma_wait3A_168, %dma_wait3A_169] : memref<80x128xf32, #tpu.memory_space<vmem>> -> memref<80x128xf32, #tpu.memory_space<vmem>>
        tpu.wait_dma2 semaphore(%run_scoped3A : memref<!tpu.dma_semaphore, #tpu.memory_space<semaphore_mem>>) src(%dma_wait3A_170 : memref<80x128xf32, #tpu.memory_space<vmem>>) dst(%dma_wait3A_167 : memref<80x128xf32, #tpu.memory_space<hbm>>)
        tpu.yield
      }) : () -> ()
      %mul3A_144 = arith.constant 160 : i32
      %mul3A_145 = arith.muli %arg1, %mul3A_144 : i32
      %add3A_146 = arith.constant 80 : i32
      %add3A_147 = arith.addi %mul3A_145, %add3A_146 : i32
      "tpu.region"() ({
        %run_scoped3A = tpu.sem_alloc : memref<!tpu.dma_semaphore, #tpu.memory_space<semaphore_mem>>
        %dma_start3A = arith.constant 0 : i32
        %dma_start3A_153 = arith.constant 0 : i32
        %dma_start3A_154 = tpu.memref_slice %arg12[%dma_start3A, %dma_start3A_153] : memref<80x128xf32, #tpu.memory_space<vmem>> -> memref<80x128xf32, #tpu.memory_space<vmem>>
        %dma_start3A_155 = arith.constant 0 : i32
        %dma_start3A_156 = tpu.memref_slice %arg13[%add3A_147, %dma_start3A_155] : memref<2688x128xf32, #tpu.memory_space<vmem_shared>> -> memref<80x128xf32, #tpu.memory_space<vmem_shared>>
        %dma_start3A_157 = arith.constant 0 : i32
        %dma_start3A_158 = arith.constant 0 : i32
        %dma_start3A_159 = tpu.memref_slice %arg12[%dma_start3A_157, %dma_start3A_158] : memref<80x128xf32, #tpu.memory_space<vmem>> -> memref<80x128xf32, #tpu.memory_space<vmem>>
        %dma_start3A_160 = arith.constant 0 : i32
        %dma_start3A_161 = tpu.memref_slice %arg13[%add3A_147, %dma_start3A_160] : memref<2688x128xf32, #tpu.memory_space<vmem_shared>> -> memref<80x128xf32, #tpu.memory_space<vmem_shared>>
        tpu.enqueue_dma source(%dma_start3A_161 : memref<80x128xf32, #tpu.memory_space<vmem_shared>>) target(%dma_start3A_159 : memref<80x128xf32, #tpu.memory_space<vmem>>) target_semaphore(%run_scoped3A : memref<!tpu.dma_semaphore, #tpu.memory_space<semaphore_mem>>)
        %dma_wait3A = arith.constant 0 : i32
        %dma_wait3A_162 = arith.constant 0 : i32
        %dma_wait3A_163 = tpu.memref_slice %arg12[%dma_wait3A, %dma_wait3A_162] : memref<80x128xf32, #tpu.memory_space<vmem>> -> memref<80x128xf32, #tpu.memory_space<vmem>>
        %dma_wait3A_164 = arith.constant 0 : i32
        %dma_wait3A_165 = tpu.memref_slice %arg13[%add3A_147, %dma_wait3A_164] : memref<2688x128xf32, #tpu.memory_space<vmem_shared>> -> memref<80x128xf32, #tpu.memory_space<vmem_shared>>
        %dma_wait3A_166 = arith.constant 0 : i32
        %dma_wait3A_167 = arith.constant 0 : i32
        %dma_wait3A_168 = tpu.memref_slice %arg12[%dma_wait3A_166, %dma_wait3A_167] : memref<80x128xf32, #tpu.memory_space<vmem>> -> memref<80x128xf32, #tpu.memory_space<vmem>>
        %dma_wait3A_169 = arith.constant 0 : i32
        %dma_wait3A_170 = tpu.memref_slice %arg13[%add3A_147, %dma_wait3A_169] : memref<2688x128xf32, #tpu.memory_space<vmem_shared>> -> memref<80x128xf32, #tpu.memory_space<vmem_shared>>
        tpu.wait_dma2 semaphore(%run_scoped3A : memref<!tpu.dma_semaphore, #tpu.memory_space<semaphore_mem>>) src(%dma_wait3A_170 : memref<80x128xf32, #tpu.memory_space<vmem_shared>>) dst(%dma_wait3A_168 : memref<80x128xf32, #tpu.memory_space<vmem>>)
        tpu.yield
      }) : () -> ()
      %add3A_148 = arith.addi %multiple_of3A, %multiple_of3A_42 : i32
      %add3A_149 = arith.addi %add3A_148, %add3A_147 : i32
      %multiple_of3A_150 = tpu.assume_multiple %add3A_149, 8 : i32
      "tpu.region"() ({
        %run_scoped3A = tpu.sem_alloc : memref<!tpu.dma_semaphore, #tpu.memory_space<semaphore_mem>>
        %dma_start3A = arith.constant 0 : i32
        %dma_start3A_153 = arith.constant 0 : i32
        %dma_start3A_154 = tpu.memref_slice %arg12[%dma_start3A, %dma_start3A_153] : memref<80x128xf32, #tpu.memory_space<vmem>> -> memref<80x128xf32, #tpu.memory_space<vmem>>
        %dma_start3A_155 = arith.constant 0 : i32
        %dma_start3A_156 = tpu.memref_slice %arg5[%multiple_of3A_150, %dma_start3A_155] : memref<20480x128xf32, #tpu.memory_space<hbm>> -> memref<80x128xf32, #tpu.memory_space<hbm>>
        %dma_start3A_157 = arith.constant 0 : i32
        %dma_start3A_158 = tpu.memref_slice %arg5[%multiple_of3A_150, %dma_start3A_157] : memref<20480x128xf32, #tpu.memory_space<hbm>> -> memref<80x128xf32, #tpu.memory_space<hbm>>
        %dma_start3A_159 = arith.constant 0 : i32
        %dma_start3A_160 = arith.constant 0 : i32
        %dma_start3A_161 = tpu.memref_slice %arg12[%dma_start3A_159, %dma_start3A_160] : memref<80x128xf32, #tpu.memory_space<vmem>> -> memref<80x128xf32, #tpu.memory_space<vmem>>
        tpu.enqueue_dma source(%dma_start3A_161 : memref<80x128xf32, #tpu.memory_space<vmem>>) target(%dma_start3A_158 : memref<80x128xf32, #tpu.memory_space<hbm>>) target_semaphore(%run_scoped3A : memref<!tpu.dma_semaphore, #tpu.memory_space<semaphore_mem>>)
        %dma_wait3A = arith.constant 0 : i32
        %dma_wait3A_162 = arith.constant 0 : i32
        %dma_wait3A_163 = tpu.memref_slice %arg12[%dma_wait3A, %dma_wait3A_162] : memref<80x128xf32, #tpu.memory_space<vmem>> -> memref<80x128xf32, #tpu.memory_space<vmem>>
        %dma_wait3A_164 = arith.constant 0 : i32
        %dma_wait3A_165 = tpu.memref_slice %arg5[%multiple_of3A_150, %dma_wait3A_164] : memref<20480x128xf32, #tpu.memory_space<hbm>> -> memref<80x128xf32, #tpu.memory_space<hbm>>
        %dma_wait3A_166 = arith.constant 0 : i32
        %dma_wait3A_167 = tpu.memref_slice %arg5[%multiple_of3A_150, %dma_wait3A_166] : memref<20480x128xf32, #tpu.memory_space<hbm>> -> memref<80x128xf32, #tpu.memory_space<hbm>>
        %dma_wait3A_168 = arith.constant 0 : i32
        %dma_wait3A_169 = arith.constant 0 : i32
        %dma_wait3A_170 = tpu.memref_slice %arg12[%dma_wait3A_168, %dma_wait3A_169] : memref<80x128xf32, #tpu.memory_space<vmem>> -> memref<80x128xf32, #tpu.memory_space<vmem>>
        tpu.wait_dma2 semaphore(%run_scoped3A : memref<!tpu.dma_semaphore, #tpu.memory_space<semaphore_mem>>) src(%dma_wait3A_170 : memref<80x128xf32, #tpu.memory_space<vmem>>) dst(%dma_wait3A_167 : memref<80x128xf32, #tpu.memory_space<hbm>>)
        tpu.yield
      }) : () -> ()
      %barrier3A_151 = arith.constant 0 : index
      tpu.barrier barrier_id(%barrier3A_151)
      %scan3A_152 = arith.constant 0 : i32
      scf.yield %scan3A_152 : i32
    }
    %scan3A_15 = arith.constant 4 : i32
    return
  }
}

#map = affine_map<(d0, d1) -> (0, 0)>
#map1 = affine_map<(d0, d1) -> (0)>
module attributes {stable_mosaic.version = 14 : i64} {
  func.func @_edge_body(%arg0: i32, %arg1: i32, %arg2: memref<8x128xf32, #tpu.memory_space<hbm>>, %arg3: memref<160000xi32, #tpu.memory_space<hbm>>, %arg4: memref<160000xi32, #tpu.memory_space<hbm>>, %arg5: memref<10240x128xf32, #tpu.memory_space<hbm>>, %arg6: memref<400xi32, #tpu.memory_space<vmem>>, %arg7: memref<400xi32, #tpu.memory_space<vmem>>, %arg8: memref<400xi32, #tpu.memory_space<vmem>>, %arg9: memref<400xi32, #tpu.memory_space<vmem>>, %arg10: memref<1x400x128xf32, #tpu.memory_space<vmem>>, %arg11: memref<8x128xf32, #tpu.memory_space<vmem>>, %arg12: memref<80x128xf32, #tpu.memory_space<vmem>>, %arg13: memref<2688x128xf32, #tpu.memory_space<vmem_shared>>, %arg14: memref<!tpu.dma_semaphore, #tpu.memory_space<semaphore_mem>>) attributes {dimension_semantics = [#tpu.dimension_semantics<core_parallel>, #tpu.dimension_semantics<subcore_parallel>], iteration_bounds = array<i64: 2, 16>, scalar_prefetch = 0 : i64, scratch_operands = 9 : i64, tpu.core_type = #tpu.core_type<sc_vector_subcore>, window_params = [{transform_indices = #map}, {transform_indices = #map1}, {transform_indices = #map1}, {transform_indices = #map}]} {
    %broadcast_in_dim3A = arith.constant 0.000000e+00 : f32
    %broadcast_in_dim3A_0 = vector.broadcast %broadcast_in_dim3A : f32 to vector<16xf32>
    %broadcast_in_dim3A_1 = arith.constant 1.000000e+00 : f32
    %broadcast_in_dim3A_2 = vector.broadcast %broadcast_in_dim3A_1 : f32 to vector<16xf32>
    %scan3A = arith.constant 0 : i32
    %scan3A_3 = arith.constant 0 : i32
    %scan3A_4 = arith.constant 8 : i32
    %scan3A_5 = arith.addi %scan3A_3, %scan3A_4 : i32
    %scan3A_6 = arith.constant 1 : i32
    %scan3A_7 = scf.for %scan3A_23 = %scan3A_3 to %scan3A_5 step %scan3A_6 iter_args(%scan3A_24 = %scan3A) -> (i32)  : i32 {
      %swap3A = arith.index_cast %scan3A_23 : i32 to index
      %swap3A_25 = arith.constant 0 : index
      %swap3A_26 = tpu.vector_load %arg11[%swap3A, %swap3A_25] {strides = array<i32>} : memref<8x128xf32, #tpu.memory_space<vmem>>, vector<1x16xf32>,
      %swap3A_27 = vector.shape_cast %swap3A_26 : vector<1x16xf32> to vector<16xf32>
      %swap3A_28 = vector.shape_cast %broadcast_in_dim3A_0 : vector<16xf32> to vector<1x16xf32>
      tpu.vector_store %arg11[%swap3A, %swap3A_25], %swap3A_28 {strides = array<i32>} : memref<8x128xf32, #tpu.memory_space<vmem>>, vector<1x16xf32>,
      %swap3A_29 = arith.index_cast %scan3A_23 : i32 to index
      %swap3A_30 = arith.constant 16 : index
      %swap3A_31 = tpu.vector_load %arg11[%swap3A_29, %swap3A_30] {strides = array<i32>} : memref<8x128xf32, #tpu.memory_space<vmem>>, vector<1x16xf32>,
      %swap3A_32 = vector.shape_cast %swap3A_31 : vector<1x16xf32> to vector<16xf32>
      %swap3A_33 = vector.shape_cast %broadcast_in_dim3A_0 : vector<16xf32> to vector<1x16xf32>
      tpu.vector_store %arg11[%swap3A_29, %swap3A_30], %swap3A_33 {strides = array<i32>} : memref<8x128xf32, #tpu.memory_space<vmem>>, vector<1x16xf32>,
      %swap3A_34 = arith.index_cast %scan3A_23 : i32 to index
      %swap3A_35 = arith.constant 32 : index
      %swap3A_36 = tpu.vector_load %arg11[%swap3A_34, %swap3A_35] {strides = array<i32>} : memref<8x128xf32, #tpu.memory_space<vmem>>, vector<1x16xf32>,
      %swap3A_37 = vector.shape_cast %swap3A_36 : vector<1x16xf32> to vector<16xf32>
      %swap3A_38 = vector.shape_cast %broadcast_in_dim3A_0 : vector<16xf32> to vector<1x16xf32>
      tpu.vector_store %arg11[%swap3A_34, %swap3A_35], %swap3A_38 {strides = array<i32>} : memref<8x128xf32, #tpu.memory_space<vmem>>, vector<1x16xf32>,
      %swap3A_39 = arith.index_cast %scan3A_23 : i32 to index
      %swap3A_40 = arith.constant 48 : index
      %swap3A_41 = tpu.vector_load %arg11[%swap3A_39, %swap3A_40] {strides = array<i32>} : memref<8x128xf32, #tpu.memory_space<vmem>>, vector<1x16xf32>,
      %swap3A_42 = vector.shape_cast %swap3A_41 : vector<1x16xf32> to vector<16xf32>
      %swap3A_43 = vector.shape_cast %broadcast_in_dim3A_0 : vector<16xf32> to vector<1x16xf32>
      tpu.vector_store %arg11[%swap3A_39, %swap3A_40], %swap3A_43 {strides = array<i32>} : memref<8x128xf32, #tpu.memory_space<vmem>>, vector<1x16xf32>,
      %swap3A_44 = arith.index_cast %scan3A_23 : i32 to index
      %swap3A_45 = arith.constant 64 : index
      %swap3A_46 = tpu.vector_load %arg11[%swap3A_44, %swap3A_45] {strides = array<i32>} : memref<8x128xf32, #tpu.memory_space<vmem>>, vector<1x16xf32>,
      %swap3A_47 = vector.shape_cast %swap3A_46 : vector<1x16xf32> to vector<16xf32>
      %swap3A_48 = vector.shape_cast %broadcast_in_dim3A_0 : vector<16xf32> to vector<1x16xf32>
      tpu.vector_store %arg11[%swap3A_44, %swap3A_45], %swap3A_48 {strides = array<i32>} : memref<8x128xf32, #tpu.memory_space<vmem>>, vector<1x16xf32>,
      %swap3A_49 = arith.index_cast %scan3A_23 : i32 to index
      %swap3A_50 = arith.constant 80 : index
      %swap3A_51 = tpu.vector_load %arg11[%swap3A_49, %swap3A_50] {strides = array<i32>} : memref<8x128xf32, #tpu.memory_space<vmem>>, vector<1x16xf32>,
      %swap3A_52 = vector.shape_cast %swap3A_51 : vector<1x16xf32> to vector<16xf32>
      %swap3A_53 = vector.shape_cast %broadcast_in_dim3A_0 : vector<16xf32> to vector<1x16xf32>
      tpu.vector_store %arg11[%swap3A_49, %swap3A_50], %swap3A_53 {strides = array<i32>} : memref<8x128xf32, #tpu.memory_space<vmem>>, vector<1x16xf32>,
      %swap3A_54 = arith.index_cast %scan3A_23 : i32 to index
      %swap3A_55 = arith.constant 96 : index
      %swap3A_56 = tpu.vector_load %arg11[%swap3A_54, %swap3A_55] {strides = array<i32>} : memref<8x128xf32, #tpu.memory_space<vmem>>, vector<1x16xf32>,
      %swap3A_57 = vector.shape_cast %swap3A_56 : vector<1x16xf32> to vector<16xf32>
      %swap3A_58 = vector.shape_cast %broadcast_in_dim3A_0 : vector<16xf32> to vector<1x16xf32>
      tpu.vector_store %arg11[%swap3A_54, %swap3A_55], %swap3A_58 {strides = array<i32>} : memref<8x128xf32, #tpu.memory_space<vmem>>, vector<1x16xf32>,
      %swap3A_59 = arith.index_cast %scan3A_23 : i32 to index
      %swap3A_60 = arith.constant 112 : index
      %swap3A_61 = tpu.vector_load %arg11[%swap3A_59, %swap3A_60] {strides = array<i32>} : memref<8x128xf32, #tpu.memory_space<vmem>>, vector<1x16xf32>,
      %swap3A_62 = vector.shape_cast %swap3A_61 : vector<1x16xf32> to vector<16xf32>
      %swap3A_63 = vector.shape_cast %broadcast_in_dim3A_0 : vector<16xf32> to vector<1x16xf32>
      tpu.vector_store %arg11[%swap3A_59, %swap3A_60], %swap3A_63 {strides = array<i32>} : memref<8x128xf32, #tpu.memory_space<vmem>>, vector<1x16xf32>,
      %scan3A_64 = arith.constant 0 : i32
      scf.yield %scan3A_64 : i32
    }
    %scan3A_8 = arith.constant 8 : i32
    %scan3A_9 = arith.constant 0 : i32
    %scan3A_10 = arith.constant 0 : i32
    %scan3A_11 = arith.constant 400 : i32
    %scan3A_12 = arith.addi %scan3A_10, %scan3A_11 : i32
    %scan3A_13 = arith.constant 1 : i32
    %scan3A_14 = scf.for %scan3A_23 = %scan3A_10 to %scan3A_12 step %scan3A_13 iter_args(%scan3A_24 = %scan3A_9) -> (i32)  : i32 {
      %swap3A = arith.constant 0 : i32
      %swap3A_25 = arith.index_cast %swap3A : i32 to index
      %swap3A_26 = arith.index_cast %scan3A_23 : i32 to index
      %swap3A_27 = arith.constant 0 : index
      %swap3A_28 = tpu.vector_load %arg10[%swap3A_25, %swap3A_26, %swap3A_27] {strides = array<i32>} : memref<1x400x128xf32, #tpu.memory_space<vmem>>, vector<1x1x16xf32>,
      %swap3A_29 = vector.shape_cast %swap3A_28 : vector<1x1x16xf32> to vector<16xf32>
      %swap3A_30 = vector.shape_cast %broadcast_in_dim3A_2 : vector<16xf32> to vector<1x1x16xf32>
      tpu.vector_store %arg10[%swap3A_25, %swap3A_26, %swap3A_27], %swap3A_30 {strides = array<i32>} : memref<1x400x128xf32, #tpu.memory_space<vmem>>, vector<1x1x16xf32>,
      %swap3A_31 = arith.constant 0 : i32
      %swap3A_32 = arith.index_cast %swap3A_31 : i32 to index
      %swap3A_33 = arith.index_cast %scan3A_23 : i32 to index
      %swap3A_34 = arith.constant 16 : index
      %swap3A_35 = tpu.vector_load %arg10[%swap3A_32, %swap3A_33, %swap3A_34] {strides = array<i32>} : memref<1x400x128xf32, #tpu.memory_space<vmem>>, vector<1x1x16xf32>,
      %swap3A_36 = vector.shape_cast %swap3A_35 : vector<1x1x16xf32> to vector<16xf32>
      %swap3A_37 = vector.shape_cast %broadcast_in_dim3A_2 : vector<16xf32> to vector<1x1x16xf32>
      tpu.vector_store %arg10[%swap3A_32, %swap3A_33, %swap3A_34], %swap3A_37 {strides = array<i32>} : memref<1x400x128xf32, #tpu.memory_space<vmem>>, vector<1x1x16xf32>,
      %swap3A_38 = arith.constant 0 : i32
      %swap3A_39 = arith.index_cast %swap3A_38 : i32 to index
      %swap3A_40 = arith.index_cast %scan3A_23 : i32 to index
      %swap3A_41 = arith.constant 32 : index
      %swap3A_42 = tpu.vector_load %arg10[%swap3A_39, %swap3A_40, %swap3A_41] {strides = array<i32>} : memref<1x400x128xf32, #tpu.memory_space<vmem>>, vector<1x1x16xf32>,
      %swap3A_43 = vector.shape_cast %swap3A_42 : vector<1x1x16xf32> to vector<16xf32>
      %swap3A_44 = vector.shape_cast %broadcast_in_dim3A_2 : vector<16xf32> to vector<1x1x16xf32>
      tpu.vector_store %arg10[%swap3A_39, %swap3A_40, %swap3A_41], %swap3A_44 {strides = array<i32>} : memref<1x400x128xf32, #tpu.memory_space<vmem>>, vector<1x1x16xf32>,
      %swap3A_45 = arith.constant 0 : i32
      %swap3A_46 = arith.index_cast %swap3A_45 : i32 to index
      %swap3A_47 = arith.index_cast %scan3A_23 : i32 to index
      %swap3A_48 = arith.constant 48 : index
      %swap3A_49 = tpu.vector_load %arg10[%swap3A_46, %swap3A_47, %swap3A_48] {strides = array<i32>} : memref<1x400x128xf32, #tpu.memory_space<vmem>>, vector<1x1x16xf32>,
      %swap3A_50 = vector.shape_cast %swap3A_49 : vector<1x1x16xf32> to vector<16xf32>
      %swap3A_51 = vector.shape_cast %broadcast_in_dim3A_2 : vector<16xf32> to vector<1x1x16xf32>
      tpu.vector_store %arg10[%swap3A_46, %swap3A_47, %swap3A_48], %swap3A_51 {strides = array<i32>} : memref<1x400x128xf32, #tpu.memory_space<vmem>>, vector<1x1x16xf32>,
      %swap3A_52 = arith.constant 0 : i32
      %swap3A_53 = arith.index_cast %swap3A_52 : i32 to index
      %swap3A_54 = arith.index_cast %scan3A_23 : i32 to index
      %swap3A_55 = arith.constant 64 : index
      %swap3A_56 = tpu.vector_load %arg10[%swap3A_53, %swap3A_54, %swap3A_55] {strides = array<i32>} : memref<1x400x128xf32, #tpu.memory_space<vmem>>, vector<1x1x16xf32>,
      %swap3A_57 = vector.shape_cast %swap3A_56 : vector<1x1x16xf32> to vector<16xf32>
      %swap3A_58 = vector.shape_cast %broadcast_in_dim3A_2 : vector<16xf32> to vector<1x1x16xf32>
      tpu.vector_store %arg10[%swap3A_53, %swap3A_54, %swap3A_55], %swap3A_58 {strides = array<i32>} : memref<1x400x128xf32, #tpu.memory_space<vmem>>, vector<1x1x16xf32>,
      %swap3A_59 = arith.constant 0 : i32
      %swap3A_60 = arith.index_cast %swap3A_59 : i32 to index
      %swap3A_61 = arith.index_cast %scan3A_23 : i32 to index
      %swap3A_62 = arith.constant 80 : index
      %swap3A_63 = tpu.vector_load %arg10[%swap3A_60, %swap3A_61, %swap3A_62] {strides = array<i32>} : memref<1x400x128xf32, #tpu.memory_space<vmem>>, vector<1x1x16xf32>,
      %swap3A_64 = vector.shape_cast %swap3A_63 : vector<1x1x16xf32> to vector<16xf32>
      %swap3A_65 = vector.shape_cast %broadcast_in_dim3A_2 : vector<16xf32> to vector<1x1x16xf32>
      tpu.vector_store %arg10[%swap3A_60, %swap3A_61, %swap3A_62], %swap3A_65 {strides = array<i32>} : memref<1x400x128xf32, #tpu.memory_space<vmem>>, vector<1x1x16xf32>,
      %swap3A_66 = arith.constant 0 : i32
      %swap3A_67 = arith.index_cast %swap3A_66 : i32 to index
      %swap3A_68 = arith.index_cast %scan3A_23 : i32 to index
      %swap3A_69 = arith.constant 96 : index
      %swap3A_70 = tpu.vector_load %arg10[%swap3A_67, %swap3A_68, %swap3A_69] {strides = array<i32>} : memref<1x400x128xf32, #tpu.memory_space<vmem>>, vector<1x1x16xf32>,
      %swap3A_71 = vector.shape_cast %swap3A_70 : vector<1x1x16xf32> to vector<16xf32>
      %swap3A_72 = vector.shape_cast %broadcast_in_dim3A_2 : vector<16xf32> to vector<1x1x16xf32>
      tpu.vector_store %arg10[%swap3A_67, %swap3A_68, %swap3A_69], %swap3A_72 {strides = array<i32>} : memref<1x400x128xf32, #tpu.memory_space<vmem>>, vector<1x1x16xf32>,
      %swap3A_73 = arith.constant 0 : i32
      %swap3A_74 = arith.index_cast %swap3A_73 : i32 to index
      %swap3A_75 = arith.index_cast %scan3A_23 : i32 to index
      %swap3A_76 = arith.constant 112 : index
      %swap3A_77 = tpu.vector_load %arg10[%swap3A_74, %swap3A_75, %swap3A_76] {strides = array<i32>} : memref<1x400x128xf32, #tpu.memory_space<vmem>>, vector<1x1x16xf32>,
      %swap3A_78 = vector.shape_cast %swap3A_77 : vector<1x1x16xf32> to vector<16xf32>
      %swap3A_79 = vector.shape_cast %broadcast_in_dim3A_2 : vector<16xf32> to vector<1x1x16xf32>
      tpu.vector_store %arg10[%swap3A_74, %swap3A_75, %swap3A_76], %swap3A_79 {strides = array<i32>} : memref<1x400x128xf32, #tpu.memory_space<vmem>>, vector<1x1x16xf32>,
      %scan3A_80 = arith.constant 0 : i32
      scf.yield %scan3A_80 : i32
    }
    %scan3A_15 = arith.constant 400 : i32
    %scan3A_16 = arith.constant 0 : i32
    %scan3A_17 = arith.constant 0 : i32
    %scan3A_18 = arith.constant 2 : i32
    %scan3A_19 = arith.addi %scan3A_17, %scan3A_18 : i32
    %scan3A_20 = arith.constant 1 : i32
    %scan3A_21 = scf.for %scan3A_23 = %scan3A_17 to %scan3A_19 step %scan3A_20 iter_args(%scan3A_24 = %scan3A_16) -> (i32)  : i32 {
      %jit3A = arith.constant 2 : i32
      %div3A = arith.divsi %scan3A_23, %jit3A : i32
      %sign3A = arith.constant 0 : i32
      %sign3A_25 = arith.cmpi sgt, %scan3A_23, %sign3A : i32
      %sign3A_26 = arith.extui %sign3A_25 : i1 to i32
      %sign3A_27 = arith.constant 0 : i32
      %sign3A_28 = arith.cmpi slt, %scan3A_23, %sign3A_27 : i32
      %sign3A_29 = arith.extui %sign3A_28 : i1 to i32
      %sign3A_30 = arith.subi %sign3A_26, %sign3A_29 : i32
      %sign3A_31 = arith.constant 0 : i32
      %sign3A_32 = arith.cmpi sgt, %jit3A, %sign3A_31 : i32
      %sign3A_33 = arith.extui %sign3A_32 : i1 to i32
      %sign3A_34 = arith.constant 0 : i32
      %sign3A_35 = arith.cmpi slt, %jit3A, %sign3A_34 : i32
      %sign3A_36 = arith.extui %sign3A_35 : i1 to i32
      %sign3A_37 = arith.subi %sign3A_33, %sign3A_36 : i32
      %ne3A = arith.cmpi ne, %sign3A_30, %sign3A_37 : i32
      %rem3A = arith.remsi %scan3A_23, %jit3A : i32
      %ne3A_38 = arith.constant 0 : i32
      %ne3A_39 = arith.cmpi ne, %rem3A, %ne3A_38 : i32
      %and3A = arith.andi %ne3A, %ne3A_39 : i1
      %sub3A = arith.constant 1 : i32
      %sub3A_40 = arith.subi %div3A, %sub3A : i32
      %select_n3A = arith.select %and3A, %sub3A_40, %div3A : i32
      %mul3A = arith.constant 2 : i32
      %mul3A_41 = arith.muli %mul3A, %select_n3A : i32
      %sub3A_42 = arith.subi %scan3A_23, %mul3A_41 : i32
      %mul3A_43 = arith.constant 10240 : i32
      %mul3A_44 = arith.muli %select_n3A, %mul3A_43 : i32
      %multiple_of3A = tpu.assume_multiple %mul3A_44, 8 : i32
      %mul3A_45 = arith.constant 2 : i32
      %mul3A_46 = arith.muli %mul3A_45, %arg0 : i32
      %add3A = arith.addi %mul3A_46, %sub3A_42 : i32
      %mul3A_47 = arith.constant 2560 : i32
      %mul3A_48 = arith.muli %add3A, %mul3A_47 : i32
      %multiple_of3A_49 = tpu.assume_multiple %mul3A_48, 8 : i32
      %mul3A_50 = arith.constant 168 : i32
      %mul3A_51 = arith.muli %arg1, %mul3A_50 : i32
      %add3A_52 = arith.constant 0 : i32
      %add3A_53 = arith.addi %mul3A_51, %add3A_52 : i32
      "tpu.region"() ({
        %run_scoped3A = tpu.sem_alloc : memref<!tpu.dma_semaphore, #tpu.memory_space<semaphore_mem>>
        %dma_start3A = arith.constant 0 : i32
        %dma_start3A_160 = tpu.memref_slice %arg13[%add3A_53, %dma_start3A] : memref<2688x128xf32, #tpu.memory_space<vmem_shared>> -> memref<8x128xf32, #tpu.memory_space<vmem_shared>>
        %dma_start3A_161 = arith.constant 0 : i32
        %dma_start3A_162 = tpu.memref_slice %arg13[%add3A_53, %dma_start3A_161] : memref<2688x128xf32, #tpu.memory_space<vmem_shared>> -> memref<8x128xf32, #tpu.memory_space<vmem_shared>>
        tpu.enqueue_dma source(%arg11 : memref<8x128xf32, #tpu.memory_space<vmem>>) target(%dma_start3A_162 : memref<8x128xf32, #tpu.memory_space<vmem_shared>>) target_semaphore(%run_scoped3A : memref<!tpu.dma_semaphore, #tpu.memory_space<semaphore_mem>>)
        %dma_wait3A = arith.constant 0 : i32
        %dma_wait3A_163 = tpu.memref_slice %arg13[%add3A_53, %dma_wait3A] : memref<2688x128xf32, #tpu.memory_space<vmem_shared>> -> memref<8x128xf32, #tpu.memory_space<vmem_shared>>
        %dma_wait3A_164 = arith.constant 0 : i32
        %dma_wait3A_165 = tpu.memref_slice %arg13[%add3A_53, %dma_wait3A_164] : memref<2688x128xf32, #tpu.memory_space<vmem_shared>> -> memref<8x128xf32, #tpu.memory_space<vmem_shared>>
        tpu.wait_dma2 semaphore(%run_scoped3A : memref<!tpu.dma_semaphore, #tpu.memory_space<semaphore_mem>>) src(%arg11 : memref<8x128xf32, #tpu.memory_space<vmem>>) dst(%dma_wait3A_165 : memref<8x128xf32, #tpu.memory_space<vmem_shared>>)
        tpu.yield
      }) : () -> ()
      %mul3A_54 = arith.constant 168 : i32
      %mul3A_55 = arith.muli %arg1, %mul3A_54 : i32
      %add3A_56 = arith.constant 8 : i32
      %add3A_57 = arith.addi %mul3A_55, %add3A_56 : i32
      "tpu.region"() ({
        %run_scoped3A = tpu.sem_alloc : memref<!tpu.dma_semaphore, #tpu.memory_space<semaphore_mem>>
        %dma_start3A = arith.constant 0 : i32
        %dma_start3A_160 = tpu.memref_slice %arg13[%add3A_57, %dma_start3A] : memref<2688x128xf32, #tpu.memory_space<vmem_shared>> -> memref<8x128xf32, #tpu.memory_space<vmem_shared>>
        %dma_start3A_161 = arith.constant 0 : i32
        %dma_start3A_162 = tpu.memref_slice %arg13[%add3A_57, %dma_start3A_161] : memref<2688x128xf32, #tpu.memory_space<vmem_shared>> -> memref<8x128xf32, #tpu.memory_space<vmem_shared>>
        tpu.enqueue_dma source(%arg11 : memref<8x128xf32, #tpu.memory_space<vmem>>) target(%dma_start3A_162 : memref<8x128xf32, #tpu.memory_space<vmem_shared>>) target_semaphore(%run_scoped3A : memref<!tpu.dma_semaphore, #tpu.memory_space<semaphore_mem>>)
        %dma_wait3A = arith.constant 0 : i32
        %dma_wait3A_163 = tpu.memref_slice %arg13[%add3A_57, %dma_wait3A] : memref<2688x128xf32, #tpu.memory_space<vmem_shared>> -> memref<8x128xf32, #tpu.memory_space<vmem_shared>>
        %dma_wait3A_164 = arith.constant 0 : i32
        %dma_wait3A_165 = tpu.memref_slice %arg13[%add3A_57, %dma_wait3A_164] : memref<2688x128xf32, #tpu.memory_space<vmem_shared>> -> memref<8x128xf32, #tpu.memory_space<vmem_shared>>
        tpu.wait_dma2 semaphore(%run_scoped3A : memref<!tpu.dma_semaphore, #tpu.memory_space<semaphore_mem>>) src(%arg11 : memref<8x128xf32, #tpu.memory_space<vmem>>) dst(%dma_wait3A_165 : memref<8x128xf32, #tpu.memory_space<vmem_shared>>)
        tpu.yield
      }) : () -> ()
      %mul3A_58 = arith.constant 168 : i32
      %mul3A_59 = arith.muli %arg1, %mul3A_58 : i32
      %add3A_60 = arith.constant 16 : i32
      %add3A_61 = arith.addi %mul3A_59, %add3A_60 : i32
      "tpu.region"() ({
        %run_scoped3A = tpu.sem_alloc : memref<!tpu.dma_semaphore, #tpu.memory_space<semaphore_mem>>
        %dma_start3A = arith.constant 0 : i32
        %dma_start3A_160 = tpu.memref_slice %arg13[%add3A_61, %dma_start3A] : memref<2688x128xf32, #tpu.memory_space<vmem_shared>> -> memref<8x128xf32, #tpu.memory_space<vmem_shared>>
        %dma_start3A_161 = arith.constant 0 : i32
        %dma_start3A_162 = tpu.memref_slice %arg13[%add3A_61, %dma_start3A_161] : memref<2688x128xf32, #tpu.memory_space<vmem_shared>> -> memref<8x128xf32, #tpu.memory_space<vmem_shared>>
        tpu.enqueue_dma source(%arg11 : memref<8x128xf32, #tpu.memory_space<vmem>>) target(%dma_start3A_162 : memref<8x128xf32, #tpu.memory_space<vmem_shared>>) target_semaphore(%run_scoped3A : memref<!tpu.dma_semaphore, #tpu.memory_space<semaphore_mem>>)
        %dma_wait3A = arith.constant 0 : i32
        %dma_wait3A_163 = tpu.memref_slice %arg13[%add3A_61, %dma_wait3A] : memref<2688x128xf32, #tpu.memory_space<vmem_shared>> -> memref<8x128xf32, #tpu.memory_space<vmem_shared>>
        %dma_wait3A_164 = arith.constant 0 : i32
        %dma_wait3A_165 = tpu.memref_slice %arg13[%add3A_61, %dma_wait3A_164] : memref<2688x128xf32, #tpu.memory_space<vmem_shared>> -> memref<8x128xf32, #tpu.memory_space<vmem_shared>>
        tpu.wait_dma2 semaphore(%run_scoped3A : memref<!tpu.dma_semaphore, #tpu.memory_space<semaphore_mem>>) src(%arg11 : memref<8x128xf32, #tpu.memory_space<vmem>>) dst(%dma_wait3A_165 : memref<8x128xf32, #tpu.memory_space<vmem_shared>>)
        tpu.yield
      }) : () -> ()
      %mul3A_62 = arith.constant 168 : i32
      %mul3A_63 = arith.muli %arg1, %mul3A_62 : i32
      %add3A_64 = arith.constant 24 : i32
      %add3A_65 = arith.addi %mul3A_63, %add3A_64 : i32
      "tpu.region"() ({
        %run_scoped3A = tpu.sem_alloc : memref<!tpu.dma_semaphore, #tpu.memory_space<semaphore_mem>>
        %dma_start3A = arith.constant 0 : i32
        %dma_start3A_160 = tpu.memref_slice %arg13[%add3A_65, %dma_start3A] : memref<2688x128xf32, #tpu.memory_space<vmem_shared>> -> memref<8x128xf32, #tpu.memory_space<vmem_shared>>
        %dma_start3A_161 = arith.constant 0 : i32
        %dma_start3A_162 = tpu.memref_slice %arg13[%add3A_65, %dma_start3A_161] : memref<2688x128xf32, #tpu.memory_space<vmem_shared>> -> memref<8x128xf32, #tpu.memory_space<vmem_shared>>
        tpu.enqueue_dma source(%arg11 : memref<8x128xf32, #tpu.memory_space<vmem>>) target(%dma_start3A_162 : memref<8x128xf32, #tpu.memory_space<vmem_shared>>) target_semaphore(%run_scoped3A : memref<!tpu.dma_semaphore, #tpu.memory_space<semaphore_mem>>)
        %dma_wait3A = arith.constant 0 : i32
        %dma_wait3A_163 = tpu.memref_slice %arg13[%add3A_65, %dma_wait3A] : memref<2688x128xf32, #tpu.memory_space<vmem_shared>> -> memref<8x128xf32, #tpu.memory_space<vmem_shared>>
        %dma_wait3A_164 = arith.constant 0 : i32
        %dma_wait3A_165 = tpu.memref_slice %arg13[%add3A_65, %dma_wait3A_164] : memref<2688x128xf32, #tpu.memory_space<vmem_shared>> -> memref<8x128xf32, #tpu.memory_space<vmem_shared>>
        tpu.wait_dma2 semaphore(%run_scoped3A : memref<!tpu.dma_semaphore, #tpu.memory_space<semaphore_mem>>) src(%arg11 : memref<8x128xf32, #tpu.memory_space<vmem>>) dst(%dma_wait3A_165 : memref<8x128xf32, #tpu.memory_space<vmem_shared>>)
        tpu.yield
      }) : () -> ()
      %mul3A_66 = arith.constant 168 : i32
      %mul3A_67 = arith.muli %arg1, %mul3A_66 : i32
      %add3A_68 = arith.constant 32 : i32
      %add3A_69 = arith.addi %mul3A_67, %add3A_68 : i32
      "tpu.region"() ({
        %run_scoped3A = tpu.sem_alloc : memref<!tpu.dma_semaphore, #tpu.memory_space<semaphore_mem>>
        %dma_start3A = arith.constant 0 : i32
        %dma_start3A_160 = tpu.memref_slice %arg13[%add3A_69, %dma_start3A] : memref<2688x128xf32, #tpu.memory_space<vmem_shared>> -> memref<8x128xf32, #tpu.memory_space<vmem_shared>>
        %dma_start3A_161 = arith.constant 0 : i32
        %dma_start3A_162 = tpu.memref_slice %arg13[%add3A_69, %dma_start3A_161] : memref<2688x128xf32, #tpu.memory_space<vmem_shared>> -> memref<8x128xf32, #tpu.memory_space<vmem_shared>>
        tpu.enqueue_dma source(%arg11 : memref<8x128xf32, #tpu.memory_space<vmem>>) target(%dma_start3A_162 : memref<8x128xf32, #tpu.memory_space<vmem_shared>>) target_semaphore(%run_scoped3A : memref<!tpu.dma_semaphore, #tpu.memory_space<semaphore_mem>>)
        %dma_wait3A = arith.constant 0 : i32
        %dma_wait3A_163 = tpu.memref_slice %arg13[%add3A_69, %dma_wait3A] : memref<2688x128xf32, #tpu.memory_space<vmem_shared>> -> memref<8x128xf32, #tpu.memory_space<vmem_shared>>
        %dma_wait3A_164 = arith.constant 0 : i32
        %dma_wait3A_165 = tpu.memref_slice %arg13[%add3A_69, %dma_wait3A_164] : memref<2688x128xf32, #tpu.memory_space<vmem_shared>> -> memref<8x128xf32, #tpu.memory_space<vmem_shared>>
        tpu.wait_dma2 semaphore(%run_scoped3A : memref<!tpu.dma_semaphore, #tpu.memory_space<semaphore_mem>>) src(%arg11 : memref<8x128xf32, #tpu.memory_space<vmem>>) dst(%dma_wait3A_165 : memref<8x128xf32, #tpu.memory_space<vmem_shared>>)
        tpu.yield
      }) : () -> ()
      %mul3A_70 = arith.constant 168 : i32
      %mul3A_71 = arith.muli %arg1, %mul3A_70 : i32
      %add3A_72 = arith.constant 40 : i32
      %add3A_73 = arith.addi %mul3A_71, %add3A_72 : i32
      "tpu.region"() ({
        %run_scoped3A = tpu.sem_alloc : memref<!tpu.dma_semaphore, #tpu.memory_space<semaphore_mem>>
        %dma_start3A = arith.constant 0 : i32
        %dma_start3A_160 = tpu.memref_slice %arg13[%add3A_73, %dma_start3A] : memref<2688x128xf32, #tpu.memory_space<vmem_shared>> -> memref<8x128xf32, #tpu.memory_space<vmem_shared>>
        %dma_start3A_161 = arith.constant 0 : i32
        %dma_start3A_162 = tpu.memref_slice %arg13[%add3A_73, %dma_start3A_161] : memref<2688x128xf32, #tpu.memory_space<vmem_shared>> -> memref<8x128xf32, #tpu.memory_space<vmem_shared>>
        tpu.enqueue_dma source(%arg11 : memref<8x128xf32, #tpu.memory_space<vmem>>) target(%dma_start3A_162 : memref<8x128xf32, #tpu.memory_space<vmem_shared>>) target_semaphore(%run_scoped3A : memref<!tpu.dma_semaphore, #tpu.memory_space<semaphore_mem>>)
        %dma_wait3A = arith.constant 0 : i32
        %dma_wait3A_163 = tpu.memref_slice %arg13[%add3A_73, %dma_wait3A] : memref<2688x128xf32, #tpu.memory_space<vmem_shared>> -> memref<8x128xf32, #tpu.memory_space<vmem_shared>>
        %dma_wait3A_164 = arith.constant 0 : i32
        %dma_wait3A_165 = tpu.memref_slice %arg13[%add3A_73, %dma_wait3A_164] : memref<2688x128xf32, #tpu.memory_space<vmem_shared>> -> memref<8x128xf32, #tpu.memory_space<vmem_shared>>
        tpu.wait_dma2 semaphore(%run_scoped3A : memref<!tpu.dma_semaphore, #tpu.memory_space<semaphore_mem>>) src(%arg11 : memref<8x128xf32, #tpu.memory_space<vmem>>) dst(%dma_wait3A_165 : memref<8x128xf32, #tpu.memory_space<vmem_shared>>)
        tpu.yield
      }) : () -> ()
      %mul3A_74 = arith.constant 168 : i32
      %mul3A_75 = arith.muli %arg1, %mul3A_74 : i32
      %add3A_76 = arith.constant 48 : i32
      %add3A_77 = arith.addi %mul3A_75, %add3A_76 : i32
      "tpu.region"() ({
        %run_scoped3A = tpu.sem_alloc : memref<!tpu.dma_semaphore, #tpu.memory_space<semaphore_mem>>
        %dma_start3A = arith.constant 0 : i32
        %dma_start3A_160 = tpu.memref_slice %arg13[%add3A_77, %dma_start3A] : memref<2688x128xf32, #tpu.memory_space<vmem_shared>> -> memref<8x128xf32, #tpu.memory_space<vmem_shared>>
        %dma_start3A_161 = arith.constant 0 : i32
        %dma_start3A_162 = tpu.memref_slice %arg13[%add3A_77, %dma_start3A_161] : memref<2688x128xf32, #tpu.memory_space<vmem_shared>> -> memref<8x128xf32, #tpu.memory_space<vmem_shared>>
        tpu.enqueue_dma source(%arg11 : memref<8x128xf32, #tpu.memory_space<vmem>>) target(%dma_start3A_162 : memref<8x128xf32, #tpu.memory_space<vmem_shared>>) target_semaphore(%run_scoped3A : memref<!tpu.dma_semaphore, #tpu.memory_space<semaphore_mem>>)
        %dma_wait3A = arith.constant 0 : i32
        %dma_wait3A_163 = tpu.memref_slice %arg13[%add3A_77, %dma_wait3A] : memref<2688x128xf32, #tpu.memory_space<vmem_shared>> -> memref<8x128xf32, #tpu.memory_space<vmem_shared>>
        %dma_wait3A_164 = arith.constant 0 : i32
        %dma_wait3A_165 = tpu.memref_slice %arg13[%add3A_77, %dma_wait3A_164] : memref<2688x128xf32, #tpu.memory_space<vmem_shared>> -> memref<8x128xf32, #tpu.memory_space<vmem_shared>>
        tpu.wait_dma2 semaphore(%run_scoped3A : memref<!tpu.dma_semaphore, #tpu.memory_space<semaphore_mem>>) src(%arg11 : memref<8x128xf32, #tpu.memory_space<vmem>>) dst(%dma_wait3A_165 : memref<8x128xf32, #tpu.memory_space<vmem_shared>>)
        tpu.yield
      }) : () -> ()
      %mul3A_78 = arith.constant 168 : i32
      %mul3A_79 = arith.muli %arg1, %mul3A_78 : i32
      %add3A_80 = arith.constant 56 : i32
      %add3A_81 = arith.addi %mul3A_79, %add3A_80 : i32
      "tpu.region"() ({
        %run_scoped3A = tpu.sem_alloc : memref<!tpu.dma_semaphore, #tpu.memory_space<semaphore_mem>>
        %dma_start3A = arith.constant 0 : i32
        %dma_start3A_160 = tpu.memref_slice %arg13[%add3A_81, %dma_start3A] : memref<2688x128xf32, #tpu.memory_space<vmem_shared>> -> memref<8x128xf32, #tpu.memory_space<vmem_shared>>
        %dma_start3A_161 = arith.constant 0 : i32
        %dma_start3A_162 = tpu.memref_slice %arg13[%add3A_81, %dma_start3A_161] : memref<2688x128xf32, #tpu.memory_space<vmem_shared>> -> memref<8x128xf32, #tpu.memory_space<vmem_shared>>
        tpu.enqueue_dma source(%arg11 : memref<8x128xf32, #tpu.memory_space<vmem>>) target(%dma_start3A_162 : memref<8x128xf32, #tpu.memory_space<vmem_shared>>) target_semaphore(%run_scoped3A : memref<!tpu.dma_semaphore, #tpu.memory_space<semaphore_mem>>)
        %dma_wait3A = arith.constant 0 : i32
        %dma_wait3A_163 = tpu.memref_slice %arg13[%add3A_81, %dma_wait3A] : memref<2688x128xf32, #tpu.memory_space<vmem_shared>> -> memref<8x128xf32, #tpu.memory_space<vmem_shared>>
        %dma_wait3A_164 = arith.constant 0 : i32
        %dma_wait3A_165 = tpu.memref_slice %arg13[%add3A_81, %dma_wait3A_164] : memref<2688x128xf32, #tpu.memory_space<vmem_shared>> -> memref<8x128xf32, #tpu.memory_space<vmem_shared>>
        tpu.wait_dma2 semaphore(%run_scoped3A : memref<!tpu.dma_semaphore, #tpu.memory_space<semaphore_mem>>) src(%arg11 : memref<8x128xf32, #tpu.memory_space<vmem>>) dst(%dma_wait3A_165 : memref<8x128xf32, #tpu.memory_space<vmem_shared>>)
        tpu.yield
      }) : () -> ()
      %mul3A_82 = arith.constant 168 : i32
      %mul3A_83 = arith.muli %arg1, %mul3A_82 : i32
      %add3A_84 = arith.constant 64 : i32
      %add3A_85 = arith.addi %mul3A_83, %add3A_84 : i32
      "tpu.region"() ({
        %run_scoped3A = tpu.sem_alloc : memref<!tpu.dma_semaphore, #tpu.memory_space<semaphore_mem>>
        %dma_start3A = arith.constant 0 : i32
        %dma_start3A_160 = tpu.memref_slice %arg13[%add3A_85, %dma_start3A] : memref<2688x128xf32, #tpu.memory_space<vmem_shared>> -> memref<8x128xf32, #tpu.memory_space<vmem_shared>>
        %dma_start3A_161 = arith.constant 0 : i32
        %dma_start3A_162 = tpu.memref_slice %arg13[%add3A_85, %dma_start3A_161] : memref<2688x128xf32, #tpu.memory_space<vmem_shared>> -> memref<8x128xf32, #tpu.memory_space<vmem_shared>>
        tpu.enqueue_dma source(%arg11 : memref<8x128xf32, #tpu.memory_space<vmem>>) target(%dma_start3A_162 : memref<8x128xf32, #tpu.memory_space<vmem_shared>>) target_semaphore(%run_scoped3A : memref<!tpu.dma_semaphore, #tpu.memory_space<semaphore_mem>>)
        %dma_wait3A = arith.constant 0 : i32
        %dma_wait3A_163 = tpu.memref_slice %arg13[%add3A_85, %dma_wait3A] : memref<2688x128xf32, #tpu.memory_space<vmem_shared>> -> memref<8x128xf32, #tpu.memory_space<vmem_shared>>
        %dma_wait3A_164 = arith.constant 0 : i32
        %dma_wait3A_165 = tpu.memref_slice %arg13[%add3A_85, %dma_wait3A_164] : memref<2688x128xf32, #tpu.memory_space<vmem_shared>> -> memref<8x128xf32, #tpu.memory_space<vmem_shared>>
        tpu.wait_dma2 semaphore(%run_scoped3A : memref<!tpu.dma_semaphore, #tpu.memory_space<semaphore_mem>>) src(%arg11 : memref<8x128xf32, #tpu.memory_space<vmem>>) dst(%dma_wait3A_165 : memref<8x128xf32, #tpu.memory_space<vmem_shared>>)
        tpu.yield
      }) : () -> ()
      %mul3A_86 = arith.constant 168 : i32
      %mul3A_87 = arith.muli %arg1, %mul3A_86 : i32
      %add3A_88 = arith.constant 72 : i32
      %add3A_89 = arith.addi %mul3A_87, %add3A_88 : i32
      "tpu.region"() ({
        %run_scoped3A = tpu.sem_alloc : memref<!tpu.dma_semaphore, #tpu.memory_space<semaphore_mem>>
        %dma_start3A = arith.constant 0 : i32
        %dma_start3A_160 = tpu.memref_slice %arg13[%add3A_89, %dma_start3A] : memref<2688x128xf32, #tpu.memory_space<vmem_shared>> -> memref<8x128xf32, #tpu.memory_space<vmem_shared>>
        %dma_start3A_161 = arith.constant 0 : i32
        %dma_start3A_162 = tpu.memref_slice %arg13[%add3A_89, %dma_start3A_161] : memref<2688x128xf32, #tpu.memory_space<vmem_shared>> -> memref<8x128xf32, #tpu.memory_space<vmem_shared>>
        tpu.enqueue_dma source(%arg11 : memref<8x128xf32, #tpu.memory_space<vmem>>) target(%dma_start3A_162 : memref<8x128xf32, #tpu.memory_space<vmem_shared>>) target_semaphore(%run_scoped3A : memref<!tpu.dma_semaphore, #tpu.memory_space<semaphore_mem>>)
        %dma_wait3A = arith.constant 0 : i32
        %dma_wait3A_163 = tpu.memref_slice %arg13[%add3A_89, %dma_wait3A] : memref<2688x128xf32, #tpu.memory_space<vmem_shared>> -> memref<8x128xf32, #tpu.memory_space<vmem_shared>>
        %dma_wait3A_164 = arith.constant 0 : i32
        %dma_wait3A_165 = tpu.memref_slice %arg13[%add3A_89, %dma_wait3A_164] : memref<2688x128xf32, #tpu.memory_space<vmem_shared>> -> memref<8x128xf32, #tpu.memory_space<vmem_shared>>
        tpu.wait_dma2 semaphore(%run_scoped3A : memref<!tpu.dma_semaphore, #tpu.memory_space<semaphore_mem>>) src(%arg11 : memref<8x128xf32, #tpu.memory_space<vmem>>) dst(%dma_wait3A_165 : memref<8x128xf32, #tpu.memory_space<vmem_shared>>)
        tpu.yield
      }) : () -> ()
      %mul3A_90 = arith.constant 168 : i32
      %mul3A_91 = arith.muli %arg1, %mul3A_90 : i32
      %add3A_92 = arith.constant 80 : i32
      %add3A_93 = arith.addi %mul3A_91, %add3A_92 : i32
      "tpu.region"() ({
        %run_scoped3A = tpu.sem_alloc : memref<!tpu.dma_semaphore, #tpu.memory_space<semaphore_mem>>
        %dma_start3A = arith.constant 0 : i32
        %dma_start3A_160 = tpu.memref_slice %arg13[%add3A_93, %dma_start3A] : memref<2688x128xf32, #tpu.memory_space<vmem_shared>> -> memref<8x128xf32, #tpu.memory_space<vmem_shared>>
        %dma_start3A_161 = arith.constant 0 : i32
        %dma_start3A_162 = tpu.memref_slice %arg13[%add3A_93, %dma_start3A_161] : memref<2688x128xf32, #tpu.memory_space<vmem_shared>> -> memref<8x128xf32, #tpu.memory_space<vmem_shared>>
        tpu.enqueue_dma source(%arg11 : memref<8x128xf32, #tpu.memory_space<vmem>>) target(%dma_start3A_162 : memref<8x128xf32, #tpu.memory_space<vmem_shared>>) target_semaphore(%run_scoped3A : memref<!tpu.dma_semaphore, #tpu.memory_space<semaphore_mem>>)
        %dma_wait3A = arith.constant 0 : i32
        %dma_wait3A_163 = tpu.memref_slice %arg13[%add3A_93, %dma_wait3A] : memref<2688x128xf32, #tpu.memory_space<vmem_shared>> -> memref<8x128xf32, #tpu.memory_space<vmem_shared>>
        %dma_wait3A_164 = arith.constant 0 : i32
        %dma_wait3A_165 = tpu.memref_slice %arg13[%add3A_93, %dma_wait3A_164] : memref<2688x128xf32, #tpu.memory_space<vmem_shared>> -> memref<8x128xf32, #tpu.memory_space<vmem_shared>>
        tpu.wait_dma2 semaphore(%run_scoped3A : memref<!tpu.dma_semaphore, #tpu.memory_space<semaphore_mem>>) src(%arg11 : memref<8x128xf32, #tpu.memory_space<vmem>>) dst(%dma_wait3A_165 : memref<8x128xf32, #tpu.memory_space<vmem_shared>>)
        tpu.yield
      }) : () -> ()
      %mul3A_94 = arith.constant 168 : i32
      %mul3A_95 = arith.muli %arg1, %mul3A_94 : i32
      %add3A_96 = arith.constant 88 : i32
      %add3A_97 = arith.addi %mul3A_95, %add3A_96 : i32
      "tpu.region"() ({
        %run_scoped3A = tpu.sem_alloc : memref<!tpu.dma_semaphore, #tpu.memory_space<semaphore_mem>>
        %dma_start3A = arith.constant 0 : i32
        %dma_start3A_160 = tpu.memref_slice %arg13[%add3A_97, %dma_start3A] : memref<2688x128xf32, #tpu.memory_space<vmem_shared>> -> memref<8x128xf32, #tpu.memory_space<vmem_shared>>
        %dma_start3A_161 = arith.constant 0 : i32
        %dma_start3A_162 = tpu.memref_slice %arg13[%add3A_97, %dma_start3A_161] : memref<2688x128xf32, #tpu.memory_space<vmem_shared>> -> memref<8x128xf32, #tpu.memory_space<vmem_shared>>
        tpu.enqueue_dma source(%arg11 : memref<8x128xf32, #tpu.memory_space<vmem>>) target(%dma_start3A_162 : memref<8x128xf32, #tpu.memory_space<vmem_shared>>) target_semaphore(%run_scoped3A : memref<!tpu.dma_semaphore, #tpu.memory_space<semaphore_mem>>)
        %dma_wait3A = arith.constant 0 : i32
        %dma_wait3A_163 = tpu.memref_slice %arg13[%add3A_97, %dma_wait3A] : memref<2688x128xf32, #tpu.memory_space<vmem_shared>> -> memref<8x128xf32, #tpu.memory_space<vmem_shared>>
        %dma_wait3A_164 = arith.constant 0 : i32
        %dma_wait3A_165 = tpu.memref_slice %arg13[%add3A_97, %dma_wait3A_164] : memref<2688x128xf32, #tpu.memory_space<vmem_shared>> -> memref<8x128xf32, #tpu.memory_space<vmem_shared>>
        tpu.wait_dma2 semaphore(%run_scoped3A : memref<!tpu.dma_semaphore, #tpu.memory_space<semaphore_mem>>) src(%arg11 : memref<8x128xf32, #tpu.memory_space<vmem>>) dst(%dma_wait3A_165 : memref<8x128xf32, #tpu.memory_space<vmem_shared>>)
        tpu.yield
      }) : () -> ()
      %mul3A_98 = arith.constant 168 : i32
      %mul3A_99 = arith.muli %arg1, %mul3A_98 : i32
      %add3A_100 = arith.constant 96 : i32
      %add3A_101 = arith.addi %mul3A_99, %add3A_100 : i32
      "tpu.region"() ({
        %run_scoped3A = tpu.sem_alloc : memref<!tpu.dma_semaphore, #tpu.memory_space<semaphore_mem>>
        %dma_start3A = arith.constant 0 : i32
        %dma_start3A_160 = tpu.memref_slice %arg13[%add3A_101, %dma_start3A] : memref<2688x128xf32, #tpu.memory_space<vmem_shared>> -> memref<8x128xf32, #tpu.memory_space<vmem_shared>>
        %dma_start3A_161 = arith.constant 0 : i32
        %dma_start3A_162 = tpu.memref_slice %arg13[%add3A_101, %dma_start3A_161] : memref<2688x128xf32, #tpu.memory_space<vmem_shared>> -> memref<8x128xf32, #tpu.memory_space<vmem_shared>>
        tpu.enqueue_dma source(%arg11 : memref<8x128xf32, #tpu.memory_space<vmem>>) target(%dma_start3A_162 : memref<8x128xf32, #tpu.memory_space<vmem_shared>>) target_semaphore(%run_scoped3A : memref<!tpu.dma_semaphore, #tpu.memory_space<semaphore_mem>>)
        %dma_wait3A = arith.constant 0 : i32
        %dma_wait3A_163 = tpu.memref_slice %arg13[%add3A_101, %dma_wait3A] : memref<2688x128xf32, #tpu.memory_space<vmem_shared>> -> memref<8x128xf32, #tpu.memory_space<vmem_shared>>
        %dma_wait3A_164 = arith.constant 0 : i32
        %dma_wait3A_165 = tpu.memref_slice %arg13[%add3A_101, %dma_wait3A_164] : memref<2688x128xf32, #tpu.memory_space<vmem_shared>> -> memref<8x128xf32, #tpu.memory_space<vmem_shared>>
        tpu.wait_dma2 semaphore(%run_scoped3A : memref<!tpu.dma_semaphore, #tpu.memory_space<semaphore_mem>>) src(%arg11 : memref<8x128xf32, #tpu.memory_space<vmem>>) dst(%dma_wait3A_165 : memref<8x128xf32, #tpu.memory_space<vmem_shared>>)
        tpu.yield
      }) : () -> ()
      %mul3A_102 = arith.constant 168 : i32
      %mul3A_103 = arith.muli %arg1, %mul3A_102 : i32
      %add3A_104 = arith.constant 104 : i32
      %add3A_105 = arith.addi %mul3A_103, %add3A_104 : i32
      "tpu.region"() ({
        %run_scoped3A = tpu.sem_alloc : memref<!tpu.dma_semaphore, #tpu.memory_space<semaphore_mem>>
        %dma_start3A = arith.constant 0 : i32
        %dma_start3A_160 = tpu.memref_slice %arg13[%add3A_105, %dma_start3A] : memref<2688x128xf32, #tpu.memory_space<vmem_shared>> -> memref<8x128xf32, #tpu.memory_space<vmem_shared>>
        %dma_start3A_161 = arith.constant 0 : i32
        %dma_start3A_162 = tpu.memref_slice %arg13[%add3A_105, %dma_start3A_161] : memref<2688x128xf32, #tpu.memory_space<vmem_shared>> -> memref<8x128xf32, #tpu.memory_space<vmem_shared>>
        tpu.enqueue_dma source(%arg11 : memref<8x128xf32, #tpu.memory_space<vmem>>) target(%dma_start3A_162 : memref<8x128xf32, #tpu.memory_space<vmem_shared>>) target_semaphore(%run_scoped3A : memref<!tpu.dma_semaphore, #tpu.memory_space<semaphore_mem>>)
        %dma_wait3A = arith.constant 0 : i32
        %dma_wait3A_163 = tpu.memref_slice %arg13[%add3A_105, %dma_wait3A] : memref<2688x128xf32, #tpu.memory_space<vmem_shared>> -> memref<8x128xf32, #tpu.memory_space<vmem_shared>>
        %dma_wait3A_164 = arith.constant 0 : i32
        %dma_wait3A_165 = tpu.memref_slice %arg13[%add3A_105, %dma_wait3A_164] : memref<2688x128xf32, #tpu.memory_space<vmem_shared>> -> memref<8x128xf32, #tpu.memory_space<vmem_shared>>
        tpu.wait_dma2 semaphore(%run_scoped3A : memref<!tpu.dma_semaphore, #tpu.memory_space<semaphore_mem>>) src(%arg11 : memref<8x128xf32, #tpu.memory_space<vmem>>) dst(%dma_wait3A_165 : memref<8x128xf32, #tpu.memory_space<vmem_shared>>)
        tpu.yield
      }) : () -> ()
      %mul3A_106 = arith.constant 168 : i32
      %mul3A_107 = arith.muli %arg1, %mul3A_106 : i32
      %add3A_108 = arith.constant 112 : i32
      %add3A_109 = arith.addi %mul3A_107, %add3A_108 : i32
      "tpu.region"() ({
        %run_scoped3A = tpu.sem_alloc : memref<!tpu.dma_semaphore, #tpu.memory_space<semaphore_mem>>
        %dma_start3A = arith.constant 0 : i32
        %dma_start3A_160 = tpu.memref_slice %arg13[%add3A_109, %dma_start3A] : memref<2688x128xf32, #tpu.memory_space<vmem_shared>> -> memref<8x128xf32, #tpu.memory_space<vmem_shared>>
        %dma_start3A_161 = arith.constant 0 : i32
        %dma_start3A_162 = tpu.memref_slice %arg13[%add3A_109, %dma_start3A_161] : memref<2688x128xf32, #tpu.memory_space<vmem_shared>> -> memref<8x128xf32, #tpu.memory_space<vmem_shared>>
        tpu.enqueue_dma source(%arg11 : memref<8x128xf32, #tpu.memory_space<vmem>>) target(%dma_start3A_162 : memref<8x128xf32, #tpu.memory_space<vmem_shared>>) target_semaphore(%run_scoped3A : memref<!tpu.dma_semaphore, #tpu.memory_space<semaphore_mem>>)
        %dma_wait3A = arith.constant 0 : i32
        %dma_wait3A_163 = tpu.memref_slice %arg13[%add3A_109, %dma_wait3A] : memref<2688x128xf32, #tpu.memory_space<vmem_shared>> -> memref<8x128xf32, #tpu.memory_space<vmem_shared>>
        %dma_wait3A_164 = arith.constant 0 : i32
        %dma_wait3A_165 = tpu.memref_slice %arg13[%add3A_109, %dma_wait3A_164] : memref<2688x128xf32, #tpu.memory_space<vmem_shared>> -> memref<8x128xf32, #tpu.memory_space<vmem_shared>>
        tpu.wait_dma2 semaphore(%run_scoped3A : memref<!tpu.dma_semaphore, #tpu.memory_space<semaphore_mem>>) src(%arg11 : memref<8x128xf32, #tpu.memory_space<vmem>>) dst(%dma_wait3A_165 : memref<8x128xf32, #tpu.memory_space<vmem_shared>>)
        tpu.yield
      }) : () -> ()
      %mul3A_110 = arith.constant 168 : i32
      %mul3A_111 = arith.muli %arg1, %mul3A_110 : i32
      %add3A_112 = arith.constant 120 : i32
      %add3A_113 = arith.addi %mul3A_111, %add3A_112 : i32
      "tpu.region"() ({
        %run_scoped3A = tpu.sem_alloc : memref<!tpu.dma_semaphore, #tpu.memory_space<semaphore_mem>>
        %dma_start3A = arith.constant 0 : i32
        %dma_start3A_160 = tpu.memref_slice %arg13[%add3A_113, %dma_start3A] : memref<2688x128xf32, #tpu.memory_space<vmem_shared>> -> memref<8x128xf32, #tpu.memory_space<vmem_shared>>
        %dma_start3A_161 = arith.constant 0 : i32
        %dma_start3A_162 = tpu.memref_slice %arg13[%add3A_113, %dma_start3A_161] : memref<2688x128xf32, #tpu.memory_space<vmem_shared>> -> memref<8x128xf32, #tpu.memory_space<vmem_shared>>
        tpu.enqueue_dma source(%arg11 : memref<8x128xf32, #tpu.memory_space<vmem>>) target(%dma_start3A_162 : memref<8x128xf32, #tpu.memory_space<vmem_shared>>) target_semaphore(%run_scoped3A : memref<!tpu.dma_semaphore, #tpu.memory_space<semaphore_mem>>)
        %dma_wait3A = arith.constant 0 : i32
        %dma_wait3A_163 = tpu.memref_slice %arg13[%add3A_113, %dma_wait3A] : memref<2688x128xf32, #tpu.memory_space<vmem_shared>> -> memref<8x128xf32, #tpu.memory_space<vmem_shared>>
        %dma_wait3A_164 = arith.constant 0 : i32
        %dma_wait3A_165 = tpu.memref_slice %arg13[%add3A_113, %dma_wait3A_164] : memref<2688x128xf32, #tpu.memory_space<vmem_shared>> -> memref<8x128xf32, #tpu.memory_space<vmem_shared>>
        tpu.wait_dma2 semaphore(%run_scoped3A : memref<!tpu.dma_semaphore, #tpu.memory_space<semaphore_mem>>) src(%arg11 : memref<8x128xf32, #tpu.memory_space<vmem>>) dst(%dma_wait3A_165 : memref<8x128xf32, #tpu.memory_space<vmem_shared>>)
        tpu.yield
      }) : () -> ()
      %mul3A_114 = arith.constant 168 : i32
      %mul3A_115 = arith.muli %arg1, %mul3A_114 : i32
      %add3A_116 = arith.constant 128 : i32
      %add3A_117 = arith.addi %mul3A_115, %add3A_116 : i32
      "tpu.region"() ({
        %run_scoped3A = tpu.sem_alloc : memref<!tpu.dma_semaphore, #tpu.memory_space<semaphore_mem>>
        %dma_start3A = arith.constant 0 : i32
        %dma_start3A_160 = tpu.memref_slice %arg13[%add3A_117, %dma_start3A] : memref<2688x128xf32, #tpu.memory_space<vmem_shared>> -> memref<8x128xf32, #tpu.memory_space<vmem_shared>>
        %dma_start3A_161 = arith.constant 0 : i32
        %dma_start3A_162 = tpu.memref_slice %arg13[%add3A_117, %dma_start3A_161] : memref<2688x128xf32, #tpu.memory_space<vmem_shared>> -> memref<8x128xf32, #tpu.memory_space<vmem_shared>>
        tpu.enqueue_dma source(%arg11 : memref<8x128xf32, #tpu.memory_space<vmem>>) target(%dma_start3A_162 : memref<8x128xf32, #tpu.memory_space<vmem_shared>>) target_semaphore(%run_scoped3A : memref<!tpu.dma_semaphore, #tpu.memory_space<semaphore_mem>>)
        %dma_wait3A = arith.constant 0 : i32
        %dma_wait3A_163 = tpu.memref_slice %arg13[%add3A_117, %dma_wait3A] : memref<2688x128xf32, #tpu.memory_space<vmem_shared>> -> memref<8x128xf32, #tpu.memory_space<vmem_shared>>
        %dma_wait3A_164 = arith.constant 0 : i32
        %dma_wait3A_165 = tpu.memref_slice %arg13[%add3A_117, %dma_wait3A_164] : memref<2688x128xf32, #tpu.memory_space<vmem_shared>> -> memref<8x128xf32, #tpu.memory_space<vmem_shared>>
        tpu.wait_dma2 semaphore(%run_scoped3A : memref<!tpu.dma_semaphore, #tpu.memory_space<semaphore_mem>>) src(%arg11 : memref<8x128xf32, #tpu.memory_space<vmem>>) dst(%dma_wait3A_165 : memref<8x128xf32, #tpu.memory_space<vmem_shared>>)
        tpu.yield
      }) : () -> ()
      %mul3A_118 = arith.constant 168 : i32
      %mul3A_119 = arith.muli %arg1, %mul3A_118 : i32
      %add3A_120 = arith.constant 136 : i32
      %add3A_121 = arith.addi %mul3A_119, %add3A_120 : i32
      "tpu.region"() ({
        %run_scoped3A = tpu.sem_alloc : memref<!tpu.dma_semaphore, #tpu.memory_space<semaphore_mem>>
        %dma_start3A = arith.constant 0 : i32
        %dma_start3A_160 = tpu.memref_slice %arg13[%add3A_121, %dma_start3A] : memref<2688x128xf32, #tpu.memory_space<vmem_shared>> -> memref<8x128xf32, #tpu.memory_space<vmem_shared>>
        %dma_start3A_161 = arith.constant 0 : i32
        %dma_start3A_162 = tpu.memref_slice %arg13[%add3A_121, %dma_start3A_161] : memref<2688x128xf32, #tpu.memory_space<vmem_shared>> -> memref<8x128xf32, #tpu.memory_space<vmem_shared>>
        tpu.enqueue_dma source(%arg11 : memref<8x128xf32, #tpu.memory_space<vmem>>) target(%dma_start3A_162 : memref<8x128xf32, #tpu.memory_space<vmem_shared>>) target_semaphore(%run_scoped3A : memref<!tpu.dma_semaphore, #tpu.memory_space<semaphore_mem>>)
        %dma_wait3A = arith.constant 0 : i32
        %dma_wait3A_163 = tpu.memref_slice %arg13[%add3A_121, %dma_wait3A] : memref<2688x128xf32, #tpu.memory_space<vmem_shared>> -> memref<8x128xf32, #tpu.memory_space<vmem_shared>>
        %dma_wait3A_164 = arith.constant 0 : i32
        %dma_wait3A_165 = tpu.memref_slice %arg13[%add3A_121, %dma_wait3A_164] : memref<2688x128xf32, #tpu.memory_space<vmem_shared>> -> memref<8x128xf32, #tpu.memory_space<vmem_shared>>
        tpu.wait_dma2 semaphore(%run_scoped3A : memref<!tpu.dma_semaphore, #tpu.memory_space<semaphore_mem>>) src(%arg11 : memref<8x128xf32, #tpu.memory_space<vmem>>) dst(%dma_wait3A_165 : memref<8x128xf32, #tpu.memory_space<vmem_shared>>)
        tpu.yield
      }) : () -> ()
      %mul3A_122 = arith.constant 168 : i32
      %mul3A_123 = arith.muli %arg1, %mul3A_122 : i32
      %add3A_124 = arith.constant 144 : i32
      %add3A_125 = arith.addi %mul3A_123, %add3A_124 : i32
      "tpu.region"() ({
        %run_scoped3A = tpu.sem_alloc : memref<!tpu.dma_semaphore, #tpu.memory_space<semaphore_mem>>
        %dma_start3A = arith.constant 0 : i32
        %dma_start3A_160 = tpu.memref_slice %arg13[%add3A_125, %dma_start3A] : memref<2688x128xf32, #tpu.memory_space<vmem_shared>> -> memref<8x128xf32, #tpu.memory_space<vmem_shared>>
        %dma_start3A_161 = arith.constant 0 : i32
        %dma_start3A_162 = tpu.memref_slice %arg13[%add3A_125, %dma_start3A_161] : memref<2688x128xf32, #tpu.memory_space<vmem_shared>> -> memref<8x128xf32, #tpu.memory_space<vmem_shared>>
        tpu.enqueue_dma source(%arg11 : memref<8x128xf32, #tpu.memory_space<vmem>>) target(%dma_start3A_162 : memref<8x128xf32, #tpu.memory_space<vmem_shared>>) target_semaphore(%run_scoped3A : memref<!tpu.dma_semaphore, #tpu.memory_space<semaphore_mem>>)
        %dma_wait3A = arith.constant 0 : i32
        %dma_wait3A_163 = tpu.memref_slice %arg13[%add3A_125, %dma_wait3A] : memref<2688x128xf32, #tpu.memory_space<vmem_shared>> -> memref<8x128xf32, #tpu.memory_space<vmem_shared>>
        %dma_wait3A_164 = arith.constant 0 : i32
        %dma_wait3A_165 = tpu.memref_slice %arg13[%add3A_125, %dma_wait3A_164] : memref<2688x128xf32, #tpu.memory_space<vmem_shared>> -> memref<8x128xf32, #tpu.memory_space<vmem_shared>>
        tpu.wait_dma2 semaphore(%run_scoped3A : memref<!tpu.dma_semaphore, #tpu.memory_space<semaphore_mem>>) src(%arg11 : memref<8x128xf32, #tpu.memory_space<vmem>>) dst(%dma_wait3A_165 : memref<8x128xf32, #tpu.memory_space<vmem_shared>>)
        tpu.yield
      }) : () -> ()
      %mul3A_126 = arith.constant 168 : i32
      %mul3A_127 = arith.muli %arg1, %mul3A_126 : i32
      %add3A_128 = arith.constant 152 : i32
      %add3A_129 = arith.addi %mul3A_127, %add3A_128 : i32
      "tpu.region"() ({
        %run_scoped3A = tpu.sem_alloc : memref<!tpu.dma_semaphore, #tpu.memory_space<semaphore_mem>>
        %dma_start3A = arith.constant 0 : i32
        %dma_start3A_160 = tpu.memref_slice %arg13[%add3A_129, %dma_start3A] : memref<2688x128xf32, #tpu.memory_space<vmem_shared>> -> memref<8x128xf32, #tpu.memory_space<vmem_shared>>
        %dma_start3A_161 = arith.constant 0 : i32
        %dma_start3A_162 = tpu.memref_slice %arg13[%add3A_129, %dma_start3A_161] : memref<2688x128xf32, #tpu.memory_space<vmem_shared>> -> memref<8x128xf32, #tpu.memory_space<vmem_shared>>
        tpu.enqueue_dma source(%arg11 : memref<8x128xf32, #tpu.memory_space<vmem>>) target(%dma_start3A_162 : memref<8x128xf32, #tpu.memory_space<vmem_shared>>) target_semaphore(%run_scoped3A : memref<!tpu.dma_semaphore, #tpu.memory_space<semaphore_mem>>)
        %dma_wait3A = arith.constant 0 : i32
        %dma_wait3A_163 = tpu.memref_slice %arg13[%add3A_129, %dma_wait3A] : memref<2688x128xf32, #tpu.memory_space<vmem_shared>> -> memref<8x128xf32, #tpu.memory_space<vmem_shared>>
        %dma_wait3A_164 = arith.constant 0 : i32
        %dma_wait3A_165 = tpu.memref_slice %arg13[%add3A_129, %dma_wait3A_164] : memref<2688x128xf32, #tpu.memory_space<vmem_shared>> -> memref<8x128xf32, #tpu.memory_space<vmem_shared>>
        tpu.wait_dma2 semaphore(%run_scoped3A : memref<!tpu.dma_semaphore, #tpu.memory_space<semaphore_mem>>) src(%arg11 : memref<8x128xf32, #tpu.memory_space<vmem>>) dst(%dma_wait3A_165 : memref<8x128xf32, #tpu.memory_space<vmem_shared>>)
        tpu.yield
      }) : () -> ()
      %mul3A_130 = arith.constant 168 : i32
      %mul3A_131 = arith.muli %arg1, %mul3A_130 : i32
      %add3A_132 = arith.constant 160 : i32
      %add3A_133 = arith.addi %mul3A_131, %add3A_132 : i32
      "tpu.region"() ({
        %run_scoped3A = tpu.sem_alloc : memref<!tpu.dma_semaphore, #tpu.memory_space<semaphore_mem>>
        %dma_start3A = arith.constant 0 : i32
        %dma_start3A_160 = tpu.memref_slice %arg13[%add3A_133, %dma_start3A] : memref<2688x128xf32, #tpu.memory_space<vmem_shared>> -> memref<8x128xf32, #tpu.memory_space<vmem_shared>>
        %dma_start3A_161 = arith.constant 0 : i32
        %dma_start3A_162 = tpu.memref_slice %arg13[%add3A_133, %dma_start3A_161] : memref<2688x128xf32, #tpu.memory_space<vmem_shared>> -> memref<8x128xf32, #tpu.memory_space<vmem_shared>>
        tpu.enqueue_dma source(%arg11 : memref<8x128xf32, #tpu.memory_space<vmem>>) target(%dma_start3A_162 : memref<8x128xf32, #tpu.memory_space<vmem_shared>>) target_semaphore(%run_scoped3A : memref<!tpu.dma_semaphore, #tpu.memory_space<semaphore_mem>>)
        %dma_wait3A = arith.constant 0 : i32
        %dma_wait3A_163 = tpu.memref_slice %arg13[%add3A_133, %dma_wait3A] : memref<2688x128xf32, #tpu.memory_space<vmem_shared>> -> memref<8x128xf32, #tpu.memory_space<vmem_shared>>
        %dma_wait3A_164 = arith.constant 0 : i32
        %dma_wait3A_165 = tpu.memref_slice %arg13[%add3A_133, %dma_wait3A_164] : memref<2688x128xf32, #tpu.memory_space<vmem_shared>> -> memref<8x128xf32, #tpu.memory_space<vmem_shared>>
        tpu.wait_dma2 semaphore(%run_scoped3A : memref<!tpu.dma_semaphore, #tpu.memory_space<semaphore_mem>>) src(%arg11 : memref<8x128xf32, #tpu.memory_space<vmem>>) dst(%dma_wait3A_165 : memref<8x128xf32, #tpu.memory_space<vmem_shared>>)
        tpu.yield
      }) : () -> ()
      %barrier3A = arith.constant 0 : index
      tpu.barrier barrier_id(%barrier3A)
      %mul3A_134 = arith.constant 10000 : i32
      %mul3A_135 = arith.muli %arg1, %mul3A_134 : i32
      %scan3A_136 = arith.constant 0 : i32
      %scan3A_137 = arith.constant 0 : i32
      %scan3A_138 = arith.constant 25 : i32
      %scan3A_139 = arith.addi %scan3A_137, %scan3A_138 : i32
      %scan3A_140 = arith.constant 1 : i32
      %scan3A_141 = scf.for %scan3A_160 = %scan3A_137 to %scan3A_139 step %scan3A_140 iter_args(%scan3A_161 = %scan3A_136) -> (i32)  : i32 {
        %mul3A_162 = arith.constant 400 : i32
        %mul3A_163 = arith.muli %scan3A_160, %mul3A_162 : i32
        %add3A_164 = arith.addi %mul3A_135, %mul3A_163 : i32
        "tpu.region"() ({
          %run_scoped3A_173 = tpu.sem_alloc : memref<!tpu.dma_semaphore, #tpu.memory_space<semaphore_mem>>
          %dma_start3A = tpu.memref_slice %arg4[%add3A_164] : memref<160000xi32, #tpu.memory_space<hbm>> -> memref<400xi32, #tpu.memory_space<hbm>>
          %dma_start3A_174 = tpu.memref_slice %arg4[%add3A_164] : memref<160000xi32, #tpu.memory_space<hbm>> -> memref<400xi32, #tpu.memory_space<hbm>>
          tpu.enqueue_dma source(%dma_start3A_174 : memref<400xi32, #tpu.memory_space<hbm>>) target(%arg8 : memref<400xi32, #tpu.memory_space<vmem>>) target_semaphore(%run_scoped3A_173 : memref<!tpu.dma_semaphore, #tpu.memory_space<semaphore_mem>>)
          %dma_wait3A = tpu.memref_slice %arg4[%add3A_164] : memref<160000xi32, #tpu.memory_space<hbm>> -> memref<400xi32, #tpu.memory_space<hbm>>
          %dma_wait3A_175 = tpu.memref_slice %arg4[%add3A_164] : memref<160000xi32, #tpu.memory_space<hbm>> -> memref<400xi32, #tpu.memory_space<hbm>>
          tpu.wait_dma2 semaphore(%run_scoped3A_173 : memref<!tpu.dma_semaphore, #tpu.memory_space<semaphore_mem>>) src(%dma_wait3A_175 : memref<400xi32, #tpu.memory_space<hbm>>) dst(%arg8 : memref<400xi32, #tpu.memory_space<vmem>>)
          tpu.yield
        }) : () -> ()
        %scan3A_165 = arith.constant 0 : i32
        %scan3A_166 = arith.constant 0 : i32
        %scan3A_167 = arith.constant 25 : i32
        %scan3A_168 = arith.addi %scan3A_166, %scan3A_167 : i32
        %scan3A_169 = arith.constant 1 : i32
        %scan3A_170 = scf.for %scan3A_173 = %scan3A_166 to %scan3A_168 step %scan3A_169 iter_args(%scan3A_174 = %scan3A_165) -> (i32)  : i32 {
          %mul3A_175 = arith.constant 16 : i32
          %mul3A_176 = arith.muli %scan3A_173, %mul3A_175 : i32
          %get3A = arith.index_cast %mul3A_176 : i32 to index
          %get3A_177 = tpu.vector_load %arg8[%get3A] {strides = array<i32>} : memref<400xi32, #tpu.memory_space<vmem>>, vector<16xi32>,
          %get3A_178 = vector.shape_cast %get3A_177 : vector<16xi32> to vector<16xi32>
          %sub3A_179 = vector.broadcast %multiple_of3A_49 : i32 to vector<16xi32>
          %sub3A_180 = arith.subi %get3A_178, %sub3A_179 : vector<16xi32>
          %lt3A = arith.constant 0 : i32
          %lt3A_181 = vector.broadcast %lt3A : i32 to vector<16xi32>
          %lt3A_182 = arith.cmpi slt, %sub3A_180, %lt3A_181 : vector<16xi32>
          %ge3A = arith.constant 2560 : i32
          %ge3A_183 = vector.broadcast %ge3A : i32 to vector<16xi32>
          %ge3A_184 = arith.cmpi sge, %sub3A_180, %ge3A_183 : vector<16xi32>
          %or3A = arith.ori %lt3A_182, %ge3A_184 : vector<16xi1>
          %iota3A = tpu.iota {dimensions = array<i32: 0>} : vector<16xi32>
          %jit3A_185 = arith.constant 8 : i32
          %eq3A = arith.constant 0 : i32
          %eq3A_186 = arith.cmpi eq, %jit3A_185, %eq3A : i32
          %jit3A_187 = arith.constant 1 : i32
          %select_n3A_188 = arith.select %eq3A_186, %jit3A_187, %jit3A_185 : i32
          %rem3A_189 = arith.remsi %scan3A_173, %select_n3A_188 : i32
          %ne3A_190 = arith.constant 0 : i32
          %ne3A_191 = arith.cmpi ne, %rem3A_189, %ne3A_190 : i32
          %lt3A_192 = arith.constant 0 : i32
          %lt3A_193 = arith.cmpi slt, %rem3A_189, %lt3A_192 : i32
          %lt3A_194 = arith.constant 0 : i32
          %lt3A_195 = arith.cmpi slt, %select_n3A_188, %lt3A_194 : i32
          %ne3A_196 = arith.xori %lt3A_193, %lt3A_195 : i1
          %and3A_197 = arith.andi %ne3A_196, %ne3A_191 : i1
          %add3A_198 = arith.addi %rem3A_189, %select_n3A_188 : i32
          %select_n3A_199 = arith.select %and3A_197, %add3A_198, %rem3A_189 : i32
          %mul3A_200 = arith.constant 16 : i32
          %mul3A_201 = arith.muli %select_n3A_199, %mul3A_200 : i32
          %add3A_202 = arith.constant 2560 : i32
          %add3A_203 = arith.addi %add3A_202, %mul3A_201 : i32
          %add3A_204 = vector.broadcast %add3A_203 : i32 to vector<16xi32>
          %add3A_205 = arith.addi %iota3A, %add3A_204 : vector<16xi32>
          %select_n3A_206 = arith.select %or3A, %add3A_205, %sub3A_180 : vector<16xi1>, vector<16xi32>
          %mul3A_207 = arith.constant 16 : i32
          %mul3A_208 = arith.muli %scan3A_173, %mul3A_207 : i32
          %swap3A = arith.index_cast %mul3A_208 : i32 to index
          %swap3A_209 = tpu.vector_load %arg9[%swap3A] {strides = array<i32>} : memref<400xi32, #tpu.memory_space<vmem>>, vector<16xi32>,
          %swap3A_210 = vector.shape_cast %swap3A_209 : vector<16xi32> to vector<16xi32>
          %swap3A_211 = vector.shape_cast %select_n3A_206 : vector<16xi32> to vector<16xi32>
          tpu.vector_store %arg9[%swap3A], %swap3A_211 {strides = array<i32>} : memref<400xi32, #tpu.memory_space<vmem>>, vector<16xi32>,
          %scan3A_212 = arith.constant 0 : i32
          scf.yield %scan3A_212 : i32
        }
        %scan3A_171 = arith.constant 25 : i32
        %run_scoped3A = arith.constant 0 : i32
        "tpu.region"() ({
          %run_scoped3A_173 = tpu.sem_alloc : memref<!tpu.dma_semaphore, #tpu.memory_space<semaphore_mem>>
          %dma_start3A = arith.constant 0 : i32
          %dma_start3A_174 = arith.constant 0 : i32
          %dma_start3A_175 = tpu.memref_slice %arg10[%run_scoped3A, %dma_start3A, %dma_start3A_174] : memref<1x400x128xf32, #tpu.memory_space<vmem>> -> memref<1x400x128xf32, #tpu.memory_space<vmem>>
          %dma_start3A_176 = tpu.memref_squeeze %dma_start3A_175 : memref<1x400x128xf32, #tpu.memory_space<vmem>> -> memref<400x128xf32, #tpu.memory_space<vmem>>
          %dma_start3A_177 = arith.constant 0 : i32
          %dma_start3A_178 = arith.constant 0 : i32
          %dma_start3A_179 = tpu.memref_slice %arg13[%dma_start3A_177, %dma_start3A_178] : memref<2688x128xf32, #tpu.memory_space<vmem_shared>> -> memref<2688x128xf32, #tpu.memory_space<vmem_shared>>
          tpu.enqueue_indirect_dma source(%dma_start3A_176 : memref<400x128xf32, #tpu.memory_space<vmem>>) target(%dma_start3A_179 : memref<2688x128xf32, #tpu.memory_space<vmem_shared>>) offsets(%arg9 : memref<400xi32, #tpu.memory_space<vmem>>) semaphore(%run_scoped3A_173 : memref<!tpu.dma_semaphore, #tpu.memory_space<semaphore_mem>>) {add = true}
          %dma_wait3A = arith.constant 0 : i32
          %dma_wait3A_180 = arith.constant 0 : i32
          %dma_wait3A_181 = tpu.memref_slice %arg10[%run_scoped3A, %dma_wait3A, %dma_wait3A_180] : memref<1x400x128xf32, #tpu.memory_space<vmem>> -> memref<1x400x128xf32, #tpu.memory_space<vmem>>
          %dma_wait3A_182 = tpu.memref_squeeze %dma_wait3A_181 : memref<1x400x128xf32, #tpu.memory_space<vmem>> -> memref<400x128xf32, #tpu.memory_space<vmem>>
          %dma_wait3A_183 = arith.constant 0 : i32
          %dma_wait3A_184 = arith.constant 0 : i32
          %dma_wait3A_185 = tpu.memref_slice %arg13[%dma_wait3A_183, %dma_wait3A_184] : memref<2688x128xf32, #tpu.memory_space<vmem_shared>> -> memref<2688x128xf32, #tpu.memory_space<vmem_shared>>
          tpu.wait_indirect_dma semaphore(%run_scoped3A_173 : memref<!tpu.dma_semaphore, #tpu.memory_space<semaphore_mem>>) src(%dma_wait3A_182 : memref<400x128xf32, #tpu.memory_space<vmem>>) dst(%dma_wait3A_185 : memref<2688x128xf32, #tpu.memory_space<vmem_shared>>)
          tpu.yield
        }) : () -> ()
        %scan3A_172 = arith.constant 0 : i32
        scf.yield %scan3A_172 : i32
      }
      %scan3A_142 = arith.constant 25 : i32
      %barrier3A_143 = arith.constant 0 : index
      tpu.barrier barrier_id(%barrier3A_143)
      %mul3A_144 = arith.constant 160 : i32
      %mul3A_145 = arith.muli %arg1, %mul3A_144 : i32
      %add3A_146 = arith.constant 0 : i32
      %add3A_147 = arith.addi %mul3A_145, %add3A_146 : i32
      "tpu.region"() ({
        %run_scoped3A = tpu.sem_alloc : memref<!tpu.dma_semaphore, #tpu.memory_space<semaphore_mem>>
        %dma_start3A = arith.constant 0 : i32
        %dma_start3A_160 = arith.constant 0 : i32
        %dma_start3A_161 = tpu.memref_slice %arg12[%dma_start3A, %dma_start3A_160] : memref<80x128xf32, #tpu.memory_space<vmem>> -> memref<80x128xf32, #tpu.memory_space<vmem>>
        %dma_start3A_162 = arith.constant 0 : i32
        %dma_start3A_163 = tpu.memref_slice %arg13[%add3A_147, %dma_start3A_162] : memref<2688x128xf32, #tpu.memory_space<vmem_shared>> -> memref<80x128xf32, #tpu.memory_space<vmem_shared>>
        %dma_start3A_164 = arith.constant 0 : i32
        %dma_start3A_165 = arith.constant 0 : i32
        %dma_start3A_166 = tpu.memref_slice %arg12[%dma_start3A_164, %dma_start3A_165] : memref<80x128xf32, #tpu.memory_space<vmem>> -> memref<80x128xf32, #tpu.memory_space<vmem>>
        %dma_start3A_167 = arith.constant 0 : i32
        %dma_start3A_168 = tpu.memref_slice %arg13[%add3A_147, %dma_start3A_167] : memref<2688x128xf32, #tpu.memory_space<vmem_shared>> -> memref<80x128xf32, #tpu.memory_space<vmem_shared>>
        tpu.enqueue_dma source(%dma_start3A_168 : memref<80x128xf32, #tpu.memory_space<vmem_shared>>) target(%dma_start3A_166 : memref<80x128xf32, #tpu.memory_space<vmem>>) target_semaphore(%run_scoped3A : memref<!tpu.dma_semaphore, #tpu.memory_space<semaphore_mem>>)
        %dma_wait3A = arith.constant 0 : i32
        %dma_wait3A_169 = arith.constant 0 : i32
        %dma_wait3A_170 = tpu.memref_slice %arg12[%dma_wait3A, %dma_wait3A_169] : memref<80x128xf32, #tpu.memory_space<vmem>> -> memref<80x128xf32, #tpu.memory_space<vmem>>
        %dma_wait3A_171 = arith.constant 0 : i32
        %dma_wait3A_172 = tpu.memref_slice %arg13[%add3A_147, %dma_wait3A_171] : memref<2688x128xf32, #tpu.memory_space<vmem_shared>> -> memref<80x128xf32, #tpu.memory_space<vmem_shared>>
        %dma_wait3A_173 = arith.constant 0 : i32
        %dma_wait3A_174 = arith.constant 0 : i32
        %dma_wait3A_175 = tpu.memref_slice %arg12[%dma_wait3A_173, %dma_wait3A_174] : memref<80x128xf32, #tpu.memory_space<vmem>> -> memref<80x128xf32, #tpu.memory_space<vmem>>
        %dma_wait3A_176 = arith.constant 0 : i32
        %dma_wait3A_177 = tpu.memref_slice %arg13[%add3A_147, %dma_wait3A_176] : memref<2688x128xf32, #tpu.memory_space<vmem_shared>> -> memref<80x128xf32, #tpu.memory_space<vmem_shared>>
        tpu.wait_dma2 semaphore(%run_scoped3A : memref<!tpu.dma_semaphore, #tpu.memory_space<semaphore_mem>>) src(%dma_wait3A_177 : memref<80x128xf32, #tpu.memory_space<vmem_shared>>) dst(%dma_wait3A_175 : memref<80x128xf32, #tpu.memory_space<vmem>>)
        tpu.yield
      }) : () -> ()
      %add3A_148 = arith.addi %multiple_of3A, %multiple_of3A_49 : i32
      %add3A_149 = arith.addi %add3A_148, %add3A_147 : i32
      %multiple_of3A_150 = tpu.assume_multiple %add3A_149, 8 : i32
      "tpu.region"() ({
        %run_scoped3A = tpu.sem_alloc : memref<!tpu.dma_semaphore, #tpu.memory_space<semaphore_mem>>
        %dma_start3A = arith.constant 0 : i32
        %dma_start3A_160 = arith.constant 0 : i32
        %dma_start3A_161 = tpu.memref_slice %arg12[%dma_start3A, %dma_start3A_160] : memref<80x128xf32, #tpu.memory_space<vmem>> -> memref<80x128xf32, #tpu.memory_space<vmem>>
        %dma_start3A_162 = arith.constant 0 : i32
        %dma_start3A_163 = tpu.memref_slice %arg5[%multiple_of3A_150, %dma_start3A_162] : memref<10240x128xf32, #tpu.memory_space<hbm>> -> memref<80x128xf32, #tpu.memory_space<hbm>>
        %dma_start3A_164 = arith.constant 0 : i32
        %dma_start3A_165 = tpu.memref_slice %arg5[%multiple_of3A_150, %dma_start3A_164] : memref<10240x128xf32, #tpu.memory_space<hbm>> -> memref<80x128xf32, #tpu.memory_space<hbm>>
        %dma_start3A_166 = arith.constant 0 : i32
        %dma_start3A_167 = arith.constant 0 : i32
        %dma_start3A_168 = tpu.memref_slice %arg12[%dma_start3A_166, %dma_start3A_167] : memref<80x128xf32, #tpu.memory_space<vmem>> -> memref<80x128xf32, #tpu.memory_space<vmem>>
        tpu.enqueue_dma source(%dma_start3A_168 : memref<80x128xf32, #tpu.memory_space<vmem>>) target(%dma_start3A_165 : memref<80x128xf32, #tpu.memory_space<hbm>>) target_semaphore(%run_scoped3A : memref<!tpu.dma_semaphore, #tpu.memory_space<semaphore_mem>>)
        %dma_wait3A = arith.constant 0 : i32
        %dma_wait3A_169 = arith.constant 0 : i32
        %dma_wait3A_170 = tpu.memref_slice %arg12[%dma_wait3A, %dma_wait3A_169] : memref<80x128xf32, #tpu.memory_space<vmem>> -> memref<80x128xf32, #tpu.memory_space<vmem>>
        %dma_wait3A_171 = arith.constant 0 : i32
        %dma_wait3A_172 = tpu.memref_slice %arg5[%multiple_of3A_150, %dma_wait3A_171] : memref<10240x128xf32, #tpu.memory_space<hbm>> -> memref<80x128xf32, #tpu.memory_space<hbm>>
        %dma_wait3A_173 = arith.constant 0 : i32
        %dma_wait3A_174 = tpu.memref_slice %arg5[%multiple_of3A_150, %dma_wait3A_173] : memref<10240x128xf32, #tpu.memory_space<hbm>> -> memref<80x128xf32, #tpu.memory_space<hbm>>
        %dma_wait3A_175 = arith.constant 0 : i32
        %dma_wait3A_176 = arith.constant 0 : i32
        %dma_wait3A_177 = tpu.memref_slice %arg12[%dma_wait3A_175, %dma_wait3A_176] : memref<80x128xf32, #tpu.memory_space<vmem>> -> memref<80x128xf32, #tpu.memory_space<vmem>>
        tpu.wait_dma2 semaphore(%run_scoped3A : memref<!tpu.dma_semaphore, #tpu.memory_space<semaphore_mem>>) src(%dma_wait3A_177 : memref<80x128xf32, #tpu.memory_space<vmem>>) dst(%dma_wait3A_174 : memref<80x128xf32, #tpu.memory_space<hbm>>)
        tpu.yield
      }) : () -> ()
      %mul3A_151 = arith.constant 160 : i32
      %mul3A_152 = arith.muli %arg1, %mul3A_151 : i32
      %add3A_153 = arith.constant 80 : i32
      %add3A_154 = arith.addi %mul3A_152, %add3A_153 : i32
      "tpu.region"() ({
        %run_scoped3A = tpu.sem_alloc : memref<!tpu.dma_semaphore, #tpu.memory_space<semaphore_mem>>
        %dma_start3A = arith.constant 0 : i32
        %dma_start3A_160 = arith.constant 0 : i32
        %dma_start3A_161 = tpu.memref_slice %arg12[%dma_start3A, %dma_start3A_160] : memref<80x128xf32, #tpu.memory_space<vmem>> -> memref<80x128xf32, #tpu.memory_space<vmem>>
        %dma_start3A_162 = arith.constant 0 : i32
        %dma_start3A_163 = tpu.memref_slice %arg13[%add3A_154, %dma_start3A_162] : memref<2688x128xf32, #tpu.memory_space<vmem_shared>> -> memref<80x128xf32, #tpu.memory_space<vmem_shared>>
        %dma_start3A_164 = arith.constant 0 : i32
        %dma_start3A_165 = arith.constant 0 : i32
        %dma_start3A_166 = tpu.memref_slice %arg12[%dma_start3A_164, %dma_start3A_165] : memref<80x128xf32, #tpu.memory_space<vmem>> -> memref<80x128xf32, #tpu.memory_space<vmem>>
        %dma_start3A_167 = arith.constant 0 : i32
        %dma_start3A_168 = tpu.memref_slice %arg13[%add3A_154, %dma_start3A_167] : memref<2688x128xf32, #tpu.memory_space<vmem_shared>> -> memref<80x128xf32, #tpu.memory_space<vmem_shared>>
        tpu.enqueue_dma source(%dma_start3A_168 : memref<80x128xf32, #tpu.memory_space<vmem_shared>>) target(%dma_start3A_166 : memref<80x128xf32, #tpu.memory_space<vmem>>) target_semaphore(%run_scoped3A : memref<!tpu.dma_semaphore, #tpu.memory_space<semaphore_mem>>)
        %dma_wait3A = arith.constant 0 : i32
        %dma_wait3A_169 = arith.constant 0 : i32
        %dma_wait3A_170 = tpu.memref_slice %arg12[%dma_wait3A, %dma_wait3A_169] : memref<80x128xf32, #tpu.memory_space<vmem>> -> memref<80x128xf32, #tpu.memory_space<vmem>>
        %dma_wait3A_171 = arith.constant 0 : i32
        %dma_wait3A_172 = tpu.memref_slice %arg13[%add3A_154, %dma_wait3A_171] : memref<2688x128xf32, #tpu.memory_space<vmem_shared>> -> memref<80x128xf32, #tpu.memory_space<vmem_shared>>
        %dma_wait3A_173 = arith.constant 0 : i32
        %dma_wait3A_174 = arith.constant 0 : i32
        %dma_wait3A_175 = tpu.memref_slice %arg12[%dma_wait3A_173, %dma_wait3A_174] : memref<80x128xf32, #tpu.memory_space<vmem>> -> memref<80x128xf32, #tpu.memory_space<vmem>>
        %dma_wait3A_176 = arith.constant 0 : i32
        %dma_wait3A_177 = tpu.memref_slice %arg13[%add3A_154, %dma_wait3A_176] : memref<2688x128xf32, #tpu.memory_space<vmem_shared>> -> memref<80x128xf32, #tpu.memory_space<vmem_shared>>
        tpu.wait_dma2 semaphore(%run_scoped3A : memref<!tpu.dma_semaphore, #tpu.memory_space<semaphore_mem>>) src(%dma_wait3A_177 : memref<80x128xf32, #tpu.memory_space<vmem_shared>>) dst(%dma_wait3A_175 : memref<80x128xf32, #tpu.memory_space<vmem>>)
        tpu.yield
      }) : () -> ()
      %add3A_155 = arith.addi %multiple_of3A, %multiple_of3A_49 : i32
      %add3A_156 = arith.addi %add3A_155, %add3A_154 : i32
      %multiple_of3A_157 = tpu.assume_multiple %add3A_156, 8 : i32
      "tpu.region"() ({
        %run_scoped3A = tpu.sem_alloc : memref<!tpu.dma_semaphore, #tpu.memory_space<semaphore_mem>>
        %dma_start3A = arith.constant 0 : i32
        %dma_start3A_160 = arith.constant 0 : i32
        %dma_start3A_161 = tpu.memref_slice %arg12[%dma_start3A, %dma_start3A_160] : memref<80x128xf32, #tpu.memory_space<vmem>> -> memref<80x128xf32, #tpu.memory_space<vmem>>
        %dma_start3A_162 = arith.constant 0 : i32
        %dma_start3A_163 = tpu.memref_slice %arg5[%multiple_of3A_157, %dma_start3A_162] : memref<10240x128xf32, #tpu.memory_space<hbm>> -> memref<80x128xf32, #tpu.memory_space<hbm>>
        %dma_start3A_164 = arith.constant 0 : i32
        %dma_start3A_165 = tpu.memref_slice %arg5[%multiple_of3A_157, %dma_start3A_164] : memref<10240x128xf32, #tpu.memory_space<hbm>> -> memref<80x128xf32, #tpu.memory_space<hbm>>
        %dma_start3A_166 = arith.constant 0 : i32
        %dma_start3A_167 = arith.constant 0 : i32
        %dma_start3A_168 = tpu.memref_slice %arg12[%dma_start3A_166, %dma_start3A_167] : memref<80x128xf32, #tpu.memory_space<vmem>> -> memref<80x128xf32, #tpu.memory_space<vmem>>
        tpu.enqueue_dma source(%dma_start3A_168 : memref<80x128xf32, #tpu.memory_space<vmem>>) target(%dma_start3A_165 : memref<80x128xf32, #tpu.memory_space<hbm>>) target_semaphore(%run_scoped3A : memref<!tpu.dma_semaphore, #tpu.memory_space<semaphore_mem>>)
        %dma_wait3A = arith.constant 0 : i32
        %dma_wait3A_169 = arith.constant 0 : i32
        %dma_wait3A_170 = tpu.memref_slice %arg12[%dma_wait3A, %dma_wait3A_169] : memref<80x128xf32, #tpu.memory_space<vmem>> -> memref<80x128xf32, #tpu.memory_space<vmem>>
        %dma_wait3A_171 = arith.constant 0 : i32
        %dma_wait3A_172 = tpu.memref_slice %arg5[%multiple_of3A_157, %dma_wait3A_171] : memref<10240x128xf32, #tpu.memory_space<hbm>> -> memref<80x128xf32, #tpu.memory_space<hbm>>
        %dma_wait3A_173 = arith.constant 0 : i32
        %dma_wait3A_174 = tpu.memref_slice %arg5[%multiple_of3A_157, %dma_wait3A_173] : memref<10240x128xf32, #tpu.memory_space<hbm>> -> memref<80x128xf32, #tpu.memory_space<hbm>>
        %dma_wait3A_175 = arith.constant 0 : i32
        %dma_wait3A_176 = arith.constant 0 : i32
        %dma_wait3A_177 = tpu.memref_slice %arg12[%dma_wait3A_175, %dma_wait3A_176] : memref<80x128xf32, #tpu.memory_space<vmem>> -> memref<80x128xf32, #tpu.memory_space<vmem>>
        tpu.wait_dma2 semaphore(%run_scoped3A : memref<!tpu.dma_semaphore, #tpu.memory_space<semaphore_mem>>) src(%dma_wait3A_177 : memref<80x128xf32, #tpu.memory_space<vmem>>) dst(%dma_wait3A_174 : memref<80x128xf32, #tpu.memory_space<hbm>>)
        tpu.yield
      }) : () -> ()
      %barrier3A_158 = arith.constant 0 : index
      tpu.barrier barrier_id(%barrier3A_158)
      %scan3A_159 = arith.constant 0 : i32
      scf.yield %scan3A_159 : i32
    }
    %scan3A_22 = arith.constant 2 : i32
    return
  }
}

module attributes {stable_mosaic.version = 14 : i64} {
  func.func @_prep_body(%arg0: i32, %arg1: i32, %arg2: memref<1024x128xf32, #tpu.memory_space<vmem>>, %arg3: memref<1024x128xf32, #tpu.memory_space<vmem>>, %arg4: memref<1024x128xf32, #tpu.memory_space<vmem>>, %arg5: memref<1024x128xf32, #tpu.memory_space<vmem>>) attributes {dimension_semantics = [#tpu.dimension_semantics<parallel>, #tpu.dimension_semantics<arbitrary>], iteration_bounds = array<i64: 10, 2>, scalar_prefetch = 0 : i64, scratch_operands = 0 : i64, tpu.core_type = #tpu.core_type<tc>, window_params = [{transform_indices = @transform_0, window_bounds = array<i64: 1024, 128>}, {transform_indices = @transform_1, window_bounds = array<i64: 1024, 128>}, {transform_indices = @transform_2, window_bounds = array<i64: 1024, 128>}, {transform_indices = @transform_3, window_bounds = array<i64: 1024, 128>}]} {
    %get3A = arith.constant 0 : index
    %get3A_0 = arith.constant 0 : index
    %get3A_1 = vector.load %arg3[%get3A, %get3A_0] : memref<1024x128xf32, #tpu.memory_space<vmem>>, vector<1024x1xf32>
    %add3A = arith.constant 1.000000e+00 : f32
    %add3A_2 = vector.broadcast %add3A : f32 to vector<1024x1xf32>
    %add3A_3 = arith.addf %get3A_1, %add3A_2 : vector<1024x1xf32>
    %rsqrt3A = math.rsqrt %add3A_3 : vector<1024x1xf32>
    %get3A_4 = arith.constant 0 : index
    %get3A_5 = arith.constant 0 : index
    %get3A_6 = vector.load %arg2[%get3A_4, %get3A_5] : memref<1024x128xf32, #tpu.memory_space<vmem>>, vector<1024x128xf32>
    %mul3A = vector.broadcast %rsqrt3A : vector<1024x1xf32> to vector<1024x128xf32>
    %mul3A_7 = arith.mulf %get3A_6, %mul3A : vector<1024x128xf32>
    %swap3A = arith.constant 0 : index
    %swap3A_8 = arith.constant 0 : index
    %swap3A_9 = vector.load %arg4[%swap3A, %swap3A_8] : memref<1024x128xf32, #tpu.memory_space<vmem>>, vector<1024x128xf32>
    tpu.vector_store %arg4[%swap3A, %swap3A_8], %mul3A_7 {strides = array<i32>} : memref<1024x128xf32, #tpu.memory_space<vmem>>, vector<1024x128xf32>,
    %eq3A = arith.constant 0 : i32
    %eq3A_10 = arith.cmpi eq, %arg1, %eq3A : i32
    %convert_element_type3A = arith.extui %eq3A_10 : i1 to i32
    %cond3A = arith.constant 0 : i32
    %cond3A_11 = arith.cmpi ne, %convert_element_type3A, %cond3A : i32
    scf.if %cond3A_11 {
      %broadcast_in_dim3A = vector.shape_cast %rsqrt3A : vector<1024x1xf32> to vector<1024x1xf32>
      %broadcast_in_dim3A_12 = vector.broadcast %broadcast_in_dim3A : vector<1024x1xf32> to vector<1024x128xf32>
      %swap3A_13 = arith.constant 0 : index
      %swap3A_14 = arith.constant 0 : index
      %swap3A_15 = vector.load %arg5[%swap3A_13, %swap3A_14] : memref<1024x128xf32, #tpu.memory_space<vmem>>, vector<1024x128xf32>
      tpu.vector_store %arg5[%swap3A_13, %swap3A_14], %broadcast_in_dim3A_12 {strides = array<i32>} : memref<1024x128xf32, #tpu.memory_space<vmem>>, vector<1024x128xf32>,
    } else {
    }
    return
  }
  func.func @transform_0(%arg0: i32, %arg1: i32) -> (i32, i32) {
    %c0_i32 = arith.constant 0 : i32
    return %arg0, %arg1 : i32, i32
  }
  func.func @transform_1(%arg0: i32, %arg1: i32) -> (i32, i32) {
    %c0_i32 = arith.constant 0 : i32
    %c0_i32_0 = arith.constant 0 : i32
    return %arg0, %c0_i32 : i32, i32
  }
  func.func @transform_2(%arg0: i32, %arg1: i32) -> (i32, i32) {
    %mul3A = arith.constant 10 : i32
    %mul3A_0 = arith.muli %arg1, %mul3A : i32
    %add3A = arith.addi %mul3A_0, %arg0 : i32
    %c0_i32 = arith.constant 0 : i32
    %c0_i32_1 = arith.constant 0 : i32
    return %add3A, %c0_i32 : i32, i32
  }
  func.func @transform_3(%arg0: i32, %arg1: i32) -> (i32, i32) {
    %c0_i32 = arith.constant 0 : i32
    %c0_i32_0 = arith.constant 0 : i32
    return %arg0, %c0_i32 : i32, i32
  }
}

module attributes {stable_mosaic.version = 14 : i64} {
  func.func @_l1_body(%arg0: i32, %arg1: i32, %arg2: i32, %arg3: memref<1024x128xf32, #tpu.memory_space<vmem>>, %arg4: memref<1024x128xf32, #tpu.memory_space<vmem>>, %arg5: memref<1024x128xf32, #tpu.memory_space<vmem>>, %arg6: memref<128x128xf32, #tpu.memory_space<vmem>>, %arg7: memref<1x128xf32, #tpu.memory_space<vmem>>, %arg8: memref<1024x128xf32, #tpu.memory_space<vmem>>) attributes {dimension_semantics = [#tpu.dimension_semantics<parallel>, #tpu.dimension_semantics<parallel>, #tpu.dimension_semantics<arbitrary>], iteration_bounds = array<i64: 10, 4, 2>, scalar_prefetch = 0 : i64, scratch_operands = 0 : i64, tpu.core_type = #tpu.core_type<tc>, window_params = [{transform_indices = @transform_0, window_bounds = array<i64: 1024, 128>}, {transform_indices = @transform_1, window_bounds = array<i64: 1024, 128>}, {transform_indices = @transform_2, window_bounds = array<i64: 1024, 128>}, {transform_indices = @transform_3, window_bounds = array<i64: 128, 128>}, {transform_indices = @transform_4, window_bounds = array<i64: 1, 128>}, {transform_indices = @transform_5, window_bounds = array<i64: 1024, 128>}]} {
    %get3A = arith.constant 0 : index
    %get3A_0 = arith.constant 0 : index
    %get3A_1 = vector.load %arg5[%get3A, %get3A_0] : memref<1024x128xf32, #tpu.memory_space<vmem>>, vector<1024x128xf32>
    %get3A_2 = arith.constant 0 : index
    %get3A_3 = arith.constant 0 : index
    %get3A_4 = vector.load %arg3[%get3A_2, %get3A_3] : memref<1024x128xf32, #tpu.memory_space<vmem>>, vector<1024x128xf32>
    %get3A_5 = arith.constant 0 : index
    %get3A_6 = arith.constant 0 : index
    %get3A_7 = vector.load %arg4[%get3A_5, %get3A_6] : memref<1024x128xf32, #tpu.memory_space<vmem>>, vector<1024x128xf32>
    %add3A = arith.addf %get3A_4, %get3A_7 : vector<1024x128xf32>
    %mul3A = arith.mulf %get3A_1, %add3A : vector<1024x128xf32>
    %get3A_8 = arith.constant 0 : index
    %get3A_9 = arith.constant 0 : index
    %get3A_10 = vector.load %arg6[%get3A_8, %get3A_9] : memref<128x128xf32, #tpu.memory_space<vmem>>, vector<128x128xf32>
    %dot_general3A = arith.constant dense<0.000000e+00> : vector<1024x128xf32>
    %dot_general3A_11 = tpu.matmul %mul3A, %get3A_10, %dot_general3A {dimension_numbers = #tpu.dot_dimension_numbers<[1], [0], [0], [1], [0, 0, 1, 1], [], []>, transpose_lhs_hint = false} : vector<1024x128xf32>, vector<128x128xf32>, vector<1024x128xf32> -> vector<1024x128xf32>
    %eq3A = arith.constant 0 : i32
    %eq3A_12 = arith.cmpi eq, %arg2, %eq3A : i32
    %convert_element_type3A = arith.extui %eq3A_12 : i1 to i32
    %cond3A = arith.constant 0 : i32
    %cond3A_13 = arith.cmpi ne, %convert_element_type3A, %cond3A : i32
    scf.if %cond3A_13 {
      %swap3A = arith.constant 0 : index
      %swap3A_19 = arith.constant 0 : index
      %swap3A_20 = vector.load %arg8[%swap3A, %swap3A_19] : memref<1024x128xf32, #tpu.memory_space<vmem>>, vector<1024x128xf32>
      tpu.vector_store %arg8[%swap3A, %swap3A_19], %dot_general3A_11 {strides = array<i32>} : memref<1024x128xf32, #tpu.memory_space<vmem>>, vector<1024x128xf32>,
    } else {
    }
    %eq3A_14 = arith.constant 1 : i32
    %eq3A_15 = arith.cmpi eq, %arg2, %eq3A_14 : i32
    %convert_element_type3A_16 = arith.extui %eq3A_15 : i1 to i32
    %cond3A_17 = arith.constant 0 : i32
    %cond3A_18 = arith.cmpi ne, %convert_element_type3A_16, %cond3A_17 : i32
    scf.if %cond3A_18 {
      %get3A_19 = arith.constant 0 : index
      %get3A_20 = arith.constant 0 : index
      %get3A_21 = vector.load %arg8[%get3A_19, %get3A_20] : memref<1024x128xf32, #tpu.memory_space<vmem>>, vector<1024x128xf32>
      %add3A_22 = arith.addf %get3A_21, %dot_general3A_11 : vector<1024x128xf32>
      %get3A_23 = arith.constant 0 : index
      %get3A_24 = arith.constant 0 : index
      %get3A_25 = vector.load %arg7[%get3A_23, %get3A_24] : memref<1x128xf32, #tpu.memory_space<vmem>>, vector<1x128xf32>
      %add3A_26 = vector.broadcast %get3A_25 : vector<1x128xf32> to vector<1024x128xf32>
      %add3A_27 = arith.addf %add3A_22, %add3A_26 : vector<1024x128xf32>
      %get3A_28 = arith.constant 0 : index
      %get3A_29 = arith.constant 0 : index
      %get3A_30 = vector.load %arg5[%get3A_28, %get3A_29] : memref<1024x128xf32, #tpu.memory_space<vmem>>, vector<1024x128xf32>
      %max3A = arith.constant 0.000000e+00 : f32
      %max3A_31 = vector.broadcast %max3A : f32 to vector<1024x128xf32>
      %max3A_32 = arith.maximumf %add3A_27, %max3A_31 : vector<1024x128xf32>
      %mul3A_33 = arith.mulf %get3A_30, %max3A_32 : vector<1024x128xf32>
      %swap3A = arith.constant 0 : index
      %swap3A_34 = arith.constant 0 : index
      %swap3A_35 = vector.load %arg8[%swap3A, %swap3A_34] : memref<1024x128xf32, #tpu.memory_space<vmem>>, vector<1024x128xf32>
      tpu.vector_store %arg8[%swap3A, %swap3A_34], %mul3A_33 {strides = array<i32>} : memref<1024x128xf32, #tpu.memory_space<vmem>>, vector<1024x128xf32>,
    } else {
    }
    return
  }
  func.func @transform_0(%arg0: i32, %arg1: i32, %arg2: i32) -> (i32, i32) {
    %mul3A = arith.constant 10 : i32
    %mul3A_0 = arith.muli %arg2, %mul3A : i32
    %add3A = arith.addi %mul3A_0, %arg0 : i32
    %c0_i32 = arith.constant 0 : i32
    %c0_i32_1 = arith.constant 0 : i32
    return %add3A, %c0_i32 : i32, i32
  }
  func.func @transform_1(%arg0: i32, %arg1: i32, %arg2: i32) -> (i32, i32) {
    %mul3A = arith.constant 10 : i32
    %mul3A_0 = arith.muli %arg2, %mul3A : i32
    %add3A = arith.addi %mul3A_0, %arg0 : i32
    %c0_i32 = arith.constant 0 : i32
    %c0_i32_1 = arith.constant 0 : i32
    return %add3A, %c0_i32 : i32, i32
  }
  func.func @transform_2(%arg0: i32, %arg1: i32, %arg2: i32) -> (i32, i32) {
    %c0_i32 = arith.constant 0 : i32
    %c0_i32_0 = arith.constant 0 : i32
    return %arg0, %c0_i32 : i32, i32
  }
  func.func @transform_3(%arg0: i32, %arg1: i32, %arg2: i32) -> (i32, i32) {
    %c0_i32 = arith.constant 0 : i32
    return %arg2, %arg1 : i32, i32
  }
  func.func @transform_4(%arg0: i32, %arg1: i32, %arg2: i32) -> (i32, i32) {
    %c0_i32 = arith.constant 0 : i32
    %c0_i32_0 = arith.constant 0 : i32
    return %c0_i32, %arg1 : i32, i32
  }
  func.func @transform_5(%arg0: i32, %arg1: i32, %arg2: i32) -> (i32, i32) {
    %mul3A = arith.constant 10 : i32
    %mul3A_0 = arith.muli %arg1, %mul3A : i32
    %add3A = arith.addi %mul3A_0, %arg0 : i32
    %c0_i32 = arith.constant 0 : i32
    %c0_i32_1 = arith.constant 0 : i32
    return %add3A, %c0_i32 : i32, i32
  }
}

module attributes {stable_mosaic.version = 14 : i64} {
  func.func @_l2_body(%arg0: i32, %arg1: i32, %arg2: memref<1024x128xf32, #tpu.memory_space<vmem>>, %arg3: memref<1024x128xf32, #tpu.memory_space<vmem>>, %arg4: memref<1024x128xf32, #tpu.memory_space<vmem>>, %arg5: memref<128x512xf32, #tpu.memory_space<vmem>>, %arg6: memref<1x512xf32, #tpu.memory_space<vmem>>, %arg7: memref<512x64xf32, #tpu.memory_space<vmem>>, %arg8: memref<1x64xf32, #tpu.memory_space<vmem>>, %arg9: memref<1024x64xf32, #tpu.memory_space<vmem>>, %arg10: memref<1024x512xf32, #tpu.memory_space<vmem>>) attributes {dimension_semantics = [#tpu.dimension_semantics<parallel>, #tpu.dimension_semantics<arbitrary>], iteration_bounds = array<i64: 10, 4>, scalar_prefetch = 0 : i64, scratch_operands = 1 : i64, tpu.core_type = #tpu.core_type<tc>, window_params = [{transform_indices = @transform_0, window_bounds = array<i64: 1024, 128>}, {transform_indices = @transform_1, window_bounds = array<i64: 1024, 128>}, {transform_indices = @transform_2, window_bounds = array<i64: 1024, 128>}, {transform_indices = @transform_3, window_bounds = array<i64: 128, 512>}, {pipeline_mode = #tpu.pipeline_mode<synchronous>, transform_indices = @transform_4, window_bounds = array<i64: 1, 512>}, {pipeline_mode = #tpu.pipeline_mode<synchronous>, transform_indices = @transform_5, window_bounds = array<i64: 512, 64>}, {pipeline_mode = #tpu.pipeline_mode<synchronous>, transform_indices = @transform_6, window_bounds = array<i64: 1, 64>}, {transform_indices = @transform_7, window_bounds = array<i64: 1024, 64>}]} {
    %get3A = arith.constant 0 : index
    %get3A_0 = arith.constant 0 : index
    %get3A_1 = vector.load %arg4[%get3A, %get3A_0] : memref<1024x128xf32, #tpu.memory_space<vmem>>, vector<1024x128xf32>
    %get3A_2 = arith.constant 0 : index
    %get3A_3 = arith.constant 0 : index
    %get3A_4 = vector.load %arg2[%get3A_2, %get3A_3] : memref<1024x128xf32, #tpu.memory_space<vmem>>, vector<1024x128xf32>
    %get3A_5 = arith.constant 0 : index
    %get3A_6 = arith.constant 0 : index
    %get3A_7 = vector.load %arg3[%get3A_5, %get3A_6] : memref<1024x128xf32, #tpu.memory_space<vmem>>, vector<1024x128xf32>
    %add3A = arith.addf %get3A_4, %get3A_7 : vector<1024x128xf32>
    %mul3A = arith.mulf %get3A_1, %add3A : vector<1024x128xf32>
    %get3A_8 = arith.constant 0 : index
    %get3A_9 = arith.constant 0 : index
    %get3A_10 = vector.load %arg5[%get3A_8, %get3A_9] : memref<128x512xf32, #tpu.memory_space<vmem>>, vector<128x512xf32>
    %dot_general3A = arith.constant dense<0.000000e+00> : vector<1024x512xf32>
    %dot_general3A_11 = tpu.matmul %mul3A, %get3A_10, %dot_general3A {dimension_numbers = #tpu.dot_dimension_numbers<[1], [0], [0], [1], [0, 0, 1, 1], [], []>, transpose_lhs_hint = false} : vector<1024x128xf32>, vector<128x512xf32>, vector<1024x512xf32> -> vector<1024x512xf32>
    %eq3A = arith.constant 0 : i32
    %eq3A_12 = arith.cmpi eq, %arg1, %eq3A : i32
    %convert_element_type3A = arith.extui %eq3A_12 : i1 to i32
    %cond3A = arith.constant 0 : i32
    %cond3A_13 = arith.cmpi ne, %convert_element_type3A, %cond3A : i32
    scf.if %cond3A_13 {
      %swap3A = arith.constant 0 : index
      %swap3A_23 = arith.constant 0 : index
      %swap3A_24 = vector.load %arg10[%swap3A, %swap3A_23] : memref<1024x512xf32, #tpu.memory_space<vmem>>, vector<1024x512xf32>
      tpu.vector_store %arg10[%swap3A, %swap3A_23], %dot_general3A_11 {strides = array<i32>} : memref<1024x512xf32, #tpu.memory_space<vmem>>, vector<1024x512xf32>,
    } else {
    }
    %gt3A = arith.constant 0 : i32
    %gt3A_14 = arith.cmpi sgt, %arg1, %gt3A : i32
    %convert_element_type3A_15 = arith.extui %gt3A_14 : i1 to i32
    %cond3A_16 = arith.constant 0 : i32
    %cond3A_17 = arith.cmpi ne, %convert_element_type3A_15, %cond3A_16 : i32
    scf.if %cond3A_17 {
      %get3A_23 = arith.constant 0 : index
      %get3A_24 = arith.constant 0 : index
      %get3A_25 = vector.load %arg10[%get3A_23, %get3A_24] : memref<1024x512xf32, #tpu.memory_space<vmem>>, vector<1024x512xf32>
      %add3A_26 = arith.addf %get3A_25, %dot_general3A_11 : vector<1024x512xf32>
      %swap3A = arith.constant 0 : index
      %swap3A_27 = arith.constant 0 : index
      %swap3A_28 = vector.load %arg10[%swap3A, %swap3A_27] : memref<1024x512xf32, #tpu.memory_space<vmem>>, vector<1024x512xf32>
      tpu.vector_store %arg10[%swap3A, %swap3A_27], %add3A_26 {strides = array<i32>} : memref<1024x512xf32, #tpu.memory_space<vmem>>, vector<1024x512xf32>,
    } else {
    }
    %eq3A_18 = arith.constant 3 : i32
    %eq3A_19 = arith.cmpi eq, %arg1, %eq3A_18 : i32
    %convert_element_type3A_20 = arith.extui %eq3A_19 : i1 to i32
    %cond3A_21 = arith.constant 0 : i32
    %cond3A_22 = arith.cmpi ne, %convert_element_type3A_20, %cond3A_21 : i32
    scf.if %cond3A_22 {
      %get3A_23 = arith.constant 0 : index
      %get3A_24 = arith.constant 0 : index
      %get3A_25 = vector.load %arg10[%get3A_23, %get3A_24] : memref<1024x512xf32, #tpu.memory_space<vmem>>, vector<1024x512xf32>
      %get3A_26 = arith.constant 0 : index
      %get3A_27 = arith.constant 0 : index
      %get3A_28 = vector.load %arg6[%get3A_26, %get3A_27] : memref<1x512xf32, #tpu.memory_space<vmem>>, vector<1x512xf32>
      %add3A_29 = vector.broadcast %get3A_28 : vector<1x512xf32> to vector<1024x512xf32>
      %add3A_30 = arith.addf %get3A_25, %add3A_29 : vector<1024x512xf32>
      %max3A = arith.constant 0.000000e+00 : f32
      %max3A_31 = vector.broadcast %max3A : f32 to vector<1024x512xf32>
      %max3A_32 = arith.maximumf %add3A_30, %max3A_31 : vector<1024x512xf32>
      %get3A_33 = arith.constant 0 : index
      %get3A_34 = arith.constant 0 : index
      %get3A_35 = vector.load %arg7[%get3A_33, %get3A_34] : memref<512x64xf32, #tpu.memory_space<vmem>>, vector<512x64xf32>
      %dot_general3A_36 = arith.constant dense<0.000000e+00> : vector<1024x64xf32>
      %dot_general3A_37 = tpu.matmul %max3A_32, %get3A_35, %dot_general3A_36 {dimension_numbers = #tpu.dot_dimension_numbers<[1], [0], [0], [1], [0, 0, 1, 1], [], []>, transpose_lhs_hint = false} : vector<1024x512xf32>, vector<512x64xf32>, vector<1024x64xf32> -> vector<1024x64xf32>
      %get3A_38 = arith.constant 0 : index
      %get3A_39 = arith.constant 0 : index
      %get3A_40 = vector.load %arg8[%get3A_38, %get3A_39] : memref<1x64xf32, #tpu.memory_space<vmem>>, vector<1x64xf32>
      %add3A_41 = vector.broadcast %get3A_40 : vector<1x64xf32> to vector<1024x64xf32>
      %add3A_42 = arith.addf %dot_general3A_37, %add3A_41 : vector<1024x64xf32>
      %reduce_max3A = arith.constant dense<0xFF800000> : vector<1024xf32>
      %reduce_max3A_43 = vector.multi_reduction <maximumf>, %add3A_42, %reduce_max3A [1] : vector<1024x64xf32> to vector<1024xf32>
      %broadcast_in_dim3A = vector.shape_cast %reduce_max3A_43 : vector<1024xf32> to vector<1024x1xf32>
      %sub3A = vector.broadcast %broadcast_in_dim3A : vector<1024x1xf32> to vector<1024x64xf32>
      %sub3A_44 = arith.subf %add3A_42, %sub3A : vector<1024x64xf32>
      %exp3A = math.exp %sub3A_44 : vector<1024x64xf32>
      %reduce_sum3A = arith.constant dense<0.000000e+00> : vector<1024xf32>
      %reduce_sum3A_45 = vector.multi_reduction <add>, %exp3A, %reduce_sum3A [1] : vector<1024x64xf32> to vector<1024xf32>
      %broadcast_in_dim3A_46 = vector.shape_cast %reduce_sum3A_45 : vector<1024xf32> to vector<1024x1xf32>
      %log3A = math.log %broadcast_in_dim3A_46 : vector<1024x1xf32>
      %sub3A_47 = vector.broadcast %log3A : vector<1024x1xf32> to vector<1024x64xf32>
      %sub3A_48 = arith.subf %sub3A_44, %sub3A_47 : vector<1024x64xf32>
      %swap3A = arith.constant 0 : index
      %swap3A_49 = arith.constant 0 : index
      %swap3A_50 = vector.load %arg9[%swap3A, %swap3A_49] : memref<1024x64xf32, #tpu.memory_space<vmem>>, vector<1024x64xf32>
      tpu.vector_store %arg9[%swap3A, %swap3A_49], %sub3A_48 {strides = array<i32>} : memref<1024x64xf32, #tpu.memory_space<vmem>>, vector<1024x64xf32>,
    } else {
    }
    return
  }
  func.func @transform_0(%arg0: i32, %arg1: i32) -> (i32, i32) {
    %mul3A = arith.constant 10 : i32
    %mul3A_0 = arith.muli %arg1, %mul3A : i32
    %add3A = arith.addi %mul3A_0, %arg0 : i32
    %c0_i32 = arith.constant 0 : i32
    %c0_i32_1 = arith.constant 0 : i32
    return %add3A, %c0_i32 : i32, i32
  }
  func.func @transform_1(%arg0: i32, %arg1: i32) -> (i32, i32) {
    %mul3A = arith.constant 10 : i32
    %mul3A_0 = arith.muli %arg1, %mul3A : i32
    %add3A = arith.addi %mul3A_0, %arg0 : i32
    %c0_i32 = arith.constant 0 : i32
    %c0_i32_1 = arith.constant 0 : i32
    return %add3A, %c0_i32 : i32, i32
  }
  func.func @transform_2(%arg0: i32, %arg1: i32) -> (i32, i32) {
    %c0_i32 = arith.constant 0 : i32
    %c0_i32_0 = arith.constant 0 : i32
    return %arg0, %c0_i32 : i32, i32
  }
  func.func @transform_3(%arg0: i32, %arg1: i32) -> (i32, i32) {
    %c0_i32 = arith.constant 0 : i32
    %c0_i32_0 = arith.constant 0 : i32
    return %arg1, %c0_i32 : i32, i32
  }
  func.func @transform_4(%arg0: i32, %arg1: i32) -> (i32, i32) {
    %c0_i32 = arith.constant 0 : i32
    %c0_i32_0 = arith.constant 0 : i32
    %c0_i32_1 = arith.constant 0 : i32
    return %c0_i32, %c0_i32_0 : i32, i32
  }
  func.func @transform_5(%arg0: i32, %arg1: i32) -> (i32, i32) {
    %c0_i32 = arith.constant 0 : i32
    %c0_i32_0 = arith.constant 0 : i32
    %c0_i32_1 = arith.constant 0 : i32
    return %c0_i32, %c0_i32_0 : i32, i32
  }
  func.func @transform_6(%arg0: i32, %arg1: i32) -> (i32, i32) {
    %c0_i32 = arith.constant 0 : i32
    %c0_i32_0 = arith.constant 0 : i32
    %c0_i32_1 = arith.constant 0 : i32
    return %c0_i32, %c0_i32_0 : i32, i32
  }
  func.func @transform_7(%arg0: i32, %arg1: i32) -> (i32, i32) {
    %c0_i32 = arith.constant 0 : i32
    %c0_i32_0 = arith.constant 0 : i32
    return %arg0, %c0_i32 : i32, i32
  }
}

</mosaic_0001>

<sc_bundles>
// kernel: kernel.11.cloned.1.call-start
scs
__scs_entry_jumppad:
0x0: {  	(pc) =	sbr.rel $0x88, $3  }
0x1: {  	(tag) =	ssettag $0x0;
	lr =	simm.s32 $0x1  }
0x2: {  	[smem:$0x3F99] =	sst lr;
	_ =	strace $0xD0000000  }
0x3: {  	_ = 	snop  }
0x4: {  	_ = 	snop  }
0x5: {  	_ = 	snop  }
0x6: {  	_ = 	snop  }
0x7: {  	_ = 	snop  }
__scs_overlays_trampoline_lowered:
0x8: {  	[smem:$0x3FA8] =	sst s0  }
0x9: {  	[smem:$0x3FA9] =	sst s1  }
0xa: {  	[smem:$0x3FAA] =	sst s2  }
0xb: {  	[smem:$0x3FAB] =	sst s3  }
0xc: {  	[smem:$0x3FAC] =	sst s4  }
0xd: {  	[smem:$0x3FAD] =	sst s5  }
0xe: {  	[smem:$0x3FAE] =	sst s6  }
0xf: {  	[smem:$0x3FAF] =	sst s7  }
0x10: {  	[smem:$0x3FB0] =	sst s8  }
0x11: {  	[smem:$0x3FB1] =	sst s9;
	s0 =	simm.s32 @!p0 $0x0  }
0x12: {  	s1 =	sld [smem:$0x3F97];
	s0 =	simm.s32 @p0 $0x1  }
0x13: {  	[smem:$0x3FB2] =	sst s0;
	s0 =	simm.s32 @!p1 $0x0  }
0x14: {  	s2 =	sld [smem:$0x3F96];
	s0 =	simm.s32 @p1 $0x1  }
0x15: {  	[smem:$0x3FB3] =	sst s0;
	s0 =	simm.s32 @!p2 $0x0  }
0x16: {  	s3 =	sld [smem:$0x3FDB];
	s0 =	simm.s32 @p2 $0x1  }
0x17: {  	s4 =	simm.s32 $0x1BF5;
	[smem:$0x3FB5] =	sst s0  }
0x18: {  	s0 =	sld [smem:$0x3F98];
	_ =	swait.ge [sflag:s4], $0x0  }
0x19: {  	s7 =	sld [smem:$0x3F99]  }
0x1a: {  	s8 =	sadd.s32 $0xFFFFE003, lr  }
0x1b: {  	s9 =	sadd.s32 $0xFFFFFEF7, lr;
	s5 =	simm.s32 $0xFFFFFFFF;
	p2 =	slt.u32 s8, $0xFFFFF086  }
0x1c: {  	p1 =	slt.u32 s9, $0xF7A;
	s5 =	simm.s32 @!p2 $0x0  }
0x1d: {  	s5 =	simm.s32 @p1 $0x1;
	p0 =	seq.s32 s7, s2  }
0x1e: {  	s7 =	smul.u32 @!p0 $0xF7A, s2;
	p2 =	seq.s32 @!p0 s5, $0x0  }
0x1f: {  	s9 =	smul.u32 $0xF7A, s1;
	s8 =	simm.s32 @!p0 $0x1BF5;
	p2 =	por !p2, p0  }
0x20: {  	[sflag:s8] =	ssyncset.s32 @!p0 $0xFFFFF086;
	s6 =	sadd.s32 @!p0 s3, s7;
	s7 =	simm.s32 @!p0 $0x108  }
0x21: {  	s3 =	sadd.s32 s3, s9;
	s6 =	sadd.s32 @!p0 $0x88, s6;
	s7 =	simm.s32 @p2 $0x1082  }
0x22: {  	[simem:s7], [sflag:s8] =	dma.local @!p0 [hbm:s6], $0xF7A  }
0x23: {  	s9 =	sor.u32 $0xD0000000, s2;
	s6 =	simm.s32 $0x108;
	_ =	swait.ge @!p0 [sflag:s8], $0x0  }
0x24: {  	s3 =	sadd.s32 $0x88, s3;
	s6 =	simm.s32 @!p1 $0x1082;
	[sflag:s4] =	ssyncset.s32 $0xFFFFF086  }
0x25: {  	[simem:s6], [sflag:s4] =	dma.local [hbm:s3], $0xF7A  }
0x26: {  	[smem:$0x3F99] =	sst s1;
	(tag) =	ssettag s2;
	_ =	strace s9  }
0x27: {  	s1 =	sld [smem:$0x3FA9]  }
0x28: {  	s2 =	sld [smem:$0x3FAA]  }
0x29: {  	s4 =	sld [smem:$0x3FAC]  }
0x2a: {  	p0 =	seq.s32 s5, $0x0;
	s5 =	sld [smem:$0x3FAD]  }
0x2b: {  	s6 =	sld [smem:$0x3FAE]  }
0x2c: {  	s7 =	sld [smem:$0x3FAF]  }
0x2d: {  	s3 =	simm.s32 $0x108;
	s8 =	sld [smem:$0x3FB0]  }
0x2e: {  	s3 =	simm.s32 @!p0 $0x1082;
	s9 =	sld [smem:$0x3FB1]  }
0x2f: {  	lr =	sadd.s32 s0, s3;
	s0 =	sld [smem:$0x3FA8]  }
0x30: {  	s3 =	sld [smem:$0x3FAB]  }
0x31: {  	[smem:$0x3FB4] =	sst s10  }
0x32: {  	s10 =	sld [smem:$0x3FB2];
	_ =	sdelay $0x3  }
0x33: {  	p0 =	seq.s32 s10, $0x1;
	s10 =	sld [smem:$0x3FB4];
	_ =	sdelay $0x3  }
0x34: {  	[smem:$0x3FB4] =	sst s10  }
0x35: {  	s10 =	sld [smem:$0x3FB3];
	_ =	sdelay $0x3  }
0x36: {  	p1 =	seq.s32 s10, $0x1;
	s10 =	sld [smem:$0x3FB4];
	_ =	sdelay $0x3  }
0x37: {  	[smem:$0x3FB4] =	sst s10  }
0x38: {  	s10 =	sld [smem:$0x3FB5]  }
0x39: {  	_ = 	snop;
	(pc) =	sbr.ind lr, $3  }
0x3a: {  	_ = 	snop  }
0x3b: {  	_ = 	snop  }
0x3c: {  	p2 =	seq.s32 s10, $0x1;
	s10 =	sld [smem:$0x3FB4]  }
0x3d: {  	_ =	shalt  }
0x3e: {  	_ =	shalt  }
0x3f: {  	_ =	shalt  }
0x40: {  	_ =	shalt  }
0x41: {  	_ =	shalt  }
0x42: {  	_ =	shalt  }
0x43: {  	_ =	shalt  }
0x44: {  	_ =	shalt  }
0x45: {  	_ =	shalt  }
0x46: {  	_ =	shalt  }
0x47: {  	_ =	shalt  }
0x48: {  	_ =	shalt  }
0x49: {  	_ =	shalt  }
0x4a: {  	_ =	shalt  }
0x4b: {  	_ =	shalt  }
0x4c: {  	_ =	shalt  }
0x4d: {  	_ =	shalt  }
0x4e: {  	_ =	shalt  }
0x4f: {  	_ =	shalt  }
0x50: {  	_ =	shalt  }
0x51: {  	_ =	shalt  }
0x52: {  	_ =	shalt  }
0x53: {  	_ =	shalt  }
0x54: {  	_ =	shalt  }
0x55: {  	_ =	shalt  }
0x56: {  	_ =	shalt  }
0x57: {  	_ =	shalt  }
0x58: {  	_ =	shalt  }
0x59: {  	_ =	shalt  }
0x5a: {  	_ =	shalt  }
0x5b: {  	_ =	shalt  }
0x5c: {  	_ =	shalt  }
0x5d: {  	_ =	shalt  }
0x5e: {  	_ =	shalt  }
0x5f: {  	_ =	shalt  }
0x60: {  	_ =	shalt  }
0x61: {  	_ =	shalt  }
0x62: {  	_ =	shalt  }
0x63: {  	_ =	shalt  }
0x64: {  	_ =	shalt  }
0x65: {  	_ =	shalt  }
0x66: {  	_ =	shalt  }
0x67: {  	_ =	shalt  }
0x68: {  	_ =	shalt  }
0x69: {  	_ =	shalt  }
0x6a: {  	_ =	shalt  }
0x6b: {  	_ =	shalt  }
0x6c: {  	_ =	shalt  }
0x6d: {  	_ =	shalt  }
0x6e: {  	_ =	shalt  }
0x6f: {  	_ =	shalt  }
0x70: {  	_ =	shalt  }
0x71: {  	_ =	shalt  }
0x72: {  	_ =	shalt  }
0x73: {  	_ =	shalt  }
0x74: {  	_ =	shalt  }
0x75: {  	_ =	shalt  }
0x76: {  	_ =	shalt  }
0x77: {  	_ =	shalt  }
0x78: {  	_ =	shalt  }
0x79: {  	_ =	shalt  }
0x7a: {  	_ =	shalt  }
0x7b: {  	_ =	shalt  }
0x7c: {  	_ =	shalt  }
0x7d: {  	_ =	shalt  }
0x7e: {  	_ =	shalt  }
0x7f: {  	_ =	shalt  }
0x80: {  	_ =	shalt  }
0x81: {  	_ =	shalt  }
0x82: {  	_ =	shalt  }
0x83: {  	_ =	shalt  }
0x84: {  	_ =	shalt  }
0x85: {  	_ =	shalt  }
0x86: {  	_ =	shalt  }
0x87: {  	_ =	shalt  }
.Lfunc_end0:
.L_simem_size_0:
called_computation.1_lowered:
.L_overlay_start_0:
0x88: {  	s2 =	sld [smem:$0x3FD9]  }
0x89: {  	s3 =	sld [smem:$0x3FFE];
	_ =	sdelay $0x1  }
0x8a: {  	s1 =	srdreg.scid  }
0x8b: {  	s0 =	sand.u32 $0x1, s1  }
0x8c: {  	s17 =	sshll.u32 s0, $0xA;
	s2 =	sadd.s32 s3, s2  }
0x8d: {  	s2 =	sadd.s32 s2, s17  }
0x8e: {  	[smem:$0x3FC0] =	sst s2  }
0x8f: {  	_ = 	snop  }
0x90: {  	s2 =	sld [smem:$0x3FD0];
	(tm) =	ssettm $0x1  }
0x91: {  	s18 =	sld [smem:$0x3FFB];
	_ =	sdelay $0x3  }
0x92: {  	_ =	strace s18  }
0x93: {  	s3 =	sld [smem:$0x3FFC];
	_ =	sdelay $0x3  }
0x94: {  	_ =	strace s3  }
0x95: {  	s3 =	sld [smem:$0x3FFD];
	_ =	sdelay $0x3  }
0x96: {  	_ =	strace s3  }
0x97: {  	_ =	strace $0x8FFFFFFF  }
0x98: {  	s19 =	sld [smem:$0x3FDB];
	_ =	sdelay $0x1  }
0x99: {  	s4 =	simm.s32 $_scs_section_size  }
0x9a: {  	s5 =	simm.s32 $_size__tile_overlayer_lowered;
	s6 =	simm.s32 $_tile_overlayer_lowered  }
0x9b: {  	s22 =	simm.s32 $0x1BFF;
	s21 =	sshll.u32 s6, $0x1;
	s3 =	sadd.s32 s4, s19  }
0x9c: {  	s7 =	simm.s32 $0x0;
	s20 =	sshll.u32 s5, $0x1;
	s5 =	sadd.s32 s21, s3  }
0x9d: {  	[timem:s7], [sflag:s22] =	dma.local [hbm:s5], s20  }
0x9e: {  	_ =	swait.ge [sflag:s22], s20  }
0x9f: {  	s4 =	ssub.s32 $0x0, s20;
	[sflag:s22] =	ssyncset.done $0x0  }
0xa0: {  	[sflag:s22] =	ssyncadd.s32 s4;
	_ =	sdelay $0x1  }
0xa1: {  	s23 =	simm.s32 $0x1B8B  }
0xa2: {  	_ =	swait.ge [sflag:s23], $0x1  }
0xa3: {  	[sflag:s23] =	ssyncset.done $0x0  }
0xa4: {  	s25 =	simm.s32 $0x1B8E;
	s24 =	sld [smem:$0x3FFE];
	[sflag:s23] =	ssyncadd.s32 $0xFFFFFFFF  }
0xa5: {  	s26 =	simm.s32 $execute0_lowered;
	[smem:$0x3FD2] =	sst s25  }
0xa6: {  	s5 =	sshll.u32 s26, $0x1;
	_ =	strace $0x80000049;
	[dreg:$0x1] =	wrdreg $0xFFFFFFFF  }
0xa7: {  	s28 =	simm.s32 $_size_execute0_lowered;
	s3 =	sadd.s32 s3, s5;
	[dreg:$0x0] =	wrdreg $0x0  }
0xa8: {  	s5 =	sshll.u32 s28, $0x1;
	[dreg:$0x2] =	wrdreg s3  }
0xa9: {  	[dreg:$0x3] =	wrdreg s5  }
0xaa: {  	[dreg:$0x4] =	wrdreg $0xC0  }
0xab: {  	_ =	task [dreg:s7], $0x5FFFF  }
0xac: {  	[dreg:$0x1] =	wrdreg $0xFFFFFFFF  }
0xad: {  	[dreg:$0x0] =	wrdreg $0x60  }
0xae: {  	[dreg:$0x2] =	wrdreg s24  }
0xaf: {  	[dreg:$0x3] =	wrdreg s2  }
0xb0: {  	[dreg:$0x4] =	wrdreg $0xFC000  }
0xb1: {  	[dreg:$0x5] =	wrdreg $0x9  }
0xb2: {  	_ =	task.clear_ibuf [dreg:s7], $0x6FFFF;
	_ =	strace $0x90000049  }
0xb3: {  	s29 =	simm.s32 $0x9;
	_ =	strace $0x8000004B  }
0xb4: {  	_ =	swait.ge [sflag:s29], $0x1  }
0xb5: {  	[sflag:s29] =	ssyncadd.s32 $0xFFFFFFFF  }
0xb6: {  	_ =	strace $0x9000004B  }
0xb7: {  	_ =	sfence  }
0xb8: {  	s30 =	sld [smem:$0x0];
	_ =	sdelay $0x2  }
0xb9: {  	s31 =	sshll.u32 s1, $0xD;
	s1 =	sshrl.u32 s1, $0x2  }
0xba: {  	s3 =	sand.u32 $0x4000, s31;
	s1 =	sadd.s32 s1, s30  }
0xbb: {  	s0 =	sor.u32 s3, s0;
	s1 =	sshll.u32 s1, $0x11  }
0xbc: {  	s0 =	sor.u32 s1, s0  }
0xbd: {  	s0 =	sadd.s32 $0x8F2B, s0  }
0xbe: {  	[sflag:s0] =	ssyncadd.remote.s32 $0x1  }
0xbf: {  	_ =	sfence.sel $0xFFFF  }
0xc0: {  	[dreg:$0x0] =	wrdreg $0xFFFFFFFF;
	(pc) =	sbr.abs _section_cstart, $3  }
0xc1: {  	[dreg:$0x1] =	wrdreg $0xFFFFFFFF  }
0xc2: {  	_ =	task.clear_ibuf [dreg:s7], $0x2FFFF;
	_ =	strace $0x9FFFFFFF  }
0xc3: {  	(tm) =	ssettm $0x7FFFFFFF  }
tec
execute0_lowered:
.L_overlay_start_1:
0x0: {  	(tag) =	ssettag $0x1  }
0x1: {  	s0 =	rddreg [dreg:$0x0]  }
0x2: {  	s1 =	rddreg [dreg:$0x1]  }
0x3: {  	s3 =	rddreg [dreg:$0x2];
	s10 =	stileid.u32  }
0x4: {  	s2 =	srdreg.scid;
	s29 =	smul.u32 $0x15000, s10  }
0x5: {  	s4 =	simm.s32 $0x0;
	s2 =	sand.u32 $0x1, s2;
	s15 =	smul.u32 $0x14000, s10  }
0x6: {  	[smem:$0x7FF] =	sst s4;
	s18 =	smul.u32 $0xA0, s10;
	s8 =	ssub.s32 $0x2, s2  }
0x7: {  	_ =	strace $0x8000004A;
	s2 =	sshll.u32 s2, $0x1;
	s9 =	sshrl.u32 s8, $0x1  }
0x8: {  	s4 =	sshrl.u32 s29, $0x2;
	[dreg:$0x4] =	wrdreg s2;
	s2 =	sshrl.u32 s15, $0x2  }
0x9: {  	[dreg:$0xb] =	wrdreg s18;
	s30 =	ssub.s32 s8, s9;
	s2 =	sadd.s32 s2, s3  }
0xa: {  	s4 =	sadd.s32 s4, s3;
	s8 =	sadd.s32 $0x50, s18;
	[dreg:$0x12] =	wrdreg s2  }
0xb: {  	s11 =	sadd.s32 $0x400, s4;
	[dreg:$0x10] =	wrdreg s8  }
0xc: {  	s12 =	sadd.s32 $0x800, s4;
	[dreg:$0x5] =	wrdreg s11  }
0xd: {  	s13 =	sadd.s32 $0xC00, s4;
	[dreg:$0x6] =	wrdreg s12  }
0xe: {  	s14 =	sadd.s32 $0x1000, s4;
	[dreg:$0x7] =	wrdreg s13  }
0xf: {  	s16 =	sadd.s32 $0x1400, s4;
	[dreg:$0x8] =	wrdreg s14  }
0x10: {  	s17 =	sadd.s32 $0x1800, s4;
	[dreg:$0x9] =	wrdreg s16  }
0x11: {  	s19 =	sadd.s32 $0x1C00, s4;
	[dreg:$0xa] =	wrdreg s17  }
0x12: {  	s5 =	sadd.s32 $0x7200, s0;
	s20 =	sadd.s32 $0x2000, s4;
	[dreg:$0xc] =	wrdreg s19  }
0x13: {  	s6 =	sadd.s32 $0x2200, s0;
	s21 =	sadd.s32 $0x2400, s4;
	[dreg:$0xd] =	wrdreg s20  }
0x14: {  	s7 =	sadd.s32 $0x57200, s0;
	s22 =	sadd.s32 $0x2800, s4;
	[dreg:$0xe] =	wrdreg s21  }
0x15: {  	s15 =	simm.s32 $0x600;
	s23 =	sadd.s32 $0x2C00, s4;
	[dreg:$0xf] =	wrdreg s22  }
0x16: {  	s9 =	smul.u32 $0x2710, s10;
	s0 =	smax.u32 s30, $0x1;
	[dreg:$0x11] =	wrdreg s23  }
0x17: {  	s10 =	simm.s32 $0xD000;
	s25 =	sadd.s32 $0x3000, s4;
	[dreg:$0x14] =	wrdreg s0  }
0x18: {  	s18 =	simm.s32 $0x0;
	s26 =	sadd.s32 $0x3400, s4;
	[dreg:$0x15] =	wrdreg s25  }
0x19: {  	s24 =	sshll.u32 s8, $0x7;
	s28 =	sadd.s32 $0x3800, s4;
	[dreg:$0x16] =	wrdreg s26  }
0x1a: {  	s29 =	sadd.s32 $0x3C00, s4;
	s30 =	sadd.s32 $0x4000, s4;
	[dreg:$0x17] =	wrdreg s28  }
0x1b: {  	s31 =	smov.u32 s4;
	s8 =	simm.s32 $0x800;
	[dreg:$0x18] =	wrdreg s29  }
0x1c: {  	s2 =	sadd.s32 s24, s3;
	[dreg:$0x19] =	wrdreg s30;
	s0 =	sadd.s32 $0x4400, s4  }
0x1d: {  	s25 =	sadd.s32 $0x4C00, s4;
	s11 =	simm.s32 $0x2;
	s12 =	simm.s32 $0x190  }
0x1e: {  	s13 =	simm.s32 $0x200;
	s14 =	simm.s32 $0x1;
	s16 =	simm.s32 $0xD400  }
0x1f: {  	v0 =	vimm.f32 $0.0e+00;
	v1 =	vlaneseq.u32;
	[dreg:$0x13] =	wrdreg s2;
	s2 =	sadd.s32 $0x4800, s4;
	s4 =	sadd.s32 $0x5000, s4  }
.LBB2_1:
0x20: {  	[tilespmem:$0xD000] =	vst v0  }
0x21: {  	[tilespmem:$0xD010] =	vst v0  }
0x22: {  	[tilespmem:$0xD020] =	vst v0  }
0x23: {  	[tilespmem:$0xD030] =	vst v0  }
0x24: {  	[tilespmem:$0xD040] =	vst v0  }
0x25: {  	[tilespmem:$0xD050] =	vst v0  }
0x26: {  	[tilespmem:$0xD060] =	vst v0  }
0x27: {  	[tilespmem:$0xD070] =	vst v0  }
0x28: {  	[tilespmem:$0xD080] =	vst v0  }
0x29: {  	[tilespmem:$0xD090] =	vst v0  }
0x2a: {  	[tilespmem:$0xD0A0] =	vst v0  }
0x2b: {  	[tilespmem:$0xD0B0] =	vst v0  }
0x2c: {  	[tilespmem:$0xD0C0] =	vst v0  }
0x2d: {  	[tilespmem:$0xD0D0] =	vst v0  }
0x2e: {  	[tilespmem:$0xD0E0] =	vst v0  }
0x2f: {  	[tilespmem:$0xD0F0] =	vst v0  }
0x30: {  	[tilespmem:$0xD100] =	vst v0  }
0x31: {  	[tilespmem:$0xD110] =	vst v0  }
0x32: {  	[tilespmem:$0xD120] =	vst v0  }
0x33: {  	[tilespmem:$0xD130] =	vst v0  }
0x34: {  	[tilespmem:$0xD140] =	vst v0  }
0x35: {  	[tilespmem:$0xD150] =	vst v0  }
0x36: {  	[tilespmem:$0xD160] =	vst v0  }
0x37: {  	[tilespmem:$0xD170] =	vst v0  }
0x38: {  	[tilespmem:$0xD180] =	vst v0  }
0x39: {  	[tilespmem:$0xD190] =	vst v0  }
0x3a: {  	[tilespmem:$0xD1A0] =	vst v0  }
0x3b: {  	[tilespmem:$0xD1B0] =	vst v0  }
0x3c: {  	[tilespmem:$0xD1C0] =	vst v0  }
0x3d: {  	[tilespmem:$0xD1D0] =	vst v0  }
0x3e: {  	[tilespmem:$0xD1E0] =	vst v0  }
0x3f: {  	[tilespmem:$0xD1F0] =	vst v0  }
0x40: {  	[tilespmem:$0xD200] =	vst v0  }
0x41: {  	[tilespmem:$0xD210] =	vst v0  }
0x42: {  	[tilespmem:$0xD220] =	vst v0  }
0x43: {  	[tilespmem:$0xD230] =	vst v0  }
0x44: {  	[tilespmem:$0xD240] =	vst v0  }
0x45: {  	[tilespmem:$0xD250] =	vst v0  }
0x46: {  	[tilespmem:$0xD260] =	vst v0  }
0x47: {  	[tilespmem:$0xD270] =	vst v0  }
0x48: {  	[tilespmem:$0xD280] =	vst v0  }
0x49: {  	[tilespmem:$0xD290] =	vst v0  }
0x4a: {  	[tilespmem:$0xD2A0] =	vst v0  }
0x4b: {  	[tilespmem:$0xD2B0] =	vst v0  }
0x4c: {  	[tilespmem:$0xD2C0] =	vst v0  }
0x4d: {  	[tilespmem:$0xD2D0] =	vst v0  }
0x4e: {  	[tilespmem:$0xD2E0] =	vst v0  }
0x4f: {  	[tilespmem:$0xD2F0] =	vst v0  }
0x50: {  	[tilespmem:$0xD300] =	vst v0  }
0x51: {  	[tilespmem:$0xD310] =	vst v0  }
0x52: {  	[tilespmem:$0xD320] =	vst v0  }
0x53: {  	[tilespmem:$0xD330] =	vst v0  }
0x54: {  	[tilespmem:$0xD340] =	vst v0  }
0x55: {  	[tilespmem:$0xD350] =	vst v0  }
0x56: {  	[tilespmem:$0xD360] =	vst v0  }
0x57: {  	[tilespmem:$0xD370] =	vst v0  }
0x58: {  	[tilespmem:$0xD380] =	vst v0  }
0x59: {  	[tilespmem:$0xD390] =	vst v0  }
0x5a: {  	[tilespmem:$0xD3A0] =	vst v0  }
0x5b: {  	[tilespmem:$0xD3B0] =	vst v0  }
0x5c: {  	[tilespmem:$0xD3C0] =	vst v0  }
0x5d: {  	[tilespmem:$0xD3D0] =	vst v0  }
0x5e: {  	[tilespmem:$0xD3E0] =	vst v0  }
0x5f: {  	[dreg:$0x1a] =	wrdreg s18;
	[tilespmem:$0xD3F0] =	vst v0;
	s17 =	simm.s32 $0x0  }
.LBB2_2:
0x60: {  	[spmem:s31] =	stream.linear.scatter [tilespmem:s10], [sflag:$0x2], $0x400, $0x38;
	[tilespmem:$0x15000] =	vst v63  }
0x61: {  	_ =	swait.ge [sflag:s11], $0x400  }
0x62: {  	[sflag:s11] =	ssyncset.done $0x0  }
0x63: {  	s18 =	rddreg [dreg:$0x5];
	[sflag:s11] =	ssyncadd.s32 $0xFFFFFC00  }
0x64: {  	[spmem:s18] =	stream.linear.scatter [tilespmem:s10], [sflag:$0x2], $0x400, $0x38;
	[tilespmem:$0x15000] =	vst v63  }
0x65: {  	_ =	swait.ge [sflag:s11], $0x400  }
0x66: {  	[sflag:s11] =	ssyncset.done $0x0  }
0x67: {  	s23 =	rddreg [dreg:$0x6];
	[sflag:s11] =	ssyncadd.s32 $0xFFFFFC00  }
0x68: {  	[spmem:s23] =	stream.linear.scatter [tilespmem:s10], [sflag:$0x2], $0x400, $0x38;
	[tilespmem:$0x15000] =	vst v63  }
0x69: {  	_ =	swait.ge [sflag:s11], $0x400  }
0x6a: {  	[sflag:s11] =	ssyncset.done $0x0  }
0x6b: {  	s24 =	rddreg [dreg:$0x7];
	[sflag:s11] =	ssyncadd.s32 $0xFFFFFC00  }
0x6c: {  	[spmem:s24] =	stream.linear.scatter [tilespmem:s10], [sflag:$0x2], $0x400, $0x38;
	[tilespmem:$0x15000] =	vst v63  }
0x6d: {  	_ =	swait.ge [sflag:s11], $0x400  }
0x6e: {  	[sflag:s11] =	ssyncset.done $0x0  }
0x6f: {  	s26 =	rddreg [dreg:$0x8];
	[sflag:s11] =	ssyncadd.s32 $0xFFFFFC00  }
0x70: {  	[spmem:s26] =	stream.linear.scatter [tilespmem:s10], [sflag:$0x2], $0x400, $0x38;
	[tilespmem:$0x15000] =	vst v63  }
0x71: {  	_ =	swait.ge [sflag:s11], $0x400  }
0x72: {  	[sflag:s11] =	ssyncset.done $0x0  }
0x73: {  	s28 =	rddreg [dreg:$0x9];
	[sflag:s11] =	ssyncadd.s32 $0xFFFFFC00  }
0x74: {  	[spmem:s28] =	stream.linear.scatter [tilespmem:s10], [sflag:$0x2], $0x400, $0x38;
	[tilespmem:$0x15000] =	vst v63  }
0x75: {  	_ =	swait.ge [sflag:s11], $0x400  }
0x76: {  	[sflag:s11] =	ssyncset.done $0x0  }
0x77: {  	s29 =	rddreg [dreg:$0xa];
	[sflag:s11] =	ssyncadd.s32 $0xFFFFFC00  }
0x78: {  	[spmem:s29] =	stream.linear.scatter [tilespmem:s10], [sflag:$0x2], $0x400, $0x38;
	[tilespmem:$0x15000] =	vst v63  }
0x79: {  	_ =	swait.ge [sflag:s11], $0x400  }
0x7a: {  	[sflag:s11] =	ssyncset.done $0x0  }
0x7b: {  	s30 =	rddreg [dreg:$0xc];
	[sflag:s11] =	ssyncadd.s32 $0xFFFFFC00  }
0x7c: {  	[spmem:s30] =	stream.linear.scatter [tilespmem:s10], [sflag:$0x2], $0x400, $0x38;
	[tilespmem:$0x15000] =	vst v63  }
0x7d: {  	_ =	swait.ge [sflag:s11], $0x400  }
0x7e: {  	[sflag:s11] =	ssyncset.done $0x0  }
0x7f: {  	s19 =	rddreg [dreg:$0xd];
	[sflag:s11] =	ssyncadd.s32 $0xFFFFFC00  }
0x80: {  	[spmem:s19] =	stream.linear.scatter [tilespmem:s10], [sflag:$0x2], $0x400, $0x38;
	[tilespmem:$0x15000] =	vst v63  }
0x81: {  	_ =	swait.ge [sflag:s11], $0x400  }
0x82: {  	[sflag:s11] =	ssyncset.done $0x0  }
0x83: {  	s20 =	rddreg [dreg:$0xe];
	[sflag:s11] =	ssyncadd.s32 $0xFFFFFC00  }
0x84: {  	[spmem:s20] =	stream.linear.scatter [tilespmem:s10], [sflag:$0x2], $0x400, $0x38;
	[tilespmem:$0x15000] =	vst v63  }
0x85: {  	_ =	swait.ge [sflag:s11], $0x400  }
0x86: {  	[sflag:s11] =	ssyncset.done $0x0  }
0x87: {  	s21 =	rddreg [dreg:$0xf];
	[sflag:s11] =	ssyncadd.s32 $0xFFFFFC00  }
0x88: {  	[spmem:s21] =	stream.linear.scatter [tilespmem:s10], [sflag:$0x2], $0x400, $0x38;
	[tilespmem:$0x15000] =	vst v63  }
0x89: {  	_ =	swait.ge [sflag:s11], $0x400  }
0x8a: {  	[sflag:s11] =	ssyncset.done $0x0  }
0x8b: {  	s22 =	rddreg [dreg:$0x11];
	[sflag:s11] =	ssyncadd.s32 $0xFFFFFC00  }
0x8c: {  	[spmem:s22] =	stream.linear.scatter [tilespmem:s10], [sflag:$0x2], $0x400, $0x38;
	[tilespmem:$0x15000] =	vst v63  }
0x8d: {  	_ =	swait.ge [sflag:s11], $0x400  }
0x8e: {  	[sflag:s11] =	ssyncset.done $0x0  }
0x8f: {  	s23 =	rddreg [dreg:$0x15];
	[sflag:s11] =	ssyncadd.s32 $0xFFFFFC00  }
0x90: {  	[spmem:s23] =	stream.linear.scatter [tilespmem:s10], [sflag:$0x2], $0x400, $0x38;
	[tilespmem:$0x15000] =	vst v63  }
0x91: {  	_ =	swait.ge [sflag:s11], $0x400  }
0x92: {  	[sflag:s11] =	ssyncset.done $0x0  }
0x93: {  	s24 =	rddreg [dreg:$0x16];
	[sflag:s11] =	ssyncadd.s32 $0xFFFFFC00  }
0x94: {  	[spmem:s24] =	stream.linear.scatter [tilespmem:s10], [sflag:$0x2], $0x400, $0x38;
	[tilespmem:$0x15000] =	vst v63  }
0x95: {  	_ =	swait.ge [sflag:s11], $0x400  }
0x96: {  	[sflag:s11] =	ssyncset.done $0x0  }
0x97: {  	s26 =	rddreg [dreg:$0x17];
	[sflag:s11] =	ssyncadd.s32 $0xFFFFFC00  }
0x98: {  	[spmem:s26] =	stream.linear.scatter [tilespmem:s10], [sflag:$0x2], $0x400, $0x38;
	[tilespmem:$0x15000] =	vst v63  }
0x99: {  	_ =	swait.ge [sflag:s11], $0x400  }
0x9a: {  	[sflag:s11] =	ssyncset.done $0x0  }
0x9b: {  	s28 =	rddreg [dreg:$0x18];
	[sflag:s11] =	ssyncadd.s32 $0xFFFFFC00  }
0x9c: {  	[spmem:s28] =	stream.linear.scatter [tilespmem:s10], [sflag:$0x2], $0x400, $0x38;
	[tilespmem:$0x15000] =	vst v63  }
0x9d: {  	_ =	swait.ge [sflag:s11], $0x400  }
0x9e: {  	[sflag:s11] =	ssyncset.done $0x0  }
0x9f: {  	s29 =	rddreg [dreg:$0x19];
	[sflag:s11] =	ssyncadd.s32 $0xFFFFFC00  }
0xa0: {  	[spmem:s29] =	stream.linear.scatter [tilespmem:s10], [sflag:$0x2], $0x400, $0x38;
	[tilespmem:$0x15000] =	vst v63  }
0xa1: {  	_ =	swait.ge [sflag:s11], $0x400  }
0xa2: {  	[sflag:s11] =	ssyncset.done $0x0  }
0xa3: {  	[sflag:s11] =	ssyncadd.s32 $0xFFFFFC00  }
0xa4: {  	[spmem:s0] =	stream.linear.scatter [tilespmem:s10], [sflag:$0x2], $0x400, $0x38;
	[tilespmem:$0x15000] =	vst v63  }
0xa5: {  	_ =	swait.ge [sflag:s11], $0x400  }
0xa6: {  	[sflag:s11] =	ssyncset.done $0x0  }
0xa7: {  	[sflag:s11] =	ssyncadd.s32 $0xFFFFFC00  }
0xa8: {  	[spmem:s2] =	stream.linear.scatter [tilespmem:s10], [sflag:$0x2], $0x400, $0x38;
	[tilespmem:$0x15000] =	vst v63  }
0xa9: {  	_ =	swait.ge [sflag:s11], $0x400  }
0xaa: {  	[sflag:s11] =	ssyncset.done $0x0  }
0xab: {  	[sflag:s11] =	ssyncadd.s32 $0xFFFFFC00  }
0xac: {  	[spmem:s25] =	stream.linear.scatter [tilespmem:s10], [sflag:$0x2], $0x400, $0x38;
	[tilespmem:$0x15000] =	vst v63  }
0xad: {  	_ =	swait.ge [sflag:s11], $0x400  }
0xae: {  	s30 =	sshrl.u32 s17, $0x1;
	[sflag:s11] =	ssyncset.done $0x0  }
0xaf: {  	s19 =	sand.u32 $0x1, s17;
	s20 =	rddreg [dreg:$0x4];
	[sflag:s11] =	ssyncadd.s32 $0xFFFFFC00  }
0xb0: {  	[spmem:s4] =	stream.linear.scatter [tilespmem:s10], [sflag:$0x2], $0x400, $0x38;
	[tilespmem:$0x15000] =	vst v63  }
0xb1: {  	s18 =	smul.u32 $0x2800, s30;
	s19 =	sor.u32 s20, s19;
	_ =	swait.ge [sflag:s11], $0x400  }
0xb2: {  	s19 =	smul.u32 $0xA00, s19;
	[sflag:s11] =	ssyncset.done $0x0  }
0xb3: {  	[sflag:s11] =	ssyncadd.s32 $0xFFFFFC00  }
0xb4: {  	v2 =	vmov s18;
	s21 =	simm.s32 $0x0;
	s20 =	simm.s32 $0x0;
	v3 =	vmov s19;
	[bflag:$0x0] =	sbarrier.arrive $0xFFFF  }
.LBB2_3:
0xb5: {  	s22 =	smul.u32 $0x190, s21;
	_ =	sdelay $0x1  }
0xb6: {  	s22 =	sadd.s32 s9, s22  }
0xb7: {  	s22 =	sshrl.u32 s22, $0x3  }
0xb8: {  	s23 =	sadd.s32 s6, s22  }
0xb9: {  	[tilespmem:s20], [sflag:$0x2] =	stream.linear.gather [hbm4b:s23+s20], $0x190, $0x38;
	[tilespmem:$0x15000] =	vst v63  }
0xba: {  	_ =	swait.ge [sflag:s11], $0x190  }
0xbb: {  	[sflag:s11] =	ssyncset.done $0x0  }
0xbc: {  	s30 =	sadd.s32 s1, s22;
	s22 =	simm.s32 $0x400;
	[sflag:s11] =	ssyncadd.s32 $0xFFFFFE70  }
0xbd: {  	[tilespmem:s22], [sflag:$0x2] =	stream.linear.gather [hbm4b:s30+s20], $0x190, $0x38;
	[tilespmem:$0x15000] =	vst v63  }
0xbe: {  	_ =	swait.ge [sflag:s11], $0x190  }
0xbf: {  	[sflag:s11] =	ssyncset.done $0x0  }
0xc0: {  	[sflag:s11] =	ssyncadd.s32 $0xFFFFFE70  }
0xc1: {  	v4 =	vld [tilespmem:s20+$0x0];
	_ =	sdelay $0x4  }
0xc2: {  	s23 =	simm.s32 $0x200;
	v4 =	vadd.s32 v2, v4  }
0xc3: {  	[tilespmem:s23+$0x0] =	vst v4  }
0xc4: {  	v4 =	vld [tilespmem:s22+$0x0];
	_ =	sdelay $0x3  }
0xc5: {  	s24 =	sand.u32 $0x70, s20  }
0xc6: {  	s24 =	sor.u32 $0xA00, s24;
	v4 =	vsub.s32 v4, v3  }
0xc7: {  	s29 =	simm.s32 $0x600;
	v5 =	vor.u32 s24, v1;
	vm0 =	vgt.u32 v4, $0x9FF  }
0xc8: {  	s26 =	simm.s32 $0x610;
	s28 =	simm.s32 $0x0;
	s24 =	simm.s32 $0x10;
	v4 =	vsel vm0, v5, v4  }
.LBB2_4:
0xc9: {  	[tilespmem:s29+$0x0] =	vst v4;
	s28 =	sadd.s32 $0x10, s28;
	s23 =	sadd.s32 $0x10, s23;
	s22 =	sadd.s32 $0x10, s22  }
0xca: {  	p0 =	sne.s32 s24, $0x180;
	s30 =	smov.u32 s24;
	s24 =	sadd.s32 $0x10, s24;
	v4 =	vld [tilespmem:s28+$0x0]  }
0xcb: {  	s29 =	smov.u32 s26;
	_ =	sdelay $0x3  }
0xcc: {  	v4 =	vadd.s32 v2, v4  }
0xcd: {  	[tilespmem:s23+$0x0] =	vst v4  }
0xce: {  	v4 =	vld [tilespmem:s22+$0x0];
	_ =	sdelay $0x2  }
.Ltmp0:
0xcf: {  	(pc) =	sbr.rel @p0 .LBB2_4-.Ltmp0, $4  }
0xd0: {  	s30 =	sand.u32 $0x70, s30  }
0xd1: {  	s30 =	sor.u32 $0xA00, s30;
	v4 =	vsub.s32 v4, v3  }
0xd2: {  	v5 =	vor.u32 s30, v1;
	vm0 =	vgt.u32 v4, $0x9FF  }
0xd3: {  	s26 =	sadd.s32 $0x10, s26;
	v4 =	vsel vm0, v5, v4  }
0xd4: {  	[tilespmem:s29+$0x0] =	vst v4  }
0xd5: {  	[tilespmem:s8], [sflag:$0x1] =	stream.indirect.gather [hbm4b:s5+s12], $0x80, s13, s12, $0xb8;
	[tilespmem:$0x15000] =	vst v63  }
0xd6: {  	s21 =	sadd.s32 $0x1, s21;
	_ =	swait.ge [sflag:s14], $0xC800  }
0xd7: {  	p0 =	sne.s32 s21, $0x19;
	[sflag:s14] =	ssyncset.done $0x0  }
.Ltmp1:
0xd8: {  	[sflag:s14] =	ssyncadd.s32 $0xFFFF3800;
	(pc) =	sbr.rel @p0 .LBB2_3-.Ltmp1, $4  }
0xd9: {  	[spmem:s3] =	stream.indirect.scatter.add.f32 [tilespmem:s8], [sflag:$0x2], $0x80, s15, s12, $0xb8;
	[tilespmem:$0x15000] =	vst v63  }
0xda: {  	_ =	swait.ge [sflag:s11], $0xC800  }
0xdb: {  	[sflag:s11] =	ssyncset.done $0x0  }
0xdc: {  	[sflag:s11] =	ssyncadd.s32 $0xFFFF3800  }
0xdd: {  	[bflag:$0x0] =	sbarrier.arrive $0xFFFF  }
0xde: {  	s20 =	rddreg [dreg:$0x12]  }
0xdf: {  	[tilespmem:s16], [sflag:$0x2] =	stream.linear.gather [spmem:s20], $0x2800, $0x38;
	[tilespmem:$0x15000] =	vst v63  }
0xe0: {  	_ =	swait.ge [sflag:s11], $0x2800  }
0xe1: {  	s18 =	sadd.s32 s18, s19;
	s26 =	rddreg [dreg:$0xb]  }
0xe2: {  	s19 =	sadd.s32 s26, s18  }
0xe3: {  	[sflag:s11] =	ssyncset.done $0x0;
	s19 =	sshll.u32 s19, $0x4  }
0xe4: {  	s28 =	simm.s32 $0x0;
	[sflag:s11] =	ssyncadd.s32 $0xFFFFD800;
	s19 =	sadd.s32 s7, s19  }
0xe5: {  	[hbm4b:s19+s28] =	stream.linear.scatter [tilespmem:s16], [sflag:$0x2], $0x2800, $0x38;
	[tilespmem:$0x15000] =	vst v63  }
0xe6: {  	_ =	swait.ge [sflag:s11], $0x2800  }
0xe7: {  	[sflag:s11] =	ssyncset.done $0x0  }
0xe8: {  	s29 =	rddreg [dreg:$0x13];
	[sflag:s11] =	ssyncadd.s32 $0xFFFFD800  }
0xe9: {  	[tilespmem:s16], [sflag:$0x2] =	stream.linear.gather [spmem:s29], $0x2800, $0x38;
	[tilespmem:$0x15000] =	vst v63  }
0xea: {  	_ =	swait.ge [sflag:s11], $0x2800  }
0xeb: {  	s30 =	rddreg [dreg:$0x10]  }
0xec: {  	s18 =	sadd.s32 s30, s18  }
0xed: {  	s17 =	sadd.s32 $0x1, s17;
	[sflag:s11] =	ssyncset.done $0x0;
	s18 =	sshll.u32 s18, $0x4  }
0xee: {  	p0 =	sne.s32 s17, $0x4;
	[sflag:s11] =	ssyncadd.s32 $0xFFFFD800;
	s18 =	sadd.s32 s7, s18  }
0xef: {  	[hbm4b:s18+s28] =	stream.linear.scatter [tilespmem:s16], [sflag:$0x2], $0x2800, $0x38;
	[tilespmem:$0x15000] =	vst v63  }
.Ltmp2:
0xf0: {  	_ =	swait.ge [sflag:s11], $0x2800;
	(pc) =	sbr.rel @p0 .LBB2_2-.Ltmp2, $3  }
0xf1: {  	[sflag:s11] =	ssyncset.done $0x0  }
0xf2: {  	[sflag:s11] =	ssyncadd.s32 $0xFFFFD800  }
0xf3: {  	[bflag:$0x0] =	sbarrier.arrive $0xFFFF;
	_ =	sdelay $0x1  }
0xf4: {  	s18 =	rddreg [dreg:$0x1a]  }
0xf5: {  	s17 =	rddreg [dreg:$0x14];
	s18 =	sadd.s32 $0x1, s18  }
0xf6: {  	p0 =	sne.s32 s18, s17  }
.Ltmp3:
0xf7: {  	_ = 	snop;
	(pc) =	sbr.rel @p0 .LBB2_1-.Ltmp3, $1  }
0xf8: {  	_ =	sdelay $0x3  }
0xf9: {  	_ =	sfence.sel $0x180000  }
0xfa: {  	[bflag:$0x0] =	sbarrier.arrive $0xFFFF  }
0xfb: {  	_ =	strace $0x9000004A  }
0xfc: {  	s0 =	stileid.u32;
	[bflag:$0x2] =	sbarrier.arrive $0xFFFF  }
0xfd: {  	p0 =	sne.s32 s0, $0x0;
	s0 =	rddreg [dreg:$0x3]  }
0xfe: {  	s0 =	sadd.s32 @!p0 $0x100000, s0  }
0xff: {  	[sflag:s0] =	ssyncadd.tile.s32 @!p0 $0x1;
	_ =	shalt  }
.Lfunc_end2:
_tile_overlayer_lowered:
.L_overlay_start_2:
0x100: {  	(tag) =	ssettag $0x2  }
0x101: {  	s0 =	rddreg [dreg:$0x0];
	s2 =	stileid.u32  }
0x102: {  	s1 =	rddreg [dreg:$0x1];
	p0 =	sne.s32 s2, $0x0  }
0x103: {  	s3 =	rddreg [dreg:$0x2];
	[bflag:$0x3] =	sbarrier.arrive $0xFFFF;
	s2 =	simm.s32 @!p0 $0x1C02  }
0x104: {  	[timem:s3], [sflag:s2] =	dma.local @!p0 [hbm:s0], s1  }
0x105: {  	s0 =	simm.s32 @!p0 $0x2  }
0x106: {  	_ =	swait.ge @!p0 [sflag:s0], s1  }
0x107: {  	s1 =	ssub.s32 @!p0 $0x0, s1;
	[sflag:s0] =	ssyncset.done @!p0 $0x0  }
0x108: {  	[sflag:s0] =	ssyncadd.s32 @!p0 s1  }
0x109: {  	[bflag:$0x3] =	sbarrier.arrive $0xFFFF  }
0x10a: {  	_ =	shalt  }

// kernel: kernel.14.cloned.1.call-start
scs
__scs_entry_jumppad:
0x0: {  	(pc) =	sbr.rel $0x88, $3  }
0x1: {  	(tag) =	ssettag $0x0;
	lr =	simm.s32 $0x1  }
0x2: {  	[smem:$0x3F99] =	sst lr;
	_ =	strace $0xD0000000  }
0x3: {  	_ = 	snop  }
0x4: {  	_ = 	snop  }
0x5: {  	_ = 	snop  }
0x6: {  	_ = 	snop  }
0x7: {  	_ = 	snop  }
__scs_overlays_trampoline_lowered:
0x8: {  	[smem:$0x3FA8] =	sst s0  }
0x9: {  	[smem:$0x3FA9] =	sst s1  }
0xa: {  	[smem:$0x3FAA] =	sst s2  }
0xb: {  	[smem:$0x3FAB] =	sst s3  }
0xc: {  	[smem:$0x3FAC] =	sst s4  }
0xd: {  	[smem:$0x3FAD] =	sst s5  }
0xe: {  	[smem:$0x3FAE] =	sst s6  }
0xf: {  	[smem:$0x3FAF] =	sst s7  }
0x10: {  	[smem:$0x3FB0] =	sst s8  }
0x11: {  	[smem:$0x3FB1] =	sst s9;
	s0 =	simm.s32 @!p0 $0x0  }
0x12: {  	s1 =	sld [smem:$0x3F97];
	s0 =	simm.s32 @p0 $0x1  }
0x13: {  	[smem:$0x3FB2] =	sst s0;
	s0 =	simm.s32 @!p1 $0x0  }
0x14: {  	s2 =	sld [smem:$0x3F96];
	s0 =	simm.s32 @p1 $0x1  }
0x15: {  	[smem:$0x3FB3] =	sst s0;
	s0 =	simm.s32 @!p2 $0x0  }
0x16: {  	s3 =	sld [smem:$0x3FDB];
	s0 =	simm.s32 @p2 $0x1  }
0x17: {  	s4 =	simm.s32 $0x1BF5;
	[smem:$0x3FB5] =	sst s0  }
0x18: {  	s0 =	sld [smem:$0x3F98];
	_ =	swait.ge [sflag:s4], $0x0  }
0x19: {  	s7 =	sld [smem:$0x3F99]  }
0x1a: {  	s8 =	sadd.s32 $0xFFFFE003, lr  }
0x1b: {  	s9 =	sadd.s32 $0xFFFFFEF7, lr;
	s5 =	simm.s32 $0xFFFFFFFF;
	p2 =	slt.u32 s8, $0xFFFFF086  }
0x1c: {  	p1 =	slt.u32 s9, $0xF7A;
	s5 =	simm.s32 @!p2 $0x0  }
0x1d: {  	s5 =	simm.s32 @p1 $0x1;
	p0 =	seq.s32 s7, s2  }
0x1e: {  	s7 =	smul.u32 @!p0 $0xF7A, s2;
	p2 =	seq.s32 @!p0 s5, $0x0  }
0x1f: {  	s9 =	smul.u32 $0xF7A, s1;
	s8 =	simm.s32 @!p0 $0x1BF5;
	p2 =	por !p2, p0  }
0x20: {  	[sflag:s8] =	ssyncset.s32 @!p0 $0xFFFFF086;
	s6 =	sadd.s32 @!p0 s3, s7;
	s7 =	simm.s32 @!p0 $0x108  }
0x21: {  	s3 =	sadd.s32 s3, s9;
	s6 =	sadd.s32 @!p0 $0x88, s6;
	s7 =	simm.s32 @p2 $0x1082  }
0x22: {  	[simem:s7], [sflag:s8] =	dma.local @!p0 [hbm:s6], $0xF7A  }
0x23: {  	s9 =	sor.u32 $0xD0000000, s2;
	s6 =	simm.s32 $0x108;
	_ =	swait.ge @!p0 [sflag:s8], $0x0  }
0x24: {  	s3 =	sadd.s32 $0x88, s3;
	s6 =	simm.s32 @!p1 $0x1082;
	[sflag:s4] =	ssyncset.s32 $0xFFFFF086  }
0x25: {  	[simem:s6], [sflag:s4] =	dma.local [hbm:s3], $0xF7A  }
0x26: {  	[smem:$0x3F99] =	sst s1;
	(tag) =	ssettag s2;
	_ =	strace s9  }
0x27: {  	s1 =	sld [smem:$0x3FA9]  }
0x28: {  	s2 =	sld [smem:$0x3FAA]  }
0x29: {  	s4 =	sld [smem:$0x3FAC]  }
0x2a: {  	p0 =	seq.s32 s5, $0x0;
	s5 =	sld [smem:$0x3FAD]  }
0x2b: {  	s6 =	sld [smem:$0x3FAE]  }
0x2c: {  	s7 =	sld [smem:$0x3FAF]  }
0x2d: {  	s3 =	simm.s32 $0x108;
	s8 =	sld [smem:$0x3FB0]  }
0x2e: {  	s3 =	simm.s32 @!p0 $0x1082;
	s9 =	sld [smem:$0x3FB1]  }
0x2f: {  	lr =	sadd.s32 s0, s3;
	s0 =	sld [smem:$0x3FA8]  }
0x30: {  	s3 =	sld [smem:$0x3FAB]  }
0x31: {  	[smem:$0x3FB4] =	sst s10  }
0x32: {  	s10 =	sld [smem:$0x3FB2];
	_ =	sdelay $0x3  }
0x33: {  	p0 =	seq.s32 s10, $0x1;
	s10 =	sld [smem:$0x3FB4];
	_ =	sdelay $0x3  }
0x34: {  	[smem:$0x3FB4] =	sst s10  }
0x35: {  	s10 =	sld [smem:$0x3FB3];
	_ =	sdelay $0x3  }
0x36: {  	p1 =	seq.s32 s10, $0x1;
	s10 =	sld [smem:$0x3FB4];
	_ =	sdelay $0x3  }
0x37: {  	[smem:$0x3FB4] =	sst s10  }
0x38: {  	s10 =	sld [smem:$0x3FB5]  }
0x39: {  	_ = 	snop;
	(pc) =	sbr.ind lr, $3  }
0x3a: {  	_ = 	snop  }
0x3b: {  	_ = 	snop  }
0x3c: {  	p2 =	seq.s32 s10, $0x1;
	s10 =	sld [smem:$0x3FB4]  }
0x3d: {  	_ =	shalt  }
0x3e: {  	_ =	shalt  }
0x3f: {  	_ =	shalt  }
0x40: {  	_ =	shalt  }
0x41: {  	_ =	shalt  }
0x42: {  	_ =	shalt  }
0x43: {  	_ =	shalt  }
0x44: {  	_ =	shalt  }
0x45: {  	_ =	shalt  }
0x46: {  	_ =	shalt  }
0x47: {  	_ =	shalt  }
0x48: {  	_ =	shalt  }
0x49: {  	_ =	shalt  }
0x4a: {  	_ =	shalt  }
0x4b: {  	_ =	shalt  }
0x4c: {  	_ =	shalt  }
0x4d: {  	_ =	shalt  }
0x4e: {  	_ =	shalt  }
0x4f: {  	_ =	shalt  }
0x50: {  	_ =	shalt  }
0x51: {  	_ =	shalt  }
0x52: {  	_ =	shalt  }
0x53: {  	_ =	shalt  }
0x54: {  	_ =	shalt  }
0x55: {  	_ =	shalt  }
0x56: {  	_ =	shalt  }
0x57: {  	_ =	shalt  }
0x58: {  	_ =	shalt  }
0x59: {  	_ =	shalt  }
0x5a: {  	_ =	shalt  }
0x5b: {  	_ =	shalt  }
0x5c: {  	_ =	shalt  }
0x5d: {  	_ =	shalt  }
0x5e: {  	_ =	shalt  }
0x5f: {  	_ =	shalt  }
0x60: {  	_ =	shalt  }
0x61: {  	_ =	shalt  }
0x62: {  	_ =	shalt  }
0x63: {  	_ =	shalt  }
0x64: {  	_ =	shalt  }
0x65: {  	_ =	shalt  }
0x66: {  	_ =	shalt  }
0x67: {  	_ =	shalt  }
0x68: {  	_ =	shalt  }
0x69: {  	_ =	shalt  }
0x6a: {  	_ =	shalt  }
0x6b: {  	_ =	shalt  }
0x6c: {  	_ =	shalt  }
0x6d: {  	_ =	shalt  }
0x6e: {  	_ =	shalt  }
0x6f: {  	_ =	shalt  }
0x70: {  	_ =	shalt  }
0x71: {  	_ =	shalt  }
0x72: {  	_ =	shalt  }
0x73: {  	_ =	shalt  }
0x74: {  	_ =	shalt  }
0x75: {  	_ =	shalt  }
0x76: {  	_ =	shalt  }
0x77: {  	_ =	shalt  }
0x78: {  	_ =	shalt  }
0x79: {  	_ =	shalt  }
0x7a: {  	_ =	shalt  }
0x7b: {  	_ =	shalt  }
0x7c: {  	_ =	shalt  }
0x7d: {  	_ =	shalt  }
0x7e: {  	_ =	shalt  }
0x7f: {  	_ =	shalt  }
0x80: {  	_ =	shalt  }
0x81: {  	_ =	shalt  }
0x82: {  	_ =	shalt  }
0x83: {  	_ =	shalt  }
0x84: {  	_ =	shalt  }
0x85: {  	_ =	shalt  }
0x86: {  	_ =	shalt  }
0x87: {  	_ =	shalt  }
.Lfunc_end0:
.L_simem_size_0:
called_computation.2_lowered:
.L_overlay_start_0:
0x88: {  	s2 =	sld [smem:$0x3FD9]  }
0x89: {  	s3 =	sld [smem:$0x3FFE];
	_ =	sdelay $0x1  }
0x8a: {  	s1 =	srdreg.scid  }
0x8b: {  	s0 =	sand.u32 $0x1, s1  }
0x8c: {  	s17 =	sshll.u32 s0, $0xA;
	s2 =	sadd.s32 s3, s2  }
0x8d: {  	s2 =	sadd.s32 s2, s17  }
0x8e: {  	[smem:$0x3FC0] =	sst s2  }
0x8f: {  	_ = 	snop  }
0x90: {  	s2 =	sld [smem:$0x3FD0];
	(tm) =	ssettm $0x1  }
0x91: {  	s18 =	sld [smem:$0x3FFB];
	_ =	sdelay $0x3  }
0x92: {  	_ =	strace s18  }
0x93: {  	s3 =	sld [smem:$0x3FFC];
	_ =	sdelay $0x3  }
0x94: {  	_ =	strace s3  }
0x95: {  	s3 =	sld [smem:$0x3FFD];
	_ =	sdelay $0x3  }
0x96: {  	_ =	strace s3  }
0x97: {  	_ =	strace $0x8FFFFFFF  }
0x98: {  	s19 =	sld [smem:$0x3FDB];
	_ =	sdelay $0x1  }
0x99: {  	s4 =	simm.s32 $_scs_section_size  }
0x9a: {  	s5 =	simm.s32 $_size__tile_overlayer_lowered;
	s6 =	simm.s32 $_tile_overlayer_lowered  }
0x9b: {  	s22 =	simm.s32 $0x1BFF;
	s21 =	sshll.u32 s6, $0x1;
	s3 =	sadd.s32 s4, s19  }
0x9c: {  	s7 =	simm.s32 $0x0;
	s20 =	sshll.u32 s5, $0x1;
	s5 =	sadd.s32 s21, s3  }
0x9d: {  	[timem:s7], [sflag:s22] =	dma.local [hbm:s5], s20  }
0x9e: {  	_ =	swait.ge [sflag:s22], s20  }
0x9f: {  	s4 =	ssub.s32 $0x0, s20;
	[sflag:s22] =	ssyncset.done $0x0  }
0xa0: {  	[sflag:s22] =	ssyncadd.s32 s4;
	_ =	sdelay $0x1  }
0xa1: {  	s23 =	simm.s32 $0x1B8B  }
0xa2: {  	_ =	swait.ge [sflag:s23], $0x1  }
0xa3: {  	[sflag:s23] =	ssyncset.done $0x0  }
0xa4: {  	s25 =	simm.s32 $0x1B8E;
	s24 =	sld [smem:$0x3FFE];
	[sflag:s23] =	ssyncadd.s32 $0xFFFFFFFF  }
0xa5: {  	s26 =	simm.s32 $execute0_lowered;
	[smem:$0x3FD2] =	sst s25  }
0xa6: {  	s5 =	sshll.u32 s26, $0x1;
	_ =	strace $0x8000004C;
	[dreg:$0x1] =	wrdreg $0xFFFFFFFF  }
0xa7: {  	s28 =	simm.s32 $_size_execute0_lowered;
	s3 =	sadd.s32 s3, s5;
	[dreg:$0x0] =	wrdreg $0x0  }
0xa8: {  	s5 =	sshll.u32 s28, $0x1;
	[dreg:$0x2] =	wrdreg s3  }
0xa9: {  	[dreg:$0x3] =	wrdreg s5  }
0xaa: {  	[dreg:$0x4] =	wrdreg $0xC0  }
0xab: {  	_ =	task [dreg:s7], $0x5FFFF  }
0xac: {  	[dreg:$0x1] =	wrdreg $0xFFFFFFFF  }
0xad: {  	[dreg:$0x0] =	wrdreg $0x60  }
0xae: {  	[dreg:$0x2] =	wrdreg s24  }
0xaf: {  	[dreg:$0x3] =	wrdreg s2  }
0xb0: {  	[dreg:$0x4] =	wrdreg $0xFC000  }
0xb1: {  	[dreg:$0x5] =	wrdreg $0x9  }
0xb2: {  	_ =	task.clear_ibuf [dreg:s7], $0x6FFFF;
	_ =	strace $0x9000004C  }
0xb3: {  	s29 =	simm.s32 $0x9;
	_ =	strace $0x8000004E  }
0xb4: {  	_ =	swait.ge [sflag:s29], $0x1  }
0xb5: {  	[sflag:s29] =	ssyncadd.s32 $0xFFFFFFFF  }
0xb6: {  	_ =	strace $0x9000004E  }
0xb7: {  	_ =	sfence  }
0xb8: {  	s30 =	sld [smem:$0x0];
	_ =	sdelay $0x2  }
0xb9: {  	s31 =	sshll.u32 s1, $0xD;
	s1 =	sshrl.u32 s1, $0x2  }
0xba: {  	s3 =	sand.u32 $0x4000, s31;
	s1 =	sadd.s32 s1, s30  }
0xbb: {  	s0 =	sor.u32 s3, s0;
	s1 =	sshll.u32 s1, $0x11  }
0xbc: {  	s0 =	sor.u32 s1, s0  }
0xbd: {  	s0 =	sadd.s32 $0x8F2B, s0  }
0xbe: {  	[sflag:s0] =	ssyncadd.remote.s32 $0x1  }
0xbf: {  	_ =	sfence.sel $0xFFFF  }
0xc0: {  	[dreg:$0x0] =	wrdreg $0xFFFFFFFF;
	(pc) =	sbr.abs _section_cstart, $3  }
0xc1: {  	[dreg:$0x1] =	wrdreg $0xFFFFFFFF  }
0xc2: {  	_ =	task.clear_ibuf [dreg:s7], $0x2FFFF;
	_ =	strace $0x9FFFFFFF  }
0xc3: {  	(tm) =	ssettm $0x7FFFFFFF  }
tec
execute0_lowered:
.L_overlay_start_1:
0x0: {  	(tag) =	ssettag $0x1  }
0x1: {  	s0 =	rddreg [dreg:$0x0]  }
0x2: {  	s1 =	rddreg [dreg:$0x1]  }
0x3: {  	s3 =	rddreg [dreg:$0x2];
	s10 =	stileid.u32  }
0x4: {  	s2 =	srdreg.scid;
	s29 =	smul.u32 $0x15000, s10  }
0x5: {  	s4 =	simm.s32 $0x0;
	s2 =	sand.u32 $0x1, s2;
	s15 =	smul.u32 $0x14000, s10  }
0x6: {  	[smem:$0x7FF] =	sst s4;
	s18 =	smul.u32 $0xA0, s10;
	s8 =	ssub.s32 $0x2, s2  }
0x7: {  	_ =	strace $0x8000004D;
	s2 =	sshll.u32 s2, $0x1;
	s9 =	sshrl.u32 s8, $0x1  }
0x8: {  	s4 =	sshrl.u32 s29, $0x2;
	[dreg:$0x4] =	wrdreg s2;
	s2 =	sshrl.u32 s15, $0x2  }
0x9: {  	[dreg:$0xb] =	wrdreg s18;
	s30 =	ssub.s32 s8, s9;
	s2 =	sadd.s32 s2, s3  }
0xa: {  	s4 =	sadd.s32 s4, s3;
	s8 =	sadd.s32 $0x50, s18;
	[dreg:$0x12] =	wrdreg s2  }
0xb: {  	s11 =	sadd.s32 $0x400, s4;
	[dreg:$0x10] =	wrdreg s8  }
0xc: {  	s12 =	sadd.s32 $0x800, s4;
	[dreg:$0x5] =	wrdreg s11  }
0xd: {  	s13 =	sadd.s32 $0xC00, s4;
	[dreg:$0x6] =	wrdreg s12  }
0xe: {  	s14 =	sadd.s32 $0x1000, s4;
	[dreg:$0x7] =	wrdreg s13  }
0xf: {  	s16 =	sadd.s32 $0x1400, s4;
	[dreg:$0x8] =	wrdreg s14  }
0x10: {  	s17 =	sadd.s32 $0x1800, s4;
	[dreg:$0x9] =	wrdreg s16  }
0x11: {  	s19 =	sadd.s32 $0x1C00, s4;
	[dreg:$0xa] =	wrdreg s17  }
0x12: {  	s5 =	sadd.s32 $0x57200, s0;
	s20 =	sadd.s32 $0x2000, s4;
	[dreg:$0xc] =	wrdreg s19  }
0x13: {  	s6 =	sadd.s32 $0x2200, s0;
	s21 =	sadd.s32 $0x2400, s4;
	[dreg:$0xd] =	wrdreg s20  }
0x14: {  	s7 =	sadd.s32 $0xF7200, s0;
	s22 =	sadd.s32 $0x2800, s4;
	[dreg:$0xe] =	wrdreg s21  }
0x15: {  	s15 =	simm.s32 $0x600;
	s23 =	sadd.s32 $0x2C00, s4;
	[dreg:$0xf] =	wrdreg s22  }
0x16: {  	s9 =	smul.u32 $0x2710, s10;
	s0 =	smax.u32 s30, $0x1;
	[dreg:$0x11] =	wrdreg s23  }
0x17: {  	s10 =	simm.s32 $0xD000;
	s25 =	sadd.s32 $0x3000, s4;
	[dreg:$0x14] =	wrdreg s0  }
0x18: {  	s18 =	simm.s32 $0x0;
	s26 =	sadd.s32 $0x3400, s4;
	[dreg:$0x15] =	wrdreg s25  }
0x19: {  	s24 =	sshll.u32 s8, $0x7;
	s28 =	sadd.s32 $0x3800, s4;
	[dreg:$0x16] =	wrdreg s26  }
0x1a: {  	s29 =	sadd.s32 $0x3C00, s4;
	s30 =	sadd.s32 $0x4000, s4;
	[dreg:$0x17] =	wrdreg s28  }
0x1b: {  	s31 =	smov.u32 s4;
	s8 =	simm.s32 $0x800;
	[dreg:$0x18] =	wrdreg s29  }
0x1c: {  	s2 =	sadd.s32 s24, s3;
	[dreg:$0x19] =	wrdreg s30;
	s0 =	sadd.s32 $0x4400, s4  }
0x1d: {  	s25 =	sadd.s32 $0x4C00, s4;
	s11 =	simm.s32 $0x2;
	s12 =	simm.s32 $0x190  }
0x1e: {  	s13 =	simm.s32 $0x200;
	s14 =	simm.s32 $0x1;
	s16 =	simm.s32 $0xD400  }
0x1f: {  	v0 =	vimm.f32 $0.0e+00;
	v1 =	vlaneseq.u32;
	[dreg:$0x13] =	wrdreg s2;
	s2 =	sadd.s32 $0x4800, s4;
	s4 =	sadd.s32 $0x5000, s4  }
.LBB2_1:
0x20: {  	[tilespmem:$0xD000] =	vst v0  }
0x21: {  	[tilespmem:$0xD010] =	vst v0  }
0x22: {  	[tilespmem:$0xD020] =	vst v0  }
0x23: {  	[tilespmem:$0xD030] =	vst v0  }
0x24: {  	[tilespmem:$0xD040] =	vst v0  }
0x25: {  	[tilespmem:$0xD050] =	vst v0  }
0x26: {  	[tilespmem:$0xD060] =	vst v0  }
0x27: {  	[tilespmem:$0xD070] =	vst v0  }
0x28: {  	[tilespmem:$0xD080] =	vst v0  }
0x29: {  	[tilespmem:$0xD090] =	vst v0  }
0x2a: {  	[tilespmem:$0xD0A0] =	vst v0  }
0x2b: {  	[tilespmem:$0xD0B0] =	vst v0  }
0x2c: {  	[tilespmem:$0xD0C0] =	vst v0  }
0x2d: {  	[tilespmem:$0xD0D0] =	vst v0  }
0x2e: {  	[tilespmem:$0xD0E0] =	vst v0  }
0x2f: {  	[tilespmem:$0xD0F0] =	vst v0  }
0x30: {  	[tilespmem:$0xD100] =	vst v0  }
0x31: {  	[tilespmem:$0xD110] =	vst v0  }
0x32: {  	[tilespmem:$0xD120] =	vst v0  }
0x33: {  	[tilespmem:$0xD130] =	vst v0  }
0x34: {  	[tilespmem:$0xD140] =	vst v0  }
0x35: {  	[tilespmem:$0xD150] =	vst v0  }
0x36: {  	[tilespmem:$0xD160] =	vst v0  }
0x37: {  	[tilespmem:$0xD170] =	vst v0  }
0x38: {  	[tilespmem:$0xD180] =	vst v0  }
0x39: {  	[tilespmem:$0xD190] =	vst v0  }
0x3a: {  	[tilespmem:$0xD1A0] =	vst v0  }
0x3b: {  	[tilespmem:$0xD1B0] =	vst v0  }
0x3c: {  	[tilespmem:$0xD1C0] =	vst v0  }
0x3d: {  	[tilespmem:$0xD1D0] =	vst v0  }
0x3e: {  	[tilespmem:$0xD1E0] =	vst v0  }
0x3f: {  	[tilespmem:$0xD1F0] =	vst v0  }
0x40: {  	[tilespmem:$0xD200] =	vst v0  }
0x41: {  	[tilespmem:$0xD210] =	vst v0  }
0x42: {  	[tilespmem:$0xD220] =	vst v0  }
0x43: {  	[tilespmem:$0xD230] =	vst v0  }
0x44: {  	[tilespmem:$0xD240] =	vst v0  }
0x45: {  	[tilespmem:$0xD250] =	vst v0  }
0x46: {  	[tilespmem:$0xD260] =	vst v0  }
0x47: {  	[tilespmem:$0xD270] =	vst v0  }
0x48: {  	[tilespmem:$0xD280] =	vst v0  }
0x49: {  	[tilespmem:$0xD290] =	vst v0  }
0x4a: {  	[tilespmem:$0xD2A0] =	vst v0  }
0x4b: {  	[tilespmem:$0xD2B0] =	vst v0  }
0x4c: {  	[tilespmem:$0xD2C0] =	vst v0  }
0x4d: {  	[tilespmem:$0xD2D0] =	vst v0  }
0x4e: {  	[tilespmem:$0xD2E0] =	vst v0  }
0x4f: {  	[tilespmem:$0xD2F0] =	vst v0  }
0x50: {  	[tilespmem:$0xD300] =	vst v0  }
0x51: {  	[tilespmem:$0xD310] =	vst v0  }
0x52: {  	[tilespmem:$0xD320] =	vst v0  }
0x53: {  	[tilespmem:$0xD330] =	vst v0  }
0x54: {  	[tilespmem:$0xD340] =	vst v0  }
0x55: {  	[tilespmem:$0xD350] =	vst v0  }
0x56: {  	[tilespmem:$0xD360] =	vst v0  }
0x57: {  	[tilespmem:$0xD370] =	vst v0  }
0x58: {  	[tilespmem:$0xD380] =	vst v0  }
0x59: {  	[tilespmem:$0xD390] =	vst v0  }
0x5a: {  	[tilespmem:$0xD3A0] =	vst v0  }
0x5b: {  	[tilespmem:$0xD3B0] =	vst v0  }
0x5c: {  	[tilespmem:$0xD3C0] =	vst v0  }
0x5d: {  	[tilespmem:$0xD3D0] =	vst v0  }
0x5e: {  	[tilespmem:$0xD3E0] =	vst v0  }
0x5f: {  	[dreg:$0x1a] =	wrdreg s18;
	[tilespmem:$0xD3F0] =	vst v0;
	s17 =	simm.s32 $0x0  }
.LBB2_2:
0x60: {  	[spmem:s31] =	stream.linear.scatter [tilespmem:s10], [sflag:$0x2], $0x400, $0x38;
	[tilespmem:$0x15000] =	vst v63  }
0x61: {  	_ =	swait.ge [sflag:s11], $0x400  }
0x62: {  	[sflag:s11] =	ssyncset.done $0x0  }
0x63: {  	s18 =	rddreg [dreg:$0x5];
	[sflag:s11] =	ssyncadd.s32 $0xFFFFFC00  }
0x64: {  	[spmem:s18] =	stream.linear.scatter [tilespmem:s10], [sflag:$0x2], $0x400, $0x38;
	[tilespmem:$0x15000] =	vst v63  }
0x65: {  	_ =	swait.ge [sflag:s11], $0x400  }
0x66: {  	[sflag:s11] =	ssyncset.done $0x0  }
0x67: {  	s23 =	rddreg [dreg:$0x6];
	[sflag:s11] =	ssyncadd.s32 $0xFFFFFC00  }
0x68: {  	[spmem:s23] =	stream.linear.scatter [tilespmem:s10], [sflag:$0x2], $0x400, $0x38;
	[tilespmem:$0x15000] =	vst v63  }
0x69: {  	_ =	swait.ge [sflag:s11], $0x400  }
0x6a: {  	[sflag:s11] =	ssyncset.done $0x0  }
0x6b: {  	s24 =	rddreg [dreg:$0x7];
	[sflag:s11] =	ssyncadd.s32 $0xFFFFFC00  }
0x6c: {  	[spmem:s24] =	stream.linear.scatter [tilespmem:s10], [sflag:$0x2], $0x400, $0x38;
	[tilespmem:$0x15000] =	vst v63  }
0x6d: {  	_ =	swait.ge [sflag:s11], $0x400  }
0x6e: {  	[sflag:s11] =	ssyncset.done $0x0  }
0x6f: {  	s26 =	rddreg [dreg:$0x8];
	[sflag:s11] =	ssyncadd.s32 $0xFFFFFC00  }
0x70: {  	[spmem:s26] =	stream.linear.scatter [tilespmem:s10], [sflag:$0x2], $0x400, $0x38;
	[tilespmem:$0x15000] =	vst v63  }
0x71: {  	_ =	swait.ge [sflag:s11], $0x400  }
0x72: {  	[sflag:s11] =	ssyncset.done $0x0  }
0x73: {  	s28 =	rddreg [dreg:$0x9];
	[sflag:s11] =	ssyncadd.s32 $0xFFFFFC00  }
0x74: {  	[spmem:s28] =	stream.linear.scatter [tilespmem:s10], [sflag:$0x2], $0x400, $0x38;
	[tilespmem:$0x15000] =	vst v63  }
0x75: {  	_ =	swait.ge [sflag:s11], $0x400  }
0x76: {  	[sflag:s11] =	ssyncset.done $0x0  }
0x77: {  	s29 =	rddreg [dreg:$0xa];
	[sflag:s11] =	ssyncadd.s32 $0xFFFFFC00  }
0x78: {  	[spmem:s29] =	stream.linear.scatter [tilespmem:s10], [sflag:$0x2], $0x400, $0x38;
	[tilespmem:$0x15000] =	vst v63  }
0x79: {  	_ =	swait.ge [sflag:s11], $0x400  }
0x7a: {  	[sflag:s11] =	ssyncset.done $0x0  }
0x7b: {  	s30 =	rddreg [dreg:$0xc];
	[sflag:s11] =	ssyncadd.s32 $0xFFFFFC00  }
0x7c: {  	[spmem:s30] =	stream.linear.scatter [tilespmem:s10], [sflag:$0x2], $0x400, $0x38;
	[tilespmem:$0x15000] =	vst v63  }
0x7d: {  	_ =	swait.ge [sflag:s11], $0x400  }
0x7e: {  	[sflag:s11] =	ssyncset.done $0x0  }
0x7f: {  	s19 =	rddreg [dreg:$0xd];
	[sflag:s11] =	ssyncadd.s32 $0xFFFFFC00  }
0x80: {  	[spmem:s19] =	stream.linear.scatter [tilespmem:s10], [sflag:$0x2], $0x400, $0x38;
	[tilespmem:$0x15000] =	vst v63  }
0x81: {  	_ =	swait.ge [sflag:s11], $0x400  }
0x82: {  	[sflag:s11] =	ssyncset.done $0x0  }
0x83: {  	s20 =	rddreg [dreg:$0xe];
	[sflag:s11] =	ssyncadd.s32 $0xFFFFFC00  }
0x84: {  	[spmem:s20] =	stream.linear.scatter [tilespmem:s10], [sflag:$0x2], $0x400, $0x38;
	[tilespmem:$0x15000] =	vst v63  }
0x85: {  	_ =	swait.ge [sflag:s11], $0x400  }
0x86: {  	[sflag:s11] =	ssyncset.done $0x0  }
0x87: {  	s21 =	rddreg [dreg:$0xf];
	[sflag:s11] =	ssyncadd.s32 $0xFFFFFC00  }
0x88: {  	[spmem:s21] =	stream.linear.scatter [tilespmem:s10], [sflag:$0x2], $0x400, $0x38;
	[tilespmem:$0x15000] =	vst v63  }
0x89: {  	_ =	swait.ge [sflag:s11], $0x400  }
0x8a: {  	[sflag:s11] =	ssyncset.done $0x0  }
0x8b: {  	s22 =	rddreg [dreg:$0x11];
	[sflag:s11] =	ssyncadd.s32 $0xFFFFFC00  }
0x8c: {  	[spmem:s22] =	stream.linear.scatter [tilespmem:s10], [sflag:$0x2], $0x400, $0x38;
	[tilespmem:$0x15000] =	vst v63  }
0x8d: {  	_ =	swait.ge [sflag:s11], $0x400  }
0x8e: {  	[sflag:s11] =	ssyncset.done $0x0  }
0x8f: {  	s23 =	rddreg [dreg:$0x15];
	[sflag:s11] =	ssyncadd.s32 $0xFFFFFC00  }
0x90: {  	[spmem:s23] =	stream.linear.scatter [tilespmem:s10], [sflag:$0x2], $0x400, $0x38;
	[tilespmem:$0x15000] =	vst v63  }
0x91: {  	_ =	swait.ge [sflag:s11], $0x400  }
0x92: {  	[sflag:s11] =	ssyncset.done $0x0  }
0x93: {  	s24 =	rddreg [dreg:$0x16];
	[sflag:s11] =	ssyncadd.s32 $0xFFFFFC00  }
0x94: {  	[spmem:s24] =	stream.linear.scatter [tilespmem:s10], [sflag:$0x2], $0x400, $0x38;
	[tilespmem:$0x15000] =	vst v63  }
0x95: {  	_ =	swait.ge [sflag:s11], $0x400  }
0x96: {  	[sflag:s11] =	ssyncset.done $0x0  }
0x97: {  	s26 =	rddreg [dreg:$0x17];
	[sflag:s11] =	ssyncadd.s32 $0xFFFFFC00  }
0x98: {  	[spmem:s26] =	stream.linear.scatter [tilespmem:s10], [sflag:$0x2], $0x400, $0x38;
	[tilespmem:$0x15000] =	vst v63  }
0x99: {  	_ =	swait.ge [sflag:s11], $0x400  }
0x9a: {  	[sflag:s11] =	ssyncset.done $0x0  }
0x9b: {  	s28 =	rddreg [dreg:$0x18];
	[sflag:s11] =	ssyncadd.s32 $0xFFFFFC00  }
0x9c: {  	[spmem:s28] =	stream.linear.scatter [tilespmem:s10], [sflag:$0x2], $0x400, $0x38;
	[tilespmem:$0x15000] =	vst v63  }
0x9d: {  	_ =	swait.ge [sflag:s11], $0x400  }
0x9e: {  	[sflag:s11] =	ssyncset.done $0x0  }
0x9f: {  	s29 =	rddreg [dreg:$0x19];
	[sflag:s11] =	ssyncadd.s32 $0xFFFFFC00  }
0xa0: {  	[spmem:s29] =	stream.linear.scatter [tilespmem:s10], [sflag:$0x2], $0x400, $0x38;
	[tilespmem:$0x15000] =	vst v63  }
0xa1: {  	_ =	swait.ge [sflag:s11], $0x400  }
0xa2: {  	[sflag:s11] =	ssyncset.done $0x0  }
0xa3: {  	[sflag:s11] =	ssyncadd.s32 $0xFFFFFC00  }
0xa4: {  	[spmem:s0] =	stream.linear.scatter [tilespmem:s10], [sflag:$0x2], $0x400, $0x38;
	[tilespmem:$0x15000] =	vst v63  }
0xa5: {  	_ =	swait.ge [sflag:s11], $0x400  }
0xa6: {  	[sflag:s11] =	ssyncset.done $0x0  }
0xa7: {  	[sflag:s11] =	ssyncadd.s32 $0xFFFFFC00  }
0xa8: {  	[spmem:s2] =	stream.linear.scatter [tilespmem:s10], [sflag:$0x2], $0x400, $0x38;
	[tilespmem:$0x15000] =	vst v63  }
0xa9: {  	_ =	swait.ge [sflag:s11], $0x400  }
0xaa: {  	[sflag:s11] =	ssyncset.done $0x0  }
0xab: {  	[sflag:s11] =	ssyncadd.s32 $0xFFFFFC00  }
0xac: {  	[spmem:s25] =	stream.linear.scatter [tilespmem:s10], [sflag:$0x2], $0x400, $0x38;
	[tilespmem:$0x15000] =	vst v63  }
0xad: {  	_ =	swait.ge [sflag:s11], $0x400  }
0xae: {  	s30 =	sshrl.u32 s17, $0x1;
	[sflag:s11] =	ssyncset.done $0x0  }
0xaf: {  	s19 =	sand.u32 $0x1, s17;
	s20 =	rddreg [dreg:$0x4];
	[sflag:s11] =	ssyncadd.s32 $0xFFFFFC00  }
0xb0: {  	[spmem:s4] =	stream.linear.scatter [tilespmem:s10], [sflag:$0x2], $0x400, $0x38;
	[tilespmem:$0x15000] =	vst v63  }
0xb1: {  	s18 =	smul.u32 $0x2800, s30;
	s19 =	sor.u32 s20, s19;
	_ =	swait.ge [sflag:s11], $0x400  }
0xb2: {  	s19 =	smul.u32 $0xA00, s19;
	[sflag:s11] =	ssyncset.done $0x0  }
0xb3: {  	[sflag:s11] =	ssyncadd.s32 $0xFFFFFC00  }
0xb4: {  	v2 =	vmov s18;
	s21 =	simm.s32 $0x0;
	s20 =	simm.s32 $0x0;
	v3 =	vmov s19;
	[bflag:$0x0] =	sbarrier.arrive $0xFFFF  }
.LBB2_3:
0xb5: {  	s22 =	smul.u32 $0x190, s21;
	_ =	sdelay $0x1  }
0xb6: {  	s22 =	sadd.s32 s9, s22  }
0xb7: {  	s22 =	sshrl.u32 s22, $0x3  }
0xb8: {  	s23 =	sadd.s32 s6, s22  }
0xb9: {  	[tilespmem:s20], [sflag:$0x2] =	stream.linear.gather [hbm4b:s23+s20], $0x190, $0x38;
	[tilespmem:$0x15000] =	vst v63  }
0xba: {  	_ =	swait.ge [sflag:s11], $0x190  }
0xbb: {  	[sflag:s11] =	ssyncset.done $0x0  }
0xbc: {  	s30 =	sadd.s32 s1, s22;
	s22 =	simm.s32 $0x400;
	[sflag:s11] =	ssyncadd.s32 $0xFFFFFE70  }
0xbd: {  	[tilespmem:s22], [sflag:$0x2] =	stream.linear.gather [hbm4b:s30+s20], $0x190, $0x38;
	[tilespmem:$0x15000] =	vst v63  }
0xbe: {  	_ =	swait.ge [sflag:s11], $0x190  }
0xbf: {  	[sflag:s11] =	ssyncset.done $0x0  }
0xc0: {  	[sflag:s11] =	ssyncadd.s32 $0xFFFFFE70  }
0xc1: {  	v4 =	vld [tilespmem:s20+$0x0];
	_ =	sdelay $0x4  }
0xc2: {  	s23 =	simm.s32 $0x200;
	v4 =	vadd.s32 v2, v4  }
0xc3: {  	[tilespmem:s23+$0x0] =	vst v4  }
0xc4: {  	v4 =	vld [tilespmem:s22+$0x0];
	_ =	sdelay $0x3  }
0xc5: {  	s24 =	sand.u32 $0x70, s20  }
0xc6: {  	s24 =	sor.u32 $0xA00, s24;
	v4 =	vsub.s32 v4, v3  }
0xc7: {  	s29 =	simm.s32 $0x600;
	v5 =	vor.u32 s24, v1;
	vm0 =	vgt.u32 v4, $0x9FF  }
0xc8: {  	s26 =	simm.s32 $0x610;
	s28 =	simm.s32 $0x0;
	s24 =	simm.s32 $0x10;
	v4 =	vsel vm0, v5, v4  }
.LBB2_4:
0xc9: {  	[tilespmem:s29+$0x0] =	vst v4;
	s28 =	sadd.s32 $0x10, s28;
	s23 =	sadd.s32 $0x10, s23;
	s22 =	sadd.s32 $0x10, s22  }
0xca: {  	p0 =	sne.s32 s24, $0x180;
	s30 =	smov.u32 s24;
	s24 =	sadd.s32 $0x10, s24;
	v4 =	vld [tilespmem:s28+$0x0]  }
0xcb: {  	s29 =	smov.u32 s26;
	_ =	sdelay $0x3  }
0xcc: {  	v4 =	vadd.s32 v2, v4  }
0xcd: {  	[tilespmem:s23+$0x0] =	vst v4  }
0xce: {  	v4 =	vld [tilespmem:s22+$0x0];
	_ =	sdelay $0x2  }
.Ltmp0:
0xcf: {  	(pc) =	sbr.rel @p0 .LBB2_4-.Ltmp0, $4  }
0xd0: {  	s30 =	sand.u32 $0x70, s30  }
0xd1: {  	s30 =	sor.u32 $0xA00, s30;
	v4 =	vsub.s32 v4, v3  }
0xd2: {  	v5 =	vor.u32 s30, v1;
	vm0 =	vgt.u32 v4, $0x9FF  }
0xd3: {  	s26 =	sadd.s32 $0x10, s26;
	v4 =	vsel vm0, v5, v4  }
0xd4: {  	[tilespmem:s29+$0x0] =	vst v4  }
0xd5: {  	[tilespmem:s8], [sflag:$0x1] =	stream.indirect.gather [hbm4b:s5+s12], $0x80, s13, s12, $0xb8;
	[tilespmem:$0x15000] =	vst v63  }
0xd6: {  	s21 =	sadd.s32 $0x1, s21;
	_ =	swait.ge [sflag:s14], $0xC800  }
0xd7: {  	p0 =	sne.s32 s21, $0x19;
	[sflag:s14] =	ssyncset.done $0x0  }
.Ltmp1:
0xd8: {  	[sflag:s14] =	ssyncadd.s32 $0xFFFF3800;
	(pc) =	sbr.rel @p0 .LBB2_3-.Ltmp1, $4  }
0xd9: {  	[spmem:s3] =	stream.indirect.scatter.add.f32 [tilespmem:s8], [sflag:$0x2], $0x80, s15, s12, $0xb8;
	[tilespmem:$0x15000] =	vst v63  }
0xda: {  	_ =	swait.ge [sflag:s11], $0xC800  }
0xdb: {  	[sflag:s11] =	ssyncset.done $0x0  }
0xdc: {  	[sflag:s11] =	ssyncadd.s32 $0xFFFF3800  }
0xdd: {  	[bflag:$0x0] =	sbarrier.arrive $0xFFFF  }
0xde: {  	s20 =	rddreg [dreg:$0x12]  }
0xdf: {  	[tilespmem:s16], [sflag:$0x2] =	stream.linear.gather [spmem:s20], $0x2800, $0x38;
	[tilespmem:$0x15000] =	vst v63  }
0xe0: {  	_ =	swait.ge [sflag:s11], $0x2800  }
0xe1: {  	s18 =	sadd.s32 s18, s19;
	s26 =	rddreg [dreg:$0xb]  }
0xe2: {  	s19 =	sadd.s32 s26, s18  }
0xe3: {  	[sflag:s11] =	ssyncset.done $0x0;
	s19 =	sshll.u32 s19, $0x4  }
0xe4: {  	s28 =	simm.s32 $0x0;
	[sflag:s11] =	ssyncadd.s32 $0xFFFFD800;
	s19 =	sadd.s32 s7, s19  }
0xe5: {  	[hbm4b:s19+s28] =	stream.linear.scatter [tilespmem:s16], [sflag:$0x2], $0x2800, $0x38;
	[tilespmem:$0x15000] =	vst v63  }
0xe6: {  	_ =	swait.ge [sflag:s11], $0x2800  }
0xe7: {  	[sflag:s11] =	ssyncset.done $0x0  }
0xe8: {  	s29 =	rddreg [dreg:$0x13];
	[sflag:s11] =	ssyncadd.s32 $0xFFFFD800  }
0xe9: {  	[tilespmem:s16], [sflag:$0x2] =	stream.linear.gather [spmem:s29], $0x2800, $0x38;
	[tilespmem:$0x15000] =	vst v63  }
0xea: {  	_ =	swait.ge [sflag:s11], $0x2800  }
0xeb: {  	s30 =	rddreg [dreg:$0x10]  }
0xec: {  	s18 =	sadd.s32 s30, s18  }
0xed: {  	s17 =	sadd.s32 $0x1, s17;
	[sflag:s11] =	ssyncset.done $0x0;
	s18 =	sshll.u32 s18, $0x4  }
0xee: {  	p0 =	sne.s32 s17, $0x8;
	[sflag:s11] =	ssyncadd.s32 $0xFFFFD800;
	s18 =	sadd.s32 s7, s18  }
0xef: {  	[hbm4b:s18+s28] =	stream.linear.scatter [tilespmem:s16], [sflag:$0x2], $0x2800, $0x38;
	[tilespmem:$0x15000] =	vst v63  }
.Ltmp2:
0xf0: {  	_ =	swait.ge [sflag:s11], $0x2800;
	(pc) =	sbr.rel @p0 .LBB2_2-.Ltmp2, $3  }
0xf1: {  	[sflag:s11] =	ssyncset.done $0x0  }
0xf2: {  	[sflag:s11] =	ssyncadd.s32 $0xFFFFD800  }
0xf3: {  	[bflag:$0x0] =	sbarrier.arrive $0xFFFF;
	_ =	sdelay $0x1  }
0xf4: {  	s18 =	rddreg [dreg:$0x1a]  }
0xf5: {  	s17 =	rddreg [dreg:$0x14];
	s18 =	sadd.s32 $0x1, s18  }
0xf6: {  	p0 =	sne.s32 s18, s17  }
.Ltmp3:
0xf7: {  	_ = 	snop;
	(pc) =	sbr.rel @p0 .LBB2_1-.Ltmp3, $1  }
0xf8: {  	_ =	sdelay $0x3  }
0xf9: {  	_ =	sfence.sel $0x180000  }
0xfa: {  	[bflag:$0x0] =	sbarrier.arrive $0xFFFF  }
0xfb: {  	_ =	strace $0x9000004D  }
0xfc: {  	s0 =	stileid.u32;
	[bflag:$0x2] =	sbarrier.arrive $0xFFFF  }
0xfd: {  	p0 =	sne.s32 s0, $0x0;
	s0 =	rddreg [dreg:$0x3]  }
0xfe: {  	s0 =	sadd.s32 @!p0 $0x100000, s0  }
0xff: {  	[sflag:s0] =	ssyncadd.tile.s32 @!p0 $0x1;
	_ =	shalt  }
.Lfunc_end2:
_tile_overlayer_lowered:
.L_overlay_start_2:
0x100: {  	(tag) =	ssettag $0x2  }
0x101: {  	s0 =	rddreg [dreg:$0x0];
	s2 =	stileid.u32  }
0x102: {  	s1 =	rddreg [dreg:$0x1];
	p0 =	sne.s32 s2, $0x0  }
0x103: {  	s3 =	rddreg [dreg:$0x2];
	[bflag:$0x3] =	sbarrier.arrive $0xFFFF;
	s2 =	simm.s32 @!p0 $0x1C02  }
0x104: {  	[timem:s3], [sflag:s2] =	dma.local @!p0 [hbm:s0], s1  }
0x105: {  	s0 =	simm.s32 @!p0 $0x2  }
0x106: {  	_ =	swait.ge @!p0 [sflag:s0], s1  }
0x107: {  	s1 =	ssub.s32 @!p0 $0x0, s1;
	[sflag:s0] =	ssyncset.done @!p0 $0x0  }
0x108: {  	[sflag:s0] =	ssyncadd.s32 @!p0 s1  }
0x109: {  	[bflag:$0x3] =	sbarrier.arrive $0xFFFF  }
0x10a: {  	_ =	shalt  }

// kernel: kernel.8.cloned.1.call-start
scs
__scs_entry_jumppad:
0x0: {  	(pc) =	sbr.rel $0x88, $3  }
0x1: {  	(tag) =	ssettag $0x0;
	lr =	simm.s32 $0x1  }
0x2: {  	[smem:$0x3F99] =	sst lr;
	_ =	strace $0xD0000000  }
0x3: {  	_ = 	snop  }
0x4: {  	_ = 	snop  }
0x5: {  	_ = 	snop  }
0x6: {  	_ = 	snop  }
0x7: {  	_ = 	snop  }
__scs_overlays_trampoline_lowered:
0x8: {  	[smem:$0x3FA8] =	sst s0  }
0x9: {  	[smem:$0x3FA9] =	sst s1  }
0xa: {  	[smem:$0x3FAA] =	sst s2  }
0xb: {  	[smem:$0x3FAB] =	sst s3  }
0xc: {  	[smem:$0x3FAC] =	sst s4  }
0xd: {  	[smem:$0x3FAD] =	sst s5  }
0xe: {  	[smem:$0x3FAE] =	sst s6  }
0xf: {  	[smem:$0x3FAF] =	sst s7  }
0x10: {  	[smem:$0x3FB0] =	sst s8  }
0x11: {  	[smem:$0x3FB1] =	sst s9;
	s0 =	simm.s32 @!p0 $0x0  }
0x12: {  	s1 =	sld [smem:$0x3F97];
	s0 =	simm.s32 @p0 $0x1  }
0x13: {  	[smem:$0x3FB2] =	sst s0;
	s0 =	simm.s32 @!p1 $0x0  }
0x14: {  	s2 =	sld [smem:$0x3F96];
	s0 =	simm.s32 @p1 $0x1  }
0x15: {  	[smem:$0x3FB3] =	sst s0;
	s0 =	simm.s32 @!p2 $0x0  }
0x16: {  	s3 =	sld [smem:$0x3FDB];
	s0 =	simm.s32 @p2 $0x1  }
0x17: {  	s4 =	simm.s32 $0x1BF5;
	[smem:$0x3FB5] =	sst s0  }
0x18: {  	s0 =	sld [smem:$0x3F98];
	_ =	swait.ge [sflag:s4], $0x0  }
0x19: {  	s7 =	sld [smem:$0x3F99]  }
0x1a: {  	s8 =	sadd.s32 $0xFFFFE003, lr  }
0x1b: {  	s9 =	sadd.s32 $0xFFFFFEF7, lr;
	s5 =	simm.s32 $0xFFFFFFFF;
	p2 =	slt.u32 s8, $0xFFFFF086  }
0x1c: {  	p1 =	slt.u32 s9, $0xF7A;
	s5 =	simm.s32 @!p2 $0x0  }
0x1d: {  	s5 =	simm.s32 @p1 $0x1;
	p0 =	seq.s32 s7, s2  }
0x1e: {  	s7 =	smul.u32 @!p0 $0xF7A, s2;
	p2 =	seq.s32 @!p0 s5, $0x0  }
0x1f: {  	s9 =	smul.u32 $0xF7A, s1;
	s8 =	simm.s32 @!p0 $0x1BF5;
	p2 =	por !p2, p0  }
0x20: {  	[sflag:s8] =	ssyncset.s32 @!p0 $0xFFFFF086;
	s6 =	sadd.s32 @!p0 s3, s7;
	s7 =	simm.s32 @!p0 $0x108  }
0x21: {  	s3 =	sadd.s32 s3, s9;
	s6 =	sadd.s32 @!p0 $0x88, s6;
	s7 =	simm.s32 @p2 $0x1082  }
0x22: {  	[simem:s7], [sflag:s8] =	dma.local @!p0 [hbm:s6], $0xF7A  }
0x23: {  	s9 =	sor.u32 $0xD0000000, s2;
	s6 =	simm.s32 $0x108;
	_ =	swait.ge @!p0 [sflag:s8], $0x0  }
0x24: {  	s3 =	sadd.s32 $0x88, s3;
	s6 =	simm.s32 @!p1 $0x1082;
	[sflag:s4] =	ssyncset.s32 $0xFFFFF086  }
0x25: {  	[simem:s6], [sflag:s4] =	dma.local [hbm:s3], $0xF7A  }
0x26: {  	[smem:$0x3F99] =	sst s1;
	(tag) =	ssettag s2;
	_ =	strace s9  }
0x27: {  	s1 =	sld [smem:$0x3FA9]  }
0x28: {  	s2 =	sld [smem:$0x3FAA]  }
0x29: {  	s4 =	sld [smem:$0x3FAC]  }
0x2a: {  	p0 =	seq.s32 s5, $0x0;
	s5 =	sld [smem:$0x3FAD]  }
0x2b: {  	s6 =	sld [smem:$0x3FAE]  }
0x2c: {  	s7 =	sld [smem:$0x3FAF]  }
0x2d: {  	s3 =	simm.s32 $0x108;
	s8 =	sld [smem:$0x3FB0]  }
0x2e: {  	s3 =	simm.s32 @!p0 $0x1082;
	s9 =	sld [smem:$0x3FB1]  }
0x2f: {  	lr =	sadd.s32 s0, s3;
	s0 =	sld [smem:$0x3FA8]  }
0x30: {  	s3 =	sld [smem:$0x3FAB]  }
0x31: {  	[smem:$0x3FB4] =	sst s10  }
0x32: {  	s10 =	sld [smem:$0x3FB2];
	_ =	sdelay $0x3  }
0x33: {  	p0 =	seq.s32 s10, $0x1;
	s10 =	sld [smem:$0x3FB4];
	_ =	sdelay $0x3  }
0x34: {  	[smem:$0x3FB4] =	sst s10  }
0x35: {  	s10 =	sld [smem:$0x3FB3];
	_ =	sdelay $0x3  }
0x36: {  	p1 =	seq.s32 s10, $0x1;
	s10 =	sld [smem:$0x3FB4];
	_ =	sdelay $0x3  }
0x37: {  	[smem:$0x3FB4] =	sst s10  }
0x38: {  	s10 =	sld [smem:$0x3FB5]  }
0x39: {  	_ = 	snop;
	(pc) =	sbr.ind lr, $3  }
0x3a: {  	_ = 	snop  }
0x3b: {  	_ = 	snop  }
0x3c: {  	p2 =	seq.s32 s10, $0x1;
	s10 =	sld [smem:$0x3FB4]  }
0x3d: {  	_ =	shalt  }
0x3e: {  	_ =	shalt  }
0x3f: {  	_ =	shalt  }
0x40: {  	_ =	shalt  }
0x41: {  	_ =	shalt  }
0x42: {  	_ =	shalt  }
0x43: {  	_ =	shalt  }
0x44: {  	_ =	shalt  }
0x45: {  	_ =	shalt  }
0x46: {  	_ =	shalt  }
0x47: {  	_ =	shalt  }
0x48: {  	_ =	shalt  }
0x49: {  	_ =	shalt  }
0x4a: {  	_ =	shalt  }
0x4b: {  	_ =	shalt  }
0x4c: {  	_ =	shalt  }
0x4d: {  	_ =	shalt  }
0x4e: {  	_ =	shalt  }
0x4f: {  	_ =	shalt  }
0x50: {  	_ =	shalt  }
0x51: {  	_ =	shalt  }
0x52: {  	_ =	shalt  }
0x53: {  	_ =	shalt  }
0x54: {  	_ =	shalt  }
0x55: {  	_ =	shalt  }
0x56: {  	_ =	shalt  }
0x57: {  	_ =	shalt  }
0x58: {  	_ =	shalt  }
0x59: {  	_ =	shalt  }
0x5a: {  	_ =	shalt  }
0x5b: {  	_ =	shalt  }
0x5c: {  	_ =	shalt  }
0x5d: {  	_ =	shalt  }
0x5e: {  	_ =	shalt  }
0x5f: {  	_ =	shalt  }
0x60: {  	_ =	shalt  }
0x61: {  	_ =	shalt  }
0x62: {  	_ =	shalt  }
0x63: {  	_ =	shalt  }
0x64: {  	_ =	shalt  }
0x65: {  	_ =	shalt  }
0x66: {  	_ =	shalt  }
0x67: {  	_ =	shalt  }
0x68: {  	_ =	shalt  }
0x69: {  	_ =	shalt  }
0x6a: {  	_ =	shalt  }
0x6b: {  	_ =	shalt  }
0x6c: {  	_ =	shalt  }
0x6d: {  	_ =	shalt  }
0x6e: {  	_ =	shalt  }
0x6f: {  	_ =	shalt  }
0x70: {  	_ =	shalt  }
0x71: {  	_ =	shalt  }
0x72: {  	_ =	shalt  }
0x73: {  	_ =	shalt  }
0x74: {  	_ =	shalt  }
0x75: {  	_ =	shalt  }
0x76: {  	_ =	shalt  }
0x77: {  	_ =	shalt  }
0x78: {  	_ =	shalt  }
0x79: {  	_ =	shalt  }
0x7a: {  	_ =	shalt  }
0x7b: {  	_ =	shalt  }
0x7c: {  	_ =	shalt  }
0x7d: {  	_ =	shalt  }
0x7e: {  	_ =	shalt  }
0x7f: {  	_ =	shalt  }
0x80: {  	_ =	shalt  }
0x81: {  	_ =	shalt  }
0x82: {  	_ =	shalt  }
0x83: {  	_ =	shalt  }
0x84: {  	_ =	shalt  }
0x85: {  	_ =	shalt  }
0x86: {  	_ =	shalt  }
0x87: {  	_ =	shalt  }
.Lfunc_end0:
.L_simem_size_0:
called_computation_lowered:
.L_overlay_start_0:
0x88: {  	s2 =	sld [smem:$0x3FD9]  }
0x89: {  	s3 =	sld [smem:$0x3FFE];
	_ =	sdelay $0x1  }
0x8a: {  	s1 =	srdreg.scid  }
0x8b: {  	s0 =	sand.u32 $0x1, s1  }
0x8c: {  	s17 =	sshll.u32 s0, $0xA;
	s2 =	sadd.s32 s3, s2  }
0x8d: {  	s2 =	sadd.s32 s2, s17  }
0x8e: {  	[smem:$0x3FC0] =	sst s2  }
0x8f: {  	_ = 	snop  }
0x90: {  	s2 =	sld [smem:$0x3FD0];
	(tm) =	ssettm $0x1  }
0x91: {  	s18 =	sld [smem:$0x3FFB];
	_ =	sdelay $0x3  }
0x92: {  	_ =	strace s18  }
0x93: {  	s3 =	sld [smem:$0x3FFC];
	_ =	sdelay $0x3  }
0x94: {  	_ =	strace s3  }
0x95: {  	s3 =	sld [smem:$0x3FFD];
	_ =	sdelay $0x3  }
0x96: {  	_ =	strace s3  }
0x97: {  	_ =	strace $0x8FFFFFFF  }
0x98: {  	s19 =	sld [smem:$0x3FDB];
	_ =	sdelay $0x1  }
0x99: {  	s4 =	simm.s32 $_scs_section_size  }
0x9a: {  	s5 =	simm.s32 $_size__tile_overlayer_lowered;
	s6 =	simm.s32 $_tile_overlayer_lowered  }
0x9b: {  	s22 =	simm.s32 $0x1BFF;
	s21 =	sshll.u32 s6, $0x1;
	s3 =	sadd.s32 s4, s19  }
0x9c: {  	s7 =	simm.s32 $0x0;
	s20 =	sshll.u32 s5, $0x1;
	s5 =	sadd.s32 s21, s3  }
0x9d: {  	[timem:s7], [sflag:s22] =	dma.local [hbm:s5], s20  }
0x9e: {  	_ =	swait.ge [sflag:s22], s20  }
0x9f: {  	s4 =	ssub.s32 $0x0, s20;
	[sflag:s22] =	ssyncset.done $0x0  }
0xa0: {  	[sflag:s22] =	ssyncadd.s32 s4;
	_ =	sdelay $0x1  }
0xa1: {  	s23 =	simm.s32 $0x1B8B  }
0xa2: {  	_ =	swait.ge [sflag:s23], $0x1  }
0xa3: {  	[sflag:s23] =	ssyncset.done $0x0  }
0xa4: {  	s25 =	simm.s32 $0x1B8E;
	s24 =	sld [smem:$0x3FFE];
	[sflag:s23] =	ssyncadd.s32 $0xFFFFFFFF  }
0xa5: {  	s26 =	simm.s32 $execute0_lowered;
	[smem:$0x3FD2] =	sst s25  }
0xa6: {  	s5 =	sshll.u32 s26, $0x1;
	_ =	strace $0x80000046;
	[dreg:$0x1] =	wrdreg $0xFFFFFFFF  }
0xa7: {  	s28 =	simm.s32 $_size_execute0_lowered;
	s3 =	sadd.s32 s3, s5;
	[dreg:$0x0] =	wrdreg $0x0  }
0xa8: {  	s5 =	sshll.u32 s28, $0x1;
	[dreg:$0x2] =	wrdreg s3  }
0xa9: {  	[dreg:$0x3] =	wrdreg s5  }
0xaa: {  	[dreg:$0x4] =	wrdreg $0xC0  }
0xab: {  	_ =	task [dreg:s7], $0x5FFFF  }
0xac: {  	[dreg:$0x1] =	wrdreg $0xFFFFFFFF  }
0xad: {  	[dreg:$0x0] =	wrdreg $0x60  }
0xae: {  	[dreg:$0x2] =	wrdreg s2  }
0xaf: {  	[dreg:$0x3] =	wrdreg s24  }
0xb0: {  	[dreg:$0x4] =	wrdreg $0xF8000  }
0xb1: {  	[dreg:$0x5] =	wrdreg $0x9  }
0xb2: {  	_ =	task.clear_ibuf [dreg:s7], $0x6FFFF;
	_ =	strace $0x90000046  }
0xb3: {  	s29 =	simm.s32 $0x9;
	_ =	strace $0x80000048  }
0xb4: {  	_ =	swait.ge [sflag:s29], $0x1  }
0xb5: {  	[sflag:s29] =	ssyncadd.s32 $0xFFFFFFFF  }
0xb6: {  	_ =	strace $0x90000048  }
0xb7: {  	_ =	sfence  }
0xb8: {  	s30 =	sld [smem:$0x0];
	_ =	sdelay $0x2  }
0xb9: {  	s31 =	sshll.u32 s1, $0xD;
	s1 =	sshrl.u32 s1, $0x2  }
0xba: {  	s3 =	sand.u32 $0x4000, s31;
	s1 =	sadd.s32 s1, s30  }
0xbb: {  	s0 =	sor.u32 s3, s0;
	s1 =	sshll.u32 s1, $0x11  }
0xbc: {  	s0 =	sor.u32 s1, s0  }
0xbd: {  	s0 =	sadd.s32 $0x8F2B, s0  }
0xbe: {  	[sflag:s0] =	ssyncadd.remote.s32 $0x1  }
0xbf: {  	_ =	sfence.sel $0xFFFF  }
0xc0: {  	[dreg:$0x0] =	wrdreg $0xFFFFFFFF;
	(pc) =	sbr.abs _section_cstart, $3  }
0xc1: {  	[dreg:$0x1] =	wrdreg $0xFFFFFFFF  }
0xc2: {  	_ =	task.clear_ibuf [dreg:s7], $0x2FFFF;
	_ =	strace $0x9FFFFFFF  }
0xc3: {  	(tm) =	ssettm $0x7FFFFFFF  }
tec
execute0_lowered:
.L_overlay_start_1:
0x0: {  	(tag) =	ssettag $0x1  }
0x1: {  	s1 =	rddreg [dreg:$0x0]  }
0x2: {  	s0 =	rddreg [dreg:$0x1]  }
0x3: {  	s3 =	rddreg [dreg:$0x2];
	s4 =	simm.s32 $0x0;
	s2 =	srdreg.scid  }
0x4: {  	s7 =	stileid.u32;
	s9 =	simm.s32 $0x200;
	s10 =	simm.s32 $0x400  }
0x5: {  	s11 =	simm.s32 $0xD000;
	[smem:$0x7FF] =	sst s4;
	s12 =	smul.u32 $0x15000, s7  }
0x6: {  	s2 =	sand.u32 $0x1, s2;
	s5 =	sadd.s32 $0x7400, s0;
	s23 =	smul.u32 $0xA0, s7  }
0x7: {  	s26 =	smul.u32 $0x14000, s7;
	_ =	strace $0x80000047;
	s4 =	sshrl.u32 s12, $0x2  }
0x8: {  	s6 =	ssub.s32 $0x2, s2;
	s2 =	sshll.u32 s2, $0x1;
	s14 =	sadd.s32 s4, s3  }
0x9: {  	s13 =	sshrl.u32 s6, $0x1;
	[dreg:$0x4] =	wrdreg s2;
	s15 =	sadd.s32 $0x400, s14  }
0xa: {  	s2 =	sshrl.u32 s26, $0x2;
	s16 =	sadd.s32 $0x800, s14;
	[dreg:$0x5] =	wrdreg s15  }
0xb: {  	s12 =	simm.s32 $0x0;
	s17 =	sadd.s32 $0xC00, s14;
	[dreg:$0x6] =	wrdreg s16  }
0xc: {  	s0 =	ssub.s32 s6, s13;
	s18 =	sadd.s32 $0x1000, s14;
	[dreg:$0x7] =	wrdreg s17  }
0xd: {  	s6 =	simm.s32 $0x1;
	s19 =	sadd.s32 $0x1400, s14;
	[dreg:$0x8] =	wrdreg s18  }
0xe: {  	s20 =	sadd.s32 $0x1800, s14;
	s21 =	sadd.s32 $0x1C00, s14;
	[dreg:$0x9] =	wrdreg s19  }
0xf: {  	s22 =	sadd.s32 $0x2000, s14;
	s24 =	sadd.s32 $0x2400, s14;
	[dreg:$0xa] =	wrdreg s20  }
0x10: {  	s25 =	sadd.s32 $0x2800, s14;
	s8 =	sadd.s32 $0x2C00, s14;
	[dreg:$0xb] =	wrdreg s21  }
0x11: {  	s0 =	smax.u32 s0, $0x1;
	s26 =	sadd.s32 $0x3800, s14;
	[dreg:$0xc] =	wrdreg s22  }
0x12: {  	s28 =	sadd.s32 $0x3C00, s14;
	s29 =	sadd.s32 $0x4000, s14;
	[dreg:$0xd] =	wrdreg s24  }
0x13: {  	s30 =	sadd.s32 $0x4400, s14;
	s31 =	sadd.s32 $0x4800, s14;
	[dreg:$0xe] =	wrdreg s25  }
0x14: {  	[dreg:$0xf] =	wrdreg s8;
	s20 =	sadd.s32 $0x3000, s14;
	s19 =	smov.u32 s23  }
0x15: {  	s21 =	sadd.s32 $0x50, s23;
	s22 =	sadd.s32 $0x3400, s14;
	s23 =	sadd.s32 s2, s3  }
0x16: {  	[dreg:$0x10] =	wrdreg s0;
	s0 =	sadd.s32 $0x4C00, s14;
	s18 =	smov.u32 s14  }
0x17: {  	s2 =	sadd.s32 $0x5000, s14;
	s25 =	smul.u32 $0x2710, s7;
	s4 =	sshll.u32 s21, $0x7  }
0x18: {  	v0 =	vimm.f32 $0.0e+00;
	v1 =	vimm.f32 $1.000000000e+00;
	v2 =	vlaneseq.u32;
	s8 =	simm.s32 $0x190;
	s24 =	sadd.s32 s4, s3;
	s4 =	simm.s32 $0xCC00  }
.LBB2_1:
0x19: {  	[tilespmem:$0xCC00] =	vst v0  }
0x1a: {  	[tilespmem:$0xCC10] =	vst v0  }
0x1b: {  	[tilespmem:$0xCC20] =	vst v0  }
0x1c: {  	[tilespmem:$0xCC30] =	vst v0  }
0x1d: {  	[tilespmem:$0xCC40] =	vst v0  }
0x1e: {  	[tilespmem:$0xCC50] =	vst v0  }
0x1f: {  	[tilespmem:$0xCC60] =	vst v0  }
0x20: {  	[tilespmem:$0xCC70] =	vst v0  }
0x21: {  	[tilespmem:$0xCC80] =	vst v0  }
0x22: {  	[tilespmem:$0xCC90] =	vst v0  }
0x23: {  	[tilespmem:$0xCCA0] =	vst v0  }
0x24: {  	[tilespmem:$0xCCB0] =	vst v0  }
0x25: {  	[tilespmem:$0xCCC0] =	vst v0  }
0x26: {  	[tilespmem:$0xCCD0] =	vst v0  }
0x27: {  	[tilespmem:$0xCCE0] =	vst v0  }
0x28: {  	[tilespmem:$0xCCF0] =	vst v0  }
0x29: {  	[tilespmem:$0xCD00] =	vst v0  }
0x2a: {  	[tilespmem:$0xCD10] =	vst v0  }
0x2b: {  	[tilespmem:$0xCD20] =	vst v0  }
0x2c: {  	[tilespmem:$0xCD30] =	vst v0  }
0x2d: {  	[tilespmem:$0xCD40] =	vst v0  }
0x2e: {  	[tilespmem:$0xCD50] =	vst v0  }
0x2f: {  	[tilespmem:$0xCD60] =	vst v0  }
0x30: {  	[tilespmem:$0xCD70] =	vst v0  }
0x31: {  	[tilespmem:$0xCD80] =	vst v0  }
0x32: {  	[tilespmem:$0xCD90] =	vst v0  }
0x33: {  	[tilespmem:$0xCDA0] =	vst v0  }
0x34: {  	[tilespmem:$0xCDB0] =	vst v0  }
0x35: {  	[tilespmem:$0xCDC0] =	vst v0  }
0x36: {  	[tilespmem:$0xCDD0] =	vst v0  }
0x37: {  	[tilespmem:$0xCDE0] =	vst v0  }
0x38: {  	[tilespmem:$0xCDF0] =	vst v0  }
0x39: {  	[tilespmem:$0xCE00] =	vst v0  }
0x3a: {  	[tilespmem:$0xCE10] =	vst v0  }
0x3b: {  	[tilespmem:$0xCE20] =	vst v0  }
0x3c: {  	[tilespmem:$0xCE30] =	vst v0  }
0x3d: {  	[tilespmem:$0xCE40] =	vst v0  }
0x3e: {  	[tilespmem:$0xCE50] =	vst v0  }
0x3f: {  	[tilespmem:$0xCE60] =	vst v0  }
0x40: {  	[tilespmem:$0xCE70] =	vst v0  }
0x41: {  	[tilespmem:$0xCE80] =	vst v0  }
0x42: {  	[tilespmem:$0xCE90] =	vst v0  }
0x43: {  	[tilespmem:$0xCEA0] =	vst v0  }
0x44: {  	[tilespmem:$0xCEB0] =	vst v0  }
0x45: {  	[tilespmem:$0xCEC0] =	vst v0  }
0x46: {  	[tilespmem:$0xCED0] =	vst v0  }
0x47: {  	[tilespmem:$0xCEE0] =	vst v0  }
0x48: {  	[tilespmem:$0xCEF0] =	vst v0  }
0x49: {  	[tilespmem:$0xCF00] =	vst v0  }
0x4a: {  	[tilespmem:$0xCF10] =	vst v0  }
0x4b: {  	[tilespmem:$0xCF20] =	vst v0  }
0x4c: {  	[tilespmem:$0xCF30] =	vst v0  }
0x4d: {  	[tilespmem:$0xCF40] =	vst v0  }
0x4e: {  	[tilespmem:$0xCF50] =	vst v0  }
0x4f: {  	[tilespmem:$0xCF60] =	vst v0  }
0x50: {  	[tilespmem:$0xCF70] =	vst v0  }
0x51: {  	[tilespmem:$0xCF80] =	vst v0  }
0x52: {  	[tilespmem:$0xCF90] =	vst v0  }
0x53: {  	[tilespmem:$0xCFA0] =	vst v0  }
0x54: {  	[tilespmem:$0xCFB0] =	vst v0  }
0x55: {  	[tilespmem:$0xCFC0] =	vst v0  }
0x56: {  	[tilespmem:$0xCFD0] =	vst v0  }
0x57: {  	[tilespmem:$0xCFE0] =	vst v0  }
0x58: {  	[dreg:$0x11] =	wrdreg s12;
	[tilespmem:$0xCFF0] =	vst v0;
	s7 =	simm.s32 $0x0;
	s12 =	simm.s32 $0x200  }
.LBB2_2:
0x59: {  	p0 =	sne.s32 s12, $0x31E00;
	[tilespmem:s7+$0x470] =	vst v1  }
0x5a: {  	[tilespmem:s7+$0x400] =	vst v1  }
0x5b: {  	[tilespmem:s7+$0x410] =	vst v1  }
.Ltmp0:
0x5c: {  	[tilespmem:s7+$0x420] =	vst v1;
	(pc) =	sbr.rel @p0 .LBB2_2-.Ltmp0, $4  }
0x5d: {  	[tilespmem:s7+$0x430] =	vst v1  }
0x5e: {  	[tilespmem:s7+$0x440] =	vst v1  }
0x5f: {  	[tilespmem:s7+$0x450] =	vst v1  }
0x60: {  	[tilespmem:s7+$0x460] =	vst v1;
	s7 =	sshra.s32 s12, $0x2;
	s12 =	sadd.s32 $0x200, s12  }
0x61: {  	[tilespmem:s7+$0x470] =	vst v1  }
0x62: {  	[tilespmem:s7+$0x400] =	vst v1  }
0x63: {  	[tilespmem:s7+$0x410] =	vst v1  }
0x64: {  	[tilespmem:s7+$0x420] =	vst v1  }
0x65: {  	[tilespmem:s7+$0x430] =	vst v1  }
0x66: {  	[tilespmem:s7+$0x440] =	vst v1  }
0x67: {  	[tilespmem:s7+$0x450] =	vst v1  }
0x68: {  	[tilespmem:s7+$0x460] =	vst v1;
	s12 =	simm.s32 $0x0;
	p1 =	por $0x1, $0x1  }
.LBB2_4:
0x69: {  	[spmem:s18] =	stream.linear.scatter [tilespmem:s4], [sflag:$0x1], $0x400, $0x38;
	[tilespmem:$0x14C00] =	vst v63  }
0x6a: {  	_ =	swait.ge [sflag:s6], $0x400  }
0x6b: {  	[sflag:s6] =	ssyncset.done $0x0  }
0x6c: {  	s7 =	rddreg [dreg:$0x5];
	[sflag:s6] =	ssyncadd.s32 $0xFFFFFC00  }
0x6d: {  	[spmem:s7] =	stream.linear.scatter [tilespmem:s4], [sflag:$0x1], $0x400, $0x38;
	[tilespmem:$0x14C00] =	vst v63  }
0x6e: {  	_ =	swait.ge [sflag:s6], $0x400  }
0x6f: {  	[sflag:s6] =	ssyncset.done $0x0  }
0x70: {  	s16 =	rddreg [dreg:$0x6];
	[sflag:s6] =	ssyncadd.s32 $0xFFFFFC00  }
0x71: {  	[spmem:s16] =	stream.linear.scatter [tilespmem:s4], [sflag:$0x1], $0x400, $0x38;
	[tilespmem:$0x14C00] =	vst v63  }
0x72: {  	_ =	swait.ge [sflag:s6], $0x400  }
0x73: {  	[sflag:s6] =	ssyncset.done $0x0  }
0x74: {  	s17 =	rddreg [dreg:$0x7];
	[sflag:s6] =	ssyncadd.s32 $0xFFFFFC00  }
0x75: {  	[spmem:s17] =	stream.linear.scatter [tilespmem:s4], [sflag:$0x1], $0x400, $0x38;
	[tilespmem:$0x14C00] =	vst v63  }
0x76: {  	_ =	swait.ge [sflag:s6], $0x400  }
0x77: {  	[sflag:s6] =	ssyncset.done $0x0  }
0x78: {  	s13 =	rddreg [dreg:$0x8];
	[sflag:s6] =	ssyncadd.s32 $0xFFFFFC00  }
0x79: {  	[spmem:s13] =	stream.linear.scatter [tilespmem:s4], [sflag:$0x1], $0x400, $0x38;
	[tilespmem:$0x14C00] =	vst v63  }
0x7a: {  	_ =	swait.ge [sflag:s6], $0x400  }
0x7b: {  	[sflag:s6] =	ssyncset.done $0x0  }
0x7c: {  	s14 =	rddreg [dreg:$0x9];
	[sflag:s6] =	ssyncadd.s32 $0xFFFFFC00  }
0x7d: {  	[spmem:s14] =	stream.linear.scatter [tilespmem:s4], [sflag:$0x1], $0x400, $0x38;
	[tilespmem:$0x14C00] =	vst v63  }
0x7e: {  	_ =	swait.ge [sflag:s6], $0x400  }
0x7f: {  	[sflag:s6] =	ssyncset.done $0x0  }
0x80: {  	s15 =	rddreg [dreg:$0xa];
	[sflag:s6] =	ssyncadd.s32 $0xFFFFFC00  }
0x81: {  	[spmem:s15] =	stream.linear.scatter [tilespmem:s4], [sflag:$0x1], $0x400, $0x38;
	[tilespmem:$0x14C00] =	vst v63  }
0x82: {  	_ =	swait.ge [sflag:s6], $0x400  }
0x83: {  	[sflag:s6] =	ssyncset.done $0x0  }
0x84: {  	s16 =	rddreg [dreg:$0xb];
	[sflag:s6] =	ssyncadd.s32 $0xFFFFFC00  }
0x85: {  	[spmem:s16] =	stream.linear.scatter [tilespmem:s4], [sflag:$0x1], $0x400, $0x38;
	[tilespmem:$0x14C00] =	vst v63  }
0x86: {  	_ =	swait.ge [sflag:s6], $0x400  }
0x87: {  	[sflag:s6] =	ssyncset.done $0x0  }
0x88: {  	s17 =	rddreg [dreg:$0xc];
	[sflag:s6] =	ssyncadd.s32 $0xFFFFFC00  }
0x89: {  	[spmem:s17] =	stream.linear.scatter [tilespmem:s4], [sflag:$0x1], $0x400, $0x38;
	[tilespmem:$0x14C00] =	vst v63  }
0x8a: {  	_ =	swait.ge [sflag:s6], $0x400  }
0x8b: {  	[sflag:s6] =	ssyncset.done $0x0  }
0x8c: {  	s13 =	rddreg [dreg:$0xd];
	[sflag:s6] =	ssyncadd.s32 $0xFFFFFC00  }
0x8d: {  	[spmem:s13] =	stream.linear.scatter [tilespmem:s4], [sflag:$0x1], $0x400, $0x38;
	[tilespmem:$0x14C00] =	vst v63  }
0x8e: {  	_ =	swait.ge [sflag:s6], $0x400  }
0x8f: {  	[sflag:s6] =	ssyncset.done $0x0  }
0x90: {  	s14 =	rddreg [dreg:$0xe];
	[sflag:s6] =	ssyncadd.s32 $0xFFFFFC00  }
0x91: {  	[spmem:s14] =	stream.linear.scatter [tilespmem:s4], [sflag:$0x1], $0x400, $0x38;
	[tilespmem:$0x14C00] =	vst v63  }
0x92: {  	_ =	swait.ge [sflag:s6], $0x400  }
0x93: {  	[sflag:s6] =	ssyncset.done $0x0  }
0x94: {  	s15 =	rddreg [dreg:$0xf];
	[sflag:s6] =	ssyncadd.s32 $0xFFFFFC00  }
0x95: {  	[spmem:s15] =	stream.linear.scatter [tilespmem:s4], [sflag:$0x1], $0x400, $0x38;
	[tilespmem:$0x14C00] =	vst v63  }
0x96: {  	_ =	swait.ge [sflag:s6], $0x400  }
0x97: {  	[sflag:s6] =	ssyncset.done $0x0  }
0x98: {  	[sflag:s6] =	ssyncadd.s32 $0xFFFFFC00  }
0x99: {  	[spmem:s20] =	stream.linear.scatter [tilespmem:s4], [sflag:$0x1], $0x400, $0x38;
	[tilespmem:$0x14C00] =	vst v63  }
0x9a: {  	_ =	swait.ge [sflag:s6], $0x400  }
0x9b: {  	[sflag:s6] =	ssyncset.done $0x0  }
0x9c: {  	[sflag:s6] =	ssyncadd.s32 $0xFFFFFC00  }
0x9d: {  	[spmem:s22] =	stream.linear.scatter [tilespmem:s4], [sflag:$0x1], $0x400, $0x38;
	[tilespmem:$0x14C00] =	vst v63  }
0x9e: {  	_ =	swait.ge [sflag:s6], $0x400  }
0x9f: {  	[sflag:s6] =	ssyncset.done $0x0  }
0xa0: {  	[sflag:s6] =	ssyncadd.s32 $0xFFFFFC00  }
0xa1: {  	[spmem:s26] =	stream.linear.scatter [tilespmem:s4], [sflag:$0x1], $0x400, $0x38;
	[tilespmem:$0x14C00] =	vst v63  }
0xa2: {  	_ =	swait.ge [sflag:s6], $0x400  }
0xa3: {  	[sflag:s6] =	ssyncset.done $0x0  }
0xa4: {  	[sflag:s6] =	ssyncadd.s32 $0xFFFFFC00  }
0xa5: {  	[spmem:s28] =	stream.linear.scatter [tilespmem:s4], [sflag:$0x1], $0x400, $0x38;
	[tilespmem:$0x14C00] =	vst v63  }
0xa6: {  	_ =	swait.ge [sflag:s6], $0x400  }
0xa7: {  	[sflag:s6] =	ssyncset.done $0x0  }
0xa8: {  	[sflag:s6] =	ssyncadd.s32 $0xFFFFFC00  }
0xa9: {  	[spmem:s29] =	stream.linear.scatter [tilespmem:s4], [sflag:$0x1], $0x400, $0x38;
	[tilespmem:$0x14C00] =	vst v63  }
0xaa: {  	_ =	swait.ge [sflag:s6], $0x400  }
0xab: {  	[sflag:s6] =	ssyncset.done $0x0  }
0xac: {  	[sflag:s6] =	ssyncadd.s32 $0xFFFFFC00  }
0xad: {  	[spmem:s30] =	stream.linear.scatter [tilespmem:s4], [sflag:$0x1], $0x400, $0x38;
	[tilespmem:$0x14C00] =	vst v63  }
0xae: {  	_ =	swait.ge [sflag:s6], $0x400  }
0xaf: {  	[sflag:s6] =	ssyncset.done $0x0  }
0xb0: {  	[sflag:s6] =	ssyncadd.s32 $0xFFFFFC00  }
0xb1: {  	[spmem:s31] =	stream.linear.scatter [tilespmem:s4], [sflag:$0x1], $0x400, $0x38;
	[tilespmem:$0x14C00] =	vst v63  }
0xb2: {  	_ =	swait.ge [sflag:s6], $0x400  }
0xb3: {  	s16 =	sand.u32 $0x1, s12;
	[sflag:s6] =	ssyncset.done $0x0  }
0xb4: {  	p0 =	por p1, p1;
	p2 =	seq.s32 s16, $0x1;
	[sflag:s6] =	ssyncadd.s32 $0xFFFFFC00  }
0xb5: {  	[spmem:s0] =	stream.linear.scatter [tilespmem:s4], [sflag:$0x1], $0x400, $0x38;
	[tilespmem:$0x14C00] =	vst v63  }
0xb6: {  	s7 =	simm.s32 $0x2;
	p6 =	por !p1, !p2;
	_ =	swait.ge [sflag:s6], $0x400  }
0xb7: {  	p1 =	por !p6, !p6;
	[sflag:s6] =	ssyncset.done $0x0;
	s13 =	rddreg [dreg:$0x4]  }
0xb8: {  	s7 =	simm.s32 @!p1 $0x0;
	s17 =	sor.u32 s13, s12;
	[sflag:s6] =	ssyncadd.s32 $0xFFFFFC00  }
0xb9: {  	[spmem:s2] =	stream.linear.scatter [tilespmem:s4], [sflag:$0x1], $0x400, $0x38;
	[tilespmem:$0x14C00] =	vst v63  }
0xba: {  	s7 =	sadd.s32 s7, s17;
	_ =	swait.ge [sflag:s6], $0x400  }
0xbb: {  	s13 =	smul.u32 $0xA00, s7;
	[sflag:s6] =	ssyncset.done $0x0  }
0xbc: {  	[sflag:s6] =	ssyncadd.s32 $0xFFFFFC00  }
0xbd: {  	s12 =	simm.s32 $0x0;
	v3 =	vmov s13;
	[bflag:$0x0] =	sbarrier.arrive $0xFFFF  }
.LBB2_5:
0xbe: {  	s7 =	smul.u32 $0x190, s12;
	_ =	sdelay $0x1  }
0xbf: {  	s7 =	sadd.s32 s25, s7  }
0xc0: {  	s7 =	sshrl.u32 s7, $0x3  }
0xc1: {  	s14 =	simm.s32 $0x0;
	s7 =	sadd.s32 s1, s7  }
0xc2: {  	[tilespmem:s14], [sflag:$0x1] =	stream.linear.gather [hbm4b:s7+s14], $0x190, $0x38;
	[tilespmem:$0x14C00] =	vst v63  }
0xc3: {  	_ =	swait.ge [sflag:s6], $0x190  }
0xc4: {  	[sflag:s6] =	ssyncset.done $0x0  }
0xc5: {  	[sflag:s6] =	ssyncadd.s32 $0xFFFFFE70  }
0xc6: {  	v4 =	vld [tilespmem:s14+$0x0];
	_ =	sdelay $0x3  }
0xc7: {  	s17 =	sand.u32 $0x70, s14  }
0xc8: {  	s7 =	sor.u32 $0xA00, s17;
	v4 =	vsub.s32 v4, v3  }
0xc9: {  	v5 =	vor.u32 s7, v2;
	vm0 =	vgt.u32 v4, $0x9FF  }
0xca: {  	s7 =	simm.s32 $0x200;
	v4 =	vsel vm0, v5, v4  }
0xcb: {  	s14 =	simm.s32 $0x10;
	[tilespmem:s7+$0x0] =	vst v4  }
0xcc: {  	s15 =	simm.s32 $0x20;
	s16 =	simm.s32 $0x10;
	v4 =	vld [tilespmem:s14+$0x0]  }
.LBB2_6:
0xcd: {  	p2 =	sne.s32 s15, $0x180;
	_ =	sdelay $0x2  }
0xce: {  	s17 =	sand.u32 $0x70, s14;
	s14 =	smov.u32 s15  }
.Ltmp1:
0xcf: {  	s17 =	sor.u32 $0xA00, s17;
	v4 =	vsub.s32 v4, v3;
	(pc) =	sbr.rel @p2 .LBB2_6-.Ltmp1, $4  }
0xd0: {  	v5 =	vor.u32 s17, v2;
	vm0 =	vgt.u32 v4, $0x9FF  }
0xd1: {  	s7 =	sadd.s32 $0x10, s7;
	v4 =	vsel vm0, v5, v4  }
0xd2: {  	s16 =	sadd.s32 $0x10, s16;
	[tilespmem:s7+$0x0] =	vst v4  }
0xd3: {  	s15 =	sadd.s32 $0x10, s15;
	v4 =	vld [tilespmem:s16+$0x0]  }
0xd4: {  	_ =	sdelay $0x2  }
0xd5: {  	s14 =	sand.u32 $0x70, s14  }
0xd6: {  	s14 =	sor.u32 $0xA00, s14;
	v4 =	vsub.s32 v4, v3  }
0xd7: {  	s12 =	sadd.s32 $0x1, s12;
	v5 =	vor.u32 s14, v2;
	vm0 =	vgt.u32 v4, $0x9FF  }
0xd8: {  	s7 =	sadd.s32 $0x10, s7;
	p2 =	sne.s32 s12, $0x19;
	v4 =	vsel vm0, v5, v4  }
.Ltmp2:
0xd9: {  	[tilespmem:s7+$0x0] =	vst v4;
	(pc) =	sbr.rel @p2 .LBB2_5-.Ltmp2, $4  }
0xda: {  	[spmem:s3] =	stream.indirect.scatter.add.f32 [tilespmem:s10], [sflag:$0x1], $0x80, s9, s8, $0xb8;
	[tilespmem:$0x14C00] =	vst v63  }
0xdb: {  	_ =	swait.ge [sflag:s6], $0xC800  }
0xdc: {  	[sflag:s6] =	ssyncset.done $0x0  }
0xdd: {  	[sflag:s6] =	ssyncadd.s32 $0xFFFF3800  }
0xde: {  	s7 =	simm.s32 $0xFFFFD800  }
0xdf: {  	[bflag:$0x0] =	sbarrier.arrive $0xFFFF;
	s7 =	simm.s32 @!p1 $0x0  }
0xe0: {  	[tilespmem:s11], [sflag:$0x1] =	stream.linear.gather [spmem:s23], $0x2800, $0x38;
	[tilespmem:$0x14C00] =	vst v63  }
0xe1: {  	s12 =	simm.s32 $0x1;
	s7 =	sadd.s32 s7, s13  }
0xe2: {  	_ =	swait.ge [sflag:s12], $0x2800;
	s13 =	sadd.s32 s19, s7  }
0xe3: {  	[sflag:s12] =	ssyncset.done $0x0;
	s13 =	sshll.u32 s13, $0x4  }
0xe4: {  	s14 =	simm.s32 $0x0;
	[sflag:s12] =	ssyncadd.s32 $0xFFFFD800;
	s13 =	sadd.s32 s5, s13  }
0xe5: {  	[hbm4b:s13+s14] =	stream.linear.scatter [tilespmem:s11], [sflag:$0x1], $0x2800, $0x38;
	[tilespmem:$0x14C00] =	vst v63  }
0xe6: {  	_ =	swait.ge [sflag:s12], $0x2800  }
0xe7: {  	[sflag:s12] =	ssyncset.done $0x0  }
0xe8: {  	[sflag:s12] =	ssyncadd.s32 $0xFFFFD800  }
0xe9: {  	[tilespmem:s11], [sflag:$0x1] =	stream.linear.gather [spmem:s24], $0x2800, $0x38;
	[tilespmem:$0x14C00] =	vst v63  }
0xea: {  	s7 =	sadd.s32 s21, s7;
	_ =	swait.ge [sflag:s12], $0x2800  }
0xeb: {  	s7 =	sshll.u32 s7, $0x4;
	[sflag:s12] =	ssyncset.done $0x0  }
0xec: {  	s7 =	sadd.s32 s5, s7;
	[sflag:s12] =	ssyncadd.s32 $0xFFFFD800  }
0xed: {  	[hbm4b:s7+s14] =	stream.linear.scatter [tilespmem:s11], [sflag:$0x1], $0x2800, $0x38;
	[tilespmem:$0x14C00] =	vst v63  }
.Ltmp3:
0xee: {  	_ =	swait.ge [sflag:s12], $0x2800;
	(pc) =	sbr.rel @p0 .LBB2_4-.Ltmp3, $4  }
0xef: {  	[sflag:s12] =	ssyncset.done $0x0  }
0xf0: {  	[sflag:s12] =	ssyncadd.s32 $0xFFFFD800  }
0xf1: {  	[bflag:$0x0] =	sbarrier.arrive $0xFFFF  }
0xf2: {  	p1 =	por $0x0, $0x0  }
0xf3: {  	s12 =	rddreg [dreg:$0x11]  }
0xf4: {  	s7 =	rddreg [dreg:$0x10];
	s12 =	sadd.s32 $0x1, s12  }
0xf5: {  	p0 =	sne.s32 s12, s7  }
.Ltmp4:
0xf6: {  	_ = 	snop;
	(pc) =	sbr.rel @p0 .LBB2_1-.Ltmp4, $1  }
0xf7: {  	_ =	sdelay $0x3  }
0xf8: {  	_ =	sfence.sel $0x180000  }
0xf9: {  	[bflag:$0x0] =	sbarrier.arrive $0xFFFF  }
0xfa: {  	_ =	strace $0x90000047  }
0xfb: {  	s0 =	stileid.u32;
	[bflag:$0x2] =	sbarrier.arrive $0xFFFF  }
0xfc: {  	p0 =	sne.s32 s0, $0x0;
	s0 =	rddreg [dreg:$0x3]  }
0xfd: {  	s0 =	sadd.s32 @!p0 $0x100000, s0  }
0xfe: {  	[sflag:s0] =	ssyncadd.tile.s32 @!p0 $0x1;
	_ =	shalt  }
.Lfunc_end2:
_tile_overlayer_lowered:
.L_overlay_start_2:
0xff: {  	(tag) =	ssettag $0x2  }
0x100: {  	s0 =	rddreg [dreg:$0x0];
	s2 =	stileid.u32  }
0x101: {  	s1 =	rddreg [dreg:$0x1];
	p0 =	sne.s32 s2, $0x0  }
0x102: {  	s3 =	rddreg [dreg:$0x2];
	[bflag:$0x3] =	sbarrier.arrive $0xFFFF;
	s2 =	simm.s32 @!p0 $0x1C01  }
0x103: {  	[timem:s3], [sflag:s2] =	dma.local @!p0 [hbm:s0], s1  }
0x104: {  	s0 =	simm.s32 @!p0 $0x1  }
0x105: {  	_ =	swait.ge @!p0 [sflag:s0], s1  }
0x106: {  	s1 =	ssub.s32 @!p0 $0x0, s1;
	[sflag:s0] =	ssyncset.done @!p0 $0x0  }
0x107: {  	[sflag:s0] =	ssyncadd.s32 @!p0 s1  }
0x108: {  	[bflag:$0x3] =	sbarrier.arrive $0xFFFF  }
0x109: {  	_ =	shalt  }

</sc_bundles>
